<compile_context>
chip_gen: v7x
topology: tpu7x:2x2x1
jax: 0.10.2.dev20260603
libtpu: 0.0.44.dev20260713+nightly
codegen_flags: <defaults>
</compile_context>

<pallas_src>
import functools

import jax
import jax.numpy as jnp
from jax import lax
from jax.experimental import pallas as pl
from jax.experimental.pallas import tpu as pltpu
from jax.experimental.pallas import tpu_sc as plsc

N = 1 << 22
ROWS = 2048
COLS = 2048
HALF = 1024
NC, NS = 2, 16
L = 16

TCG = 8
TCB = N // TCG


def _tc_reduce_body(u_ref, psi_ref, stats_ref, outc_ref, pout_ref, acc_ref):
    i = pl.program_id(0)

    @pl.when(i == 0)
    def _():
        acc_ref[0] = 0.0
        acc_ref[1] = 0.0

    x = psi_ref[...].reshape(TCB // COLS, COLS)
    s0 = jnp.sum(x[:, :HALF] * x[:, :HALF])
    s1 = jnp.sum(x[:, HALF:] * x[:, HALF:])
    acc_ref[0] += s0
    acc_ref[1] += s1

    @pl.when(i == TCG - 1)
    def _():
        t0 = acc_ref[0]
        t1 = acc_ref[1]
        total = t0 + t1
        p0 = t0 / total
        outcome = u_ref[0] > p0
        p_out = jnp.where(outcome, 1.0 - p0, p0)
        scale = lax.rsqrt(p_out)
        outf = jnp.where(outcome, 1.0, 0.0)
        iv_i = lax.iota(jnp.int32, 128)
        stats_ref[...] = jnp.where(
            iv_i == 0, outf,
            jnp.where(iv_i == 1, p_out,
                      jnp.where(iv_i == 2, scale, 0.0)))
        outc_ref[0] = outcome
        pout_ref[0] = p_out


_tc_reduce = pl.pallas_call(
    _tc_reduce_body,
    grid=(TCG,),
    in_specs=[
        pl.BlockSpec(memory_space=pltpu.SMEM),
        pl.BlockSpec((TCB,), lambda i: (i,)),
    ],
    out_specs=(
        pl.BlockSpec((128,), lambda i: (0,)),
        pl.BlockSpec(memory_space=pltpu.SMEM),
        pl.BlockSpec(memory_space=pltpu.SMEM),
    ),
    out_shape=(
        jax.ShapeDtypeStruct((128,), jnp.float32),
        jax.ShapeDtypeStruct((1,), jnp.bool_),
        jax.ShapeDtypeStruct((1,), jnp.float32),
    ),
    scratch_shapes=[pltpu.SMEM((2,), jnp.float32)],
)

RPT2 = ROWS // (NC * NS)
CH = 16
NCH2 = RPT2 // CH
OE = CH * HALF

_mesh = plsc.VectorSubcoreMesh(core_axis_name="c", subcore_axis_name="s",
                               num_cores=NC, num_subcores=NS)


@functools.partial(
    pl.kernel,
    out_type=jax.ShapeDtypeStruct((N // 2,), jnp.float32),
    mesh=_mesh,
    scratch_types=[
        pltpu.VMEM((OE,), jnp.float32),
        pltpu.VMEM((OE,), jnp.float32),
        pltpu.VMEM((OE,), jnp.float32),
        pltpu.VMEM((OE,), jnp.float32),
        pltpu.VMEM((L,), jnp.float32),
        pltpu.SemaphoreType.DMA,
        pltpu.SemaphoreType.DMA,
        pltpu.SemaphoreType.DMA,
        pltpu.SemaphoreType.DMA,
    ],
)
def _sc_select(psi_hbm, stats_hbm, out_hbm,
               bufa, bufb, obufa, obufb, st_v, sema, semb, semoa, semob):
    cid = lax.axis_index("c")
    sid = lax.axis_index("s")
    bufs = (bufa, bufb)
    obufs = (obufa, obufb)
    sems = (sema, semb)
    semso = (semoa, semob)

    pltpu.sync_copy(stats_hbm.at[pl.ds(0, L)], st_v)
    st = st_v[...]
    outcome = st[0] > 0.5
    scale = st[2]
    off = jnp.where(outcome, HALF, 0)

    wid = cid * NS + sid
    row2 = wid * RPT2
    obase = wid * RPT2 * HALF

    def start_in(c):
        b = c % 2
        return [
            pltpu.async_copy(
                psi_hbm.at[pl.ds((row2 + c * CH + r) * COLS + off, HALF)],
                bufs[b].at[pl.ds(r * HALF, HALF)], sems[b])
            for r in range(CH)
        ]

    def scale_chunk(buf, obuf):
        def body(i, carry):
            q = i * 64
            for k in range(4):
                obuf[pl.ds(q + k * L, L)] = buf[pl.ds(q + k * L, L)] * scale
            return carry
        lax.fori_loop(0, CH * 16, body, 0, unroll=4)

    in_copies = [start_in(0), start_in(1)]
    out_copies = [None, None]
    for c in range(NCH2):
        b = c % 2
        for cp in in_copies[b]:
            cp.wait()
        if out_copies[b] is not None:
            out_copies[b].wait()
        scale_chunk(bufs[b], obufs[b])
        out_copies[b] = pltpu.async_copy(
            obufs[b], out_hbm.at[pl.ds(obase + c * OE, OE)], semso[b])
        if c + 2 < NCH2:
            in_copies[b] = start_in(c + 2)
    out_copies[0].wait()
    out_copies[1].wait()


def kernel(psi, u):
    u1 = u.astype(jnp.float32).reshape(1)
    stats, outc, pout = _tc_reduce(u1, psi)
    psi_post = _sc_select(psi, stats)
    return psi_post, outc.reshape(()), pout.reshape(())

# --- scband reference (transcript-rebuilt; emitter-appended) ---
"""Pipeline reference for scband-measurement-15444702397003 (READ-ONLY COPY).

The authoritative reference and input builder live on the scoring server;
editing this copy changes nothing except your own understanding.
"""

import jax, jax.numpy as jnp
import numpy as np

N = 1 << 22  # 4194304 amplitudes (22 qubits)
P = 10       # measured qubit position


def split_by_bits(n, p):
    idx = jnp.arange(n, dtype=jnp.int64) if False else jnp.arange(n)
    bit = (idx >> p) & 1
    _0 = jnp.nonzero(bit == 0, size=n // 2)[0]
    _1 = jnp.nonzero(bit == 1, size=n // 2)[0]
    return _0, _1


def probabilitymass(x):
    return jnp.sum(jnp.abs(x) ** 2)


def setup_inputs(seed: int = 0) -> dict:
    key = jax.random.key(seed)
    k1, k2 = jax.random.split(key)
    psi = jax.random.normal(k1, (N,), dtype=jnp.float32)
    u = jax.random.uniform(k2, (), dtype=jnp.float32)
    return {"psi": psi, "u": u}


def reference(psi, u):
    # Measurement.measure(psi, u, normalize=True)
    _0, _1 = split_by_bits(psi.shape[0], P)
    total = probabilitymass(psi)
    p0 = probabilitymass(psi[_0]) / total
    outcome = u > p0  # bool scalar
    p_outcome = jnp.where(outcome, 1.0 - p0, p0)
    # indices = [_0, _1][outcome]
    indices = jnp.where(outcome, _1, _0)
    psi_post = psi[indices] / jnp.sqrt(p_outcome)
    return psi_post, outcome, p_outcome

if __name__ == "__main__":
    import jax
    _d = setup_inputs()
    print(jax.jit(kernel)(*tuple(_d.values())))

</pallas_src>

<mosaic_0001>
#map = affine_map<(d0, d1) -> (0)>
module attributes {stable_mosaic.version = 14 : i64} {
  func.func @_sc_select(%arg0: i32, %arg1: i32, %arg2: memref<4194304xf32, #tpu.memory_space<hbm>>, %arg3: memref<128xf32, #tpu.memory_space<hbm>>, %arg4: memref<2097152xf32, #tpu.memory_space<hbm>>, %arg5: memref<16384xf32, #tpu.memory_space<vmem>>, %arg6: memref<16384xf32, #tpu.memory_space<vmem>>, %arg7: memref<16384xf32, #tpu.memory_space<vmem>>, %arg8: memref<16384xf32, #tpu.memory_space<vmem>>, %arg9: memref<16xf32, #tpu.memory_space<vmem>>, %arg10: memref<!tpu.dma_semaphore, #tpu.memory_space<semaphore_mem>>, %arg11: memref<!tpu.dma_semaphore, #tpu.memory_space<semaphore_mem>>, %arg12: memref<!tpu.dma_semaphore, #tpu.memory_space<semaphore_mem>>, %arg13: memref<!tpu.dma_semaphore, #tpu.memory_space<semaphore_mem>>) attributes {dimension_semantics = [#tpu.dimension_semantics<core_parallel>, #tpu.dimension_semantics<subcore_parallel>], iteration_bounds = array<i64: 2, 16>, scalar_prefetch = 0 : i64, scratch_operands = 9 : i64, tpu.core_type = #tpu.core_type<sc_vector_subcore>, window_params = [{transform_indices = #map}, {transform_indices = #map}, {transform_indices = #map}]} {
    "tpu.region"() ({
      %run_scoped3A = tpu.sem_alloc : memref<!tpu.dma_semaphore, #tpu.memory_space<semaphore_mem>>
      %dma_start3A_1274 = arith.constant 0 : i32
      %dma_start3A_1275 = tpu.memref_slice %arg3[%dma_start3A_1274] : memref<128xf32, #tpu.memory_space<hbm>> -> memref<16xf32, #tpu.memory_space<hbm>>
      %dma_start3A_1276 = arith.constant 0 : i32
      %dma_start3A_1277 = tpu.memref_slice %arg3[%dma_start3A_1276] : memref<128xf32, #tpu.memory_space<hbm>> -> memref<16xf32, #tpu.memory_space<hbm>>
      tpu.enqueue_dma source(%dma_start3A_1277 : memref<16xf32, #tpu.memory_space<hbm>>) target(%arg9 : memref<16xf32, #tpu.memory_space<vmem>>) target_semaphore(%run_scoped3A : memref<!tpu.dma_semaphore, #tpu.memory_space<semaphore_mem>>)
      %dma_wait3A_1278 = arith.constant 0 : i32
      %dma_wait3A_1279 = tpu.memref_slice %arg3[%dma_wait3A_1278] : memref<128xf32, #tpu.memory_space<hbm>> -> memref<16xf32, #tpu.memory_space<hbm>>
      %dma_wait3A_1280 = arith.constant 0 : i32
      %dma_wait3A_1281 = tpu.memref_slice %arg3[%dma_wait3A_1280] : memref<128xf32, #tpu.memory_space<hbm>> -> memref<16xf32, #tpu.memory_space<hbm>>
      tpu.wait_dma2 semaphore(%run_scoped3A : memref<!tpu.dma_semaphore, #tpu.memory_space<semaphore_mem>>) src(%dma_wait3A_1281 : memref<16xf32, #tpu.memory_space<hbm>>) dst(%arg9 : memref<16xf32, #tpu.memory_space<vmem>>)
      tpu.yield
    }) : () -> ()
    %get3A = arith.constant 0 : index
    %get3A_0 = tpu.vector_load %arg9[%get3A] {strides = array<i32>} : memref<16xf32, #tpu.memory_space<vmem>>, vector<16xf32>,
    %get3A_1 = vector.shape_cast %get3A_0 : vector<16xf32> to vector<16xf32>
    %slice3A = vector.extract_strided_slice %get3A_1 {offsets = [0], sizes = [1], strides = [1]} : vector<16xf32> to vector<1xf32>
    %squeeze3A = vector.extract %slice3A[0] : f32 from vector<1xf32>
    %gt3A = arith.constant 5.000000e-01 : f32
    %gt3A_2 = arith.cmpf ogt, %squeeze3A, %gt3A : f32
    %slice3A_3 = vector.extract_strided_slice %get3A_1 {offsets = [2], sizes = [1], strides = [1]} : vector<16xf32> to vector<1xf32>
    %squeeze3A_4 = vector.extract %slice3A_3[0] : f32 from vector<1xf32>
    %jit3A = arith.constant 1024 : i32
    %jit3A_5 = arith.constant 0 : i32
    %select_n3A = arith.select %gt3A_2, %jit3A, %jit3A_5 : i32
    %mul3A = arith.constant 16 : i32
    %mul3A_6 = arith.muli %arg0, %mul3A : i32
    %add3A = arith.addi %mul3A_6, %arg1 : i32
    %mul3A_7 = arith.constant 64 : i32
    %mul3A_8 = arith.muli %add3A, %mul3A_7 : i32
    %mul3A_9 = arith.constant 64 : i32
    %mul3A_10 = arith.muli %add3A, %mul3A_9 : i32
    %mul3A_11 = arith.constant 1024 : i32
    %mul3A_12 = arith.muli %mul3A_10, %mul3A_11 : i32
    %add3A_13 = arith.constant 0 : i32
    %add3A_14 = arith.addi %mul3A_8, %add3A_13 : i32
    %add3A_15 = arith.constant 0 : i32
    %add3A_16 = arith.addi %add3A_14, %add3A_15 : i32
    %mul3A_17 = arith.constant 2048 : i32
    %mul3A_18 = arith.muli %add3A_16, %mul3A_17 : i32
    %add3A_19 = arith.addi %mul3A_18, %select_n3A : i32
    %dma_start3A = arith.constant 0 : i32
    %dma_start3A_20 = tpu.memref_slice %arg5[%dma_start3A] : memref<16384xf32, #tpu.memory_space<vmem>> -> memref<1024xf32, #tpu.memory_space<vmem>>
    %dma_start3A_21 = tpu.memref_slice %arg2[%add3A_19] : memref<4194304xf32, #tpu.memory_space<hbm>> -> memref<1024xf32, #tpu.memory_space<hbm>>
    %dma_start3A_22 = arith.constant 0 : i32
    %dma_start3A_23 = tpu.memref_slice %arg5[%dma_start3A_22] : memref<16384xf32, #tpu.memory_space<vmem>> -> memref<1024xf32, #tpu.memory_space<vmem>>
    %dma_start3A_24 = tpu.memref_slice %arg2[%add3A_19] : memref<4194304xf32, #tpu.memory_space<hbm>> -> memref<1024xf32, #tpu.memory_space<hbm>>
    tpu.enqueue_dma source(%dma_start3A_24 : memref<1024xf32, #tpu.memory_space<hbm>>) target(%dma_start3A_23 : memref<1024xf32, #tpu.memory_space<vmem>>) target_semaphore(%arg10 : memref<!tpu.dma_semaphore, #tpu.memory_space<semaphore_mem>>)
    %add3A_25 = arith.constant 0 : i32
    %add3A_26 = arith.addi %mul3A_8, %add3A_25 : i32
    %add3A_27 = arith.constant 1 : i32
    %add3A_28 = arith.addi %add3A_26, %add3A_27 : i32
    %mul3A_29 = arith.constant 2048 : i32
    %mul3A_30 = arith.muli %add3A_28, %mul3A_29 : i32
    %add3A_31 = arith.addi %mul3A_30, %select_n3A : i32
    %dma_start3A_32 = arith.constant 1024 : i32
    %dma_start3A_33 = tpu.memref_slice %arg5[%dma_start3A_32] : memref<16384xf32, #tpu.memory_space<vmem>> -> memref<1024xf32, #tpu.memory_space<vmem>>
    %dma_start3A_34 = tpu.memref_slice %arg2[%add3A_31] : memref<4194304xf32, #tpu.memory_space<hbm>> -> memref<1024xf32, #tpu.memory_space<hbm>>
    %dma_start3A_35 = arith.constant 1024 : i32
    %dma_start3A_36 = tpu.memref_slice %arg5[%dma_start3A_35] : memref<16384xf32, #tpu.memory_space<vmem>> -> memref<1024xf32, #tpu.memory_space<vmem>>
    %dma_start3A_37 = tpu.memref_slice %arg2[%add3A_31] : memref<4194304xf32, #tpu.memory_space<hbm>> -> memref<1024xf32, #tpu.memory_space<hbm>>
    tpu.enqueue_dma source(%dma_start3A_37 : memref<1024xf32, #tpu.memory_space<hbm>>) target(%dma_start3A_36 : memref<1024xf32, #tpu.memory_space<vmem>>) target_semaphore(%arg10 : memref<!tpu.dma_semaphore, #tpu.memory_space<semaphore_mem>>)
    %add3A_38 = arith.constant 0 : i32
    %add3A_39 = arith.addi %mul3A_8, %add3A_38 : i32
    %add3A_40 = arith.constant 2 : i32
    %add3A_41 = arith.addi %add3A_39, %add3A_40 : i32
    %mul3A_42 = arith.constant 2048 : i32
    %mul3A_43 = arith.muli %add3A_41, %mul3A_42 : i32
    %add3A_44 = arith.addi %mul3A_43, %select_n3A : i32
    %dma_start3A_45 = arith.constant 2048 : i32
    %dma_start3A_46 = tpu.memref_slice %arg5[%dma_start3A_45] : memref<16384xf32, #tpu.memory_space<vmem>> -> memref<1024xf32, #tpu.memory_space<vmem>>
    %dma_start3A_47 = tpu.memref_slice %arg2[%add3A_44] : memref<4194304xf32, #tpu.memory_space<hbm>> -> memref<1024xf32, #tpu.memory_space<hbm>>
    %dma_start3A_48 = arith.constant 2048 : i32
    %dma_start3A_49 = tpu.memref_slice %arg5[%dma_start3A_48] : memref<16384xf32, #tpu.memory_space<vmem>> -> memref<1024xf32, #tpu.memory_space<vmem>>
    %dma_start3A_50 = tpu.memref_slice %arg2[%add3A_44] : memref<4194304xf32, #tpu.memory_space<hbm>> -> memref<1024xf32, #tpu.memory_space<hbm>>
    tpu.enqueue_dma source(%dma_start3A_50 : memref<1024xf32, #tpu.memory_space<hbm>>) target(%dma_start3A_49 : memref<1024xf32, #tpu.memory_space<vmem>>) target_semaphore(%arg10 : memref<!tpu.dma_semaphore, #tpu.memory_space<semaphore_mem>>)
    %add3A_51 = arith.constant 0 : i32
    %add3A_52 = arith.addi %mul3A_8, %add3A_51 : i32
    %add3A_53 = arith.constant 3 : i32
    %add3A_54 = arith.addi %add3A_52, %add3A_53 : i32
    %mul3A_55 = arith.constant 2048 : i32
    %mul3A_56 = arith.muli %add3A_54, %mul3A_55 : i32
    %add3A_57 = arith.addi %mul3A_56, %select_n3A : i32
    %dma_start3A_58 = arith.constant 3072 : i32
    %dma_start3A_59 = tpu.memref_slice %arg5[%dma_start3A_58] : memref<16384xf32, #tpu.memory_space<vmem>> -> memref<1024xf32, #tpu.memory_space<vmem>>
    %dma_start3A_60 = tpu.memref_slice %arg2[%add3A_57] : memref<4194304xf32, #tpu.memory_space<hbm>> -> memref<1024xf32, #tpu.memory_space<hbm>>
    %dma_start3A_61 = arith.constant 3072 : i32
    %dma_start3A_62 = tpu.memref_slice %arg5[%dma_start3A_61] : memref<16384xf32, #tpu.memory_space<vmem>> -> memref<1024xf32, #tpu.memory_space<vmem>>
    %dma_start3A_63 = tpu.memref_slice %arg2[%add3A_57] : memref<4194304xf32, #tpu.memory_space<hbm>> -> memref<1024xf32, #tpu.memory_space<hbm>>
    tpu.enqueue_dma source(%dma_start3A_63 : memref<1024xf32, #tpu.memory_space<hbm>>) target(%dma_start3A_62 : memref<1024xf32, #tpu.memory_space<vmem>>) target_semaphore(%arg10 : memref<!tpu.dma_semaphore, #tpu.memory_space<semaphore_mem>>)
    %add3A_64 = arith.constant 0 : i32
    %add3A_65 = arith.addi %mul3A_8, %add3A_64 : i32
    %add3A_66 = arith.constant 4 : i32
    %add3A_67 = arith.addi %add3A_65, %add3A_66 : i32
    %mul3A_68 = arith.constant 2048 : i32
    %mul3A_69 = arith.muli %add3A_67, %mul3A_68 : i32
    %add3A_70 = arith.addi %mul3A_69, %select_n3A : i32
    %dma_start3A_71 = arith.constant 4096 : i32
    %dma_start3A_72 = tpu.memref_slice %arg5[%dma_start3A_71] : memref<16384xf32, #tpu.memory_space<vmem>> -> memref<1024xf32, #tpu.memory_space<vmem>>
    %dma_start3A_73 = tpu.memref_slice %arg2[%add3A_70] : memref<4194304xf32, #tpu.memory_space<hbm>> -> memref<1024xf32, #tpu.memory_space<hbm>>
    %dma_start3A_74 = arith.constant 4096 : i32
    %dma_start3A_75 = tpu.memref_slice %arg5[%dma_start3A_74] : memref<16384xf32, #tpu.memory_space<vmem>> -> memref<1024xf32, #tpu.memory_space<vmem>>
    %dma_start3A_76 = tpu.memref_slice %arg2[%add3A_70] : memref<4194304xf32, #tpu.memory_space<hbm>> -> memref<1024xf32, #tpu.memory_space<hbm>>
    tpu.enqueue_dma source(%dma_start3A_76 : memref<1024xf32, #tpu.memory_space<hbm>>) target(%dma_start3A_75 : memref<1024xf32, #tpu.memory_space<vmem>>) target_semaphore(%arg10 : memref<!tpu.dma_semaphore, #tpu.memory_space<semaphore_mem>>)
    %add3A_77 = arith.constant 0 : i32
    %add3A_78 = arith.addi %mul3A_8, %add3A_77 : i32
    %add3A_79 = arith.constant 5 : i32
    %add3A_80 = arith.addi %add3A_78, %add3A_79 : i32
    %mul3A_81 = arith.constant 2048 : i32
    %mul3A_82 = arith.muli %add3A_80, %mul3A_81 : i32
    %add3A_83 = arith.addi %mul3A_82, %select_n3A : i32
    %dma_start3A_84 = arith.constant 5120 : i32
    %dma_start3A_85 = tpu.memref_slice %arg5[%dma_start3A_84] : memref<16384xf32, #tpu.memory_space<vmem>> -> memref<1024xf32, #tpu.memory_space<vmem>>
    %dma_start3A_86 = tpu.memref_slice %arg2[%add3A_83] : memref<4194304xf32, #tpu.memory_space<hbm>> -> memref<1024xf32, #tpu.memory_space<hbm>>
    %dma_start3A_87 = arith.constant 5120 : i32
    %dma_start3A_88 = tpu.memref_slice %arg5[%dma_start3A_87] : memref<16384xf32, #tpu.memory_space<vmem>> -> memref<1024xf32, #tpu.memory_space<vmem>>
    %dma_start3A_89 = tpu.memref_slice %arg2[%add3A_83] : memref<4194304xf32, #tpu.memory_space<hbm>> -> memref<1024xf32, #tpu.memory_space<hbm>>
    tpu.enqueue_dma source(%dma_start3A_89 : memref<1024xf32, #tpu.memory_space<hbm>>) target(%dma_start3A_88 : memref<1024xf32, #tpu.memory_space<vmem>>) target_semaphore(%arg10 : memref<!tpu.dma_semaphore, #tpu.memory_space<semaphore_mem>>)
    %add3A_90 = arith.constant 0 : i32
    %add3A_91 = arith.addi %mul3A_8, %add3A_90 : i32
    %add3A_92 = arith.constant 6 : i32
    %add3A_93 = arith.addi %add3A_91, %add3A_92 : i32
    %mul3A_94 = arith.constant 2048 : i32
    %mul3A_95 = arith.muli %add3A_93, %mul3A_94 : i32
    %add3A_96 = arith.addi %mul3A_95, %select_n3A : i32
    %dma_start3A_97 = arith.constant 6144 : i32
    %dma_start3A_98 = tpu.memref_slice %arg5[%dma_start3A_97] : memref<16384xf32, #tpu.memory_space<vmem>> -> memref<1024xf32, #tpu.memory_space<vmem>>
    %dma_start3A_99 = tpu.memref_slice %arg2[%add3A_96] : memref<4194304xf32, #tpu.memory_space<hbm>> -> memref<1024xf32, #tpu.memory_space<hbm>>
    %dma_start3A_100 = arith.constant 6144 : i32
    %dma_start3A_101 = tpu.memref_slice %arg5[%dma_start3A_100] : memref<16384xf32, #tpu.memory_space<vmem>> -> memref<1024xf32, #tpu.memory_space<vmem>>
    %dma_start3A_102 = tpu.memref_slice %arg2[%add3A_96] : memref<4194304xf32, #tpu.memory_space<hbm>> -> memref<1024xf32, #tpu.memory_space<hbm>>
    tpu.enqueue_dma source(%dma_start3A_102 : memref<1024xf32, #tpu.memory_space<hbm>>) target(%dma_start3A_101 : memref<1024xf32, #tpu.memory_space<vmem>>) target_semaphore(%arg10 : memref<!tpu.dma_semaphore, #tpu.memory_space<semaphore_mem>>)
    %add3A_103 = arith.constant 0 : i32
    %add3A_104 = arith.addi %mul3A_8, %add3A_103 : i32
    %add3A_105 = arith.constant 7 : i32
    %add3A_106 = arith.addi %add3A_104, %add3A_105 : i32
    %mul3A_107 = arith.constant 2048 : i32
    %mul3A_108 = arith.muli %add3A_106, %mul3A_107 : i32
    %add3A_109 = arith.addi %mul3A_108, %select_n3A : i32
    %dma_start3A_110 = arith.constant 7168 : i32
    %dma_start3A_111 = tpu.memref_slice %arg5[%dma_start3A_110] : memref<16384xf32, #tpu.memory_space<vmem>> -> memref<1024xf32, #tpu.memory_space<vmem>>
    %dma_start3A_112 = tpu.memref_slice %arg2[%add3A_109] : memref<4194304xf32, #tpu.memory_space<hbm>> -> memref<1024xf32, #tpu.memory_space<hbm>>
    %dma_start3A_113 = arith.constant 7168 : i32
    %dma_start3A_114 = tpu.memref_slice %arg5[%dma_start3A_113] : memref<16384xf32, #tpu.memory_space<vmem>> -> memref<1024xf32, #tpu.memory_space<vmem>>
    %dma_start3A_115 = tpu.memref_slice %arg2[%add3A_109] : memref<4194304xf32, #tpu.memory_space<hbm>> -> memref<1024xf32, #tpu.memory_space<hbm>>
    tpu.enqueue_dma source(%dma_start3A_115 : memref<1024xf32, #tpu.memory_space<hbm>>) target(%dma_start3A_114 : memref<1024xf32, #tpu.memory_space<vmem>>) target_semaphore(%arg10 : memref<!tpu.dma_semaphore, #tpu.memory_space<semaphore_mem>>)
    %add3A_116 = arith.constant 0 : i32
    %add3A_117 = arith.addi %mul3A_8, %add3A_116 : i32
    %add3A_118 = arith.constant 8 : i32
    %add3A_119 = arith.addi %add3A_117, %add3A_118 : i32
    %mul3A_120 = arith.constant 2048 : i32
    %mul3A_121 = arith.muli %add3A_119, %mul3A_120 : i32
    %add3A_122 = arith.addi %mul3A_121, %select_n3A : i32
    %dma_start3A_123 = arith.constant 8192 : i32
    %dma_start3A_124 = tpu.memref_slice %arg5[%dma_start3A_123] : memref<16384xf32, #tpu.memory_space<vmem>> -> memref<1024xf32, #tpu.memory_space<vmem>>
    %dma_start3A_125 = tpu.memref_slice %arg2[%add3A_122] : memref<4194304xf32, #tpu.memory_space<hbm>> -> memref<1024xf32, #tpu.memory_space<hbm>>
    %dma_start3A_126 = arith.constant 8192 : i32
    %dma_start3A_127 = tpu.memref_slice %arg5[%dma_start3A_126] : memref<16384xf32, #tpu.memory_space<vmem>> -> memref<1024xf32, #tpu.memory_space<vmem>>
    %dma_start3A_128 = tpu.memref_slice %arg2[%add3A_122] : memref<4194304xf32, #tpu.memory_space<hbm>> -> memref<1024xf32, #tpu.memory_space<hbm>>
    tpu.enqueue_dma source(%dma_start3A_128 : memref<1024xf32, #tpu.memory_space<hbm>>) target(%dma_start3A_127 : memref<1024xf32, #tpu.memory_space<vmem>>) target_semaphore(%arg10 : memref<!tpu.dma_semaphore, #tpu.memory_space<semaphore_mem>>)
    %add3A_129 = arith.constant 0 : i32
    %add3A_130 = arith.addi %mul3A_8, %add3A_129 : i32
    %add3A_131 = arith.constant 9 : i32
    %add3A_132 = arith.addi %add3A_130, %add3A_131 : i32
    %mul3A_133 = arith.constant 2048 : i32
    %mul3A_134 = arith.muli %add3A_132, %mul3A_133 : i32
    %add3A_135 = arith.addi %mul3A_134, %select_n3A : i32
    %dma_start3A_136 = arith.constant 9216 : i32
    %dma_start3A_137 = tpu.memref_slice %arg5[%dma_start3A_136] : memref<16384xf32, #tpu.memory_space<vmem>> -> memref<1024xf32, #tpu.memory_space<vmem>>
    %dma_start3A_138 = tpu.memref_slice %arg2[%add3A_135] : memref<4194304xf32, #tpu.memory_space<hbm>> -> memref<1024xf32, #tpu.memory_space<hbm>>
    %dma_start3A_139 = arith.constant 9216 : i32
    %dma_start3A_140 = tpu.memref_slice %arg5[%dma_start3A_139] : memref<16384xf32, #tpu.memory_space<vmem>> -> memref<1024xf32, #tpu.memory_space<vmem>>
    %dma_start3A_141 = tpu.memref_slice %arg2[%add3A_135] : memref<4194304xf32, #tpu.memory_space<hbm>> -> memref<1024xf32, #tpu.memory_space<hbm>>
    tpu.enqueue_dma source(%dma_start3A_141 : memref<1024xf32, #tpu.memory_space<hbm>>) target(%dma_start3A_140 : memref<1024xf32, #tpu.memory_space<vmem>>) target_semaphore(%arg10 : memref<!tpu.dma_semaphore, #tpu.memory_space<semaphore_mem>>)
    %add3A_142 = arith.constant 0 : i32
    %add3A_143 = arith.addi %mul3A_8, %add3A_142 : i32
    %add3A_144 = arith.constant 10 : i32
    %add3A_145 = arith.addi %add3A_143, %add3A_144 : i32
    %mul3A_146 = arith.constant 2048 : i32
    %mul3A_147 = arith.muli %add3A_145, %mul3A_146 : i32
    %add3A_148 = arith.addi %mul3A_147, %select_n3A : i32
    %dma_start3A_149 = arith.constant 10240 : i32
    %dma_start3A_150 = tpu.memref_slice %arg5[%dma_start3A_149] : memref<16384xf32, #tpu.memory_space<vmem>> -> memref<1024xf32, #tpu.memory_space<vmem>>
    %dma_start3A_151 = tpu.memref_slice %arg2[%add3A_148] : memref<4194304xf32, #tpu.memory_space<hbm>> -> memref<1024xf32, #tpu.memory_space<hbm>>
    %dma_start3A_152 = arith.constant 10240 : i32
    %dma_start3A_153 = tpu.memref_slice %arg5[%dma_start3A_152] : memref<16384xf32, #tpu.memory_space<vmem>> -> memref<1024xf32, #tpu.memory_space<vmem>>
    %dma_start3A_154 = tpu.memref_slice %arg2[%add3A_148] : memref<4194304xf32, #tpu.memory_space<hbm>> -> memref<1024xf32, #tpu.memory_space<hbm>>
    tpu.enqueue_dma source(%dma_start3A_154 : memref<1024xf32, #tpu.memory_space<hbm>>) target(%dma_start3A_153 : memref<1024xf32, #tpu.memory_space<vmem>>) target_semaphore(%arg10 : memref<!tpu.dma_semaphore, #tpu.memory_space<semaphore_mem>>)
    %add3A_155 = arith.constant 0 : i32
    %add3A_156 = arith.addi %mul3A_8, %add3A_155 : i32
    %add3A_157 = arith.constant 11 : i32
    %add3A_158 = arith.addi %add3A_156, %add3A_157 : i32
    %mul3A_159 = arith.constant 2048 : i32
    %mul3A_160 = arith.muli %add3A_158, %mul3A_159 : i32
    %add3A_161 = arith.addi %mul3A_160, %select_n3A : i32
    %dma_start3A_162 = arith.constant 11264 : i32
    %dma_start3A_163 = tpu.memref_slice %arg5[%dma_start3A_162] : memref<16384xf32, #tpu.memory_space<vmem>> -> memref<1024xf32, #tpu.memory_space<vmem>>
    %dma_start3A_164 = tpu.memref_slice %arg2[%add3A_161] : memref<4194304xf32, #tpu.memory_space<hbm>> -> memref<1024xf32, #tpu.memory_space<hbm>>
    %dma_start3A_165 = arith.constant 11264 : i32
    %dma_start3A_166 = tpu.memref_slice %arg5[%dma_start3A_165] : memref<16384xf32, #tpu.memory_space<vmem>> -> memref<1024xf32, #tpu.memory_space<vmem>>
    %dma_start3A_167 = tpu.memref_slice %arg2[%add3A_161] : memref<4194304xf32, #tpu.memory_space<hbm>> -> memref<1024xf32, #tpu.memory_space<hbm>>
    tpu.enqueue_dma source(%dma_start3A_167 : memref<1024xf32, #tpu.memory_space<hbm>>) target(%dma_start3A_166 : memref<1024xf32, #tpu.memory_space<vmem>>) target_semaphore(%arg10 : memref<!tpu.dma_semaphore, #tpu.memory_space<semaphore_mem>>)
    %add3A_168 = arith.constant 0 : i32
    %add3A_169 = arith.addi %mul3A_8, %add3A_168 : i32
    %add3A_170 = arith.constant 12 : i32
    %add3A_171 = arith.addi %add3A_169, %add3A_170 : i32
    %mul3A_172 = arith.constant 2048 : i32
    %mul3A_173 = arith.muli %add3A_171, %mul3A_172 : i32
    %add3A_174 = arith.addi %mul3A_173, %select_n3A : i32
    %dma_start3A_175 = arith.constant 12288 : i32
    %dma_start3A_176 = tpu.memref_slice %arg5[%dma_start3A_175] : memref<16384xf32, #tpu.memory_space<vmem>> -> memref<1024xf32, #tpu.memory_space<vmem>>
    %dma_start3A_177 = tpu.memref_slice %arg2[%add3A_174] : memref<4194304xf32, #tpu.memory_space<hbm>> -> memref<1024xf32, #tpu.memory_space<hbm>>
    %dma_start3A_178 = arith.constant 12288 : i32
    %dma_start3A_179 = tpu.memref_slice %arg5[%dma_start3A_178] : memref<16384xf32, #tpu.memory_space<vmem>> -> memref<1024xf32, #tpu.memory_space<vmem>>
    %dma_start3A_180 = tpu.memref_slice %arg2[%add3A_174] : memref<4194304xf32, #tpu.memory_space<hbm>> -> memref<1024xf32, #tpu.memory_space<hbm>>
    tpu.enqueue_dma source(%dma_start3A_180 : memref<1024xf32, #tpu.memory_space<hbm>>) target(%dma_start3A_179 : memref<1024xf32, #tpu.memory_space<vmem>>) target_semaphore(%arg10 : memref<!tpu.dma_semaphore, #tpu.memory_space<semaphore_mem>>)
    %add3A_181 = arith.constant 0 : i32
    %add3A_182 = arith.addi %mul3A_8, %add3A_181 : i32
    %add3A_183 = arith.constant 13 : i32
    %add3A_184 = arith.addi %add3A_182, %add3A_183 : i32
    %mul3A_185 = arith.constant 2048 : i32
    %mul3A_186 = arith.muli %add3A_184, %mul3A_185 : i32
    %add3A_187 = arith.addi %mul3A_186, %select_n3A : i32
    %dma_start3A_188 = arith.constant 13312 : i32
    %dma_start3A_189 = tpu.memref_slice %arg5[%dma_start3A_188] : memref<16384xf32, #tpu.memory_space<vmem>> -> memref<1024xf32, #tpu.memory_space<vmem>>
    %dma_start3A_190 = tpu.memref_slice %arg2[%add3A_187] : memref<4194304xf32, #tpu.memory_space<hbm>> -> memref<1024xf32, #tpu.memory_space<hbm>>
    %dma_start3A_191 = arith.constant 13312 : i32
    %dma_start3A_192 = tpu.memref_slice %arg5[%dma_start3A_191] : memref<16384xf32, #tpu.memory_space<vmem>> -> memref<1024xf32, #tpu.memory_space<vmem>>
    %dma_start3A_193 = tpu.memref_slice %arg2[%add3A_187] : memref<4194304xf32, #tpu.memory_space<hbm>> -> memref<1024xf32, #tpu.memory_space<hbm>>
    tpu.enqueue_dma source(%dma_start3A_193 : memref<1024xf32, #tpu.memory_space<hbm>>) target(%dma_start3A_192 : memref<1024xf32, #tpu.memory_space<vmem>>) target_semaphore(%arg10 : memref<!tpu.dma_semaphore, #tpu.memory_space<semaphore_mem>>)
    %add3A_194 = arith.constant 0 : i32
    %add3A_195 = arith.addi %mul3A_8, %add3A_194 : i32
    %add3A_196 = arith.constant 14 : i32
    %add3A_197 = arith.addi %add3A_195, %add3A_196 : i32
    %mul3A_198 = arith.constant 2048 : i32
    %mul3A_199 = arith.muli %add3A_197, %mul3A_198 : i32
    %add3A_200 = arith.addi %mul3A_199, %select_n3A : i32
    %dma_start3A_201 = arith.constant 14336 : i32
    %dma_start3A_202 = tpu.memref_slice %arg5[%dma_start3A_201] : memref<16384xf32, #tpu.memory_space<vmem>> -> memref<1024xf32, #tpu.memory_space<vmem>>
    %dma_start3A_203 = tpu.memref_slice %arg2[%add3A_200] : memref<4194304xf32, #tpu.memory_space<hbm>> -> memref<1024xf32, #tpu.memory_space<hbm>>
    %dma_start3A_204 = arith.constant 14336 : i32
    %dma_start3A_205 = tpu.memref_slice %arg5[%dma_start3A_204] : memref<16384xf32, #tpu.memory_space<vmem>> -> memref<1024xf32, #tpu.memory_space<vmem>>
    %dma_start3A_206 = tpu.memref_slice %arg2[%add3A_200] : memref<4194304xf32, #tpu.memory_space<hbm>> -> memref<1024xf32, #tpu.memory_space<hbm>>
    tpu.enqueue_dma source(%dma_start3A_206 : memref<1024xf32, #tpu.memory_space<hbm>>) target(%dma_start3A_205 : memref<1024xf32, #tpu.memory_space<vmem>>) target_semaphore(%arg10 : memref<!tpu.dma_semaphore, #tpu.memory_space<semaphore_mem>>)
    %add3A_207 = arith.constant 0 : i32
    %add3A_208 = arith.addi %mul3A_8, %add3A_207 : i32
    %add3A_209 = arith.constant 15 : i32
    %add3A_210 = arith.addi %add3A_208, %add3A_209 : i32
    %mul3A_211 = arith.constant 2048 : i32
    %mul3A_212 = arith.muli %add3A_210, %mul3A_211 : i32
    %add3A_213 = arith.addi %mul3A_212, %select_n3A : i32
    %dma_start3A_214 = arith.constant 15360 : i32
    %dma_start3A_215 = tpu.memref_slice %arg5[%dma_start3A_214] : memref<16384xf32, #tpu.memory_space<vmem>> -> memref<1024xf32, #tpu.memory_space<vmem>>
    %dma_start3A_216 = tpu.memref_slice %arg2[%add3A_213] : memref<4194304xf32, #tpu.memory_space<hbm>> -> memref<1024xf32, #tpu.memory_space<hbm>>
    %dma_start3A_217 = arith.constant 15360 : i32
    %dma_start3A_218 = tpu.memref_slice %arg5[%dma_start3A_217] : memref<16384xf32, #tpu.memory_space<vmem>> -> memref<1024xf32, #tpu.memory_space<vmem>>
    %dma_start3A_219 = tpu.memref_slice %arg2[%add3A_213] : memref<4194304xf32, #tpu.memory_space<hbm>> -> memref<1024xf32, #tpu.memory_space<hbm>>
    tpu.enqueue_dma source(%dma_start3A_219 : memref<1024xf32, #tpu.memory_space<hbm>>) target(%dma_start3A_218 : memref<1024xf32, #tpu.memory_space<vmem>>) target_semaphore(%arg10 : memref<!tpu.dma_semaphore, #tpu.memory_space<semaphore_mem>>)
    %add3A_220 = arith.constant 16 : i32
    %add3A_221 = arith.addi %mul3A_8, %add3A_220 : i32
    %add3A_222 = arith.constant 0 : i32
    %add3A_223 = arith.addi %add3A_221, %add3A_222 : i32
    %mul3A_224 = arith.constant 2048 : i32
    %mul3A_225 = arith.muli %add3A_223, %mul3A_224 : i32
    %add3A_226 = arith.addi %mul3A_225, %select_n3A : i32
    %dma_start3A_227 = arith.constant 0 : i32
    %dma_start3A_228 = tpu.memref_slice %arg6[%dma_start3A_227] : memref<16384xf32, #tpu.memory_space<vmem>> -> memref<1024xf32, #tpu.memory_space<vmem>>
    %dma_start3A_229 = tpu.memref_slice %arg2[%add3A_226] : memref<4194304xf32, #tpu.memory_space<hbm>> -> memref<1024xf32, #tpu.memory_space<hbm>>
    %dma_start3A_230 = arith.constant 0 : i32
    %dma_start3A_231 = tpu.memref_slice %arg6[%dma_start3A_230] : memref<16384xf32, #tpu.memory_space<vmem>> -> memref<1024xf32, #tpu.memory_space<vmem>>
    %dma_start3A_232 = tpu.memref_slice %arg2[%add3A_226] : memref<4194304xf32, #tpu.memory_space<hbm>> -> memref<1024xf32, #tpu.memory_space<hbm>>
    tpu.enqueue_dma source(%dma_start3A_232 : memref<1024xf32, #tpu.memory_space<hbm>>) target(%dma_start3A_231 : memref<1024xf32, #tpu.memory_space<vmem>>) target_semaphore(%arg11 : memref<!tpu.dma_semaphore, #tpu.memory_space<semaphore_mem>>)
    %add3A_233 = arith.constant 16 : i32
    %add3A_234 = arith.addi %mul3A_8, %add3A_233 : i32
    %add3A_235 = arith.constant 1 : i32
    %add3A_236 = arith.addi %add3A_234, %add3A_235 : i32
    %mul3A_237 = arith.constant 2048 : i32
    %mul3A_238 = arith.muli %add3A_236, %mul3A_237 : i32
    %add3A_239 = arith.addi %mul3A_238, %select_n3A : i32
    %dma_start3A_240 = arith.constant 1024 : i32
    %dma_start3A_241 = tpu.memref_slice %arg6[%dma_start3A_240] : memref<16384xf32, #tpu.memory_space<vmem>> -> memref<1024xf32, #tpu.memory_space<vmem>>
    %dma_start3A_242 = tpu.memref_slice %arg2[%add3A_239] : memref<4194304xf32, #tpu.memory_space<hbm>> -> memref<1024xf32, #tpu.memory_space<hbm>>
    %dma_start3A_243 = arith.constant 1024 : i32
    %dma_start3A_244 = tpu.memref_slice %arg6[%dma_start3A_243] : memref<16384xf32, #tpu.memory_space<vmem>> -> memref<1024xf32, #tpu.memory_space<vmem>>
    %dma_start3A_245 = tpu.memref_slice %arg2[%add3A_239] : memref<4194304xf32, #tpu.memory_space<hbm>> -> memref<1024xf32, #tpu.memory_space<hbm>>
    tpu.enqueue_dma source(%dma_start3A_245 : memref<1024xf32, #tpu.memory_space<hbm>>) target(%dma_start3A_244 : memref<1024xf32, #tpu.memory_space<vmem>>) target_semaphore(%arg11 : memref<!tpu.dma_semaphore, #tpu.memory_space<semaphore_mem>>)
    %add3A_246 = arith.constant 16 : i32
    %add3A_247 = arith.addi %mul3A_8, %add3A_246 : i32
    %add3A_248 = arith.constant 2 : i32
    %add3A_249 = arith.addi %add3A_247, %add3A_248 : i32
    %mul3A_250 = arith.constant 2048 : i32
    %mul3A_251 = arith.muli %add3A_249, %mul3A_250 : i32
    %add3A_252 = arith.addi %mul3A_251, %select_n3A : i32
    %dma_start3A_253 = arith.constant 2048 : i32
    %dma_start3A_254 = tpu.memref_slice %arg6[%dma_start3A_253] : memref<16384xf32, #tpu.memory_space<vmem>> -> memref<1024xf32, #tpu.memory_space<vmem>>
    %dma_start3A_255 = tpu.memref_slice %arg2[%add3A_252] : memref<4194304xf32, #tpu.memory_space<hbm>> -> memref<1024xf32, #tpu.memory_space<hbm>>
    %dma_start3A_256 = arith.constant 2048 : i32
    %dma_start3A_257 = tpu.memref_slice %arg6[%dma_start3A_256] : memref<16384xf32, #tpu.memory_space<vmem>> -> memref<1024xf32, #tpu.memory_space<vmem>>
    %dma_start3A_258 = tpu.memref_slice %arg2[%add3A_252] : memref<4194304xf32, #tpu.memory_space<hbm>> -> memref<1024xf32, #tpu.memory_space<hbm>>
    tpu.enqueue_dma source(%dma_start3A_258 : memref<1024xf32, #tpu.memory_space<hbm>>) target(%dma_start3A_257 : memref<1024xf32, #tpu.memory_space<vmem>>) target_semaphore(%arg11 : memref<!tpu.dma_semaphore, #tpu.memory_space<semaphore_mem>>)
    %add3A_259 = arith.constant 16 : i32
    %add3A_260 = arith.addi %mul3A_8, %add3A_259 : i32
    %add3A_261 = arith.constant 3 : i32
    %add3A_262 = arith.addi %add3A_260, %add3A_261 : i32
    %mul3A_263 = arith.constant 2048 : i32
    %mul3A_264 = arith.muli %add3A_262, %mul3A_263 : i32
    %add3A_265 = arith.addi %mul3A_264, %select_n3A : i32
    %dma_start3A_266 = arith.constant 3072 : i32
    %dma_start3A_267 = tpu.memref_slice %arg6[%dma_start3A_266] : memref<16384xf32, #tpu.memory_space<vmem>> -> memref<1024xf32, #tpu.memory_space<vmem>>
    %dma_start3A_268 = tpu.memref_slice %arg2[%add3A_265] : memref<4194304xf32, #tpu.memory_space<hbm>> -> memref<1024xf32, #tpu.memory_space<hbm>>
    %dma_start3A_269 = arith.constant 3072 : i32
    %dma_start3A_270 = tpu.memref_slice %arg6[%dma_start3A_269] : memref<16384xf32, #tpu.memory_space<vmem>> -> memref<1024xf32, #tpu.memory_space<vmem>>
    %dma_start3A_271 = tpu.memref_slice %arg2[%add3A_265] : memref<4194304xf32, #tpu.memory_space<hbm>> -> memref<1024xf32, #tpu.memory_space<hbm>>
    tpu.enqueue_dma source(%dma_start3A_271 : memref<1024xf32, #tpu.memory_space<hbm>>) target(%dma_start3A_270 : memref<1024xf32, #tpu.memory_space<vmem>>) target_semaphore(%arg11 : memref<!tpu.dma_semaphore, #tpu.memory_space<semaphore_mem>>)
    %add3A_272 = arith.constant 16 : i32
    %add3A_273 = arith.addi %mul3A_8, %add3A_272 : i32
    %add3A_274 = arith.constant 4 : i32
    %add3A_275 = arith.addi %add3A_273, %add3A_274 : i32
    %mul3A_276 = arith.constant 2048 : i32
    %mul3A_277 = arith.muli %add3A_275, %mul3A_276 : i32
    %add3A_278 = arith.addi %mul3A_277, %select_n3A : i32
    %dma_start3A_279 = arith.constant 4096 : i32
    %dma_start3A_280 = tpu.memref_slice %arg6[%dma_start3A_279] : memref<16384xf32, #tpu.memory_space<vmem>> -> memref<1024xf32, #tpu.memory_space<vmem>>
    %dma_start3A_281 = tpu.memref_slice %arg2[%add3A_278] : memref<4194304xf32, #tpu.memory_space<hbm>> -> memref<1024xf32, #tpu.memory_space<hbm>>
    %dma_start3A_282 = arith.constant 4096 : i32
    %dma_start3A_283 = tpu.memref_slice %arg6[%dma_start3A_282] : memref<16384xf32, #tpu.memory_space<vmem>> -> memref<1024xf32, #tpu.memory_space<vmem>>
    %dma_start3A_284 = tpu.memref_slice %arg2[%add3A_278] : memref<4194304xf32, #tpu.memory_space<hbm>> -> memref<1024xf32, #tpu.memory_space<hbm>>
    tpu.enqueue_dma source(%dma_start3A_284 : memref<1024xf32, #tpu.memory_space<hbm>>) target(%dma_start3A_283 : memref<1024xf32, #tpu.memory_space<vmem>>) target_semaphore(%arg11 : memref<!tpu.dma_semaphore, #tpu.memory_space<semaphore_mem>>)
    %add3A_285 = arith.constant 16 : i32
    %add3A_286 = arith.addi %mul3A_8, %add3A_285 : i32
    %add3A_287 = arith.constant 5 : i32
    %add3A_288 = arith.addi %add3A_286, %add3A_287 : i32
    %mul3A_289 = arith.constant 2048 : i32
    %mul3A_290 = arith.muli %add3A_288, %mul3A_289 : i32
    %add3A_291 = arith.addi %mul3A_290, %select_n3A : i32
    %dma_start3A_292 = arith.constant 5120 : i32
    %dma_start3A_293 = tpu.memref_slice %arg6[%dma_start3A_292] : memref<16384xf32, #tpu.memory_space<vmem>> -> memref<1024xf32, #tpu.memory_space<vmem>>
    %dma_start3A_294 = tpu.memref_slice %arg2[%add3A_291] : memref<4194304xf32, #tpu.memory_space<hbm>> -> memref<1024xf32, #tpu.memory_space<hbm>>
    %dma_start3A_295 = arith.constant 5120 : i32
    %dma_start3A_296 = tpu.memref_slice %arg6[%dma_start3A_295] : memref<16384xf32, #tpu.memory_space<vmem>> -> memref<1024xf32, #tpu.memory_space<vmem>>
    %dma_start3A_297 = tpu.memref_slice %arg2[%add3A_291] : memref<4194304xf32, #tpu.memory_space<hbm>> -> memref<1024xf32, #tpu.memory_space<hbm>>
    tpu.enqueue_dma source(%dma_start3A_297 : memref<1024xf32, #tpu.memory_space<hbm>>) target(%dma_start3A_296 : memref<1024xf32, #tpu.memory_space<vmem>>) target_semaphore(%arg11 : memref<!tpu.dma_semaphore, #tpu.memory_space<semaphore_mem>>)
    %add3A_298 = arith.constant 16 : i32
    %add3A_299 = arith.addi %mul3A_8, %add3A_298 : i32
    %add3A_300 = arith.constant 6 : i32
    %add3A_301 = arith.addi %add3A_299, %add3A_300 : i32
    %mul3A_302 = arith.constant 2048 : i32
    %mul3A_303 = arith.muli %add3A_301, %mul3A_302 : i32
    %add3A_304 = arith.addi %mul3A_303, %select_n3A : i32
    %dma_start3A_305 = arith.constant 6144 : i32
    %dma_start3A_306 = tpu.memref_slice %arg6[%dma_start3A_305] : memref<16384xf32, #tpu.memory_space<vmem>> -> memref<1024xf32, #tpu.memory_space<vmem>>
    %dma_start3A_307 = tpu.memref_slice %arg2[%add3A_304] : memref<4194304xf32, #tpu.memory_space<hbm>> -> memref<1024xf32, #tpu.memory_space<hbm>>
    %dma_start3A_308 = arith.constant 6144 : i32
    %dma_start3A_309 = tpu.memref_slice %arg6[%dma_start3A_308] : memref<16384xf32, #tpu.memory_space<vmem>> -> memref<1024xf32, #tpu.memory_space<vmem>>
    %dma_start3A_310 = tpu.memref_slice %arg2[%add3A_304] : memref<4194304xf32, #tpu.memory_space<hbm>> -> memref<1024xf32, #tpu.memory_space<hbm>>
    tpu.enqueue_dma source(%dma_start3A_310 : memref<1024xf32, #tpu.memory_space<hbm>>) target(%dma_start3A_309 : memref<1024xf32, #tpu.memory_space<vmem>>) target_semaphore(%arg11 : memref<!tpu.dma_semaphore, #tpu.memory_space<semaphore_mem>>)
    %add3A_311 = arith.constant 16 : i32
    %add3A_312 = arith.addi %mul3A_8, %add3A_311 : i32
    %add3A_313 = arith.constant 7 : i32
    %add3A_314 = arith.addi %add3A_312, %add3A_313 : i32
    %mul3A_315 = arith.constant 2048 : i32
    %mul3A_316 = arith.muli %add3A_314, %mul3A_315 : i32
    %add3A_317 = arith.addi %mul3A_316, %select_n3A : i32
    %dma_start3A_318 = arith.constant 7168 : i32
    %dma_start3A_319 = tpu.memref_slice %arg6[%dma_start3A_318] : memref<16384xf32, #tpu.memory_space<vmem>> -> memref<1024xf32, #tpu.memory_space<vmem>>
    %dma_start3A_320 = tpu.memref_slice %arg2[%add3A_317] : memref<4194304xf32, #tpu.memory_space<hbm>> -> memref<1024xf32, #tpu.memory_space<hbm>>
    %dma_start3A_321 = arith.constant 7168 : i32
    %dma_start3A_322 = tpu.memref_slice %arg6[%dma_start3A_321] : memref<16384xf32, #tpu.memory_space<vmem>> -> memref<1024xf32, #tpu.memory_space<vmem>>
    %dma_start3A_323 = tpu.memref_slice %arg2[%add3A_317] : memref<4194304xf32, #tpu.memory_space<hbm>> -> memref<1024xf32, #tpu.memory_space<hbm>>
    tpu.enqueue_dma source(%dma_start3A_323 : memref<1024xf32, #tpu.memory_space<hbm>>) target(%dma_start3A_322 : memref<1024xf32, #tpu.memory_space<vmem>>) target_semaphore(%arg11 : memref<!tpu.dma_semaphore, #tpu.memory_space<semaphore_mem>>)
    %add3A_324 = arith.constant 16 : i32
    %add3A_325 = arith.addi %mul3A_8, %add3A_324 : i32
    %add3A_326 = arith.constant 8 : i32
    %add3A_327 = arith.addi %add3A_325, %add3A_326 : i32
    %mul3A_328 = arith.constant 2048 : i32
    %mul3A_329 = arith.muli %add3A_327, %mul3A_328 : i32
    %add3A_330 = arith.addi %mul3A_329, %select_n3A : i32
    %dma_start3A_331 = arith.constant 8192 : i32
    %dma_start3A_332 = tpu.memref_slice %arg6[%dma_start3A_331] : memref<16384xf32, #tpu.memory_space<vmem>> -> memref<1024xf32, #tpu.memory_space<vmem>>
    %dma_start3A_333 = tpu.memref_slice %arg2[%add3A_330] : memref<4194304xf32, #tpu.memory_space<hbm>> -> memref<1024xf32, #tpu.memory_space<hbm>>
    %dma_start3A_334 = arith.constant 8192 : i32
    %dma_start3A_335 = tpu.memref_slice %arg6[%dma_start3A_334] : memref<16384xf32, #tpu.memory_space<vmem>> -> memref<1024xf32, #tpu.memory_space<vmem>>
    %dma_start3A_336 = tpu.memref_slice %arg2[%add3A_330] : memref<4194304xf32, #tpu.memory_space<hbm>> -> memref<1024xf32, #tpu.memory_space<hbm>>
    tpu.enqueue_dma source(%dma_start3A_336 : memref<1024xf32, #tpu.memory_space<hbm>>) target(%dma_start3A_335 : memref<1024xf32, #tpu.memory_space<vmem>>) target_semaphore(%arg11 : memref<!tpu.dma_semaphore, #tpu.memory_space<semaphore_mem>>)
    %add3A_337 = arith.constant 16 : i32
    %add3A_338 = arith.addi %mul3A_8, %add3A_337 : i32
    %add3A_339 = arith.constant 9 : i32
    %add3A_340 = arith.addi %add3A_338, %add3A_339 : i32
    %mul3A_341 = arith.constant 2048 : i32
    %mul3A_342 = arith.muli %add3A_340, %mul3A_341 : i32
    %add3A_343 = arith.addi %mul3A_342, %select_n3A : i32
    %dma_start3A_344 = arith.constant 9216 : i32
    %dma_start3A_345 = tpu.memref_slice %arg6[%dma_start3A_344] : memref<16384xf32, #tpu.memory_space<vmem>> -> memref<1024xf32, #tpu.memory_space<vmem>>
    %dma_start3A_346 = tpu.memref_slice %arg2[%add3A_343] : memref<4194304xf32, #tpu.memory_space<hbm>> -> memref<1024xf32, #tpu.memory_space<hbm>>
    %dma_start3A_347 = arith.constant 9216 : i32
    %dma_start3A_348 = tpu.memref_slice %arg6[%dma_start3A_347] : memref<16384xf32, #tpu.memory_space<vmem>> -> memref<1024xf32, #tpu.memory_space<vmem>>
    %dma_start3A_349 = tpu.memref_slice %arg2[%add3A_343] : memref<4194304xf32, #tpu.memory_space<hbm>> -> memref<1024xf32, #tpu.memory_space<hbm>>
    tpu.enqueue_dma source(%dma_start3A_349 : memref<1024xf32, #tpu.memory_space<hbm>>) target(%dma_start3A_348 : memref<1024xf32, #tpu.memory_space<vmem>>) target_semaphore(%arg11 : memref<!tpu.dma_semaphore, #tpu.memory_space<semaphore_mem>>)
    %add3A_350 = arith.constant 16 : i32
    %add3A_351 = arith.addi %mul3A_8, %add3A_350 : i32
    %add3A_352 = arith.constant 10 : i32
    %add3A_353 = arith.addi %add3A_351, %add3A_352 : i32
    %mul3A_354 = arith.constant 2048 : i32
    %mul3A_355 = arith.muli %add3A_353, %mul3A_354 : i32
    %add3A_356 = arith.addi %mul3A_355, %select_n3A : i32
    %dma_start3A_357 = arith.constant 10240 : i32
    %dma_start3A_358 = tpu.memref_slice %arg6[%dma_start3A_357] : memref<16384xf32, #tpu.memory_space<vmem>> -> memref<1024xf32, #tpu.memory_space<vmem>>
    %dma_start3A_359 = tpu.memref_slice %arg2[%add3A_356] : memref<4194304xf32, #tpu.memory_space<hbm>> -> memref<1024xf32, #tpu.memory_space<hbm>>
    %dma_start3A_360 = arith.constant 10240 : i32
    %dma_start3A_361 = tpu.memref_slice %arg6[%dma_start3A_360] : memref<16384xf32, #tpu.memory_space<vmem>> -> memref<1024xf32, #tpu.memory_space<vmem>>
    %dma_start3A_362 = tpu.memref_slice %arg2[%add3A_356] : memref<4194304xf32, #tpu.memory_space<hbm>> -> memref<1024xf32, #tpu.memory_space<hbm>>
    tpu.enqueue_dma source(%dma_start3A_362 : memref<1024xf32, #tpu.memory_space<hbm>>) target(%dma_start3A_361 : memref<1024xf32, #tpu.memory_space<vmem>>) target_semaphore(%arg11 : memref<!tpu.dma_semaphore, #tpu.memory_space<semaphore_mem>>)
    %add3A_363 = arith.constant 16 : i32
    %add3A_364 = arith.addi %mul3A_8, %add3A_363 : i32
    %add3A_365 = arith.constant 11 : i32
    %add3A_366 = arith.addi %add3A_364, %add3A_365 : i32
    %mul3A_367 = arith.constant 2048 : i32
    %mul3A_368 = arith.muli %add3A_366, %mul3A_367 : i32
    %add3A_369 = arith.addi %mul3A_368, %select_n3A : i32
    %dma_start3A_370 = arith.constant 11264 : i32
    %dma_start3A_371 = tpu.memref_slice %arg6[%dma_start3A_370] : memref<16384xf32, #tpu.memory_space<vmem>> -> memref<1024xf32, #tpu.memory_space<vmem>>
    %dma_start3A_372 = tpu.memref_slice %arg2[%add3A_369] : memref<4194304xf32, #tpu.memory_space<hbm>> -> memref<1024xf32, #tpu.memory_space<hbm>>
    %dma_start3A_373 = arith.constant 11264 : i32
    %dma_start3A_374 = tpu.memref_slice %arg6[%dma_start3A_373] : memref<16384xf32, #tpu.memory_space<vmem>> -> memref<1024xf32, #tpu.memory_space<vmem>>
    %dma_start3A_375 = tpu.memref_slice %arg2[%add3A_369] : memref<4194304xf32, #tpu.memory_space<hbm>> -> memref<1024xf32, #tpu.memory_space<hbm>>
    tpu.enqueue_dma source(%dma_start3A_375 : memref<1024xf32, #tpu.memory_space<hbm>>) target(%dma_start3A_374 : memref<1024xf32, #tpu.memory_space<vmem>>) target_semaphore(%arg11 : memref<!tpu.dma_semaphore, #tpu.memory_space<semaphore_mem>>)
    %add3A_376 = arith.constant 16 : i32
    %add3A_377 = arith.addi %mul3A_8, %add3A_376 : i32
    %add3A_378 = arith.constant 12 : i32
    %add3A_379 = arith.addi %add3A_377, %add3A_378 : i32
    %mul3A_380 = arith.constant 2048 : i32
    %mul3A_381 = arith.muli %add3A_379, %mul3A_380 : i32
    %add3A_382 = arith.addi %mul3A_381, %select_n3A : i32
    %dma_start3A_383 = arith.constant 12288 : i32
    %dma_start3A_384 = tpu.memref_slice %arg6[%dma_start3A_383] : memref<16384xf32, #tpu.memory_space<vmem>> -> memref<1024xf32, #tpu.memory_space<vmem>>
    %dma_start3A_385 = tpu.memref_slice %arg2[%add3A_382] : memref<4194304xf32, #tpu.memory_space<hbm>> -> memref<1024xf32, #tpu.memory_space<hbm>>
    %dma_start3A_386 = arith.constant 12288 : i32
    %dma_start3A_387 = tpu.memref_slice %arg6[%dma_start3A_386] : memref<16384xf32, #tpu.memory_space<vmem>> -> memref<1024xf32, #tpu.memory_space<vmem>>
    %dma_start3A_388 = tpu.memref_slice %arg2[%add3A_382] : memref<4194304xf32, #tpu.memory_space<hbm>> -> memref<1024xf32, #tpu.memory_space<hbm>>
    tpu.enqueue_dma source(%dma_start3A_388 : memref<1024xf32, #tpu.memory_space<hbm>>) target(%dma_start3A_387 : memref<1024xf32, #tpu.memory_space<vmem>>) target_semaphore(%arg11 : memref<!tpu.dma_semaphore, #tpu.memory_space<semaphore_mem>>)
    %add3A_389 = arith.constant 16 : i32
    %add3A_390 = arith.addi %mul3A_8, %add3A_389 : i32
    %add3A_391 = arith.constant 13 : i32
    %add3A_392 = arith.addi %add3A_390, %add3A_391 : i32
    %mul3A_393 = arith.constant 2048 : i32
    %mul3A_394 = arith.muli %add3A_392, %mul3A_393 : i32
    %add3A_395 = arith.addi %mul3A_394, %select_n3A : i32
    %dma_start3A_396 = arith.constant 13312 : i32
    %dma_start3A_397 = tpu.memref_slice %arg6[%dma_start3A_396] : memref<16384xf32, #tpu.memory_space<vmem>> -> memref<1024xf32, #tpu.memory_space<vmem>>
    %dma_start3A_398 = tpu.memref_slice %arg2[%add3A_395] : memref<4194304xf32, #tpu.memory_space<hbm>> -> memref<1024xf32, #tpu.memory_space<hbm>>
    %dma_start3A_399 = arith.constant 13312 : i32
    %dma_start3A_400 = tpu.memref_slice %arg6[%dma_start3A_399] : memref<16384xf32, #tpu.memory_space<vmem>> -> memref<1024xf32, #tpu.memory_space<vmem>>
    %dma_start3A_401 = tpu.memref_slice %arg2[%add3A_395] : memref<4194304xf32, #tpu.memory_space<hbm>> -> memref<1024xf32, #tpu.memory_space<hbm>>
    tpu.enqueue_dma source(%dma_start3A_401 : memref<1024xf32, #tpu.memory_space<hbm>>) target(%dma_start3A_400 : memref<1024xf32, #tpu.memory_space<vmem>>) target_semaphore(%arg11 : memref<!tpu.dma_semaphore, #tpu.memory_space<semaphore_mem>>)
    %add3A_402 = arith.constant 16 : i32
    %add3A_403 = arith.addi %mul3A_8, %add3A_402 : i32
    %add3A_404 = arith.constant 14 : i32
    %add3A_405 = arith.addi %add3A_403, %add3A_404 : i32
    %mul3A_406 = arith.constant 2048 : i32
    %mul3A_407 = arith.muli %add3A_405, %mul3A_406 : i32
    %add3A_408 = arith.addi %mul3A_407, %select_n3A : i32
    %dma_start3A_409 = arith.constant 14336 : i32
    %dma_start3A_410 = tpu.memref_slice %arg6[%dma_start3A_409] : memref<16384xf32, #tpu.memory_space<vmem>> -> memref<1024xf32, #tpu.memory_space<vmem>>
    %dma_start3A_411 = tpu.memref_slice %arg2[%add3A_408] : memref<4194304xf32, #tpu.memory_space<hbm>> -> memref<1024xf32, #tpu.memory_space<hbm>>
    %dma_start3A_412 = arith.constant 14336 : i32
    %dma_start3A_413 = tpu.memref_slice %arg6[%dma_start3A_412] : memref<16384xf32, #tpu.memory_space<vmem>> -> memref<1024xf32, #tpu.memory_space<vmem>>
    %dma_start3A_414 = tpu.memref_slice %arg2[%add3A_408] : memref<4194304xf32, #tpu.memory_space<hbm>> -> memref<1024xf32, #tpu.memory_space<hbm>>
    tpu.enqueue_dma source(%dma_start3A_414 : memref<1024xf32, #tpu.memory_space<hbm>>) target(%dma_start3A_413 : memref<1024xf32, #tpu.memory_space<vmem>>) target_semaphore(%arg11 : memref<!tpu.dma_semaphore, #tpu.memory_space<semaphore_mem>>)
    %add3A_415 = arith.constant 16 : i32
    %add3A_416 = arith.addi %mul3A_8, %add3A_415 : i32
    %add3A_417 = arith.constant 15 : i32
    %add3A_418 = arith.addi %add3A_416, %add3A_417 : i32
    %mul3A_419 = arith.constant 2048 : i32
    %mul3A_420 = arith.muli %add3A_418, %mul3A_419 : i32
    %add3A_421 = arith.addi %mul3A_420, %select_n3A : i32
    %dma_start3A_422 = arith.constant 15360 : i32
    %dma_start3A_423 = tpu.memref_slice %arg6[%dma_start3A_422] : memref<16384xf32, #tpu.memory_space<vmem>> -> memref<1024xf32, #tpu.memory_space<vmem>>
    %dma_start3A_424 = tpu.memref_slice %arg2[%add3A_421] : memref<4194304xf32, #tpu.memory_space<hbm>> -> memref<1024xf32, #tpu.memory_space<hbm>>
    %dma_start3A_425 = arith.constant 15360 : i32
    %dma_start3A_426 = tpu.memref_slice %arg6[%dma_start3A_425] : memref<16384xf32, #tpu.memory_space<vmem>> -> memref<1024xf32, #tpu.memory_space<vmem>>
    %dma_start3A_427 = tpu.memref_slice %arg2[%add3A_421] : memref<4194304xf32, #tpu.memory_space<hbm>> -> memref<1024xf32, #tpu.memory_space<hbm>>
    tpu.enqueue_dma source(%dma_start3A_427 : memref<1024xf32, #tpu.memory_space<hbm>>) target(%dma_start3A_426 : memref<1024xf32, #tpu.memory_space<vmem>>) target_semaphore(%arg11 : memref<!tpu.dma_semaphore, #tpu.memory_space<semaphore_mem>>)
    %dma_wait3A = arith.constant 0 : i32
    %dma_wait3A_428 = tpu.memref_slice %arg5[%dma_wait3A] : memref<16384xf32, #tpu.memory_space<vmem>> -> memref<1024xf32, #tpu.memory_space<vmem>>
    %dma_wait3A_429 = tpu.memref_slice %arg2[%add3A_19] : memref<4194304xf32, #tpu.memory_space<hbm>> -> memref<1024xf32, #tpu.memory_space<hbm>>
    %dma_wait3A_430 = arith.constant 0 : i32
    %dma_wait3A_431 = tpu.memref_slice %arg5[%dma_wait3A_430] : memref<16384xf32, #tpu.memory_space<vmem>> -> memref<1024xf32, #tpu.memory_space<vmem>>
    %dma_wait3A_432 = tpu.memref_slice %arg2[%add3A_19] : memref<4194304xf32, #tpu.memory_space<hbm>> -> memref<1024xf32, #tpu.memory_space<hbm>>
    tpu.wait_dma2 semaphore(%arg10 : memref<!tpu.dma_semaphore, #tpu.memory_space<semaphore_mem>>) src(%dma_wait3A_432 : memref<1024xf32, #tpu.memory_space<hbm>>) dst(%dma_wait3A_431 : memref<1024xf32, #tpu.memory_space<vmem>>)
    %dma_wait3A_433 = arith.constant 1024 : i32
    %dma_wait3A_434 = tpu.memref_slice %arg5[%dma_wait3A_433] : memref<16384xf32, #tpu.memory_space<vmem>> -> memref<1024xf32, #tpu.memory_space<vmem>>
    %dma_wait3A_435 = tpu.memref_slice %arg2[%add3A_31] : memref<4194304xf32, #tpu.memory_space<hbm>> -> memref<1024xf32, #tpu.memory_space<hbm>>
    %dma_wait3A_436 = arith.constant 1024 : i32
    %dma_wait3A_437 = tpu.memref_slice %arg5[%dma_wait3A_436] : memref<16384xf32, #tpu.memory_space<vmem>> -> memref<1024xf32, #tpu.memory_space<vmem>>
    %dma_wait3A_438 = tpu.memref_slice %arg2[%add3A_31] : memref<4194304xf32, #tpu.memory_space<hbm>> -> memref<1024xf32, #tpu.memory_space<hbm>>
    tpu.wait_dma2 semaphore(%arg10 : memref<!tpu.dma_semaphore, #tpu.memory_space<semaphore_mem>>) src(%dma_wait3A_438 : memref<1024xf32, #tpu.memory_space<hbm>>) dst(%dma_wait3A_437 : memref<1024xf32, #tpu.memory_space<vmem>>)
    %dma_wait3A_439 = arith.constant 2048 : i32
    %dma_wait3A_440 = tpu.memref_slice %arg5[%dma_wait3A_439] : memref<16384xf32, #tpu.memory_space<vmem>> -> memref<1024xf32, #tpu.memory_space<vmem>>
    %dma_wait3A_441 = tpu.memref_slice %arg2[%add3A_44] : memref<4194304xf32, #tpu.memory_space<hbm>> -> memref<1024xf32, #tpu.memory_space<hbm>>
    %dma_wait3A_442 = arith.constant 2048 : i32
    %dma_wait3A_443 = tpu.memref_slice %arg5[%dma_wait3A_442] : memref<16384xf32, #tpu.memory_space<vmem>> -> memref<1024xf32, #tpu.memory_space<vmem>>
    %dma_wait3A_444 = tpu.memref_slice %arg2[%add3A_44] : memref<4194304xf32, #tpu.memory_space<hbm>> -> memref<1024xf32, #tpu.memory_space<hbm>>
    tpu.wait_dma2 semaphore(%arg10 : memref<!tpu.dma_semaphore, #tpu.memory_space<semaphore_mem>>) src(%dma_wait3A_444 : memref<1024xf32, #tpu.memory_space<hbm>>) dst(%dma_wait3A_443 : memref<1024xf32, #tpu.memory_space<vmem>>)
    %dma_wait3A_445 = arith.constant 3072 : i32
    %dma_wait3A_446 = tpu.memref_slice %arg5[%dma_wait3A_445] : memref<16384xf32, #tpu.memory_space<vmem>> -> memref<1024xf32, #tpu.memory_space<vmem>>
    %dma_wait3A_447 = tpu.memref_slice %arg2[%add3A_57] : memref<4194304xf32, #tpu.memory_space<hbm>> -> memref<1024xf32, #tpu.memory_space<hbm>>
    %dma_wait3A_448 = arith.constant 3072 : i32
    %dma_wait3A_449 = tpu.memref_slice %arg5[%dma_wait3A_448] : memref<16384xf32, #tpu.memory_space<vmem>> -> memref<1024xf32, #tpu.memory_space<vmem>>
    %dma_wait3A_450 = tpu.memref_slice %arg2[%add3A_57] : memref<4194304xf32, #tpu.memory_space<hbm>> -> memref<1024xf32, #tpu.memory_space<hbm>>
    tpu.wait_dma2 semaphore(%arg10 : memref<!tpu.dma_semaphore, #tpu.memory_space<semaphore_mem>>) src(%dma_wait3A_450 : memref<1024xf32, #tpu.memory_space<hbm>>) dst(%dma_wait3A_449 : memref<1024xf32, #tpu.memory_space<vmem>>)
    %dma_wait3A_451 = arith.constant 4096 : i32
    %dma_wait3A_452 = tpu.memref_slice %arg5[%dma_wait3A_451] : memref<16384xf32, #tpu.memory_space<vmem>> -> memref<1024xf32, #tpu.memory_space<vmem>>
    %dma_wait3A_453 = tpu.memref_slice %arg2[%add3A_70] : memref<4194304xf32, #tpu.memory_space<hbm>> -> memref<1024xf32, #tpu.memory_space<hbm>>
    %dma_wait3A_454 = arith.constant 4096 : i32
    %dma_wait3A_455 = tpu.memref_slice %arg5[%dma_wait3A_454] : memref<16384xf32, #tpu.memory_space<vmem>> -> memref<1024xf32, #tpu.memory_space<vmem>>
    %dma_wait3A_456 = tpu.memref_slice %arg2[%add3A_70] : memref<4194304xf32, #tpu.memory_space<hbm>> -> memref<1024xf32, #tpu.memory_space<hbm>>
    tpu.wait_dma2 semaphore(%arg10 : memref<!tpu.dma_semaphore, #tpu.memory_space<semaphore_mem>>) src(%dma_wait3A_456 : memref<1024xf32, #tpu.memory_space<hbm>>) dst(%dma_wait3A_455 : memref<1024xf32, #tpu.memory_space<vmem>>)
    %dma_wait3A_457 = arith.constant 5120 : i32
    %dma_wait3A_458 = tpu.memref_slice %arg5[%dma_wait3A_457] : memref<16384xf32, #tpu.memory_space<vmem>> -> memref<1024xf32, #tpu.memory_space<vmem>>
    %dma_wait3A_459 = tpu.memref_slice %arg2[%add3A_83] : memref<4194304xf32, #tpu.memory_space<hbm>> -> memref<1024xf32, #tpu.memory_space<hbm>>
    %dma_wait3A_460 = arith.constant 5120 : i32
    %dma_wait3A_461 = tpu.memref_slice %arg5[%dma_wait3A_460] : memref<16384xf32, #tpu.memory_space<vmem>> -> memref<1024xf32, #tpu.memory_space<vmem>>
    %dma_wait3A_462 = tpu.memref_slice %arg2[%add3A_83] : memref<4194304xf32, #tpu.memory_space<hbm>> -> memref<1024xf32, #tpu.memory_space<hbm>>
    tpu.wait_dma2 semaphore(%arg10 : memref<!tpu.dma_semaphore, #tpu.memory_space<semaphore_mem>>) src(%dma_wait3A_462 : memref<1024xf32, #tpu.memory_space<hbm>>) dst(%dma_wait3A_461 : memref<1024xf32, #tpu.memory_space<vmem>>)
    %dma_wait3A_463 = arith.constant 6144 : i32
    %dma_wait3A_464 = tpu.memref_slice %arg5[%dma_wait3A_463] : memref<16384xf32, #tpu.memory_space<vmem>> -> memref<1024xf32, #tpu.memory_space<vmem>>
    %dma_wait3A_465 = tpu.memref_slice %arg2[%add3A_96] : memref<4194304xf32, #tpu.memory_space<hbm>> -> memref<1024xf32, #tpu.memory_space<hbm>>
    %dma_wait3A_466 = arith.constant 6144 : i32
    %dma_wait3A_467 = tpu.memref_slice %arg5[%dma_wait3A_466] : memref<16384xf32, #tpu.memory_space<vmem>> -> memref<1024xf32, #tpu.memory_space<vmem>>
    %dma_wait3A_468 = tpu.memref_slice %arg2[%add3A_96] : memref<4194304xf32, #tpu.memory_space<hbm>> -> memref<1024xf32, #tpu.memory_space<hbm>>
    tpu.wait_dma2 semaphore(%arg10 : memref<!tpu.dma_semaphore, #tpu.memory_space<semaphore_mem>>) src(%dma_wait3A_468 : memref<1024xf32, #tpu.memory_space<hbm>>) dst(%dma_wait3A_467 : memref<1024xf32, #tpu.memory_space<vmem>>)
    %dma_wait3A_469 = arith.constant 7168 : i32
    %dma_wait3A_470 = tpu.memref_slice %arg5[%dma_wait3A_469] : memref<16384xf32, #tpu.memory_space<vmem>> -> memref<1024xf32, #tpu.memory_space<vmem>>
    %dma_wait3A_471 = tpu.memref_slice %arg2[%add3A_109] : memref<4194304xf32, #tpu.memory_space<hbm>> -> memref<1024xf32, #tpu.memory_space<hbm>>
    %dma_wait3A_472 = arith.constant 7168 : i32
    %dma_wait3A_473 = tpu.memref_slice %arg5[%dma_wait3A_472] : memref<16384xf32, #tpu.memory_space<vmem>> -> memref<1024xf32, #tpu.memory_space<vmem>>
    %dma_wait3A_474 = tpu.memref_slice %arg2[%add3A_109] : memref<4194304xf32, #tpu.memory_space<hbm>> -> memref<1024xf32, #tpu.memory_space<hbm>>
    tpu.wait_dma2 semaphore(%arg10 : memref<!tpu.dma_semaphore, #tpu.memory_space<semaphore_mem>>) src(%dma_wait3A_474 : memref<1024xf32, #tpu.memory_space<hbm>>) dst(%dma_wait3A_473 : memref<1024xf32, #tpu.memory_space<vmem>>)
    %dma_wait3A_475 = arith.constant 8192 : i32
    %dma_wait3A_476 = tpu.memref_slice %arg5[%dma_wait3A_475] : memref<16384xf32, #tpu.memory_space<vmem>> -> memref<1024xf32, #tpu.memory_space<vmem>>
    %dma_wait3A_477 = tpu.memref_slice %arg2[%add3A_122] : memref<4194304xf32, #tpu.memory_space<hbm>> -> memref<1024xf32, #tpu.memory_space<hbm>>
    %dma_wait3A_478 = arith.constant 8192 : i32
    %dma_wait3A_479 = tpu.memref_slice %arg5[%dma_wait3A_478] : memref<16384xf32, #tpu.memory_space<vmem>> -> memref<1024xf32, #tpu.memory_space<vmem>>
    %dma_wait3A_480 = tpu.memref_slice %arg2[%add3A_122] : memref<4194304xf32, #tpu.memory_space<hbm>> -> memref<1024xf32, #tpu.memory_space<hbm>>
    tpu.wait_dma2 semaphore(%arg10 : memref<!tpu.dma_semaphore, #tpu.memory_space<semaphore_mem>>) src(%dma_wait3A_480 : memref<1024xf32, #tpu.memory_space<hbm>>) dst(%dma_wait3A_479 : memref<1024xf32, #tpu.memory_space<vmem>>)
    %dma_wait3A_481 = arith.constant 9216 : i32
    %dma_wait3A_482 = tpu.memref_slice %arg5[%dma_wait3A_481] : memref<16384xf32, #tpu.memory_space<vmem>> -> memref<1024xf32, #tpu.memory_space<vmem>>
    %dma_wait3A_483 = tpu.memref_slice %arg2[%add3A_135] : memref<4194304xf32, #tpu.memory_space<hbm>> -> memref<1024xf32, #tpu.memory_space<hbm>>
    %dma_wait3A_484 = arith.constant 9216 : i32
    %dma_wait3A_485 = tpu.memref_slice %arg5[%dma_wait3A_484] : memref<16384xf32, #tpu.memory_space<vmem>> -> memref<1024xf32, #tpu.memory_space<vmem>>
    %dma_wait3A_486 = tpu.memref_slice %arg2[%add3A_135] : memref<4194304xf32, #tpu.memory_space<hbm>> -> memref<1024xf32, #tpu.memory_space<hbm>>
    tpu.wait_dma2 semaphore(%arg10 : memref<!tpu.dma_semaphore, #tpu.memory_space<semaphore_mem>>) src(%dma_wait3A_486 : memref<1024xf32, #tpu.memory_space<hbm>>) dst(%dma_wait3A_485 : memref<1024xf32, #tpu.memory_space<vmem>>)
    %dma_wait3A_487 = arith.constant 10240 : i32
    %dma_wait3A_488 = tpu.memref_slice %arg5[%dma_wait3A_487] : memref<16384xf32, #tpu.memory_space<vmem>> -> memref<1024xf32, #tpu.memory_space<vmem>>
    %dma_wait3A_489 = tpu.memref_slice %arg2[%add3A_148] : memref<4194304xf32, #tpu.memory_space<hbm>> -> memref<1024xf32, #tpu.memory_space<hbm>>
    %dma_wait3A_490 = arith.constant 10240 : i32
    %dma_wait3A_491 = tpu.memref_slice %arg5[%dma_wait3A_490] : memref<16384xf32, #tpu.memory_space<vmem>> -> memref<1024xf32, #tpu.memory_space<vmem>>
    %dma_wait3A_492 = tpu.memref_slice %arg2[%add3A_148] : memref<4194304xf32, #tpu.memory_space<hbm>> -> memref<1024xf32, #tpu.memory_space<hbm>>
    tpu.wait_dma2 semaphore(%arg10 : memref<!tpu.dma_semaphore, #tpu.memory_space<semaphore_mem>>) src(%dma_wait3A_492 : memref<1024xf32, #tpu.memory_space<hbm>>) dst(%dma_wait3A_491 : memref<1024xf32, #tpu.memory_space<vmem>>)
    %dma_wait3A_493 = arith.constant 11264 : i32
    %dma_wait3A_494 = tpu.memref_slice %arg5[%dma_wait3A_493] : memref<16384xf32, #tpu.memory_space<vmem>> -> memref<1024xf32, #tpu.memory_space<vmem>>
    %dma_wait3A_495 = tpu.memref_slice %arg2[%add3A_161] : memref<4194304xf32, #tpu.memory_space<hbm>> -> memref<1024xf32, #tpu.memory_space<hbm>>
    %dma_wait3A_496 = arith.constant 11264 : i32
    %dma_wait3A_497 = tpu.memref_slice %arg5[%dma_wait3A_496] : memref<16384xf32, #tpu.memory_space<vmem>> -> memref<1024xf32, #tpu.memory_space<vmem>>
    %dma_wait3A_498 = tpu.memref_slice %arg2[%add3A_161] : memref<4194304xf32, #tpu.memory_space<hbm>> -> memref<1024xf32, #tpu.memory_space<hbm>>
    tpu.wait_dma2 semaphore(%arg10 : memref<!tpu.dma_semaphore, #tpu.memory_space<semaphore_mem>>) src(%dma_wait3A_498 : memref<1024xf32, #tpu.memory_space<hbm>>) dst(%dma_wait3A_497 : memref<1024xf32, #tpu.memory_space<vmem>>)
    %dma_wait3A_499 = arith.constant 12288 : i32
    %dma_wait3A_500 = tpu.memref_slice %arg5[%dma_wait3A_499] : memref<16384xf32, #tpu.memory_space<vmem>> -> memref<1024xf32, #tpu.memory_space<vmem>>
    %dma_wait3A_501 = tpu.memref_slice %arg2[%add3A_174] : memref<4194304xf32, #tpu.memory_space<hbm>> -> memref<1024xf32, #tpu.memory_space<hbm>>
    %dma_wait3A_502 = arith.constant 12288 : i32
    %dma_wait3A_503 = tpu.memref_slice %arg5[%dma_wait3A_502] : memref<16384xf32, #tpu.memory_space<vmem>> -> memref<1024xf32, #tpu.memory_space<vmem>>
    %dma_wait3A_504 = tpu.memref_slice %arg2[%add3A_174] : memref<4194304xf32, #tpu.memory_space<hbm>> -> memref<1024xf32, #tpu.memory_space<hbm>>
    tpu.wait_dma2 semaphore(%arg10 : memref<!tpu.dma_semaphore, #tpu.memory_space<semaphore_mem>>) src(%dma_wait3A_504 : memref<1024xf32, #tpu.memory_space<hbm>>) dst(%dma_wait3A_503 : memref<1024xf32, #tpu.memory_space<vmem>>)
    %dma_wait3A_505 = arith.constant 13312 : i32
    %dma_wait3A_506 = tpu.memref_slice %arg5[%dma_wait3A_505] : memref<16384xf32, #tpu.memory_space<vmem>> -> memref<1024xf32, #tpu.memory_space<vmem>>
    %dma_wait3A_507 = tpu.memref_slice %arg2[%add3A_187] : memref<4194304xf32, #tpu.memory_space<hbm>> -> memref<1024xf32, #tpu.memory_space<hbm>>
    %dma_wait3A_508 = arith.constant 13312 : i32
    %dma_wait3A_509 = tpu.memref_slice %arg5[%dma_wait3A_508] : memref<16384xf32, #tpu.memory_space<vmem>> -> memref<1024xf32, #tpu.memory_space<vmem>>
    %dma_wait3A_510 = tpu.memref_slice %arg2[%add3A_187] : memref<4194304xf32, #tpu.memory_space<hbm>> -> memref<1024xf32, #tpu.memory_space<hbm>>
    tpu.wait_dma2 semaphore(%arg10 : memref<!tpu.dma_semaphore, #tpu.memory_space<semaphore_mem>>) src(%dma_wait3A_510 : memref<1024xf32, #tpu.memory_space<hbm>>) dst(%dma_wait3A_509 : memref<1024xf32, #tpu.memory_space<vmem>>)
    %dma_wait3A_511 = arith.constant 14336 : i32
    %dma_wait3A_512 = tpu.memref_slice %arg5[%dma_wait3A_511] : memref<16384xf32, #tpu.memory_space<vmem>> -> memref<1024xf32, #tpu.memory_space<vmem>>
    %dma_wait3A_513 = tpu.memref_slice %arg2[%add3A_200] : memref<4194304xf32, #tpu.memory_space<hbm>> -> memref<1024xf32, #tpu.memory_space<hbm>>
    %dma_wait3A_514 = arith.constant 14336 : i32
    %dma_wait3A_515 = tpu.memref_slice %arg5[%dma_wait3A_514] : memref<16384xf32, #tpu.memory_space<vmem>> -> memref<1024xf32, #tpu.memory_space<vmem>>
    %dma_wait3A_516 = tpu.memref_slice %arg2[%add3A_200] : memref<4194304xf32, #tpu.memory_space<hbm>> -> memref<1024xf32, #tpu.memory_space<hbm>>
    tpu.wait_dma2 semaphore(%arg10 : memref<!tpu.dma_semaphore, #tpu.memory_space<semaphore_mem>>) src(%dma_wait3A_516 : memref<1024xf32, #tpu.memory_space<hbm>>) dst(%dma_wait3A_515 : memref<1024xf32, #tpu.memory_space<vmem>>)
    %dma_wait3A_517 = arith.constant 15360 : i32
    %dma_wait3A_518 = tpu.memref_slice %arg5[%dma_wait3A_517] : memref<16384xf32, #tpu.memory_space<vmem>> -> memref<1024xf32, #tpu.memory_space<vmem>>
    %dma_wait3A_519 = tpu.memref_slice %arg2[%add3A_213] : memref<4194304xf32, #tpu.memory_space<hbm>> -> memref<1024xf32, #tpu.memory_space<hbm>>
    %dma_wait3A_520 = arith.constant 15360 : i32
    %dma_wait3A_521 = tpu.memref_slice %arg5[%dma_wait3A_520] : memref<16384xf32, #tpu.memory_space<vmem>> -> memref<1024xf32, #tpu.memory_space<vmem>>
    %dma_wait3A_522 = tpu.memref_slice %arg2[%add3A_213] : memref<4194304xf32, #tpu.memory_space<hbm>> -> memref<1024xf32, #tpu.memory_space<hbm>>
    tpu.wait_dma2 semaphore(%arg10 : memref<!tpu.dma_semaphore, #tpu.memory_space<semaphore_mem>>) src(%dma_wait3A_522 : memref<1024xf32, #tpu.memory_space<hbm>>) dst(%dma_wait3A_521 : memref<1024xf32, #tpu.memory_space<vmem>>)
    %scan3A = arith.constant 0 : i32
    %scan3A_523 = arith.constant 0 : i32
    %scan3A_524 = arith.constant 256 : i32
    %scan3A_525 = arith.addi %scan3A_523, %scan3A_524 : i32
    %scan3A_526 = arith.constant 4 : i32
    scf.for %scan3A_1274 = %scan3A_523 to %scan3A_525 step %scan3A_526  : i32 {
      %mul3A_1275 = arith.constant 64 : i32
      %mul3A_1276 = arith.muli %scan3A_1274, %mul3A_1275 : i32
      %add3A_1277 = arith.constant 0 : i32
      %add3A_1278 = arith.addi %mul3A_1276, %add3A_1277 : i32
      %get3A_1279 = arith.index_cast %add3A_1278 : i32 to index
      %get3A_1280 = tpu.vector_load %arg5[%get3A_1279] {strides = array<i32>} : memref<16384xf32, #tpu.memory_space<vmem>>, vector<16xf32>,
      %get3A_1281 = vector.shape_cast %get3A_1280 : vector<16xf32> to vector<16xf32>
      %mul3A_1282 = vector.broadcast %squeeze3A_4 : f32 to vector<16xf32>
      %mul3A_1283 = arith.mulf %get3A_1281, %mul3A_1282 : vector<16xf32>
      %add3A_1284 = arith.constant 0 : i32
      %add3A_1285 = arith.addi %mul3A_1276, %add3A_1284 : i32
      %swap3A = arith.index_cast %add3A_1285 : i32 to index
      %swap3A_1286 = tpu.vector_load %arg7[%swap3A] {strides = array<i32>} : memref<16384xf32, #tpu.memory_space<vmem>>, vector<16xf32>,
      %swap3A_1287 = vector.shape_cast %swap3A_1286 : vector<16xf32> to vector<16xf32>
      %swap3A_1288 = vector.shape_cast %mul3A_1283 : vector<16xf32> to vector<16xf32>
      tpu.vector_store %arg7[%swap3A], %swap3A_1288 {strides = array<i32>} : memref<16384xf32, #tpu.memory_space<vmem>>, vector<16xf32>,
      %add3A_1289 = arith.constant 16 : i32
      %add3A_1290 = arith.addi %mul3A_1276, %add3A_1289 : i32
      %get3A_1291 = arith.index_cast %add3A_1290 : i32 to index
      %get3A_1292 = tpu.vector_load %arg5[%get3A_1291] {strides = array<i32>} : memref<16384xf32, #tpu.memory_space<vmem>>, vector<16xf32>,
      %get3A_1293 = vector.shape_cast %get3A_1292 : vector<16xf32> to vector<16xf32>
      %mul3A_1294 = vector.broadcast %squeeze3A_4 : f32 to vector<16xf32>
      %mul3A_1295 = arith.mulf %get3A_1293, %mul3A_1294 : vector<16xf32>
      %add3A_1296 = arith.constant 16 : i32
      %add3A_1297 = arith.addi %mul3A_1276, %add3A_1296 : i32
      %swap3A_1298 = arith.index_cast %add3A_1297 : i32 to index
      %swap3A_1299 = tpu.vector_load %arg7[%swap3A_1298] {strides = array<i32>} : memref<16384xf32, #tpu.memory_space<vmem>>, vector<16xf32>,
      %swap3A_1300 = vector.shape_cast %swap3A_1299 : vector<16xf32> to vector<16xf32>
      %swap3A_1301 = vector.shape_cast %mul3A_1295 : vector<16xf32> to vector<16xf32>
      tpu.vector_store %arg7[%swap3A_1298], %swap3A_1301 {strides = array<i32>} : memref<16384xf32, #tpu.memory_space<vmem>>, vector<16xf32>,
      %add3A_1302 = arith.constant 32 : i32
      %add3A_1303 = arith.addi %mul3A_1276, %add3A_1302 : i32
      %get3A_1304 = arith.index_cast %add3A_1303 : i32 to index
      %get3A_1305 = tpu.vector_load %arg5[%get3A_1304] {strides = array<i32>} : memref<16384xf32, #tpu.memory_space<vmem>>, vector<16xf32>,
      %get3A_1306 = vector.shape_cast %get3A_1305 : vector<16xf32> to vector<16xf32>
      %mul3A_1307 = vector.broadcast %squeeze3A_4 : f32 to vector<16xf32>
      %mul3A_1308 = arith.mulf %get3A_1306, %mul3A_1307 : vector<16xf32>
      %add3A_1309 = arith.constant 32 : i32
      %add3A_1310 = arith.addi %mul3A_1276, %add3A_1309 : i32
      %swap3A_1311 = arith.index_cast %add3A_1310 : i32 to index
      %swap3A_1312 = tpu.vector_load %arg7[%swap3A_1311] {strides = array<i32>} : memref<16384xf32, #tpu.memory_space<vmem>>, vector<16xf32>,
      %swap3A_1313 = vector.shape_cast %swap3A_1312 : vector<16xf32> to vector<16xf32>
      %swap3A_1314 = vector.shape_cast %mul3A_1308 : vector<16xf32> to vector<16xf32>
      tpu.vector_store %arg7[%swap3A_1311], %swap3A_1314 {strides = array<i32>} : memref<16384xf32, #tpu.memory_space<vmem>>, vector<16xf32>,
      %add3A_1315 = arith.constant 48 : i32
      %add3A_1316 = arith.addi %mul3A_1276, %add3A_1315 : i32
      %get3A_1317 = arith.index_cast %add3A_1316 : i32 to index
      %get3A_1318 = tpu.vector_load %arg5[%get3A_1317] {strides = array<i32>} : memref<16384xf32, #tpu.memory_space<vmem>>, vector<16xf32>,
      %get3A_1319 = vector.shape_cast %get3A_1318 : vector<16xf32> to vector<16xf32>
      %mul3A_1320 = vector.broadcast %squeeze3A_4 : f32 to vector<16xf32>
      %mul3A_1321 = arith.mulf %get3A_1319, %mul3A_1320 : vector<16xf32>
      %add3A_1322 = arith.constant 48 : i32
      %add3A_1323 = arith.addi %mul3A_1276, %add3A_1322 : i32
      %swap3A_1324 = arith.index_cast %add3A_1323 : i32 to index
      %swap3A_1325 = tpu.vector_load %arg7[%swap3A_1324] {strides = array<i32>} : memref<16384xf32, #tpu.memory_space<vmem>>, vector<16xf32>,
      %swap3A_1326 = vector.shape_cast %swap3A_1325 : vector<16xf32> to vector<16xf32>
      %swap3A_1327 = vector.shape_cast %mul3A_1321 : vector<16xf32> to vector<16xf32>
      tpu.vector_store %arg7[%swap3A_1324], %swap3A_1327 {strides = array<i32>} : memref<16384xf32, #tpu.memory_space<vmem>>, vector<16xf32>,
      %scan3A_1328 = arith.constant 1 : i32
      %scan3A_1329 = arith.addi %scan3A_1274, %scan3A_1328 : i32
      %mul3A_1330 = arith.constant 64 : i32
      %mul3A_1331 = arith.muli %scan3A_1329, %mul3A_1330 : i32
      %add3A_1332 = arith.constant 0 : i32
      %add3A_1333 = arith.addi %mul3A_1331, %add3A_1332 : i32
      %get3A_1334 = arith.index_cast %add3A_1333 : i32 to index
      %get3A_1335 = tpu.vector_load %arg5[%get3A_1334] {strides = array<i32>} : memref<16384xf32, #tpu.memory_space<vmem>>, vector<16xf32>,
      %get3A_1336 = vector.shape_cast %get3A_1335 : vector<16xf32> to vector<16xf32>
      %mul3A_1337 = vector.broadcast %squeeze3A_4 : f32 to vector<16xf32>
      %mul3A_1338 = arith.mulf %get3A_1336, %mul3A_1337 : vector<16xf32>
      %add3A_1339 = arith.constant 0 : i32
      %add3A_1340 = arith.addi %mul3A_1331, %add3A_1339 : i32
      %swap3A_1341 = arith.index_cast %add3A_1340 : i32 to index
      %swap3A_1342 = tpu.vector_load %arg7[%swap3A_1341] {strides = array<i32>} : memref<16384xf32, #tpu.memory_space<vmem>>, vector<16xf32>,
      %swap3A_1343 = vector.shape_cast %swap3A_1342 : vector<16xf32> to vector<16xf32>
      %swap3A_1344 = vector.shape_cast %mul3A_1338 : vector<16xf32> to vector<16xf32>
      tpu.vector_store %arg7[%swap3A_1341], %swap3A_1344 {strides = array<i32>} : memref<16384xf32, #tpu.memory_space<vmem>>, vector<16xf32>,
      %add3A_1345 = arith.constant 16 : i32
      %add3A_1346 = arith.addi %mul3A_1331, %add3A_1345 : i32
      %get3A_1347 = arith.index_cast %add3A_1346 : i32 to index
      %get3A_1348 = tpu.vector_load %arg5[%get3A_1347] {strides = array<i32>} : memref<16384xf32, #tpu.memory_space<vmem>>, vector<16xf32>,
      %get3A_1349 = vector.shape_cast %get3A_1348 : vector<16xf32> to vector<16xf32>
      %mul3A_1350 = vector.broadcast %squeeze3A_4 : f32 to vector<16xf32>
      %mul3A_1351 = arith.mulf %get3A_1349, %mul3A_1350 : vector<16xf32>
      %add3A_1352 = arith.constant 16 : i32
      %add3A_1353 = arith.addi %mul3A_1331, %add3A_1352 : i32
      %swap3A_1354 = arith.index_cast %add3A_1353 : i32 to index
      %swap3A_1355 = tpu.vector_load %arg7[%swap3A_1354] {strides = array<i32>} : memref<16384xf32, #tpu.memory_space<vmem>>, vector<16xf32>,
      %swap3A_1356 = vector.shape_cast %swap3A_1355 : vector<16xf32> to vector<16xf32>
      %swap3A_1357 = vector.shape_cast %mul3A_1351 : vector<16xf32> to vector<16xf32>
      tpu.vector_store %arg7[%swap3A_1354], %swap3A_1357 {strides = array<i32>} : memref<16384xf32, #tpu.memory_space<vmem>>, vector<16xf32>,
      %add3A_1358 = arith.constant 32 : i32
      %add3A_1359 = arith.addi %mul3A_1331, %add3A_1358 : i32
      %get3A_1360 = arith.index_cast %add3A_1359 : i32 to index
      %get3A_1361 = tpu.vector_load %arg5[%get3A_1360] {strides = array<i32>} : memref<16384xf32, #tpu.memory_space<vmem>>, vector<16xf32>,
      %get3A_1362 = vector.shape_cast %get3A_1361 : vector<16xf32> to vector<16xf32>
      %mul3A_1363 = vector.broadcast %squeeze3A_4 : f32 to vector<16xf32>
      %mul3A_1364 = arith.mulf %get3A_1362, %mul3A_1363 : vector<16xf32>
      %add3A_1365 = arith.constant 32 : i32
      %add3A_1366 = arith.addi %mul3A_1331, %add3A_1365 : i32
      %swap3A_1367 = arith.index_cast %add3A_1366 : i32 to index
      %swap3A_1368 = tpu.vector_load %arg7[%swap3A_1367] {strides = array<i32>} : memref<16384xf32, #tpu.memory_space<vmem>>, vector<16xf32>,
      %swap3A_1369 = vector.shape_cast %swap3A_1368 : vector<16xf32> to vector<16xf32>
      %swap3A_1370 = vector.shape_cast %mul3A_1364 : vector<16xf32> to vector<16xf32>
      tpu.vector_store %arg7[%swap3A_1367], %swap3A_1370 {strides = array<i32>} : memref<16384xf32, #tpu.memory_space<vmem>>, vector<16xf32>,
      %add3A_1371 = arith.constant 48 : i32
      %add3A_1372 = arith.addi %mul3A_1331, %add3A_1371 : i32
      %get3A_1373 = arith.index_cast %add3A_1372 : i32 to index
      %get3A_1374 = tpu.vector_load %arg5[%get3A_1373] {strides = array<i32>} : memref<16384xf32, #tpu.memory_space<vmem>>, vector<16xf32>,
      %get3A_1375 = vector.shape_cast %get3A_1374 : vector<16xf32> to vector<16xf32>
      %mul3A_1376 = vector.broadcast %squeeze3A_4 : f32 to vector<16xf32>
      %mul3A_1377 = arith.mulf %get3A_1375, %mul3A_1376 : vector<16xf32>
      %add3A_1378 = arith.constant 48 : i32
      %add3A_1379 = arith.addi %mul3A_1331, %add3A_1378 : i32
      %swap3A_1380 = arith.index_cast %add3A_1379 : i32 to index
      %swap3A_1381 = tpu.vector_load %arg7[%swap3A_1380] {strides = array<i32>} : memref<16384xf32, #tpu.memory_space<vmem>>, vector<16xf32>,
      %swap3A_1382 = vector.shape_cast %swap3A_1381 : vector<16xf32> to vector<16xf32>
      %swap3A_1383 = vector.shape_cast %mul3A_1377 : vector<16xf32> to vector<16xf32>
      tpu.vector_store %arg7[%swap3A_1380], %swap3A_1383 {strides = array<i32>} : memref<16384xf32, #tpu.memory_space<vmem>>, vector<16xf32>,
      %scan3A_1384 = arith.constant 2 : i32
      %scan3A_1385 = arith.addi %scan3A_1274, %scan3A_1384 : i32
      %mul3A_1386 = arith.constant 64 : i32
      %mul3A_1387 = arith.muli %scan3A_1385, %mul3A_1386 : i32
      %add3A_1388 = arith.constant 0 : i32
      %add3A_1389 = arith.addi %mul3A_1387, %add3A_1388 : i32
      %get3A_1390 = arith.index_cast %add3A_1389 : i32 to index
      %get3A_1391 = tpu.vector_load %arg5[%get3A_1390] {strides = array<i32>} : memref<16384xf32, #tpu.memory_space<vmem>>, vector<16xf32>,
      %get3A_1392 = vector.shape_cast %get3A_1391 : vector<16xf32> to vector<16xf32>
      %mul3A_1393 = vector.broadcast %squeeze3A_4 : f32 to vector<16xf32>
      %mul3A_1394 = arith.mulf %get3A_1392, %mul3A_1393 : vector<16xf32>
      %add3A_1395 = arith.constant 0 : i32
      %add3A_1396 = arith.addi %mul3A_1387, %add3A_1395 : i32
      %swap3A_1397 = arith.index_cast %add3A_1396 : i32 to index
      %swap3A_1398 = tpu.vector_load %arg7[%swap3A_1397] {strides = array<i32>} : memref<16384xf32, #tpu.memory_space<vmem>>, vector<16xf32>,
      %swap3A_1399 = vector.shape_cast %swap3A_1398 : vector<16xf32> to vector<16xf32>
      %swap3A_1400 = vector.shape_cast %mul3A_1394 : vector<16xf32> to vector<16xf32>
      tpu.vector_store %arg7[%swap3A_1397], %swap3A_1400 {strides = array<i32>} : memref<16384xf32, #tpu.memory_space<vmem>>, vector<16xf32>,
      %add3A_1401 = arith.constant 16 : i32
      %add3A_1402 = arith.addi %mul3A_1387, %add3A_1401 : i32
      %get3A_1403 = arith.index_cast %add3A_1402 : i32 to index
      %get3A_1404 = tpu.vector_load %arg5[%get3A_1403] {strides = array<i32>} : memref<16384xf32, #tpu.memory_space<vmem>>, vector<16xf32>,
      %get3A_1405 = vector.shape_cast %get3A_1404 : vector<16xf32> to vector<16xf32>
      %mul3A_1406 = vector.broadcast %squeeze3A_4 : f32 to vector<16xf32>
      %mul3A_1407 = arith.mulf %get3A_1405, %mul3A_1406 : vector<16xf32>
      %add3A_1408 = arith.constant 16 : i32
      %add3A_1409 = arith.addi %mul3A_1387, %add3A_1408 : i32
      %swap3A_1410 = arith.index_cast %add3A_1409 : i32 to index
      %swap3A_1411 = tpu.vector_load %arg7[%swap3A_1410] {strides = array<i32>} : memref<16384xf32, #tpu.memory_space<vmem>>, vector<16xf32>,
      %swap3A_1412 = vector.shape_cast %swap3A_1411 : vector<16xf32> to vector<16xf32>
      %swap3A_1413 = vector.shape_cast %mul3A_1407 : vector<16xf32> to vector<16xf32>
      tpu.vector_store %arg7[%swap3A_1410], %swap3A_1413 {strides = array<i32>} : memref<16384xf32, #tpu.memory_space<vmem>>, vector<16xf32>,
      %add3A_1414 = arith.constant 32 : i32
      %add3A_1415 = arith.addi %mul3A_1387, %add3A_1414 : i32
      %get3A_1416 = arith.index_cast %add3A_1415 : i32 to index
      %get3A_1417 = tpu.vector_load %arg5[%get3A_1416] {strides = array<i32>} : memref<16384xf32, #tpu.memory_space<vmem>>, vector<16xf32>,
      %get3A_1418 = vector.shape_cast %get3A_1417 : vector<16xf32> to vector<16xf32>
      %mul3A_1419 = vector.broadcast %squeeze3A_4 : f32 to vector<16xf32>
      %mul3A_1420 = arith.mulf %get3A_1418, %mul3A_1419 : vector<16xf32>
      %add3A_1421 = arith.constant 32 : i32
      %add3A_1422 = arith.addi %mul3A_1387, %add3A_1421 : i32
      %swap3A_1423 = arith.index_cast %add3A_1422 : i32 to index
      %swap3A_1424 = tpu.vector_load %arg7[%swap3A_1423] {strides = array<i32>} : memref<16384xf32, #tpu.memory_space<vmem>>, vector<16xf32>,
      %swap3A_1425 = vector.shape_cast %swap3A_1424 : vector<16xf32> to vector<16xf32>
      %swap3A_1426 = vector.shape_cast %mul3A_1420 : vector<16xf32> to vector<16xf32>
      tpu.vector_store %arg7[%swap3A_1423], %swap3A_1426 {strides = array<i32>} : memref<16384xf32, #tpu.memory_space<vmem>>, vector<16xf32>,
      %add3A_1427 = arith.constant 48 : i32
      %add3A_1428 = arith.addi %mul3A_1387, %add3A_1427 : i32
      %get3A_1429 = arith.index_cast %add3A_1428 : i32 to index
      %get3A_1430 = tpu.vector_load %arg5[%get3A_1429] {strides = array<i32>} : memref<16384xf32, #tpu.memory_space<vmem>>, vector<16xf32>,
      %get3A_1431 = vector.shape_cast %get3A_1430 : vector<16xf32> to vector<16xf32>
      %mul3A_1432 = vector.broadcast %squeeze3A_4 : f32 to vector<16xf32>
      %mul3A_1433 = arith.mulf %get3A_1431, %mul3A_1432 : vector<16xf32>
      %add3A_1434 = arith.constant 48 : i32
      %add3A_1435 = arith.addi %mul3A_1387, %add3A_1434 : i32
      %swap3A_1436 = arith.index_cast %add3A_1435 : i32 to index
      %swap3A_1437 = tpu.vector_load %arg7[%swap3A_1436] {strides = array<i32>} : memref<16384xf32, #tpu.memory_space<vmem>>, vector<16xf32>,
      %swap3A_1438 = vector.shape_cast %swap3A_1437 : vector<16xf32> to vector<16xf32>
      %swap3A_1439 = vector.shape_cast %mul3A_1433 : vector<16xf32> to vector<16xf32>
      tpu.vector_store %arg7[%swap3A_1436], %swap3A_1439 {strides = array<i32>} : memref<16384xf32, #tpu.memory_space<vmem>>, vector<16xf32>,
      %scan3A_1440 = arith.constant 3 : i32
      %scan3A_1441 = arith.addi %scan3A_1274, %scan3A_1440 : i32
      %mul3A_1442 = arith.constant 64 : i32
      %mul3A_1443 = arith.muli %scan3A_1441, %mul3A_1442 : i32
      %add3A_1444 = arith.constant 0 : i32
      %add3A_1445 = arith.addi %mul3A_1443, %add3A_1444 : i32
      %get3A_1446 = arith.index_cast %add3A_1445 : i32 to index
      %get3A_1447 = tpu.vector_load %arg5[%get3A_1446] {strides = array<i32>} : memref<16384xf32, #tpu.memory_space<vmem>>, vector<16xf32>,
      %get3A_1448 = vector.shape_cast %get3A_1447 : vector<16xf32> to vector<16xf32>
      %mul3A_1449 = vector.broadcast %squeeze3A_4 : f32 to vector<16xf32>
      %mul3A_1450 = arith.mulf %get3A_1448, %mul3A_1449 : vector<16xf32>
      %add3A_1451 = arith.constant 0 : i32
      %add3A_1452 = arith.addi %mul3A_1443, %add3A_1451 : i32
      %swap3A_1453 = arith.index_cast %add3A_1452 : i32 to index
      %swap3A_1454 = tpu.vector_load %arg7[%swap3A_1453] {strides = array<i32>} : memref<16384xf32, #tpu.memory_space<vmem>>, vector<16xf32>,
      %swap3A_1455 = vector.shape_cast %swap3A_1454 : vector<16xf32> to vector<16xf32>
      %swap3A_1456 = vector.shape_cast %mul3A_1450 : vector<16xf32> to vector<16xf32>
      tpu.vector_store %arg7[%swap3A_1453], %swap3A_1456 {strides = array<i32>} : memref<16384xf32, #tpu.memory_space<vmem>>, vector<16xf32>,
      %add3A_1457 = arith.constant 16 : i32
      %add3A_1458 = arith.addi %mul3A_1443, %add3A_1457 : i32
      %get3A_1459 = arith.index_cast %add3A_1458 : i32 to index
      %get3A_1460 = tpu.vector_load %arg5[%get3A_1459] {strides = array<i32>} : memref<16384xf32, #tpu.memory_space<vmem>>, vector<16xf32>,
      %get3A_1461 = vector.shape_cast %get3A_1460 : vector<16xf32> to vector<16xf32>
      %mul3A_1462 = vector.broadcast %squeeze3A_4 : f32 to vector<16xf32>
      %mul3A_1463 = arith.mulf %get3A_1461, %mul3A_1462 : vector<16xf32>
      %add3A_1464 = arith.constant 16 : i32
      %add3A_1465 = arith.addi %mul3A_1443, %add3A_1464 : i32
      %swap3A_1466 = arith.index_cast %add3A_1465 : i32 to index
      %swap3A_1467 = tpu.vector_load %arg7[%swap3A_1466] {strides = array<i32>} : memref<16384xf32, #tpu.memory_space<vmem>>, vector<16xf32>,
      %swap3A_1468 = vector.shape_cast %swap3A_1467 : vector<16xf32> to vector<16xf32>
      %swap3A_1469 = vector.shape_cast %mul3A_1463 : vector<16xf32> to vector<16xf32>
      tpu.vector_store %arg7[%swap3A_1466], %swap3A_1469 {strides = array<i32>} : memref<16384xf32, #tpu.memory_space<vmem>>, vector<16xf32>,
      %add3A_1470 = arith.constant 32 : i32
      %add3A_1471 = arith.addi %mul3A_1443, %add3A_1470 : i32
      %get3A_1472 = arith.index_cast %add3A_1471 : i32 to index
      %get3A_1473 = tpu.vector_load %arg5[%get3A_1472] {strides = array<i32>} : memref<16384xf32, #tpu.memory_space<vmem>>, vector<16xf32>,
      %get3A_1474 = vector.shape_cast %get3A_1473 : vector<16xf32> to vector<16xf32>
      %mul3A_1475 = vector.broadcast %squeeze3A_4 : f32 to vector<16xf32>
      %mul3A_1476 = arith.mulf %get3A_1474, %mul3A_1475 : vector<16xf32>
      %add3A_1477 = arith.constant 32 : i32
      %add3A_1478 = arith.addi %mul3A_1443, %add3A_1477 : i32
      %swap3A_1479 = arith.index_cast %add3A_1478 : i32 to index
      %swap3A_1480 = tpu.vector_load %arg7[%swap3A_1479] {strides = array<i32>} : memref<16384xf32, #tpu.memory_space<vmem>>, vector<16xf32>,
      %swap3A_1481 = vector.shape_cast %swap3A_1480 : vector<16xf32> to vector<16xf32>
      %swap3A_1482 = vector.shape_cast %mul3A_1476 : vector<16xf32> to vector<16xf32>
      tpu.vector_store %arg7[%swap3A_1479], %swap3A_1482 {strides = array<i32>} : memref<16384xf32, #tpu.memory_space<vmem>>, vector<16xf32>,
      %add3A_1483 = arith.constant 48 : i32
      %add3A_1484 = arith.addi %mul3A_1443, %add3A_1483 : i32
      %get3A_1485 = arith.index_cast %add3A_1484 : i32 to index
      %get3A_1486 = tpu.vector_load %arg5[%get3A_1485] {strides = array<i32>} : memref<16384xf32, #tpu.memory_space<vmem>>, vector<16xf32>,
      %get3A_1487 = vector.shape_cast %get3A_1486 : vector<16xf32> to vector<16xf32>
      %mul3A_1488 = vector.broadcast %squeeze3A_4 : f32 to vector<16xf32>
      %mul3A_1489 = arith.mulf %get3A_1487, %mul3A_1488 : vector<16xf32>
      %add3A_1490 = arith.constant 48 : i32
      %add3A_1491 = arith.addi %mul3A_1443, %add3A_1490 : i32
      %swap3A_1492 = arith.index_cast %add3A_1491 : i32 to index
      %swap3A_1493 = tpu.vector_load %arg7[%swap3A_1492] {strides = array<i32>} : memref<16384xf32, #tpu.memory_space<vmem>>, vector<16xf32>,
      %swap3A_1494 = vector.shape_cast %swap3A_1493 : vector<16xf32> to vector<16xf32>
      %swap3A_1495 = vector.shape_cast %mul3A_1489 : vector<16xf32> to vector<16xf32>
      tpu.vector_store %arg7[%swap3A_1492], %swap3A_1495 {strides = array<i32>} : memref<16384xf32, #tpu.memory_space<vmem>>, vector<16xf32>,
    }
    %scan3A_527 = arith.constant 256 : i32
    %add3A_528 = arith.constant 0 : i32
    %add3A_529 = arith.addi %mul3A_12, %add3A_528 : i32
    %dma_start3A_530 = tpu.memref_slice %arg4[%add3A_529] : memref<2097152xf32, #tpu.memory_space<hbm>> -> memref<16384xf32, #tpu.memory_space<hbm>>
    %dma_start3A_531 = tpu.memref_slice %arg4[%add3A_529] : memref<2097152xf32, #tpu.memory_space<hbm>> -> memref<16384xf32, #tpu.memory_space<hbm>>
    tpu.enqueue_dma source(%arg7 : memref<16384xf32, #tpu.memory_space<vmem>>) target(%dma_start3A_531 : memref<16384xf32, #tpu.memory_space<hbm>>) target_semaphore(%arg12 : memref<!tpu.dma_semaphore, #tpu.memory_space<semaphore_mem>>)
    %add3A_532 = arith.constant 32 : i32
    %add3A_533 = arith.addi %mul3A_8, %add3A_532 : i32
    %add3A_534 = arith.constant 0 : i32
    %add3A_535 = arith.addi %add3A_533, %add3A_534 : i32
    %mul3A_536 = arith.constant 2048 : i32
    %mul3A_537 = arith.muli %add3A_535, %mul3A_536 : i32
    %add3A_538 = arith.addi %mul3A_537, %select_n3A : i32
    %dma_start3A_539 = arith.constant 0 : i32
    %dma_start3A_540 = tpu.memref_slice %arg5[%dma_start3A_539] : memref<16384xf32, #tpu.memory_space<vmem>> -> memref<1024xf32, #tpu.memory_space<vmem>>
    %dma_start3A_541 = tpu.memref_slice %arg2[%add3A_538] : memref<4194304xf32, #tpu.memory_space<hbm>> -> memref<1024xf32, #tpu.memory_space<hbm>>
    %dma_start3A_542 = arith.constant 0 : i32
    %dma_start3A_543 = tpu.memref_slice %arg5[%dma_start3A_542] : memref<16384xf32, #tpu.memory_space<vmem>> -> memref<1024xf32, #tpu.memory_space<vmem>>
    %dma_start3A_544 = tpu.memref_slice %arg2[%add3A_538] : memref<4194304xf32, #tpu.memory_space<hbm>> -> memref<1024xf32, #tpu.memory_space<hbm>>
    tpu.enqueue_dma source(%dma_start3A_544 : memref<1024xf32, #tpu.memory_space<hbm>>) target(%dma_start3A_543 : memref<1024xf32, #tpu.memory_space<vmem>>) target_semaphore(%arg10 : memref<!tpu.dma_semaphore, #tpu.memory_space<semaphore_mem>>)
    %add3A_545 = arith.constant 32 : i32
    %add3A_546 = arith.addi %mul3A_8, %add3A_545 : i32
    %add3A_547 = arith.constant 1 : i32
    %add3A_548 = arith.addi %add3A_546, %add3A_547 : i32
    %mul3A_549 = arith.constant 2048 : i32
    %mul3A_550 = arith.muli %add3A_548, %mul3A_549 : i32
    %add3A_551 = arith.addi %mul3A_550, %select_n3A : i32
    %dma_start3A_552 = arith.constant 1024 : i32
    %dma_start3A_553 = tpu.memref_slice %arg5[%dma_start3A_552] : memref<16384xf32, #tpu.memory_space<vmem>> -> memref<1024xf32, #tpu.memory_space<vmem>>
    %dma_start3A_554 = tpu.memref_slice %arg2[%add3A_551] : memref<4194304xf32, #tpu.memory_space<hbm>> -> memref<1024xf32, #tpu.memory_space<hbm>>
    %dma_start3A_555 = arith.constant 1024 : i32
    %dma_start3A_556 = tpu.memref_slice %arg5[%dma_start3A_555] : memref<16384xf32, #tpu.memory_space<vmem>> -> memref<1024xf32, #tpu.memory_space<vmem>>
    %dma_start3A_557 = tpu.memref_slice %arg2[%add3A_551] : memref<4194304xf32, #tpu.memory_space<hbm>> -> memref<1024xf32, #tpu.memory_space<hbm>>
    tpu.enqueue_dma source(%dma_start3A_557 : memref<1024xf32, #tpu.memory_space<hbm>>) target(%dma_start3A_556 : memref<1024xf32, #tpu.memory_space<vmem>>) target_semaphore(%arg10 : memref<!tpu.dma_semaphore, #tpu.memory_space<semaphore_mem>>)
    %add3A_558 = arith.constant 32 : i32
    %add3A_559 = arith.addi %mul3A_8, %add3A_558 : i32
    %add3A_560 = arith.constant 2 : i32
    %add3A_561 = arith.addi %add3A_559, %add3A_560 : i32
    %mul3A_562 = arith.constant 2048 : i32
    %mul3A_563 = arith.muli %add3A_561, %mul3A_562 : i32
    %add3A_564 = arith.addi %mul3A_563, %select_n3A : i32
    %dma_start3A_565 = arith.constant 2048 : i32
    %dma_start3A_566 = tpu.memref_slice %arg5[%dma_start3A_565] : memref<16384xf32, #tpu.memory_space<vmem>> -> memref<1024xf32, #tpu.memory_space<vmem>>
    %dma_start3A_567 = tpu.memref_slice %arg2[%add3A_564] : memref<4194304xf32, #tpu.memory_space<hbm>> -> memref<1024xf32, #tpu.memory_space<hbm>>
    %dma_start3A_568 = arith.constant 2048 : i32
    %dma_start3A_569 = tpu.memref_slice %arg5[%dma_start3A_568] : memref<16384xf32, #tpu.memory_space<vmem>> -> memref<1024xf32, #tpu.memory_space<vmem>>
    %dma_start3A_570 = tpu.memref_slice %arg2[%add3A_564] : memref<4194304xf32, #tpu.memory_space<hbm>> -> memref<1024xf32, #tpu.memory_space<hbm>>
    tpu.enqueue_dma source(%dma_start3A_570 : memref<1024xf32, #tpu.memory_space<hbm>>) target(%dma_start3A_569 : memref<1024xf32, #tpu.memory_space<vmem>>) target_semaphore(%arg10 : memref<!tpu.dma_semaphore, #tpu.memory_space<semaphore_mem>>)
    %add3A_571 = arith.constant 32 : i32
    %add3A_572 = arith.addi %mul3A_8, %add3A_571 : i32
    %add3A_573 = arith.constant 3 : i32
    %add3A_574 = arith.addi %add3A_572, %add3A_573 : i32
    %mul3A_575 = arith.constant 2048 : i32
    %mul3A_576 = arith.muli %add3A_574, %mul3A_575 : i32
    %add3A_577 = arith.addi %mul3A_576, %select_n3A : i32
    %dma_start3A_578 = arith.constant 3072 : i32
    %dma_start3A_579 = tpu.memref_slice %arg5[%dma_start3A_578] : memref<16384xf32, #tpu.memory_space<vmem>> -> memref<1024xf32, #tpu.memory_space<vmem>>
    %dma_start3A_580 = tpu.memref_slice %arg2[%add3A_577] : memref<4194304xf32, #tpu.memory_space<hbm>> -> memref<1024xf32, #tpu.memory_space<hbm>>
    %dma_start3A_581 = arith.constant 3072 : i32
    %dma_start3A_582 = tpu.memref_slice %arg5[%dma_start3A_581] : memref<16384xf32, #tpu.memory_space<vmem>> -> memref<1024xf32, #tpu.memory_space<vmem>>
    %dma_start3A_583 = tpu.memref_slice %arg2[%add3A_577] : memref<4194304xf32, #tpu.memory_space<hbm>> -> memref<1024xf32, #tpu.memory_space<hbm>>
    tpu.enqueue_dma source(%dma_start3A_583 : memref<1024xf32, #tpu.memory_space<hbm>>) target(%dma_start3A_582 : memref<1024xf32, #tpu.memory_space<vmem>>) target_semaphore(%arg10 : memref<!tpu.dma_semaphore, #tpu.memory_space<semaphore_mem>>)
    %add3A_584 = arith.constant 32 : i32
    %add3A_585 = arith.addi %mul3A_8, %add3A_584 : i32
    %add3A_586 = arith.constant 4 : i32
    %add3A_587 = arith.addi %add3A_585, %add3A_586 : i32
    %mul3A_588 = arith.constant 2048 : i32
    %mul3A_589 = arith.muli %add3A_587, %mul3A_588 : i32
    %add3A_590 = arith.addi %mul3A_589, %select_n3A : i32
    %dma_start3A_591 = arith.constant 4096 : i32
    %dma_start3A_592 = tpu.memref_slice %arg5[%dma_start3A_591] : memref<16384xf32, #tpu.memory_space<vmem>> -> memref<1024xf32, #tpu.memory_space<vmem>>
    %dma_start3A_593 = tpu.memref_slice %arg2[%add3A_590] : memref<4194304xf32, #tpu.memory_space<hbm>> -> memref<1024xf32, #tpu.memory_space<hbm>>
    %dma_start3A_594 = arith.constant 4096 : i32
    %dma_start3A_595 = tpu.memref_slice %arg5[%dma_start3A_594] : memref<16384xf32, #tpu.memory_space<vmem>> -> memref<1024xf32, #tpu.memory_space<vmem>>
    %dma_start3A_596 = tpu.memref_slice %arg2[%add3A_590] : memref<4194304xf32, #tpu.memory_space<hbm>> -> memref<1024xf32, #tpu.memory_space<hbm>>
    tpu.enqueue_dma source(%dma_start3A_596 : memref<1024xf32, #tpu.memory_space<hbm>>) target(%dma_start3A_595 : memref<1024xf32, #tpu.memory_space<vmem>>) target_semaphore(%arg10 : memref<!tpu.dma_semaphore, #tpu.memory_space<semaphore_mem>>)
    %add3A_597 = arith.constant 32 : i32
    %add3A_598 = arith.addi %mul3A_8, %add3A_597 : i32
    %add3A_599 = arith.constant 5 : i32
    %add3A_600 = arith.addi %add3A_598, %add3A_599 : i32
    %mul3A_601 = arith.constant 2048 : i32
    %mul3A_602 = arith.muli %add3A_600, %mul3A_601 : i32
    %add3A_603 = arith.addi %mul3A_602, %select_n3A : i32
    %dma_start3A_604 = arith.constant 5120 : i32
    %dma_start3A_605 = tpu.memref_slice %arg5[%dma_start3A_604] : memref<16384xf32, #tpu.memory_space<vmem>> -> memref<1024xf32, #tpu.memory_space<vmem>>
    %dma_start3A_606 = tpu.memref_slice %arg2[%add3A_603] : memref<4194304xf32, #tpu.memory_space<hbm>> -> memref<1024xf32, #tpu.memory_space<hbm>>
    %dma_start3A_607 = arith.constant 5120 : i32
    %dma_start3A_608 = tpu.memref_slice %arg5[%dma_start3A_607] : memref<16384xf32, #tpu.memory_space<vmem>> -> memref<1024xf32, #tpu.memory_space<vmem>>
    %dma_start3A_609 = tpu.memref_slice %arg2[%add3A_603] : memref<4194304xf32, #tpu.memory_space<hbm>> -> memref<1024xf32, #tpu.memory_space<hbm>>
    tpu.enqueue_dma source(%dma_start3A_609 : memref<1024xf32, #tpu.memory_space<hbm>>) target(%dma_start3A_608 : memref<1024xf32, #tpu.memory_space<vmem>>) target_semaphore(%arg10 : memref<!tpu.dma_semaphore, #tpu.memory_space<semaphore_mem>>)
    %add3A_610 = arith.constant 32 : i32
    %add3A_611 = arith.addi %mul3A_8, %add3A_610 : i32
    %add3A_612 = arith.constant 6 : i32
    %add3A_613 = arith.addi %add3A_611, %add3A_612 : i32
    %mul3A_614 = arith.constant 2048 : i32
    %mul3A_615 = arith.muli %add3A_613, %mul3A_614 : i32
    %add3A_616 = arith.addi %mul3A_615, %select_n3A : i32
    %dma_start3A_617 = arith.constant 6144 : i32
    %dma_start3A_618 = tpu.memref_slice %arg5[%dma_start3A_617] : memref<16384xf32, #tpu.memory_space<vmem>> -> memref<1024xf32, #tpu.memory_space<vmem>>
    %dma_start3A_619 = tpu.memref_slice %arg2[%add3A_616] : memref<4194304xf32, #tpu.memory_space<hbm>> -> memref<1024xf32, #tpu.memory_space<hbm>>
    %dma_start3A_620 = arith.constant 6144 : i32
    %dma_start3A_621 = tpu.memref_slice %arg5[%dma_start3A_620] : memref<16384xf32, #tpu.memory_space<vmem>> -> memref<1024xf32, #tpu.memory_space<vmem>>
    %dma_start3A_622 = tpu.memref_slice %arg2[%add3A_616] : memref<4194304xf32, #tpu.memory_space<hbm>> -> memref<1024xf32, #tpu.memory_space<hbm>>
    tpu.enqueue_dma source(%dma_start3A_622 : memref<1024xf32, #tpu.memory_space<hbm>>) target(%dma_start3A_621 : memref<1024xf32, #tpu.memory_space<vmem>>) target_semaphore(%arg10 : memref<!tpu.dma_semaphore, #tpu.memory_space<semaphore_mem>>)
    %add3A_623 = arith.constant 32 : i32
    %add3A_624 = arith.addi %mul3A_8, %add3A_623 : i32
    %add3A_625 = arith.constant 7 : i32
    %add3A_626 = arith.addi %add3A_624, %add3A_625 : i32
    %mul3A_627 = arith.constant 2048 : i32
    %mul3A_628 = arith.muli %add3A_626, %mul3A_627 : i32
    %add3A_629 = arith.addi %mul3A_628, %select_n3A : i32
    %dma_start3A_630 = arith.constant 7168 : i32
    %dma_start3A_631 = tpu.memref_slice %arg5[%dma_start3A_630] : memref<16384xf32, #tpu.memory_space<vmem>> -> memref<1024xf32, #tpu.memory_space<vmem>>
    %dma_start3A_632 = tpu.memref_slice %arg2[%add3A_629] : memref<4194304xf32, #tpu.memory_space<hbm>> -> memref<1024xf32, #tpu.memory_space<hbm>>
    %dma_start3A_633 = arith.constant 7168 : i32
    %dma_start3A_634 = tpu.memref_slice %arg5[%dma_start3A_633] : memref<16384xf32, #tpu.memory_space<vmem>> -> memref<1024xf32, #tpu.memory_space<vmem>>
    %dma_start3A_635 = tpu.memref_slice %arg2[%add3A_629] : memref<4194304xf32, #tpu.memory_space<hbm>> -> memref<1024xf32, #tpu.memory_space<hbm>>
    tpu.enqueue_dma source(%dma_start3A_635 : memref<1024xf32, #tpu.memory_space<hbm>>) target(%dma_start3A_634 : memref<1024xf32, #tpu.memory_space<vmem>>) target_semaphore(%arg10 : memref<!tpu.dma_semaphore, #tpu.memory_space<semaphore_mem>>)
    %add3A_636 = arith.constant 32 : i32
    %add3A_637 = arith.addi %mul3A_8, %add3A_636 : i32
    %add3A_638 = arith.constant 8 : i32
    %add3A_639 = arith.addi %add3A_637, %add3A_638 : i32
    %mul3A_640 = arith.constant 2048 : i32
    %mul3A_641 = arith.muli %add3A_639, %mul3A_640 : i32
    %add3A_642 = arith.addi %mul3A_641, %select_n3A : i32
    %dma_start3A_643 = arith.constant 8192 : i32
    %dma_start3A_644 = tpu.memref_slice %arg5[%dma_start3A_643] : memref<16384xf32, #tpu.memory_space<vmem>> -> memref<1024xf32, #tpu.memory_space<vmem>>
    %dma_start3A_645 = tpu.memref_slice %arg2[%add3A_642] : memref<4194304xf32, #tpu.memory_space<hbm>> -> memref<1024xf32, #tpu.memory_space<hbm>>
    %dma_start3A_646 = arith.constant 8192 : i32
    %dma_start3A_647 = tpu.memref_slice %arg5[%dma_start3A_646] : memref<16384xf32, #tpu.memory_space<vmem>> -> memref<1024xf32, #tpu.memory_space<vmem>>
    %dma_start3A_648 = tpu.memref_slice %arg2[%add3A_642] : memref<4194304xf32, #tpu.memory_space<hbm>> -> memref<1024xf32, #tpu.memory_space<hbm>>
    tpu.enqueue_dma source(%dma_start3A_648 : memref<1024xf32, #tpu.memory_space<hbm>>) target(%dma_start3A_647 : memref<1024xf32, #tpu.memory_space<vmem>>) target_semaphore(%arg10 : memref<!tpu.dma_semaphore, #tpu.memory_space<semaphore_mem>>)
    %add3A_649 = arith.constant 32 : i32
    %add3A_650 = arith.addi %mul3A_8, %add3A_649 : i32
    %add3A_651 = arith.constant 9 : i32
    %add3A_652 = arith.addi %add3A_650, %add3A_651 : i32
    %mul3A_653 = arith.constant 2048 : i32
    %mul3A_654 = arith.muli %add3A_652, %mul3A_653 : i32
    %add3A_655 = arith.addi %mul3A_654, %select_n3A : i32
    %dma_start3A_656 = arith.constant 9216 : i32
    %dma_start3A_657 = tpu.memref_slice %arg5[%dma_start3A_656] : memref<16384xf32, #tpu.memory_space<vmem>> -> memref<1024xf32, #tpu.memory_space<vmem>>
    %dma_start3A_658 = tpu.memref_slice %arg2[%add3A_655] : memref<4194304xf32, #tpu.memory_space<hbm>> -> memref<1024xf32, #tpu.memory_space<hbm>>
    %dma_start3A_659 = arith.constant 9216 : i32
    %dma_start3A_660 = tpu.memref_slice %arg5[%dma_start3A_659] : memref<16384xf32, #tpu.memory_space<vmem>> -> memref<1024xf32, #tpu.memory_space<vmem>>
    %dma_start3A_661 = tpu.memref_slice %arg2[%add3A_655] : memref<4194304xf32, #tpu.memory_space<hbm>> -> memref<1024xf32, #tpu.memory_space<hbm>>
    tpu.enqueue_dma source(%dma_start3A_661 : memref<1024xf32, #tpu.memory_space<hbm>>) target(%dma_start3A_660 : memref<1024xf32, #tpu.memory_space<vmem>>) target_semaphore(%arg10 : memref<!tpu.dma_semaphore, #tpu.memory_space<semaphore_mem>>)
    %add3A_662 = arith.constant 32 : i32
    %add3A_663 = arith.addi %mul3A_8, %add3A_662 : i32
    %add3A_664 = arith.constant 10 : i32
    %add3A_665 = arith.addi %add3A_663, %add3A_664 : i32
    %mul3A_666 = arith.constant 2048 : i32
    %mul3A_667 = arith.muli %add3A_665, %mul3A_666 : i32
    %add3A_668 = arith.addi %mul3A_667, %select_n3A : i32
    %dma_start3A_669 = arith.constant 10240 : i32
    %dma_start3A_670 = tpu.memref_slice %arg5[%dma_start3A_669] : memref<16384xf32, #tpu.memory_space<vmem>> -> memref<1024xf32, #tpu.memory_space<vmem>>
    %dma_start3A_671 = tpu.memref_slice %arg2[%add3A_668] : memref<4194304xf32, #tpu.memory_space<hbm>> -> memref<1024xf32, #tpu.memory_space<hbm>>
    %dma_start3A_672 = arith.constant 10240 : i32
    %dma_start3A_673 = tpu.memref_slice %arg5[%dma_start3A_672] : memref<16384xf32, #tpu.memory_space<vmem>> -> memref<1024xf32, #tpu.memory_space<vmem>>
    %dma_start3A_674 = tpu.memref_slice %arg2[%add3A_668] : memref<4194304xf32, #tpu.memory_space<hbm>> -> memref<1024xf32, #tpu.memory_space<hbm>>
    tpu.enqueue_dma source(%dma_start3A_674 : memref<1024xf32, #tpu.memory_space<hbm>>) target(%dma_start3A_673 : memref<1024xf32, #tpu.memory_space<vmem>>) target_semaphore(%arg10 : memref<!tpu.dma_semaphore, #tpu.memory_space<semaphore_mem>>)
    %add3A_675 = arith.constant 32 : i32
    %add3A_676 = arith.addi %mul3A_8, %add3A_675 : i32
    %add3A_677 = arith.constant 11 : i32
    %add3A_678 = arith.addi %add3A_676, %add3A_677 : i32
    %mul3A_679 = arith.constant 2048 : i32
    %mul3A_680 = arith.muli %add3A_678, %mul3A_679 : i32
    %add3A_681 = arith.addi %mul3A_680, %select_n3A : i32
    %dma_start3A_682 = arith.constant 11264 : i32
    %dma_start3A_683 = tpu.memref_slice %arg5[%dma_start3A_682] : memref<16384xf32, #tpu.memory_space<vmem>> -> memref<1024xf32, #tpu.memory_space<vmem>>
    %dma_start3A_684 = tpu.memref_slice %arg2[%add3A_681] : memref<4194304xf32, #tpu.memory_space<hbm>> -> memref<1024xf32, #tpu.memory_space<hbm>>
    %dma_start3A_685 = arith.constant 11264 : i32
    %dma_start3A_686 = tpu.memref_slice %arg5[%dma_start3A_685] : memref<16384xf32, #tpu.memory_space<vmem>> -> memref<1024xf32, #tpu.memory_space<vmem>>
    %dma_start3A_687 = tpu.memref_slice %arg2[%add3A_681] : memref<4194304xf32, #tpu.memory_space<hbm>> -> memref<1024xf32, #tpu.memory_space<hbm>>
    tpu.enqueue_dma source(%dma_start3A_687 : memref<1024xf32, #tpu.memory_space<hbm>>) target(%dma_start3A_686 : memref<1024xf32, #tpu.memory_space<vmem>>) target_semaphore(%arg10 : memref<!tpu.dma_semaphore, #tpu.memory_space<semaphore_mem>>)
    %add3A_688 = arith.constant 32 : i32
    %add3A_689 = arith.addi %mul3A_8, %add3A_688 : i32
    %add3A_690 = arith.constant 12 : i32
    %add3A_691 = arith.addi %add3A_689, %add3A_690 : i32
    %mul3A_692 = arith.constant 2048 : i32
    %mul3A_693 = arith.muli %add3A_691, %mul3A_692 : i32
    %add3A_694 = arith.addi %mul3A_693, %select_n3A : i32
    %dma_start3A_695 = arith.constant 12288 : i32
    %dma_start3A_696 = tpu.memref_slice %arg5[%dma_start3A_695] : memref<16384xf32, #tpu.memory_space<vmem>> -> memref<1024xf32, #tpu.memory_space<vmem>>
    %dma_start3A_697 = tpu.memref_slice %arg2[%add3A_694] : memref<4194304xf32, #tpu.memory_space<hbm>> -> memref<1024xf32, #tpu.memory_space<hbm>>
    %dma_start3A_698 = arith.constant 12288 : i32
    %dma_start3A_699 = tpu.memref_slice %arg5[%dma_start3A_698] : memref<16384xf32, #tpu.memory_space<vmem>> -> memref<1024xf32, #tpu.memory_space<vmem>>
    %dma_start3A_700 = tpu.memref_slice %arg2[%add3A_694] : memref<4194304xf32, #tpu.memory_space<hbm>> -> memref<1024xf32, #tpu.memory_space<hbm>>
    tpu.enqueue_dma source(%dma_start3A_700 : memref<1024xf32, #tpu.memory_space<hbm>>) target(%dma_start3A_699 : memref<1024xf32, #tpu.memory_space<vmem>>) target_semaphore(%arg10 : memref<!tpu.dma_semaphore, #tpu.memory_space<semaphore_mem>>)
    %add3A_701 = arith.constant 32 : i32
    %add3A_702 = arith.addi %mul3A_8, %add3A_701 : i32
    %add3A_703 = arith.constant 13 : i32
    %add3A_704 = arith.addi %add3A_702, %add3A_703 : i32
    %mul3A_705 = arith.constant 2048 : i32
    %mul3A_706 = arith.muli %add3A_704, %mul3A_705 : i32
    %add3A_707 = arith.addi %mul3A_706, %select_n3A : i32
    %dma_start3A_708 = arith.constant 13312 : i32
    %dma_start3A_709 = tpu.memref_slice %arg5[%dma_start3A_708] : memref<16384xf32, #tpu.memory_space<vmem>> -> memref<1024xf32, #tpu.memory_space<vmem>>
    %dma_start3A_710 = tpu.memref_slice %arg2[%add3A_707] : memref<4194304xf32, #tpu.memory_space<hbm>> -> memref<1024xf32, #tpu.memory_space<hbm>>
    %dma_start3A_711 = arith.constant 13312 : i32
    %dma_start3A_712 = tpu.memref_slice %arg5[%dma_start3A_711] : memref<16384xf32, #tpu.memory_space<vmem>> -> memref<1024xf32, #tpu.memory_space<vmem>>
    %dma_start3A_713 = tpu.memref_slice %arg2[%add3A_707] : memref<4194304xf32, #tpu.memory_space<hbm>> -> memref<1024xf32, #tpu.memory_space<hbm>>
    tpu.enqueue_dma source(%dma_start3A_713 : memref<1024xf32, #tpu.memory_space<hbm>>) target(%dma_start3A_712 : memref<1024xf32, #tpu.memory_space<vmem>>) target_semaphore(%arg10 : memref<!tpu.dma_semaphore, #tpu.memory_space<semaphore_mem>>)
    %add3A_714 = arith.constant 32 : i32
    %add3A_715 = arith.addi %mul3A_8, %add3A_714 : i32
    %add3A_716 = arith.constant 14 : i32
    %add3A_717 = arith.addi %add3A_715, %add3A_716 : i32
    %mul3A_718 = arith.constant 2048 : i32
    %mul3A_719 = arith.muli %add3A_717, %mul3A_718 : i32
    %add3A_720 = arith.addi %mul3A_719, %select_n3A : i32
    %dma_start3A_721 = arith.constant 14336 : i32
    %dma_start3A_722 = tpu.memref_slice %arg5[%dma_start3A_721] : memref<16384xf32, #tpu.memory_space<vmem>> -> memref<1024xf32, #tpu.memory_space<vmem>>
    %dma_start3A_723 = tpu.memref_slice %arg2[%add3A_720] : memref<4194304xf32, #tpu.memory_space<hbm>> -> memref<1024xf32, #tpu.memory_space<hbm>>
    %dma_start3A_724 = arith.constant 14336 : i32
    %dma_start3A_725 = tpu.memref_slice %arg5[%dma_start3A_724] : memref<16384xf32, #tpu.memory_space<vmem>> -> memref<1024xf32, #tpu.memory_space<vmem>>
    %dma_start3A_726 = tpu.memref_slice %arg2[%add3A_720] : memref<4194304xf32, #tpu.memory_space<hbm>> -> memref<1024xf32, #tpu.memory_space<hbm>>
    tpu.enqueue_dma source(%dma_start3A_726 : memref<1024xf32, #tpu.memory_space<hbm>>) target(%dma_start3A_725 : memref<1024xf32, #tpu.memory_space<vmem>>) target_semaphore(%arg10 : memref<!tpu.dma_semaphore, #tpu.memory_space<semaphore_mem>>)
    %add3A_727 = arith.constant 32 : i32
    %add3A_728 = arith.addi %mul3A_8, %add3A_727 : i32
    %add3A_729 = arith.constant 15 : i32
    %add3A_730 = arith.addi %add3A_728, %add3A_729 : i32
    %mul3A_731 = arith.constant 2048 : i32
    %mul3A_732 = arith.muli %add3A_730, %mul3A_731 : i32
    %add3A_733 = arith.addi %mul3A_732, %select_n3A : i32
    %dma_start3A_734 = arith.constant 15360 : i32
    %dma_start3A_735 = tpu.memref_slice %arg5[%dma_start3A_734] : memref<16384xf32, #tpu.memory_space<vmem>> -> memref<1024xf32, #tpu.memory_space<vmem>>
    %dma_start3A_736 = tpu.memref_slice %arg2[%add3A_733] : memref<4194304xf32, #tpu.memory_space<hbm>> -> memref<1024xf32, #tpu.memory_space<hbm>>
    %dma_start3A_737 = arith.constant 15360 : i32
    %dma_start3A_738 = tpu.memref_slice %arg5[%dma_start3A_737] : memref<16384xf32, #tpu.memory_space<vmem>> -> memref<1024xf32, #tpu.memory_space<vmem>>
    %dma_start3A_739 = tpu.memref_slice %arg2[%add3A_733] : memref<4194304xf32, #tpu.memory_space<hbm>> -> memref<1024xf32, #tpu.memory_space<hbm>>
    tpu.enqueue_dma source(%dma_start3A_739 : memref<1024xf32, #tpu.memory_space<hbm>>) target(%dma_start3A_738 : memref<1024xf32, #tpu.memory_space<vmem>>) target_semaphore(%arg10 : memref<!tpu.dma_semaphore, #tpu.memory_space<semaphore_mem>>)
    %dma_wait3A_740 = arith.constant 0 : i32
    %dma_wait3A_741 = tpu.memref_slice %arg6[%dma_wait3A_740] : memref<16384xf32, #tpu.memory_space<vmem>> -> memref<1024xf32, #tpu.memory_space<vmem>>
    %dma_wait3A_742 = tpu.memref_slice %arg2[%add3A_226] : memref<4194304xf32, #tpu.memory_space<hbm>> -> memref<1024xf32, #tpu.memory_space<hbm>>
    %dma_wait3A_743 = arith.constant 0 : i32
    %dma_wait3A_744 = tpu.memref_slice %arg6[%dma_wait3A_743] : memref<16384xf32, #tpu.memory_space<vmem>> -> memref<1024xf32, #tpu.memory_space<vmem>>
    %dma_wait3A_745 = tpu.memref_slice %arg2[%add3A_226] : memref<4194304xf32, #tpu.memory_space<hbm>> -> memref<1024xf32, #tpu.memory_space<hbm>>
    tpu.wait_dma2 semaphore(%arg11 : memref<!tpu.dma_semaphore, #tpu.memory_space<semaphore_mem>>) src(%dma_wait3A_745 : memref<1024xf32, #tpu.memory_space<hbm>>) dst(%dma_wait3A_744 : memref<1024xf32, #tpu.memory_space<vmem>>)
    %dma_wait3A_746 = arith.constant 1024 : i32
    %dma_wait3A_747 = tpu.memref_slice %arg6[%dma_wait3A_746] : memref<16384xf32, #tpu.memory_space<vmem>> -> memref<1024xf32, #tpu.memory_space<vmem>>
    %dma_wait3A_748 = tpu.memref_slice %arg2[%add3A_239] : memref<4194304xf32, #tpu.memory_space<hbm>> -> memref<1024xf32, #tpu.memory_space<hbm>>
    %dma_wait3A_749 = arith.constant 1024 : i32
    %dma_wait3A_750 = tpu.memref_slice %arg6[%dma_wait3A_749] : memref<16384xf32, #tpu.memory_space<vmem>> -> memref<1024xf32, #tpu.memory_space<vmem>>
    %dma_wait3A_751 = tpu.memref_slice %arg2[%add3A_239] : memref<4194304xf32, #tpu.memory_space<hbm>> -> memref<1024xf32, #tpu.memory_space<hbm>>
    tpu.wait_dma2 semaphore(%arg11 : memref<!tpu.dma_semaphore, #tpu.memory_space<semaphore_mem>>) src(%dma_wait3A_751 : memref<1024xf32, #tpu.memory_space<hbm>>) dst(%dma_wait3A_750 : memref<1024xf32, #tpu.memory_space<vmem>>)
    %dma_wait3A_752 = arith.constant 2048 : i32
    %dma_wait3A_753 = tpu.memref_slice %arg6[%dma_wait3A_752] : memref<16384xf32, #tpu.memory_space<vmem>> -> memref<1024xf32, #tpu.memory_space<vmem>>
    %dma_wait3A_754 = tpu.memref_slice %arg2[%add3A_252] : memref<4194304xf32, #tpu.memory_space<hbm>> -> memref<1024xf32, #tpu.memory_space<hbm>>
    %dma_wait3A_755 = arith.constant 2048 : i32
    %dma_wait3A_756 = tpu.memref_slice %arg6[%dma_wait3A_755] : memref<16384xf32, #tpu.memory_space<vmem>> -> memref<1024xf32, #tpu.memory_space<vmem>>
    %dma_wait3A_757 = tpu.memref_slice %arg2[%add3A_252] : memref<4194304xf32, #tpu.memory_space<hbm>> -> memref<1024xf32, #tpu.memory_space<hbm>>
    tpu.wait_dma2 semaphore(%arg11 : memref<!tpu.dma_semaphore, #tpu.memory_space<semaphore_mem>>) src(%dma_wait3A_757 : memref<1024xf32, #tpu.memory_space<hbm>>) dst(%dma_wait3A_756 : memref<1024xf32, #tpu.memory_space<vmem>>)
    %dma_wait3A_758 = arith.constant 3072 : i32
    %dma_wait3A_759 = tpu.memref_slice %arg6[%dma_wait3A_758] : memref<16384xf32, #tpu.memory_space<vmem>> -> memref<1024xf32, #tpu.memory_space<vmem>>
    %dma_wait3A_760 = tpu.memref_slice %arg2[%add3A_265] : memref<4194304xf32, #tpu.memory_space<hbm>> -> memref<1024xf32, #tpu.memory_space<hbm>>
    %dma_wait3A_761 = arith.constant 3072 : i32
    %dma_wait3A_762 = tpu.memref_slice %arg6[%dma_wait3A_761] : memref<16384xf32, #tpu.memory_space<vmem>> -> memref<1024xf32, #tpu.memory_space<vmem>>
    %dma_wait3A_763 = tpu.memref_slice %arg2[%add3A_265] : memref<4194304xf32, #tpu.memory_space<hbm>> -> memref<1024xf32, #tpu.memory_space<hbm>>
    tpu.wait_dma2 semaphore(%arg11 : memref<!tpu.dma_semaphore, #tpu.memory_space<semaphore_mem>>) src(%dma_wait3A_763 : memref<1024xf32, #tpu.memory_space<hbm>>) dst(%dma_wait3A_762 : memref<1024xf32, #tpu.memory_space<vmem>>)
    %dma_wait3A_764 = arith.constant 4096 : i32
    %dma_wait3A_765 = tpu.memref_slice %arg6[%dma_wait3A_764] : memref<16384xf32, #tpu.memory_space<vmem>> -> memref<1024xf32, #tpu.memory_space<vmem>>
    %dma_wait3A_766 = tpu.memref_slice %arg2[%add3A_278] : memref<4194304xf32, #tpu.memory_space<hbm>> -> memref<1024xf32, #tpu.memory_space<hbm>>
    %dma_wait3A_767 = arith.constant 4096 : i32
    %dma_wait3A_768 = tpu.memref_slice %arg6[%dma_wait3A_767] : memref<16384xf32, #tpu.memory_space<vmem>> -> memref<1024xf32, #tpu.memory_space<vmem>>
    %dma_wait3A_769 = tpu.memref_slice %arg2[%add3A_278] : memref<4194304xf32, #tpu.memory_space<hbm>> -> memref<1024xf32, #tpu.memory_space<hbm>>
    tpu.wait_dma2 semaphore(%arg11 : memref<!tpu.dma_semaphore, #tpu.memory_space<semaphore_mem>>) src(%dma_wait3A_769 : memref<1024xf32, #tpu.memory_space<hbm>>) dst(%dma_wait3A_768 : memref<1024xf32, #tpu.memory_space<vmem>>)
    %dma_wait3A_770 = arith.constant 5120 : i32
    %dma_wait3A_771 = tpu.memref_slice %arg6[%dma_wait3A_770] : memref<16384xf32, #tpu.memory_space<vmem>> -> memref<1024xf32, #tpu.memory_space<vmem>>
    %dma_wait3A_772 = tpu.memref_slice %arg2[%add3A_291] : memref<4194304xf32, #tpu.memory_space<hbm>> -> memref<1024xf32, #tpu.memory_space<hbm>>
    %dma_wait3A_773 = arith.constant 5120 : i32
    %dma_wait3A_774 = tpu.memref_slice %arg6[%dma_wait3A_773] : memref<16384xf32, #tpu.memory_space<vmem>> -> memref<1024xf32, #tpu.memory_space<vmem>>
    %dma_wait3A_775 = tpu.memref_slice %arg2[%add3A_291] : memref<4194304xf32, #tpu.memory_space<hbm>> -> memref<1024xf32, #tpu.memory_space<hbm>>
    tpu.wait_dma2 semaphore(%arg11 : memref<!tpu.dma_semaphore, #tpu.memory_space<semaphore_mem>>) src(%dma_wait3A_775 : memref<1024xf32, #tpu.memory_space<hbm>>) dst(%dma_wait3A_774 : memref<1024xf32, #tpu.memory_space<vmem>>)
    %dma_wait3A_776 = arith.constant 6144 : i32
    %dma_wait3A_777 = tpu.memref_slice %arg6[%dma_wait3A_776] : memref<16384xf32, #tpu.memory_space<vmem>> -> memref<1024xf32, #tpu.memory_space<vmem>>
    %dma_wait3A_778 = tpu.memref_slice %arg2[%add3A_304] : memref<4194304xf32, #tpu.memory_space<hbm>> -> memref<1024xf32, #tpu.memory_space<hbm>>
    %dma_wait3A_779 = arith.constant 6144 : i32
    %dma_wait3A_780 = tpu.memref_slice %arg6[%dma_wait3A_779] : memref<16384xf32, #tpu.memory_space<vmem>> -> memref<1024xf32, #tpu.memory_space<vmem>>
    %dma_wait3A_781 = tpu.memref_slice %arg2[%add3A_304] : memref<4194304xf32, #tpu.memory_space<hbm>> -> memref<1024xf32, #tpu.memory_space<hbm>>
    tpu.wait_dma2 semaphore(%arg11 : memref<!tpu.dma_semaphore, #tpu.memory_space<semaphore_mem>>) src(%dma_wait3A_781 : memref<1024xf32, #tpu.memory_space<hbm>>) dst(%dma_wait3A_780 : memref<1024xf32, #tpu.memory_space<vmem>>)
    %dma_wait3A_782 = arith.constant 7168 : i32
    %dma_wait3A_783 = tpu.memref_slice %arg6[%dma_wait3A_782] : memref<16384xf32, #tpu.memory_space<vmem>> -> memref<1024xf32, #tpu.memory_space<vmem>>
    %dma_wait3A_784 = tpu.memref_slice %arg2[%add3A_317] : memref<4194304xf32, #tpu.memory_space<hbm>> -> memref<1024xf32, #tpu.memory_space<hbm>>
    %dma_wait3A_785 = arith.constant 7168 : i32
    %dma_wait3A_786 = tpu.memref_slice %arg6[%dma_wait3A_785] : memref<16384xf32, #tpu.memory_space<vmem>> -> memref<1024xf32, #tpu.memory_space<vmem>>
    %dma_wait3A_787 = tpu.memref_slice %arg2[%add3A_317] : memref<4194304xf32, #tpu.memory_space<hbm>> -> memref<1024xf32, #tpu.memory_space<hbm>>
    tpu.wait_dma2 semaphore(%arg11 : memref<!tpu.dma_semaphore, #tpu.memory_space<semaphore_mem>>) src(%dma_wait3A_787 : memref<1024xf32, #tpu.memory_space<hbm>>) dst(%dma_wait3A_786 : memref<1024xf32, #tpu.memory_space<vmem>>)
    %dma_wait3A_788 = arith.constant 8192 : i32
    %dma_wait3A_789 = tpu.memref_slice %arg6[%dma_wait3A_788] : memref<16384xf32, #tpu.memory_space<vmem>> -> memref<1024xf32, #tpu.memory_space<vmem>>
    %dma_wait3A_790 = tpu.memref_slice %arg2[%add3A_330] : memref<4194304xf32, #tpu.memory_space<hbm>> -> memref<1024xf32, #tpu.memory_space<hbm>>
    %dma_wait3A_791 = arith.constant 8192 : i32
    %dma_wait3A_792 = tpu.memref_slice %arg6[%dma_wait3A_791] : memref<16384xf32, #tpu.memory_space<vmem>> -> memref<1024xf32, #tpu.memory_space<vmem>>
    %dma_wait3A_793 = tpu.memref_slice %arg2[%add3A_330] : memref<4194304xf32, #tpu.memory_space<hbm>> -> memref<1024xf32, #tpu.memory_space<hbm>>
    tpu.wait_dma2 semaphore(%arg11 : memref<!tpu.dma_semaphore, #tpu.memory_space<semaphore_mem>>) src(%dma_wait3A_793 : memref<1024xf32, #tpu.memory_space<hbm>>) dst(%dma_wait3A_792 : memref<1024xf32, #tpu.memory_space<vmem>>)
    %dma_wait3A_794 = arith.constant 9216 : i32
    %dma_wait3A_795 = tpu.memref_slice %arg6[%dma_wait3A_794] : memref<16384xf32, #tpu.memory_space<vmem>> -> memref<1024xf32, #tpu.memory_space<vmem>>
    %dma_wait3A_796 = tpu.memref_slice %arg2[%add3A_343] : memref<4194304xf32, #tpu.memory_space<hbm>> -> memref<1024xf32, #tpu.memory_space<hbm>>
    %dma_wait3A_797 = arith.constant 9216 : i32
    %dma_wait3A_798 = tpu.memref_slice %arg6[%dma_wait3A_797] : memref<16384xf32, #tpu.memory_space<vmem>> -> memref<1024xf32, #tpu.memory_space<vmem>>
    %dma_wait3A_799 = tpu.memref_slice %arg2[%add3A_343] : memref<4194304xf32, #tpu.memory_space<hbm>> -> memref<1024xf32, #tpu.memory_space<hbm>>
    tpu.wait_dma2 semaphore(%arg11 : memref<!tpu.dma_semaphore, #tpu.memory_space<semaphore_mem>>) src(%dma_wait3A_799 : memref<1024xf32, #tpu.memory_space<hbm>>) dst(%dma_wait3A_798 : memref<1024xf32, #tpu.memory_space<vmem>>)
    %dma_wait3A_800 = arith.constant 10240 : i32
    %dma_wait3A_801 = tpu.memref_slice %arg6[%dma_wait3A_800] : memref<16384xf32, #tpu.memory_space<vmem>> -> memref<1024xf32, #tpu.memory_space<vmem>>
    %dma_wait3A_802 = tpu.memref_slice %arg2[%add3A_356] : memref<4194304xf32, #tpu.memory_space<hbm>> -> memref<1024xf32, #tpu.memory_space<hbm>>
    %dma_wait3A_803 = arith.constant 10240 : i32
    %dma_wait3A_804 = tpu.memref_slice %arg6[%dma_wait3A_803] : memref<16384xf32, #tpu.memory_space<vmem>> -> memref<1024xf32, #tpu.memory_space<vmem>>
    %dma_wait3A_805 = tpu.memref_slice %arg2[%add3A_356] : memref<4194304xf32, #tpu.memory_space<hbm>> -> memref<1024xf32, #tpu.memory_space<hbm>>
    tpu.wait_dma2 semaphore(%arg11 : memref<!tpu.dma_semaphore, #tpu.memory_space<semaphore_mem>>) src(%dma_wait3A_805 : memref<1024xf32, #tpu.memory_space<hbm>>) dst(%dma_wait3A_804 : memref<1024xf32, #tpu.memory_space<vmem>>)
    %dma_wait3A_806 = arith.constant 11264 : i32
    %dma_wait3A_807 = tpu.memref_slice %arg6[%dma_wait3A_806] : memref<16384xf32, #tpu.memory_space<vmem>> -> memref<1024xf32, #tpu.memory_space<vmem>>
    %dma_wait3A_808 = tpu.memref_slice %arg2[%add3A_369] : memref<4194304xf32, #tpu.memory_space<hbm>> -> memref<1024xf32, #tpu.memory_space<hbm>>
    %dma_wait3A_809 = arith.constant 11264 : i32
    %dma_wait3A_810 = tpu.memref_slice %arg6[%dma_wait3A_809] : memref<16384xf32, #tpu.memory_space<vmem>> -> memref<1024xf32, #tpu.memory_space<vmem>>
    %dma_wait3A_811 = tpu.memref_slice %arg2[%add3A_369] : memref<4194304xf32, #tpu.memory_space<hbm>> -> memref<1024xf32, #tpu.memory_space<hbm>>
    tpu.wait_dma2 semaphore(%arg11 : memref<!tpu.dma_semaphore, #tpu.memory_space<semaphore_mem>>) src(%dma_wait3A_811 : memref<1024xf32, #tpu.memory_space<hbm>>) dst(%dma_wait3A_810 : memref<1024xf32, #tpu.memory_space<vmem>>)
    %dma_wait3A_812 = arith.constant 12288 : i32
    %dma_wait3A_813 = tpu.memref_slice %arg6[%dma_wait3A_812] : memref<16384xf32, #tpu.memory_space<vmem>> -> memref<1024xf32, #tpu.memory_space<vmem>>
    %dma_wait3A_814 = tpu.memref_slice %arg2[%add3A_382] : memref<4194304xf32, #tpu.memory_space<hbm>> -> memref<1024xf32, #tpu.memory_space<hbm>>
    %dma_wait3A_815 = arith.constant 12288 : i32
    %dma_wait3A_816 = tpu.memref_slice %arg6[%dma_wait3A_815] : memref<16384xf32, #tpu.memory_space<vmem>> -> memref<1024xf32, #tpu.memory_space<vmem>>
    %dma_wait3A_817 = tpu.memref_slice %arg2[%add3A_382] : memref<4194304xf32, #tpu.memory_space<hbm>> -> memref<1024xf32, #tpu.memory_space<hbm>>
    tpu.wait_dma2 semaphore(%arg11 : memref<!tpu.dma_semaphore, #tpu.memory_space<semaphore_mem>>) src(%dma_wait3A_817 : memref<1024xf32, #tpu.memory_space<hbm>>) dst(%dma_wait3A_816 : memref<1024xf32, #tpu.memory_space<vmem>>)
    %dma_wait3A_818 = arith.constant 13312 : i32
    %dma_wait3A_819 = tpu.memref_slice %arg6[%dma_wait3A_818] : memref<16384xf32, #tpu.memory_space<vmem>> -> memref<1024xf32, #tpu.memory_space<vmem>>
    %dma_wait3A_820 = tpu.memref_slice %arg2[%add3A_395] : memref<4194304xf32, #tpu.memory_space<hbm>> -> memref<1024xf32, #tpu.memory_space<hbm>>
    %dma_wait3A_821 = arith.constant 13312 : i32
    %dma_wait3A_822 = tpu.memref_slice %arg6[%dma_wait3A_821] : memref<16384xf32, #tpu.memory_space<vmem>> -> memref<1024xf32, #tpu.memory_space<vmem>>
    %dma_wait3A_823 = tpu.memref_slice %arg2[%add3A_395] : memref<4194304xf32, #tpu.memory_space<hbm>> -> memref<1024xf32, #tpu.memory_space<hbm>>
    tpu.wait_dma2 semaphore(%arg11 : memref<!tpu.dma_semaphore, #tpu.memory_space<semaphore_mem>>) src(%dma_wait3A_823 : memref<1024xf32, #tpu.memory_space<hbm>>) dst(%dma_wait3A_822 : memref<1024xf32, #tpu.memory_space<vmem>>)
    %dma_wait3A_824 = arith.constant 14336 : i32
    %dma_wait3A_825 = tpu.memref_slice %arg6[%dma_wait3A_824] : memref<16384xf32, #tpu.memory_space<vmem>> -> memref<1024xf32, #tpu.memory_space<vmem>>
    %dma_wait3A_826 = tpu.memref_slice %arg2[%add3A_408] : memref<4194304xf32, #tpu.memory_space<hbm>> -> memref<1024xf32, #tpu.memory_space<hbm>>
    %dma_wait3A_827 = arith.constant 14336 : i32
    %dma_wait3A_828 = tpu.memref_slice %arg6[%dma_wait3A_827] : memref<16384xf32, #tpu.memory_space<vmem>> -> memref<1024xf32, #tpu.memory_space<vmem>>
    %dma_wait3A_829 = tpu.memref_slice %arg2[%add3A_408] : memref<4194304xf32, #tpu.memory_space<hbm>> -> memref<1024xf32, #tpu.memory_space<hbm>>
    tpu.wait_dma2 semaphore(%arg11 : memref<!tpu.dma_semaphore, #tpu.memory_space<semaphore_mem>>) src(%dma_wait3A_829 : memref<1024xf32, #tpu.memory_space<hbm>>) dst(%dma_wait3A_828 : memref<1024xf32, #tpu.memory_space<vmem>>)
    %dma_wait3A_830 = arith.constant 15360 : i32
    %dma_wait3A_831 = tpu.memref_slice %arg6[%dma_wait3A_830] : memref<16384xf32, #tpu.memory_space<vmem>> -> memref<1024xf32, #tpu.memory_space<vmem>>
    %dma_wait3A_832 = tpu.memref_slice %arg2[%add3A_421] : memref<4194304xf32, #tpu.memory_space<hbm>> -> memref<1024xf32, #tpu.memory_space<hbm>>
    %dma_wait3A_833 = arith.constant 15360 : i32
    %dma_wait3A_834 = tpu.memref_slice %arg6[%dma_wait3A_833] : memref<16384xf32, #tpu.memory_space<vmem>> -> memref<1024xf32, #tpu.memory_space<vmem>>
    %dma_wait3A_835 = tpu.memref_slice %arg2[%add3A_421] : memref<4194304xf32, #tpu.memory_space<hbm>> -> memref<1024xf32, #tpu.memory_space<hbm>>
    tpu.wait_dma2 semaphore(%arg11 : memref<!tpu.dma_semaphore, #tpu.memory_space<semaphore_mem>>) src(%dma_wait3A_835 : memref<1024xf32, #tpu.memory_space<hbm>>) dst(%dma_wait3A_834 : memref<1024xf32, #tpu.memory_space<vmem>>)
    %scan3A_836 = arith.constant 0 : i32
    %scan3A_837 = arith.constant 0 : i32
    %scan3A_838 = arith.constant 256 : i32
    %scan3A_839 = arith.addi %scan3A_837, %scan3A_838 : i32
    %scan3A_840 = arith.constant 4 : i32
    scf.for %scan3A_1274 = %scan3A_837 to %scan3A_839 step %scan3A_840  : i32 {
      %mul3A_1275 = arith.constant 64 : i32
      %mul3A_1276 = arith.muli %scan3A_1274, %mul3A_1275 : i32
      %add3A_1277 = arith.constant 0 : i32
      %add3A_1278 = arith.addi %mul3A_1276, %add3A_1277 : i32
      %get3A_1279 = arith.index_cast %add3A_1278 : i32 to index
      %get3A_1280 = tpu.vector_load %arg6[%get3A_1279] {strides = array<i32>} : memref<16384xf32, #tpu.memory_space<vmem>>, vector<16xf32>,
      %get3A_1281 = vector.shape_cast %get3A_1280 : vector<16xf32> to vector<16xf32>
      %mul3A_1282 = vector.broadcast %squeeze3A_4 : f32 to vector<16xf32>
      %mul3A_1283 = arith.mulf %get3A_1281, %mul3A_1282 : vector<16xf32>
      %add3A_1284 = arith.constant 0 : i32
      %add3A_1285 = arith.addi %mul3A_1276, %add3A_1284 : i32
      %swap3A = arith.index_cast %add3A_1285 : i32 to index
      %swap3A_1286 = tpu.vector_load %arg8[%swap3A] {strides = array<i32>} : memref<16384xf32, #tpu.memory_space<vmem>>, vector<16xf32>,
      %swap3A_1287 = vector.shape_cast %swap3A_1286 : vector<16xf32> to vector<16xf32>
      %swap3A_1288 = vector.shape_cast %mul3A_1283 : vector<16xf32> to vector<16xf32>
      tpu.vector_store %arg8[%swap3A], %swap3A_1288 {strides = array<i32>} : memref<16384xf32, #tpu.memory_space<vmem>>, vector<16xf32>,
      %add3A_1289 = arith.constant 16 : i32
      %add3A_1290 = arith.addi %mul3A_1276, %add3A_1289 : i32
      %get3A_1291 = arith.index_cast %add3A_1290 : i32 to index
      %get3A_1292 = tpu.vector_load %arg6[%get3A_1291] {strides = array<i32>} : memref<16384xf32, #tpu.memory_space<vmem>>, vector<16xf32>,
      %get3A_1293 = vector.shape_cast %get3A_1292 : vector<16xf32> to vector<16xf32>
      %mul3A_1294 = vector.broadcast %squeeze3A_4 : f32 to vector<16xf32>
      %mul3A_1295 = arith.mulf %get3A_1293, %mul3A_1294 : vector<16xf32>
      %add3A_1296 = arith.constant 16 : i32
      %add3A_1297 = arith.addi %mul3A_1276, %add3A_1296 : i32
      %swap3A_1298 = arith.index_cast %add3A_1297 : i32 to index
      %swap3A_1299 = tpu.vector_load %arg8[%swap3A_1298] {strides = array<i32>} : memref<16384xf32, #tpu.memory_space<vmem>>, vector<16xf32>,
      %swap3A_1300 = vector.shape_cast %swap3A_1299 : vector<16xf32> to vector<16xf32>
      %swap3A_1301 = vector.shape_cast %mul3A_1295 : vector<16xf32> to vector<16xf32>
      tpu.vector_store %arg8[%swap3A_1298], %swap3A_1301 {strides = array<i32>} : memref<16384xf32, #tpu.memory_space<vmem>>, vector<16xf32>,
      %add3A_1302 = arith.constant 32 : i32
      %add3A_1303 = arith.addi %mul3A_1276, %add3A_1302 : i32
      %get3A_1304 = arith.index_cast %add3A_1303 : i32 to index
      %get3A_1305 = tpu.vector_load %arg6[%get3A_1304] {strides = array<i32>} : memref<16384xf32, #tpu.memory_space<vmem>>, vector<16xf32>,
      %get3A_1306 = vector.shape_cast %get3A_1305 : vector<16xf32> to vector<16xf32>
      %mul3A_1307 = vector.broadcast %squeeze3A_4 : f32 to vector<16xf32>
      %mul3A_1308 = arith.mulf %get3A_1306, %mul3A_1307 : vector<16xf32>
      %add3A_1309 = arith.constant 32 : i32
      %add3A_1310 = arith.addi %mul3A_1276, %add3A_1309 : i32
      %swap3A_1311 = arith.index_cast %add3A_1310 : i32 to index
      %swap3A_1312 = tpu.vector_load %arg8[%swap3A_1311] {strides = array<i32>} : memref<16384xf32, #tpu.memory_space<vmem>>, vector<16xf32>,
      %swap3A_1313 = vector.shape_cast %swap3A_1312 : vector<16xf32> to vector<16xf32>
      %swap3A_1314 = vector.shape_cast %mul3A_1308 : vector<16xf32> to vector<16xf32>
      tpu.vector_store %arg8[%swap3A_1311], %swap3A_1314 {strides = array<i32>} : memref<16384xf32, #tpu.memory_space<vmem>>, vector<16xf32>,
      %add3A_1315 = arith.constant 48 : i32
      %add3A_1316 = arith.addi %mul3A_1276, %add3A_1315 : i32
      %get3A_1317 = arith.index_cast %add3A_1316 : i32 to index
      %get3A_1318 = tpu.vector_load %arg6[%get3A_1317] {strides = array<i32>} : memref<16384xf32, #tpu.memory_space<vmem>>, vector<16xf32>,
      %get3A_1319 = vector.shape_cast %get3A_1318 : vector<16xf32> to vector<16xf32>
      %mul3A_1320 = vector.broadcast %squeeze3A_4 : f32 to vector<16xf32>
      %mul3A_1321 = arith.mulf %get3A_1319, %mul3A_1320 : vector<16xf32>
      %add3A_1322 = arith.constant 48 : i32
      %add3A_1323 = arith.addi %mul3A_1276, %add3A_1322 : i32
      %swap3A_1324 = arith.index_cast %add3A_1323 : i32 to index
      %swap3A_1325 = tpu.vector_load %arg8[%swap3A_1324] {strides = array<i32>} : memref<16384xf32, #tpu.memory_space<vmem>>, vector<16xf32>,
      %swap3A_1326 = vector.shape_cast %swap3A_1325 : vector<16xf32> to vector<16xf32>
      %swap3A_1327 = vector.shape_cast %mul3A_1321 : vector<16xf32> to vector<16xf32>
      tpu.vector_store %arg8[%swap3A_1324], %swap3A_1327 {strides = array<i32>} : memref<16384xf32, #tpu.memory_space<vmem>>, vector<16xf32>,
      %scan3A_1328 = arith.constant 1 : i32
      %scan3A_1329 = arith.addi %scan3A_1274, %scan3A_1328 : i32
      %mul3A_1330 = arith.constant 64 : i32
      %mul3A_1331 = arith.muli %scan3A_1329, %mul3A_1330 : i32
      %add3A_1332 = arith.constant 0 : i32
      %add3A_1333 = arith.addi %mul3A_1331, %add3A_1332 : i32
      %get3A_1334 = arith.index_cast %add3A_1333 : i32 to index
      %get3A_1335 = tpu.vector_load %arg6[%get3A_1334] {strides = array<i32>} : memref<16384xf32, #tpu.memory_space<vmem>>, vector<16xf32>,
      %get3A_1336 = vector.shape_cast %get3A_1335 : vector<16xf32> to vector<16xf32>
      %mul3A_1337 = vector.broadcast %squeeze3A_4 : f32 to vector<16xf32>
      %mul3A_1338 = arith.mulf %get3A_1336, %mul3A_1337 : vector<16xf32>
      %add3A_1339 = arith.constant 0 : i32
      %add3A_1340 = arith.addi %mul3A_1331, %add3A_1339 : i32
      %swap3A_1341 = arith.index_cast %add3A_1340 : i32 to index
      %swap3A_1342 = tpu.vector_load %arg8[%swap3A_1341] {strides = array<i32>} : memref<16384xf32, #tpu.memory_space<vmem>>, vector<16xf32>,
      %swap3A_1343 = vector.shape_cast %swap3A_1342 : vector<16xf32> to vector<16xf32>
      %swap3A_1344 = vector.shape_cast %mul3A_1338 : vector<16xf32> to vector<16xf32>
      tpu.vector_store %arg8[%swap3A_1341], %swap3A_1344 {strides = array<i32>} : memref<16384xf32, #tpu.memory_space<vmem>>, vector<16xf32>,
      %add3A_1345 = arith.constant 16 : i32
      %add3A_1346 = arith.addi %mul3A_1331, %add3A_1345 : i32
      %get3A_1347 = arith.index_cast %add3A_1346 : i32 to index
      %get3A_1348 = tpu.vector_load %arg6[%get3A_1347] {strides = array<i32>} : memref<16384xf32, #tpu.memory_space<vmem>>, vector<16xf32>,
      %get3A_1349 = vector.shape_cast %get3A_1348 : vector<16xf32> to vector<16xf32>
      %mul3A_1350 = vector.broadcast %squeeze3A_4 : f32 to vector<16xf32>
      %mul3A_1351 = arith.mulf %get3A_1349, %mul3A_1350 : vector<16xf32>
      %add3A_1352 = arith.constant 16 : i32
      %add3A_1353 = arith.addi %mul3A_1331, %add3A_1352 : i32
      %swap3A_1354 = arith.index_cast %add3A_1353 : i32 to index
      %swap3A_1355 = tpu.vector_load %arg8[%swap3A_1354] {strides = array<i32>} : memref<16384xf32, #tpu.memory_space<vmem>>, vector<16xf32>,
      %swap3A_1356 = vector.shape_cast %swap3A_1355 : vector<16xf32> to vector<16xf32>
      %swap3A_1357 = vector.shape_cast %mul3A_1351 : vector<16xf32> to vector<16xf32>
      tpu.vector_store %arg8[%swap3A_1354], %swap3A_1357 {strides = array<i32>} : memref<16384xf32, #tpu.memory_space<vmem>>, vector<16xf32>,
      %add3A_1358 = arith.constant 32 : i32
      %add3A_1359 = arith.addi %mul3A_1331, %add3A_1358 : i32
      %get3A_1360 = arith.index_cast %add3A_1359 : i32 to index
      %get3A_1361 = tpu.vector_load %arg6[%get3A_1360] {strides = array<i32>} : memref<16384xf32, #tpu.memory_space<vmem>>, vector<16xf32>,
      %get3A_1362 = vector.shape_cast %get3A_1361 : vector<16xf32> to vector<16xf32>
      %mul3A_1363 = vector.broadcast %squeeze3A_4 : f32 to vector<16xf32>
      %mul3A_1364 = arith.mulf %get3A_1362, %mul3A_1363 : vector<16xf32>
      %add3A_1365 = arith.constant 32 : i32
      %add3A_1366 = arith.addi %mul3A_1331, %add3A_1365 : i32
      %swap3A_1367 = arith.index_cast %add3A_1366 : i32 to index
      %swap3A_1368 = tpu.vector_load %arg8[%swap3A_1367] {strides = array<i32>} : memref<16384xf32, #tpu.memory_space<vmem>>, vector<16xf32>,
      %swap3A_1369 = vector.shape_cast %swap3A_1368 : vector<16xf32> to vector<16xf32>
      %swap3A_1370 = vector.shape_cast %mul3A_1364 : vector<16xf32> to vector<16xf32>
      tpu.vector_store %arg8[%swap3A_1367], %swap3A_1370 {strides = array<i32>} : memref<16384xf32, #tpu.memory_space<vmem>>, vector<16xf32>,
      %add3A_1371 = arith.constant 48 : i32
      %add3A_1372 = arith.addi %mul3A_1331, %add3A_1371 : i32
      %get3A_1373 = arith.index_cast %add3A_1372 : i32 to index
      %get3A_1374 = tpu.vector_load %arg6[%get3A_1373] {strides = array<i32>} : memref<16384xf32, #tpu.memory_space<vmem>>, vector<16xf32>,
      %get3A_1375 = vector.shape_cast %get3A_1374 : vector<16xf32> to vector<16xf32>
      %mul3A_1376 = vector.broadcast %squeeze3A_4 : f32 to vector<16xf32>
      %mul3A_1377 = arith.mulf %get3A_1375, %mul3A_1376 : vector<16xf32>
      %add3A_1378 = arith.constant 48 : i32
      %add3A_1379 = arith.addi %mul3A_1331, %add3A_1378 : i32
      %swap3A_1380 = arith.index_cast %add3A_1379 : i32 to index
      %swap3A_1381 = tpu.vector_load %arg8[%swap3A_1380] {strides = array<i32>} : memref<16384xf32, #tpu.memory_space<vmem>>, vector<16xf32>,
      %swap3A_1382 = vector.shape_cast %swap3A_1381 : vector<16xf32> to vector<16xf32>
      %swap3A_1383 = vector.shape_cast %mul3A_1377 : vector<16xf32> to vector<16xf32>
      tpu.vector_store %arg8[%swap3A_1380], %swap3A_1383 {strides = array<i32>} : memref<16384xf32, #tpu.memory_space<vmem>>, vector<16xf32>,
      %scan3A_1384 = arith.constant 2 : i32
      %scan3A_1385 = arith.addi %scan3A_1274, %scan3A_1384 : i32
      %mul3A_1386 = arith.constant 64 : i32
      %mul3A_1387 = arith.muli %scan3A_1385, %mul3A_1386 : i32
      %add3A_1388 = arith.constant 0 : i32
      %add3A_1389 = arith.addi %mul3A_1387, %add3A_1388 : i32
      %get3A_1390 = arith.index_cast %add3A_1389 : i32 to index
      %get3A_1391 = tpu.vector_load %arg6[%get3A_1390] {strides = array<i32>} : memref<16384xf32, #tpu.memory_space<vmem>>, vector<16xf32>,
      %get3A_1392 = vector.shape_cast %get3A_1391 : vector<16xf32> to vector<16xf32>
      %mul3A_1393 = vector.broadcast %squeeze3A_4 : f32 to vector<16xf32>
      %mul3A_1394 = arith.mulf %get3A_1392, %mul3A_1393 : vector<16xf32>
      %add3A_1395 = arith.constant 0 : i32
      %add3A_1396 = arith.addi %mul3A_1387, %add3A_1395 : i32
      %swap3A_1397 = arith.index_cast %add3A_1396 : i32 to index
      %swap3A_1398 = tpu.vector_load %arg8[%swap3A_1397] {strides = array<i32>} : memref<16384xf32, #tpu.memory_space<vmem>>, vector<16xf32>,
      %swap3A_1399 = vector.shape_cast %swap3A_1398 : vector<16xf32> to vector<16xf32>
      %swap3A_1400 = vector.shape_cast %mul3A_1394 : vector<16xf32> to vector<16xf32>
      tpu.vector_store %arg8[%swap3A_1397], %swap3A_1400 {strides = array<i32>} : memref<16384xf32, #tpu.memory_space<vmem>>, vector<16xf32>,
      %add3A_1401 = arith.constant 16 : i32
      %add3A_1402 = arith.addi %mul3A_1387, %add3A_1401 : i32
      %get3A_1403 = arith.index_cast %add3A_1402 : i32 to index
      %get3A_1404 = tpu.vector_load %arg6[%get3A_1403] {strides = array<i32>} : memref<16384xf32, #tpu.memory_space<vmem>>, vector<16xf32>,
      %get3A_1405 = vector.shape_cast %get3A_1404 : vector<16xf32> to vector<16xf32>
      %mul3A_1406 = vector.broadcast %squeeze3A_4 : f32 to vector<16xf32>
      %mul3A_1407 = arith.mulf %get3A_1405, %mul3A_1406 : vector<16xf32>
      %add3A_1408 = arith.constant 16 : i32
      %add3A_1409 = arith.addi %mul3A_1387, %add3A_1408 : i32
      %swap3A_1410 = arith.index_cast %add3A_1409 : i32 to index
      %swap3A_1411 = tpu.vector_load %arg8[%swap3A_1410] {strides = array<i32>} : memref<16384xf32, #tpu.memory_space<vmem>>, vector<16xf32>,
      %swap3A_1412 = vector.shape_cast %swap3A_1411 : vector<16xf32> to vector<16xf32>
      %swap3A_1413 = vector.shape_cast %mul3A_1407 : vector<16xf32> to vector<16xf32>
      tpu.vector_store %arg8[%swap3A_1410], %swap3A_1413 {strides = array<i32>} : memref<16384xf32, #tpu.memory_space<vmem>>, vector<16xf32>,
      %add3A_1414 = arith.constant 32 : i32
      %add3A_1415 = arith.addi %mul3A_1387, %add3A_1414 : i32
      %get3A_1416 = arith.index_cast %add3A_1415 : i32 to index
      %get3A_1417 = tpu.vector_load %arg6[%get3A_1416] {strides = array<i32>} : memref<16384xf32, #tpu.memory_space<vmem>>, vector<16xf32>,
      %get3A_1418 = vector.shape_cast %get3A_1417 : vector<16xf32> to vector<16xf32>
      %mul3A_1419 = vector.broadcast %squeeze3A_4 : f32 to vector<16xf32>
      %mul3A_1420 = arith.mulf %get3A_1418, %mul3A_1419 : vector<16xf32>
      %add3A_1421 = arith.constant 32 : i32
      %add3A_1422 = arith.addi %mul3A_1387, %add3A_1421 : i32
      %swap3A_1423 = arith.index_cast %add3A_1422 : i32 to index
      %swap3A_1424 = tpu.vector_load %arg8[%swap3A_1423] {strides = array<i32>} : memref<16384xf32, #tpu.memory_space<vmem>>, vector<16xf32>,
      %swap3A_1425 = vector.shape_cast %swap3A_1424 : vector<16xf32> to vector<16xf32>
      %swap3A_1426 = vector.shape_cast %mul3A_1420 : vector<16xf32> to vector<16xf32>
      tpu.vector_store %arg8[%swap3A_1423], %swap3A_1426 {strides = array<i32>} : memref<16384xf32, #tpu.memory_space<vmem>>, vector<16xf32>,
      %add3A_1427 = arith.constant 48 : i32
      %add3A_1428 = arith.addi %mul3A_1387, %add3A_1427 : i32
      %get3A_1429 = arith.index_cast %add3A_1428 : i32 to index
      %get3A_1430 = tpu.vector_load %arg6[%get3A_1429] {strides = array<i32>} : memref<16384xf32, #tpu.memory_space<vmem>>, vector<16xf32>,
      %get3A_1431 = vector.shape_cast %get3A_1430 : vector<16xf32> to vector<16xf32>
      %mul3A_1432 = vector.broadcast %squeeze3A_4 : f32 to vector<16xf32>
      %mul3A_1433 = arith.mulf %get3A_1431, %mul3A_1432 : vector<16xf32>
      %add3A_1434 = arith.constant 48 : i32
      %add3A_1435 = arith.addi %mul3A_1387, %add3A_1434 : i32
      %swap3A_1436 = arith.index_cast %add3A_1435 : i32 to index
      %swap3A_1437 = tpu.vector_load %arg8[%swap3A_1436] {strides = array<i32>} : memref<16384xf32, #tpu.memory_space<vmem>>, vector<16xf32>,
      %swap3A_1438 = vector.shape_cast %swap3A_1437 : vector<16xf32> to vector<16xf32>
      %swap3A_1439 = vector.shape_cast %mul3A_1433 : vector<16xf32> to vector<16xf32>
      tpu.vector_store %arg8[%swap3A_1436], %swap3A_1439 {strides = array<i32>} : memref<16384xf32, #tpu.memory_space<vmem>>, vector<16xf32>,
      %scan3A_1440 = arith.constant 3 : i32
      %scan3A_1441 = arith.addi %scan3A_1274, %scan3A_1440 : i32
      %mul3A_1442 = arith.constant 64 : i32
      %mul3A_1443 = arith.muli %scan3A_1441, %mul3A_1442 : i32
      %add3A_1444 = arith.constant 0 : i32
      %add3A_1445 = arith.addi %mul3A_1443, %add3A_1444 : i32
      %get3A_1446 = arith.index_cast %add3A_1445 : i32 to index
      %get3A_1447 = tpu.vector_load %arg6[%get3A_1446] {strides = array<i32>} : memref<16384xf32, #tpu.memory_space<vmem>>, vector<16xf32>,
      %get3A_1448 = vector.shape_cast %get3A_1447 : vector<16xf32> to vector<16xf32>
      %mul3A_1449 = vector.broadcast %squeeze3A_4 : f32 to vector<16xf32>
      %mul3A_1450 = arith.mulf %get3A_1448, %mul3A_1449 : vector<16xf32>
      %add3A_1451 = arith.constant 0 : i32
      %add3A_1452 = arith.addi %mul3A_1443, %add3A_1451 : i32
      %swap3A_1453 = arith.index_cast %add3A_1452 : i32 to index
      %swap3A_1454 = tpu.vector_load %arg8[%swap3A_1453] {strides = array<i32>} : memref<16384xf32, #tpu.memory_space<vmem>>, vector<16xf32>,
      %swap3A_1455 = vector.shape_cast %swap3A_1454 : vector<16xf32> to vector<16xf32>
      %swap3A_1456 = vector.shape_cast %mul3A_1450 : vector<16xf32> to vector<16xf32>
      tpu.vector_store %arg8[%swap3A_1453], %swap3A_1456 {strides = array<i32>} : memref<16384xf32, #tpu.memory_space<vmem>>, vector<16xf32>,
      %add3A_1457 = arith.constant 16 : i32
      %add3A_1458 = arith.addi %mul3A_1443, %add3A_1457 : i32
      %get3A_1459 = arith.index_cast %add3A_1458 : i32 to index
      %get3A_1460 = tpu.vector_load %arg6[%get3A_1459] {strides = array<i32>} : memref<16384xf32, #tpu.memory_space<vmem>>, vector<16xf32>,
      %get3A_1461 = vector.shape_cast %get3A_1460 : vector<16xf32> to vector<16xf32>
      %mul3A_1462 = vector.broadcast %squeeze3A_4 : f32 to vector<16xf32>
      %mul3A_1463 = arith.mulf %get3A_1461, %mul3A_1462 : vector<16xf32>
      %add3A_1464 = arith.constant 16 : i32
      %add3A_1465 = arith.addi %mul3A_1443, %add3A_1464 : i32
      %swap3A_1466 = arith.index_cast %add3A_1465 : i32 to index
      %swap3A_1467 = tpu.vector_load %arg8[%swap3A_1466] {strides = array<i32>} : memref<16384xf32, #tpu.memory_space<vmem>>, vector<16xf32>,
      %swap3A_1468 = vector.shape_cast %swap3A_1467 : vector<16xf32> to vector<16xf32>
      %swap3A_1469 = vector.shape_cast %mul3A_1463 : vector<16xf32> to vector<16xf32>
      tpu.vector_store %arg8[%swap3A_1466], %swap3A_1469 {strides = array<i32>} : memref<16384xf32, #tpu.memory_space<vmem>>, vector<16xf32>,
      %add3A_1470 = arith.constant 32 : i32
      %add3A_1471 = arith.addi %mul3A_1443, %add3A_1470 : i32
      %get3A_1472 = arith.index_cast %add3A_1471 : i32 to index
      %get3A_1473 = tpu.vector_load %arg6[%get3A_1472] {strides = array<i32>} : memref<16384xf32, #tpu.memory_space<vmem>>, vector<16xf32>,
      %get3A_1474 = vector.shape_cast %get3A_1473 : vector<16xf32> to vector<16xf32>
      %mul3A_1475 = vector.broadcast %squeeze3A_4 : f32 to vector<16xf32>
      %mul3A_1476 = arith.mulf %get3A_1474, %mul3A_1475 : vector<16xf32>
      %add3A_1477 = arith.constant 32 : i32
      %add3A_1478 = arith.addi %mul3A_1443, %add3A_1477 : i32
      %swap3A_1479 = arith.index_cast %add3A_1478 : i32 to index
      %swap3A_1480 = tpu.vector_load %arg8[%swap3A_1479] {strides = array<i32>} : memref<16384xf32, #tpu.memory_space<vmem>>, vector<16xf32>,
      %swap3A_1481 = vector.shape_cast %swap3A_1480 : vector<16xf32> to vector<16xf32>
      %swap3A_1482 = vector.shape_cast %mul3A_1476 : vector<16xf32> to vector<16xf32>
      tpu.vector_store %arg8[%swap3A_1479], %swap3A_1482 {strides = array<i32>} : memref<16384xf32, #tpu.memory_space<vmem>>, vector<16xf32>,
      %add3A_1483 = arith.constant 48 : i32
      %add3A_1484 = arith.addi %mul3A_1443, %add3A_1483 : i32
      %get3A_1485 = arith.index_cast %add3A_1484 : i32 to index
      %get3A_1486 = tpu.vector_load %arg6[%get3A_1485] {strides = array<i32>} : memref<16384xf32, #tpu.memory_space<vmem>>, vector<16xf32>,
      %get3A_1487 = vector.shape_cast %get3A_1486 : vector<16xf32> to vector<16xf32>
      %mul3A_1488 = vector.broadcast %squeeze3A_4 : f32 to vector<16xf32>
      %mul3A_1489 = arith.mulf %get3A_1487, %mul3A_1488 : vector<16xf32>
      %add3A_1490 = arith.constant 48 : i32
      %add3A_1491 = arith.addi %mul3A_1443, %add3A_1490 : i32
      %swap3A_1492 = arith.index_cast %add3A_1491 : i32 to index
      %swap3A_1493 = tpu.vector_load %arg8[%swap3A_1492] {strides = array<i32>} : memref<16384xf32, #tpu.memory_space<vmem>>, vector<16xf32>,
      %swap3A_1494 = vector.shape_cast %swap3A_1493 : vector<16xf32> to vector<16xf32>
      %swap3A_1495 = vector.shape_cast %mul3A_1489 : vector<16xf32> to vector<16xf32>
      tpu.vector_store %arg8[%swap3A_1492], %swap3A_1495 {strides = array<i32>} : memref<16384xf32, #tpu.memory_space<vmem>>, vector<16xf32>,
    }
    %scan3A_841 = arith.constant 256 : i32
    %add3A_842 = arith.constant 16384 : i32
    %add3A_843 = arith.addi %mul3A_12, %add3A_842 : i32
    %dma_start3A_844 = tpu.memref_slice %arg4[%add3A_843] : memref<2097152xf32, #tpu.memory_space<hbm>> -> memref<16384xf32, #tpu.memory_space<hbm>>
    %dma_start3A_845 = tpu.memref_slice %arg4[%add3A_843] : memref<2097152xf32, #tpu.memory_space<hbm>> -> memref<16384xf32, #tpu.memory_space<hbm>>
    tpu.enqueue_dma source(%arg8 : memref<16384xf32, #tpu.memory_space<vmem>>) target(%dma_start3A_845 : memref<16384xf32, #tpu.memory_space<hbm>>) target_semaphore(%arg13 : memref<!tpu.dma_semaphore, #tpu.memory_space<semaphore_mem>>)
    %add3A_846 = arith.constant 48 : i32
    %add3A_847 = arith.addi %mul3A_8, %add3A_846 : i32
    %add3A_848 = arith.constant 0 : i32
    %add3A_849 = arith.addi %add3A_847, %add3A_848 : i32
    %mul3A_850 = arith.constant 2048 : i32
    %mul3A_851 = arith.muli %add3A_849, %mul3A_850 : i32
    %add3A_852 = arith.addi %mul3A_851, %select_n3A : i32
    %dma_start3A_853 = arith.constant 0 : i32
    %dma_start3A_854 = tpu.memref_slice %arg6[%dma_start3A_853] : memref<16384xf32, #tpu.memory_space<vmem>> -> memref<1024xf32, #tpu.memory_space<vmem>>
    %dma_start3A_855 = tpu.memref_slice %arg2[%add3A_852] : memref<4194304xf32, #tpu.memory_space<hbm>> -> memref<1024xf32, #tpu.memory_space<hbm>>
    %dma_start3A_856 = arith.constant 0 : i32
    %dma_start3A_857 = tpu.memref_slice %arg6[%dma_start3A_856] : memref<16384xf32, #tpu.memory_space<vmem>> -> memref<1024xf32, #tpu.memory_space<vmem>>
    %dma_start3A_858 = tpu.memref_slice %arg2[%add3A_852] : memref<4194304xf32, #tpu.memory_space<hbm>> -> memref<1024xf32, #tpu.memory_space<hbm>>
    tpu.enqueue_dma source(%dma_start3A_858 : memref<1024xf32, #tpu.memory_space<hbm>>) target(%dma_start3A_857 : memref<1024xf32, #tpu.memory_space<vmem>>) target_semaphore(%arg11 : memref<!tpu.dma_semaphore, #tpu.memory_space<semaphore_mem>>)
    %add3A_859 = arith.constant 48 : i32
    %add3A_860 = arith.addi %mul3A_8, %add3A_859 : i32
    %add3A_861 = arith.constant 1 : i32
    %add3A_862 = arith.addi %add3A_860, %add3A_861 : i32
    %mul3A_863 = arith.constant 2048 : i32
    %mul3A_864 = arith.muli %add3A_862, %mul3A_863 : i32
    %add3A_865 = arith.addi %mul3A_864, %select_n3A : i32
    %dma_start3A_866 = arith.constant 1024 : i32
    %dma_start3A_867 = tpu.memref_slice %arg6[%dma_start3A_866] : memref<16384xf32, #tpu.memory_space<vmem>> -> memref<1024xf32, #tpu.memory_space<vmem>>
    %dma_start3A_868 = tpu.memref_slice %arg2[%add3A_865] : memref<4194304xf32, #tpu.memory_space<hbm>> -> memref<1024xf32, #tpu.memory_space<hbm>>
    %dma_start3A_869 = arith.constant 1024 : i32
    %dma_start3A_870 = tpu.memref_slice %arg6[%dma_start3A_869] : memref<16384xf32, #tpu.memory_space<vmem>> -> memref<1024xf32, #tpu.memory_space<vmem>>
    %dma_start3A_871 = tpu.memref_slice %arg2[%add3A_865] : memref<4194304xf32, #tpu.memory_space<hbm>> -> memref<1024xf32, #tpu.memory_space<hbm>>
    tpu.enqueue_dma source(%dma_start3A_871 : memref<1024xf32, #tpu.memory_space<hbm>>) target(%dma_start3A_870 : memref<1024xf32, #tpu.memory_space<vmem>>) target_semaphore(%arg11 : memref<!tpu.dma_semaphore, #tpu.memory_space<semaphore_mem>>)
    %add3A_872 = arith.constant 48 : i32
    %add3A_873 = arith.addi %mul3A_8, %add3A_872 : i32
    %add3A_874 = arith.constant 2 : i32
    %add3A_875 = arith.addi %add3A_873, %add3A_874 : i32
    %mul3A_876 = arith.constant 2048 : i32
    %mul3A_877 = arith.muli %add3A_875, %mul3A_876 : i32
    %add3A_878 = arith.addi %mul3A_877, %select_n3A : i32
    %dma_start3A_879 = arith.constant 2048 : i32
    %dma_start3A_880 = tpu.memref_slice %arg6[%dma_start3A_879] : memref<16384xf32, #tpu.memory_space<vmem>> -> memref<1024xf32, #tpu.memory_space<vmem>>
    %dma_start3A_881 = tpu.memref_slice %arg2[%add3A_878] : memref<4194304xf32, #tpu.memory_space<hbm>> -> memref<1024xf32, #tpu.memory_space<hbm>>
    %dma_start3A_882 = arith.constant 2048 : i32
    %dma_start3A_883 = tpu.memref_slice %arg6[%dma_start3A_882] : memref<16384xf32, #tpu.memory_space<vmem>> -> memref<1024xf32, #tpu.memory_space<vmem>>
    %dma_start3A_884 = tpu.memref_slice %arg2[%add3A_878] : memref<4194304xf32, #tpu.memory_space<hbm>> -> memref<1024xf32, #tpu.memory_space<hbm>>
    tpu.enqueue_dma source(%dma_start3A_884 : memref<1024xf32, #tpu.memory_space<hbm>>) target(%dma_start3A_883 : memref<1024xf32, #tpu.memory_space<vmem>>) target_semaphore(%arg11 : memref<!tpu.dma_semaphore, #tpu.memory_space<semaphore_mem>>)
    %add3A_885 = arith.constant 48 : i32
    %add3A_886 = arith.addi %mul3A_8, %add3A_885 : i32
    %add3A_887 = arith.constant 3 : i32
    %add3A_888 = arith.addi %add3A_886, %add3A_887 : i32
    %mul3A_889 = arith.constant 2048 : i32
    %mul3A_890 = arith.muli %add3A_888, %mul3A_889 : i32
    %add3A_891 = arith.addi %mul3A_890, %select_n3A : i32
    %dma_start3A_892 = arith.constant 3072 : i32
    %dma_start3A_893 = tpu.memref_slice %arg6[%dma_start3A_892] : memref<16384xf32, #tpu.memory_space<vmem>> -> memref<1024xf32, #tpu.memory_space<vmem>>
    %dma_start3A_894 = tpu.memref_slice %arg2[%add3A_891] : memref<4194304xf32, #tpu.memory_space<hbm>> -> memref<1024xf32, #tpu.memory_space<hbm>>
    %dma_start3A_895 = arith.constant 3072 : i32
    %dma_start3A_896 = tpu.memref_slice %arg6[%dma_start3A_895] : memref<16384xf32, #tpu.memory_space<vmem>> -> memref<1024xf32, #tpu.memory_space<vmem>>
    %dma_start3A_897 = tpu.memref_slice %arg2[%add3A_891] : memref<4194304xf32, #tpu.memory_space<hbm>> -> memref<1024xf32, #tpu.memory_space<hbm>>
    tpu.enqueue_dma source(%dma_start3A_897 : memref<1024xf32, #tpu.memory_space<hbm>>) target(%dma_start3A_896 : memref<1024xf32, #tpu.memory_space<vmem>>) target_semaphore(%arg11 : memref<!tpu.dma_semaphore, #tpu.memory_space<semaphore_mem>>)
    %add3A_898 = arith.constant 48 : i32
    %add3A_899 = arith.addi %mul3A_8, %add3A_898 : i32
    %add3A_900 = arith.constant 4 : i32
    %add3A_901 = arith.addi %add3A_899, %add3A_900 : i32
    %mul3A_902 = arith.constant 2048 : i32
    %mul3A_903 = arith.muli %add3A_901, %mul3A_902 : i32
    %add3A_904 = arith.addi %mul3A_903, %select_n3A : i32
    %dma_start3A_905 = arith.constant 4096 : i32
    %dma_start3A_906 = tpu.memref_slice %arg6[%dma_start3A_905] : memref<16384xf32, #tpu.memory_space<vmem>> -> memref<1024xf32, #tpu.memory_space<vmem>>
    %dma_start3A_907 = tpu.memref_slice %arg2[%add3A_904] : memref<4194304xf32, #tpu.memory_space<hbm>> -> memref<1024xf32, #tpu.memory_space<hbm>>
    %dma_start3A_908 = arith.constant 4096 : i32
    %dma_start3A_909 = tpu.memref_slice %arg6[%dma_start3A_908] : memref<16384xf32, #tpu.memory_space<vmem>> -> memref<1024xf32, #tpu.memory_space<vmem>>
    %dma_start3A_910 = tpu.memref_slice %arg2[%add3A_904] : memref<4194304xf32, #tpu.memory_space<hbm>> -> memref<1024xf32, #tpu.memory_space<hbm>>
    tpu.enqueue_dma source(%dma_start3A_910 : memref<1024xf32, #tpu.memory_space<hbm>>) target(%dma_start3A_909 : memref<1024xf32, #tpu.memory_space<vmem>>) target_semaphore(%arg11 : memref<!tpu.dma_semaphore, #tpu.memory_space<semaphore_mem>>)
    %add3A_911 = arith.constant 48 : i32
    %add3A_912 = arith.addi %mul3A_8, %add3A_911 : i32
    %add3A_913 = arith.constant 5 : i32
    %add3A_914 = arith.addi %add3A_912, %add3A_913 : i32
    %mul3A_915 = arith.constant 2048 : i32
    %mul3A_916 = arith.muli %add3A_914, %mul3A_915 : i32
    %add3A_917 = arith.addi %mul3A_916, %select_n3A : i32
    %dma_start3A_918 = arith.constant 5120 : i32
    %dma_start3A_919 = tpu.memref_slice %arg6[%dma_start3A_918] : memref<16384xf32, #tpu.memory_space<vmem>> -> memref<1024xf32, #tpu.memory_space<vmem>>
    %dma_start3A_920 = tpu.memref_slice %arg2[%add3A_917] : memref<4194304xf32, #tpu.memory_space<hbm>> -> memref<1024xf32, #tpu.memory_space<hbm>>
    %dma_start3A_921 = arith.constant 5120 : i32
    %dma_start3A_922 = tpu.memref_slice %arg6[%dma_start3A_921] : memref<16384xf32, #tpu.memory_space<vmem>> -> memref<1024xf32, #tpu.memory_space<vmem>>
    %dma_start3A_923 = tpu.memref_slice %arg2[%add3A_917] : memref<4194304xf32, #tpu.memory_space<hbm>> -> memref<1024xf32, #tpu.memory_space<hbm>>
    tpu.enqueue_dma source(%dma_start3A_923 : memref<1024xf32, #tpu.memory_space<hbm>>) target(%dma_start3A_922 : memref<1024xf32, #tpu.memory_space<vmem>>) target_semaphore(%arg11 : memref<!tpu.dma_semaphore, #tpu.memory_space<semaphore_mem>>)
    %add3A_924 = arith.constant 48 : i32
    %add3A_925 = arith.addi %mul3A_8, %add3A_924 : i32
    %add3A_926 = arith.constant 6 : i32
    %add3A_927 = arith.addi %add3A_925, %add3A_926 : i32
    %mul3A_928 = arith.constant 2048 : i32
    %mul3A_929 = arith.muli %add3A_927, %mul3A_928 : i32
    %add3A_930 = arith.addi %mul3A_929, %select_n3A : i32
    %dma_start3A_931 = arith.constant 6144 : i32
    %dma_start3A_932 = tpu.memref_slice %arg6[%dma_start3A_931] : memref<16384xf32, #tpu.memory_space<vmem>> -> memref<1024xf32, #tpu.memory_space<vmem>>
    %dma_start3A_933 = tpu.memref_slice %arg2[%add3A_930] : memref<4194304xf32, #tpu.memory_space<hbm>> -> memref<1024xf32, #tpu.memory_space<hbm>>
    %dma_start3A_934 = arith.constant 6144 : i32
    %dma_start3A_935 = tpu.memref_slice %arg6[%dma_start3A_934] : memref<16384xf32, #tpu.memory_space<vmem>> -> memref<1024xf32, #tpu.memory_space<vmem>>
    %dma_start3A_936 = tpu.memref_slice %arg2[%add3A_930] : memref<4194304xf32, #tpu.memory_space<hbm>> -> memref<1024xf32, #tpu.memory_space<hbm>>
    tpu.enqueue_dma source(%dma_start3A_936 : memref<1024xf32, #tpu.memory_space<hbm>>) target(%dma_start3A_935 : memref<1024xf32, #tpu.memory_space<vmem>>) target_semaphore(%arg11 : memref<!tpu.dma_semaphore, #tpu.memory_space<semaphore_mem>>)
    %add3A_937 = arith.constant 48 : i32
    %add3A_938 = arith.addi %mul3A_8, %add3A_937 : i32
    %add3A_939 = arith.constant 7 : i32
    %add3A_940 = arith.addi %add3A_938, %add3A_939 : i32
    %mul3A_941 = arith.constant 2048 : i32
    %mul3A_942 = arith.muli %add3A_940, %mul3A_941 : i32
    %add3A_943 = arith.addi %mul3A_942, %select_n3A : i32
    %dma_start3A_944 = arith.constant 7168 : i32
    %dma_start3A_945 = tpu.memref_slice %arg6[%dma_start3A_944] : memref<16384xf32, #tpu.memory_space<vmem>> -> memref<1024xf32, #tpu.memory_space<vmem>>
    %dma_start3A_946 = tpu.memref_slice %arg2[%add3A_943] : memref<4194304xf32, #tpu.memory_space<hbm>> -> memref<1024xf32, #tpu.memory_space<hbm>>
    %dma_start3A_947 = arith.constant 7168 : i32
    %dma_start3A_948 = tpu.memref_slice %arg6[%dma_start3A_947] : memref<16384xf32, #tpu.memory_space<vmem>> -> memref<1024xf32, #tpu.memory_space<vmem>>
    %dma_start3A_949 = tpu.memref_slice %arg2[%add3A_943] : memref<4194304xf32, #tpu.memory_space<hbm>> -> memref<1024xf32, #tpu.memory_space<hbm>>
    tpu.enqueue_dma source(%dma_start3A_949 : memref<1024xf32, #tpu.memory_space<hbm>>) target(%dma_start3A_948 : memref<1024xf32, #tpu.memory_space<vmem>>) target_semaphore(%arg11 : memref<!tpu.dma_semaphore, #tpu.memory_space<semaphore_mem>>)
    %add3A_950 = arith.constant 48 : i32
    %add3A_951 = arith.addi %mul3A_8, %add3A_950 : i32
    %add3A_952 = arith.constant 8 : i32
    %add3A_953 = arith.addi %add3A_951, %add3A_952 : i32
    %mul3A_954 = arith.constant 2048 : i32
    %mul3A_955 = arith.muli %add3A_953, %mul3A_954 : i32
    %add3A_956 = arith.addi %mul3A_955, %select_n3A : i32
    %dma_start3A_957 = arith.constant 8192 : i32
    %dma_start3A_958 = tpu.memref_slice %arg6[%dma_start3A_957] : memref<16384xf32, #tpu.memory_space<vmem>> -> memref<1024xf32, #tpu.memory_space<vmem>>
    %dma_start3A_959 = tpu.memref_slice %arg2[%add3A_956] : memref<4194304xf32, #tpu.memory_space<hbm>> -> memref<1024xf32, #tpu.memory_space<hbm>>
    %dma_start3A_960 = arith.constant 8192 : i32
    %dma_start3A_961 = tpu.memref_slice %arg6[%dma_start3A_960] : memref<16384xf32, #tpu.memory_space<vmem>> -> memref<1024xf32, #tpu.memory_space<vmem>>
    %dma_start3A_962 = tpu.memref_slice %arg2[%add3A_956] : memref<4194304xf32, #tpu.memory_space<hbm>> -> memref<1024xf32, #tpu.memory_space<hbm>>
    tpu.enqueue_dma source(%dma_start3A_962 : memref<1024xf32, #tpu.memory_space<hbm>>) target(%dma_start3A_961 : memref<1024xf32, #tpu.memory_space<vmem>>) target_semaphore(%arg11 : memref<!tpu.dma_semaphore, #tpu.memory_space<semaphore_mem>>)
    %add3A_963 = arith.constant 48 : i32
    %add3A_964 = arith.addi %mul3A_8, %add3A_963 : i32
    %add3A_965 = arith.constant 9 : i32
    %add3A_966 = arith.addi %add3A_964, %add3A_965 : i32
    %mul3A_967 = arith.constant 2048 : i32
    %mul3A_968 = arith.muli %add3A_966, %mul3A_967 : i32
    %add3A_969 = arith.addi %mul3A_968, %select_n3A : i32
    %dma_start3A_970 = arith.constant 9216 : i32
    %dma_start3A_971 = tpu.memref_slice %arg6[%dma_start3A_970] : memref<16384xf32, #tpu.memory_space<vmem>> -> memref<1024xf32, #tpu.memory_space<vmem>>
    %dma_start3A_972 = tpu.memref_slice %arg2[%add3A_969] : memref<4194304xf32, #tpu.memory_space<hbm>> -> memref<1024xf32, #tpu.memory_space<hbm>>
    %dma_start3A_973 = arith.constant 9216 : i32
    %dma_start3A_974 = tpu.memref_slice %arg6[%dma_start3A_973] : memref<16384xf32, #tpu.memory_space<vmem>> -> memref<1024xf32, #tpu.memory_space<vmem>>
    %dma_start3A_975 = tpu.memref_slice %arg2[%add3A_969] : memref<4194304xf32, #tpu.memory_space<hbm>> -> memref<1024xf32, #tpu.memory_space<hbm>>
    tpu.enqueue_dma source(%dma_start3A_975 : memref<1024xf32, #tpu.memory_space<hbm>>) target(%dma_start3A_974 : memref<1024xf32, #tpu.memory_space<vmem>>) target_semaphore(%arg11 : memref<!tpu.dma_semaphore, #tpu.memory_space<semaphore_mem>>)
    %add3A_976 = arith.constant 48 : i32
    %add3A_977 = arith.addi %mul3A_8, %add3A_976 : i32
    %add3A_978 = arith.constant 10 : i32
    %add3A_979 = arith.addi %add3A_977, %add3A_978 : i32
    %mul3A_980 = arith.constant 2048 : i32
    %mul3A_981 = arith.muli %add3A_979, %mul3A_980 : i32
    %add3A_982 = arith.addi %mul3A_981, %select_n3A : i32
    %dma_start3A_983 = arith.constant 10240 : i32
    %dma_start3A_984 = tpu.memref_slice %arg6[%dma_start3A_983] : memref<16384xf32, #tpu.memory_space<vmem>> -> memref<1024xf32, #tpu.memory_space<vmem>>
    %dma_start3A_985 = tpu.memref_slice %arg2[%add3A_982] : memref<4194304xf32, #tpu.memory_space<hbm>> -> memref<1024xf32, #tpu.memory_space<hbm>>
    %dma_start3A_986 = arith.constant 10240 : i32
    %dma_start3A_987 = tpu.memref_slice %arg6[%dma_start3A_986] : memref<16384xf32, #tpu.memory_space<vmem>> -> memref<1024xf32, #tpu.memory_space<vmem>>
    %dma_start3A_988 = tpu.memref_slice %arg2[%add3A_982] : memref<4194304xf32, #tpu.memory_space<hbm>> -> memref<1024xf32, #tpu.memory_space<hbm>>
    tpu.enqueue_dma source(%dma_start3A_988 : memref<1024xf32, #tpu.memory_space<hbm>>) target(%dma_start3A_987 : memref<1024xf32, #tpu.memory_space<vmem>>) target_semaphore(%arg11 : memref<!tpu.dma_semaphore, #tpu.memory_space<semaphore_mem>>)
    %add3A_989 = arith.constant 48 : i32
    %add3A_990 = arith.addi %mul3A_8, %add3A_989 : i32
    %add3A_991 = arith.constant 11 : i32
    %add3A_992 = arith.addi %add3A_990, %add3A_991 : i32
    %mul3A_993 = arith.constant 2048 : i32
    %mul3A_994 = arith.muli %add3A_992, %mul3A_993 : i32
    %add3A_995 = arith.addi %mul3A_994, %select_n3A : i32
    %dma_start3A_996 = arith.constant 11264 : i32
    %dma_start3A_997 = tpu.memref_slice %arg6[%dma_start3A_996] : memref<16384xf32, #tpu.memory_space<vmem>> -> memref<1024xf32, #tpu.memory_space<vmem>>
    %dma_start3A_998 = tpu.memref_slice %arg2[%add3A_995] : memref<4194304xf32, #tpu.memory_space<hbm>> -> memref<1024xf32, #tpu.memory_space<hbm>>
    %dma_start3A_999 = arith.constant 11264 : i32
    %dma_start3A_1000 = tpu.memref_slice %arg6[%dma_start3A_999] : memref<16384xf32, #tpu.memory_space<vmem>> -> memref<1024xf32, #tpu.memory_space<vmem>>
    %dma_start3A_1001 = tpu.memref_slice %arg2[%add3A_995] : memref<4194304xf32, #tpu.memory_space<hbm>> -> memref<1024xf32, #tpu.memory_space<hbm>>
    tpu.enqueue_dma source(%dma_start3A_1001 : memref<1024xf32, #tpu.memory_space<hbm>>) target(%dma_start3A_1000 : memref<1024xf32, #tpu.memory_space<vmem>>) target_semaphore(%arg11 : memref<!tpu.dma_semaphore, #tpu.memory_space<semaphore_mem>>)
    %add3A_1002 = arith.constant 48 : i32
    %add3A_1003 = arith.addi %mul3A_8, %add3A_1002 : i32
    %add3A_1004 = arith.constant 12 : i32
    %add3A_1005 = arith.addi %add3A_1003, %add3A_1004 : i32
    %mul3A_1006 = arith.constant 2048 : i32
    %mul3A_1007 = arith.muli %add3A_1005, %mul3A_1006 : i32
    %add3A_1008 = arith.addi %mul3A_1007, %select_n3A : i32
    %dma_start3A_1009 = arith.constant 12288 : i32
    %dma_start3A_1010 = tpu.memref_slice %arg6[%dma_start3A_1009] : memref<16384xf32, #tpu.memory_space<vmem>> -> memref<1024xf32, #tpu.memory_space<vmem>>
    %dma_start3A_1011 = tpu.memref_slice %arg2[%add3A_1008] : memref<4194304xf32, #tpu.memory_space<hbm>> -> memref<1024xf32, #tpu.memory_space<hbm>>
    %dma_start3A_1012 = arith.constant 12288 : i32
    %dma_start3A_1013 = tpu.memref_slice %arg6[%dma_start3A_1012] : memref<16384xf32, #tpu.memory_space<vmem>> -> memref<1024xf32, #tpu.memory_space<vmem>>
    %dma_start3A_1014 = tpu.memref_slice %arg2[%add3A_1008] : memref<4194304xf32, #tpu.memory_space<hbm>> -> memref<1024xf32, #tpu.memory_space<hbm>>
    tpu.enqueue_dma source(%dma_start3A_1014 : memref<1024xf32, #tpu.memory_space<hbm>>) target(%dma_start3A_1013 : memref<1024xf32, #tpu.memory_space<vmem>>) target_semaphore(%arg11 : memref<!tpu.dma_semaphore, #tpu.memory_space<semaphore_mem>>)
    %add3A_1015 = arith.constant 48 : i32
    %add3A_1016 = arith.addi %mul3A_8, %add3A_1015 : i32
    %add3A_1017 = arith.constant 13 : i32
    %add3A_1018 = arith.addi %add3A_1016, %add3A_1017 : i32
    %mul3A_1019 = arith.constant 2048 : i32
    %mul3A_1020 = arith.muli %add3A_1018, %mul3A_1019 : i32
    %add3A_1021 = arith.addi %mul3A_1020, %select_n3A : i32
    %dma_start3A_1022 = arith.constant 13312 : i32
    %dma_start3A_1023 = tpu.memref_slice %arg6[%dma_start3A_1022] : memref<16384xf32, #tpu.memory_space<vmem>> -> memref<1024xf32, #tpu.memory_space<vmem>>
    %dma_start3A_1024 = tpu.memref_slice %arg2[%add3A_1021] : memref<4194304xf32, #tpu.memory_space<hbm>> -> memref<1024xf32, #tpu.memory_space<hbm>>
    %dma_start3A_1025 = arith.constant 13312 : i32
    %dma_start3A_1026 = tpu.memref_slice %arg6[%dma_start3A_1025] : memref<16384xf32, #tpu.memory_space<vmem>> -> memref<1024xf32, #tpu.memory_space<vmem>>
    %dma_start3A_1027 = tpu.memref_slice %arg2[%add3A_1021] : memref<4194304xf32, #tpu.memory_space<hbm>> -> memref<1024xf32, #tpu.memory_space<hbm>>
    tpu.enqueue_dma source(%dma_start3A_1027 : memref<1024xf32, #tpu.memory_space<hbm>>) target(%dma_start3A_1026 : memref<1024xf32, #tpu.memory_space<vmem>>) target_semaphore(%arg11 : memref<!tpu.dma_semaphore, #tpu.memory_space<semaphore_mem>>)
    %add3A_1028 = arith.constant 48 : i32
    %add3A_1029 = arith.addi %mul3A_8, %add3A_1028 : i32
    %add3A_1030 = arith.constant 14 : i32
    %add3A_1031 = arith.addi %add3A_1029, %add3A_1030 : i32
    %mul3A_1032 = arith.constant 2048 : i32
    %mul3A_1033 = arith.muli %add3A_1031, %mul3A_1032 : i32
    %add3A_1034 = arith.addi %mul3A_1033, %select_n3A : i32
    %dma_start3A_1035 = arith.constant 14336 : i32
    %dma_start3A_1036 = tpu.memref_slice %arg6[%dma_start3A_1035] : memref<16384xf32, #tpu.memory_space<vmem>> -> memref<1024xf32, #tpu.memory_space<vmem>>
    %dma_start3A_1037 = tpu.memref_slice %arg2[%add3A_1034] : memref<4194304xf32, #tpu.memory_space<hbm>> -> memref<1024xf32, #tpu.memory_space<hbm>>
    %dma_start3A_1038 = arith.constant 14336 : i32
    %dma_start3A_1039 = tpu.memref_slice %arg6[%dma_start3A_1038] : memref<16384xf32, #tpu.memory_space<vmem>> -> memref<1024xf32, #tpu.memory_space<vmem>>
    %dma_start3A_1040 = tpu.memref_slice %arg2[%add3A_1034] : memref<4194304xf32, #tpu.memory_space<hbm>> -> memref<1024xf32, #tpu.memory_space<hbm>>
    tpu.enqueue_dma source(%dma_start3A_1040 : memref<1024xf32, #tpu.memory_space<hbm>>) target(%dma_start3A_1039 : memref<1024xf32, #tpu.memory_space<vmem>>) target_semaphore(%arg11 : memref<!tpu.dma_semaphore, #tpu.memory_space<semaphore_mem>>)
    %add3A_1041 = arith.constant 48 : i32
    %add3A_1042 = arith.addi %mul3A_8, %add3A_1041 : i32
    %add3A_1043 = arith.constant 15 : i32
    %add3A_1044 = arith.addi %add3A_1042, %add3A_1043 : i32
    %mul3A_1045 = arith.constant 2048 : i32
    %mul3A_1046 = arith.muli %add3A_1044, %mul3A_1045 : i32
    %add3A_1047 = arith.addi %mul3A_1046, %select_n3A : i32
    %dma_start3A_1048 = arith.constant 15360 : i32
    %dma_start3A_1049 = tpu.memref_slice %arg6[%dma_start3A_1048] : memref<16384xf32, #tpu.memory_space<vmem>> -> memref<1024xf32, #tpu.memory_space<vmem>>
    %dma_start3A_1050 = tpu.memref_slice %arg2[%add3A_1047] : memref<4194304xf32, #tpu.memory_space<hbm>> -> memref<1024xf32, #tpu.memory_space<hbm>>
    %dma_start3A_1051 = arith.constant 15360 : i32
    %dma_start3A_1052 = tpu.memref_slice %arg6[%dma_start3A_1051] : memref<16384xf32, #tpu.memory_space<vmem>> -> memref<1024xf32, #tpu.memory_space<vmem>>
    %dma_start3A_1053 = tpu.memref_slice %arg2[%add3A_1047] : memref<4194304xf32, #tpu.memory_space<hbm>> -> memref<1024xf32, #tpu.memory_space<hbm>>
    tpu.enqueue_dma source(%dma_start3A_1053 : memref<1024xf32, #tpu.memory_space<hbm>>) target(%dma_start3A_1052 : memref<1024xf32, #tpu.memory_space<vmem>>) target_semaphore(%arg11 : memref<!tpu.dma_semaphore, #tpu.memory_space<semaphore_mem>>)
    %dma_wait3A_1054 = arith.constant 0 : i32
    %dma_wait3A_1055 = tpu.memref_slice %arg5[%dma_wait3A_1054] : memref<16384xf32, #tpu.memory_space<vmem>> -> memref<1024xf32, #tpu.memory_space<vmem>>
    %dma_wait3A_1056 = tpu.memref_slice %arg2[%add3A_538] : memref<4194304xf32, #tpu.memory_space<hbm>> -> memref<1024xf32, #tpu.memory_space<hbm>>
    %dma_wait3A_1057 = arith.constant 0 : i32
    %dma_wait3A_1058 = tpu.memref_slice %arg5[%dma_wait3A_1057] : memref<16384xf32, #tpu.memory_space<vmem>> -> memref<1024xf32, #tpu.memory_space<vmem>>
    %dma_wait3A_1059 = tpu.memref_slice %arg2[%add3A_538] : memref<4194304xf32, #tpu.memory_space<hbm>> -> memref<1024xf32, #tpu.memory_space<hbm>>
    tpu.wait_dma2 semaphore(%arg10 : memref<!tpu.dma_semaphore, #tpu.memory_space<semaphore_mem>>) src(%dma_wait3A_1059 : memref<1024xf32, #tpu.memory_space<hbm>>) dst(%dma_wait3A_1058 : memref<1024xf32, #tpu.memory_space<vmem>>)
    %dma_wait3A_1060 = arith.constant 1024 : i32
    %dma_wait3A_1061 = tpu.memref_slice %arg5[%dma_wait3A_1060] : memref<16384xf32, #tpu.memory_space<vmem>> -> memref<1024xf32, #tpu.memory_space<vmem>>
    %dma_wait3A_1062 = tpu.memref_slice %arg2[%add3A_551] : memref<4194304xf32, #tpu.memory_space<hbm>> -> memref<1024xf32, #tpu.memory_space<hbm>>
    %dma_wait3A_1063 = arith.constant 1024 : i32
    %dma_wait3A_1064 = tpu.memref_slice %arg5[%dma_wait3A_1063] : memref<16384xf32, #tpu.memory_space<vmem>> -> memref<1024xf32, #tpu.memory_space<vmem>>
    %dma_wait3A_1065 = tpu.memref_slice %arg2[%add3A_551] : memref<4194304xf32, #tpu.memory_space<hbm>> -> memref<1024xf32, #tpu.memory_space<hbm>>
    tpu.wait_dma2 semaphore(%arg10 : memref<!tpu.dma_semaphore, #tpu.memory_space<semaphore_mem>>) src(%dma_wait3A_1065 : memref<1024xf32, #tpu.memory_space<hbm>>) dst(%dma_wait3A_1064 : memref<1024xf32, #tpu.memory_space<vmem>>)
    %dma_wait3A_1066 = arith.constant 2048 : i32
    %dma_wait3A_1067 = tpu.memref_slice %arg5[%dma_wait3A_1066] : memref<16384xf32, #tpu.memory_space<vmem>> -> memref<1024xf32, #tpu.memory_space<vmem>>
    %dma_wait3A_1068 = tpu.memref_slice %arg2[%add3A_564] : memref<4194304xf32, #tpu.memory_space<hbm>> -> memref<1024xf32, #tpu.memory_space<hbm>>
    %dma_wait3A_1069 = arith.constant 2048 : i32
    %dma_wait3A_1070 = tpu.memref_slice %arg5[%dma_wait3A_1069] : memref<16384xf32, #tpu.memory_space<vmem>> -> memref<1024xf32, #tpu.memory_space<vmem>>
    %dma_wait3A_1071 = tpu.memref_slice %arg2[%add3A_564] : memref<4194304xf32, #tpu.memory_space<hbm>> -> memref<1024xf32, #tpu.memory_space<hbm>>
    tpu.wait_dma2 semaphore(%arg10 : memref<!tpu.dma_semaphore, #tpu.memory_space<semaphore_mem>>) src(%dma_wait3A_1071 : memref<1024xf32, #tpu.memory_space<hbm>>) dst(%dma_wait3A_1070 : memref<1024xf32, #tpu.memory_space<vmem>>)
    %dma_wait3A_1072 = arith.constant 3072 : i32
    %dma_wait3A_1073 = tpu.memref_slice %arg5[%dma_wait3A_1072] : memref<16384xf32, #tpu.memory_space<vmem>> -> memref<1024xf32, #tpu.memory_space<vmem>>
    %dma_wait3A_1074 = tpu.memref_slice %arg2[%add3A_577] : memref<4194304xf32, #tpu.memory_space<hbm>> -> memref<1024xf32, #tpu.memory_space<hbm>>
    %dma_wait3A_1075 = arith.constant 3072 : i32
    %dma_wait3A_1076 = tpu.memref_slice %arg5[%dma_wait3A_1075] : memref<16384xf32, #tpu.memory_space<vmem>> -> memref<1024xf32, #tpu.memory_space<vmem>>
    %dma_wait3A_1077 = tpu.memref_slice %arg2[%add3A_577] : memref<4194304xf32, #tpu.memory_space<hbm>> -> memref<1024xf32, #tpu.memory_space<hbm>>
    tpu.wait_dma2 semaphore(%arg10 : memref<!tpu.dma_semaphore, #tpu.memory_space<semaphore_mem>>) src(%dma_wait3A_1077 : memref<1024xf32, #tpu.memory_space<hbm>>) dst(%dma_wait3A_1076 : memref<1024xf32, #tpu.memory_space<vmem>>)
    %dma_wait3A_1078 = arith.constant 4096 : i32
    %dma_wait3A_1079 = tpu.memref_slice %arg5[%dma_wait3A_1078] : memref<16384xf32, #tpu.memory_space<vmem>> -> memref<1024xf32, #tpu.memory_space<vmem>>
    %dma_wait3A_1080 = tpu.memref_slice %arg2[%add3A_590] : memref<4194304xf32, #tpu.memory_space<hbm>> -> memref<1024xf32, #tpu.memory_space<hbm>>
    %dma_wait3A_1081 = arith.constant 4096 : i32
    %dma_wait3A_1082 = tpu.memref_slice %arg5[%dma_wait3A_1081] : memref<16384xf32, #tpu.memory_space<vmem>> -> memref<1024xf32, #tpu.memory_space<vmem>>
    %dma_wait3A_1083 = tpu.memref_slice %arg2[%add3A_590] : memref<4194304xf32, #tpu.memory_space<hbm>> -> memref<1024xf32, #tpu.memory_space<hbm>>
    tpu.wait_dma2 semaphore(%arg10 : memref<!tpu.dma_semaphore, #tpu.memory_space<semaphore_mem>>) src(%dma_wait3A_1083 : memref<1024xf32, #tpu.memory_space<hbm>>) dst(%dma_wait3A_1082 : memref<1024xf32, #tpu.memory_space<vmem>>)
    %dma_wait3A_1084 = arith.constant 5120 : i32
    %dma_wait3A_1085 = tpu.memref_slice %arg5[%dma_wait3A_1084] : memref<16384xf32, #tpu.memory_space<vmem>> -> memref<1024xf32, #tpu.memory_space<vmem>>
    %dma_wait3A_1086 = tpu.memref_slice %arg2[%add3A_603] : memref<4194304xf32, #tpu.memory_space<hbm>> -> memref<1024xf32, #tpu.memory_space<hbm>>
    %dma_wait3A_1087 = arith.constant 5120 : i32
    %dma_wait3A_1088 = tpu.memref_slice %arg5[%dma_wait3A_1087] : memref<16384xf32, #tpu.memory_space<vmem>> -> memref<1024xf32, #tpu.memory_space<vmem>>
    %dma_wait3A_1089 = tpu.memref_slice %arg2[%add3A_603] : memref<4194304xf32, #tpu.memory_space<hbm>> -> memref<1024xf32, #tpu.memory_space<hbm>>
    tpu.wait_dma2 semaphore(%arg10 : memref<!tpu.dma_semaphore, #tpu.memory_space<semaphore_mem>>) src(%dma_wait3A_1089 : memref<1024xf32, #tpu.memory_space<hbm>>) dst(%dma_wait3A_1088 : memref<1024xf32, #tpu.memory_space<vmem>>)
    %dma_wait3A_1090 = arith.constant 6144 : i32
    %dma_wait3A_1091 = tpu.memref_slice %arg5[%dma_wait3A_1090] : memref<16384xf32, #tpu.memory_space<vmem>> -> memref<1024xf32, #tpu.memory_space<vmem>>
    %dma_wait3A_1092 = tpu.memref_slice %arg2[%add3A_616] : memref<4194304xf32, #tpu.memory_space<hbm>> -> memref<1024xf32, #tpu.memory_space<hbm>>
    %dma_wait3A_1093 = arith.constant 6144 : i32
    %dma_wait3A_1094 = tpu.memref_slice %arg5[%dma_wait3A_1093] : memref<16384xf32, #tpu.memory_space<vmem>> -> memref<1024xf32, #tpu.memory_space<vmem>>
    %dma_wait3A_1095 = tpu.memref_slice %arg2[%add3A_616] : memref<4194304xf32, #tpu.memory_space<hbm>> -> memref<1024xf32, #tpu.memory_space<hbm>>
    tpu.wait_dma2 semaphore(%arg10 : memref<!tpu.dma_semaphore, #tpu.memory_space<semaphore_mem>>) src(%dma_wait3A_1095 : memref<1024xf32, #tpu.memory_space<hbm>>) dst(%dma_wait3A_1094 : memref<1024xf32, #tpu.memory_space<vmem>>)
    %dma_wait3A_1096 = arith.constant 7168 : i32
    %dma_wait3A_1097 = tpu.memref_slice %arg5[%dma_wait3A_1096] : memref<16384xf32, #tpu.memory_space<vmem>> -> memref<1024xf32, #tpu.memory_space<vmem>>
    %dma_wait3A_1098 = tpu.memref_slice %arg2[%add3A_629] : memref<4194304xf32, #tpu.memory_space<hbm>> -> memref<1024xf32, #tpu.memory_space<hbm>>
    %dma_wait3A_1099 = arith.constant 7168 : i32
    %dma_wait3A_1100 = tpu.memref_slice %arg5[%dma_wait3A_1099] : memref<16384xf32, #tpu.memory_space<vmem>> -> memref<1024xf32, #tpu.memory_space<vmem>>
    %dma_wait3A_1101 = tpu.memref_slice %arg2[%add3A_629] : memref<4194304xf32, #tpu.memory_space<hbm>> -> memref<1024xf32, #tpu.memory_space<hbm>>
    tpu.wait_dma2 semaphore(%arg10 : memref<!tpu.dma_semaphore, #tpu.memory_space<semaphore_mem>>) src(%dma_wait3A_1101 : memref<1024xf32, #tpu.memory_space<hbm>>) dst(%dma_wait3A_1100 : memref<1024xf32, #tpu.memory_space<vmem>>)
    %dma_wait3A_1102 = arith.constant 8192 : i32
    %dma_wait3A_1103 = tpu.memref_slice %arg5[%dma_wait3A_1102] : memref<16384xf32, #tpu.memory_space<vmem>> -> memref<1024xf32, #tpu.memory_space<vmem>>
    %dma_wait3A_1104 = tpu.memref_slice %arg2[%add3A_642] : memref<4194304xf32, #tpu.memory_space<hbm>> -> memref<1024xf32, #tpu.memory_space<hbm>>
    %dma_wait3A_1105 = arith.constant 8192 : i32
    %dma_wait3A_1106 = tpu.memref_slice %arg5[%dma_wait3A_1105] : memref<16384xf32, #tpu.memory_space<vmem>> -> memref<1024xf32, #tpu.memory_space<vmem>>
    %dma_wait3A_1107 = tpu.memref_slice %arg2[%add3A_642] : memref<4194304xf32, #tpu.memory_space<hbm>> -> memref<1024xf32, #tpu.memory_space<hbm>>
    tpu.wait_dma2 semaphore(%arg10 : memref<!tpu.dma_semaphore, #tpu.memory_space<semaphore_mem>>) src(%dma_wait3A_1107 : memref<1024xf32, #tpu.memory_space<hbm>>) dst(%dma_wait3A_1106 : memref<1024xf32, #tpu.memory_space<vmem>>)
    %dma_wait3A_1108 = arith.constant 9216 : i32
    %dma_wait3A_1109 = tpu.memref_slice %arg5[%dma_wait3A_1108] : memref<16384xf32, #tpu.memory_space<vmem>> -> memref<1024xf32, #tpu.memory_space<vmem>>
    %dma_wait3A_1110 = tpu.memref_slice %arg2[%add3A_655] : memref<4194304xf32, #tpu.memory_space<hbm>> -> memref<1024xf32, #tpu.memory_space<hbm>>
    %dma_wait3A_1111 = arith.constant 9216 : i32
    %dma_wait3A_1112 = tpu.memref_slice %arg5[%dma_wait3A_1111] : memref<16384xf32, #tpu.memory_space<vmem>> -> memref<1024xf32, #tpu.memory_space<vmem>>
    %dma_wait3A_1113 = tpu.memref_slice %arg2[%add3A_655] : memref<4194304xf32, #tpu.memory_space<hbm>> -> memref<1024xf32, #tpu.memory_space<hbm>>
    tpu.wait_dma2 semaphore(%arg10 : memref<!tpu.dma_semaphore, #tpu.memory_space<semaphore_mem>>) src(%dma_wait3A_1113 : memref<1024xf32, #tpu.memory_space<hbm>>) dst(%dma_wait3A_1112 : memref<1024xf32, #tpu.memory_space<vmem>>)
    %dma_wait3A_1114 = arith.constant 10240 : i32
    %dma_wait3A_1115 = tpu.memref_slice %arg5[%dma_wait3A_1114] : memref<16384xf32, #tpu.memory_space<vmem>> -> memref<1024xf32, #tpu.memory_space<vmem>>
    %dma_wait3A_1116 = tpu.memref_slice %arg2[%add3A_668] : memref<4194304xf32, #tpu.memory_space<hbm>> -> memref<1024xf32, #tpu.memory_space<hbm>>
    %dma_wait3A_1117 = arith.constant 10240 : i32
    %dma_wait3A_1118 = tpu.memref_slice %arg5[%dma_wait3A_1117] : memref<16384xf32, #tpu.memory_space<vmem>> -> memref<1024xf32, #tpu.memory_space<vmem>>
    %dma_wait3A_1119 = tpu.memref_slice %arg2[%add3A_668] : memref<4194304xf32, #tpu.memory_space<hbm>> -> memref<1024xf32, #tpu.memory_space<hbm>>
    tpu.wait_dma2 semaphore(%arg10 : memref<!tpu.dma_semaphore, #tpu.memory_space<semaphore_mem>>) src(%dma_wait3A_1119 : memref<1024xf32, #tpu.memory_space<hbm>>) dst(%dma_wait3A_1118 : memref<1024xf32, #tpu.memory_space<vmem>>)
    %dma_wait3A_1120 = arith.constant 11264 : i32
    %dma_wait3A_1121 = tpu.memref_slice %arg5[%dma_wait3A_1120] : memref<16384xf32, #tpu.memory_space<vmem>> -> memref<1024xf32, #tpu.memory_space<vmem>>
    %dma_wait3A_1122 = tpu.memref_slice %arg2[%add3A_681] : memref<4194304xf32, #tpu.memory_space<hbm>> -> memref<1024xf32, #tpu.memory_space<hbm>>
    %dma_wait3A_1123 = arith.constant 11264 : i32
    %dma_wait3A_1124 = tpu.memref_slice %arg5[%dma_wait3A_1123] : memref<16384xf32, #tpu.memory_space<vmem>> -> memref<1024xf32, #tpu.memory_space<vmem>>
    %dma_wait3A_1125 = tpu.memref_slice %arg2[%add3A_681] : memref<4194304xf32, #tpu.memory_space<hbm>> -> memref<1024xf32, #tpu.memory_space<hbm>>
    tpu.wait_dma2 semaphore(%arg10 : memref<!tpu.dma_semaphore, #tpu.memory_space<semaphore_mem>>) src(%dma_wait3A_1125 : memref<1024xf32, #tpu.memory_space<hbm>>) dst(%dma_wait3A_1124 : memref<1024xf32, #tpu.memory_space<vmem>>)
    %dma_wait3A_1126 = arith.constant 12288 : i32
    %dma_wait3A_1127 = tpu.memref_slice %arg5[%dma_wait3A_1126] : memref<16384xf32, #tpu.memory_space<vmem>> -> memref<1024xf32, #tpu.memory_space<vmem>>
    %dma_wait3A_1128 = tpu.memref_slice %arg2[%add3A_694] : memref<4194304xf32, #tpu.memory_space<hbm>> -> memref<1024xf32, #tpu.memory_space<hbm>>
    %dma_wait3A_1129 = arith.constant 12288 : i32
    %dma_wait3A_1130 = tpu.memref_slice %arg5[%dma_wait3A_1129] : memref<16384xf32, #tpu.memory_space<vmem>> -> memref<1024xf32, #tpu.memory_space<vmem>>
    %dma_wait3A_1131 = tpu.memref_slice %arg2[%add3A_694] : memref<4194304xf32, #tpu.memory_space<hbm>> -> memref<1024xf32, #tpu.memory_space<hbm>>
    tpu.wait_dma2 semaphore(%arg10 : memref<!tpu.dma_semaphore, #tpu.memory_space<semaphore_mem>>) src(%dma_wait3A_1131 : memref<1024xf32, #tpu.memory_space<hbm>>) dst(%dma_wait3A_1130 : memref<1024xf32, #tpu.memory_space<vmem>>)
    %dma_wait3A_1132 = arith.constant 13312 : i32
    %dma_wait3A_1133 = tpu.memref_slice %arg5[%dma_wait3A_1132] : memref<16384xf32, #tpu.memory_space<vmem>> -> memref<1024xf32, #tpu.memory_space<vmem>>
    %dma_wait3A_1134 = tpu.memref_slice %arg2[%add3A_707] : memref<4194304xf32, #tpu.memory_space<hbm>> -> memref<1024xf32, #tpu.memory_space<hbm>>
    %dma_wait3A_1135 = arith.constant 13312 : i32
    %dma_wait3A_1136 = tpu.memref_slice %arg5[%dma_wait3A_1135] : memref<16384xf32, #tpu.memory_space<vmem>> -> memref<1024xf32, #tpu.memory_space<vmem>>
    %dma_wait3A_1137 = tpu.memref_slice %arg2[%add3A_707] : memref<4194304xf32, #tpu.memory_space<hbm>> -> memref<1024xf32, #tpu.memory_space<hbm>>
    tpu.wait_dma2 semaphore(%arg10 : memref<!tpu.dma_semaphore, #tpu.memory_space<semaphore_mem>>) src(%dma_wait3A_1137 : memref<1024xf32, #tpu.memory_space<hbm>>) dst(%dma_wait3A_1136 : memref<1024xf32, #tpu.memory_space<vmem>>)
    %dma_wait3A_1138 = arith.constant 14336 : i32
    %dma_wait3A_1139 = tpu.memref_slice %arg5[%dma_wait3A_1138] : memref<16384xf32, #tpu.memory_space<vmem>> -> memref<1024xf32, #tpu.memory_space<vmem>>
    %dma_wait3A_1140 = tpu.memref_slice %arg2[%add3A_720] : memref<4194304xf32, #tpu.memory_space<hbm>> -> memref<1024xf32, #tpu.memory_space<hbm>>
    %dma_wait3A_1141 = arith.constant 14336 : i32
    %dma_wait3A_1142 = tpu.memref_slice %arg5[%dma_wait3A_1141] : memref<16384xf32, #tpu.memory_space<vmem>> -> memref<1024xf32, #tpu.memory_space<vmem>>
    %dma_wait3A_1143 = tpu.memref_slice %arg2[%add3A_720] : memref<4194304xf32, #tpu.memory_space<hbm>> -> memref<1024xf32, #tpu.memory_space<hbm>>
    tpu.wait_dma2 semaphore(%arg10 : memref<!tpu.dma_semaphore, #tpu.memory_space<semaphore_mem>>) src(%dma_wait3A_1143 : memref<1024xf32, #tpu.memory_space<hbm>>) dst(%dma_wait3A_1142 : memref<1024xf32, #tpu.memory_space<vmem>>)
    %dma_wait3A_1144 = arith.constant 15360 : i32
    %dma_wait3A_1145 = tpu.memref_slice %arg5[%dma_wait3A_1144] : memref<16384xf32, #tpu.memory_space<vmem>> -> memref<1024xf32, #tpu.memory_space<vmem>>
    %dma_wait3A_1146 = tpu.memref_slice %arg2[%add3A_733] : memref<4194304xf32, #tpu.memory_space<hbm>> -> memref<1024xf32, #tpu.memory_space<hbm>>
    %dma_wait3A_1147 = arith.constant 15360 : i32
    %dma_wait3A_1148 = tpu.memref_slice %arg5[%dma_wait3A_1147] : memref<16384xf32, #tpu.memory_space<vmem>> -> memref<1024xf32, #tpu.memory_space<vmem>>
    %dma_wait3A_1149 = tpu.memref_slice %arg2[%add3A_733] : memref<4194304xf32, #tpu.memory_space<hbm>> -> memref<1024xf32, #tpu.memory_space<hbm>>
    tpu.wait_dma2 semaphore(%arg10 : memref<!tpu.dma_semaphore, #tpu.memory_space<semaphore_mem>>) src(%dma_wait3A_1149 : memref<1024xf32, #tpu.memory_space<hbm>>) dst(%dma_wait3A_1148 : memref<1024xf32, #tpu.memory_space<vmem>>)
    %dma_wait3A_1150 = tpu.memref_slice %arg4[%add3A_529] : memref<2097152xf32, #tpu.memory_space<hbm>> -> memref<16384xf32, #tpu.memory_space<hbm>>
    %dma_wait3A_1151 = tpu.memref_slice %arg4[%add3A_529] : memref<2097152xf32, #tpu.memory_space<hbm>> -> memref<16384xf32, #tpu.memory_space<hbm>>
    tpu.wait_dma2 semaphore(%arg12 : memref<!tpu.dma_semaphore, #tpu.memory_space<semaphore_mem>>) src(%arg7 : memref<16384xf32, #tpu.memory_space<vmem>>) dst(%dma_wait3A_1151 : memref<16384xf32, #tpu.memory_space<hbm>>)
    %scan3A_1152 = arith.constant 0 : i32
    %scan3A_1153 = arith.constant 0 : i32
    %scan3A_1154 = arith.constant 256 : i32
    %scan3A_1155 = arith.addi %scan3A_1153, %scan3A_1154 : i32
    %scan3A_1156 = arith.constant 4 : i32
    scf.for %scan3A_1274 = %scan3A_1153 to %scan3A_1155 step %scan3A_1156  : i32 {
      %mul3A_1275 = arith.constant 64 : i32
      %mul3A_1276 = arith.muli %scan3A_1274, %mul3A_1275 : i32
      %add3A_1277 = arith.constant 0 : i32
      %add3A_1278 = arith.addi %mul3A_1276, %add3A_1277 : i32
      %get3A_1279 = arith.index_cast %add3A_1278 : i32 to index
      %get3A_1280 = tpu.vector_load %arg5[%get3A_1279] {strides = array<i32>} : memref<16384xf32, #tpu.memory_space<vmem>>, vector<16xf32>,
      %get3A_1281 = vector.shape_cast %get3A_1280 : vector<16xf32> to vector<16xf32>
      %mul3A_1282 = vector.broadcast %squeeze3A_4 : f32 to vector<16xf32>
      %mul3A_1283 = arith.mulf %get3A_1281, %mul3A_1282 : vector<16xf32>
      %add3A_1284 = arith.constant 0 : i32
      %add3A_1285 = arith.addi %mul3A_1276, %add3A_1284 : i32
      %swap3A = arith.index_cast %add3A_1285 : i32 to index
      %swap3A_1286 = tpu.vector_load %arg7[%swap3A] {strides = array<i32>} : memref<16384xf32, #tpu.memory_space<vmem>>, vector<16xf32>,
      %swap3A_1287 = vector.shape_cast %swap3A_1286 : vector<16xf32> to vector<16xf32>
      %swap3A_1288 = vector.shape_cast %mul3A_1283 : vector<16xf32> to vector<16xf32>
      tpu.vector_store %arg7[%swap3A], %swap3A_1288 {strides = array<i32>} : memref<16384xf32, #tpu.memory_space<vmem>>, vector<16xf32>,
      %add3A_1289 = arith.constant 16 : i32
      %add3A_1290 = arith.addi %mul3A_1276, %add3A_1289 : i32
      %get3A_1291 = arith.index_cast %add3A_1290 : i32 to index
      %get3A_1292 = tpu.vector_load %arg5[%get3A_1291] {strides = array<i32>} : memref<16384xf32, #tpu.memory_space<vmem>>, vector<16xf32>,
      %get3A_1293 = vector.shape_cast %get3A_1292 : vector<16xf32> to vector<16xf32>
      %mul3A_1294 = vector.broadcast %squeeze3A_4 : f32 to vector<16xf32>
      %mul3A_1295 = arith.mulf %get3A_1293, %mul3A_1294 : vector<16xf32>
      %add3A_1296 = arith.constant 16 : i32
      %add3A_1297 = arith.addi %mul3A_1276, %add3A_1296 : i32
      %swap3A_1298 = arith.index_cast %add3A_1297 : i32 to index
      %swap3A_1299 = tpu.vector_load %arg7[%swap3A_1298] {strides = array<i32>} : memref<16384xf32, #tpu.memory_space<vmem>>, vector<16xf32>,
      %swap3A_1300 = vector.shape_cast %swap3A_1299 : vector<16xf32> to vector<16xf32>
      %swap3A_1301 = vector.shape_cast %mul3A_1295 : vector<16xf32> to vector<16xf32>
      tpu.vector_store %arg7[%swap3A_1298], %swap3A_1301 {strides = array<i32>} : memref<16384xf32, #tpu.memory_space<vmem>>, vector<16xf32>,
      %add3A_1302 = arith.constant 32 : i32
      %add3A_1303 = arith.addi %mul3A_1276, %add3A_1302 : i32
      %get3A_1304 = arith.index_cast %add3A_1303 : i32 to index
      %get3A_1305 = tpu.vector_load %arg5[%get3A_1304] {strides = array<i32>} : memref<16384xf32, #tpu.memory_space<vmem>>, vector<16xf32>,
      %get3A_1306 = vector.shape_cast %get3A_1305 : vector<16xf32> to vector<16xf32>
      %mul3A_1307 = vector.broadcast %squeeze3A_4 : f32 to vector<16xf32>
      %mul3A_1308 = arith.mulf %get3A_1306, %mul3A_1307 : vector<16xf32>
      %add3A_1309 = arith.constant 32 : i32
      %add3A_1310 = arith.addi %mul3A_1276, %add3A_1309 : i32
      %swap3A_1311 = arith.index_cast %add3A_1310 : i32 to index
      %swap3A_1312 = tpu.vector_load %arg7[%swap3A_1311] {strides = array<i32>} : memref<16384xf32, #tpu.memory_space<vmem>>, vector<16xf32>,
      %swap3A_1313 = vector.shape_cast %swap3A_1312 : vector<16xf32> to vector<16xf32>
      %swap3A_1314 = vector.shape_cast %mul3A_1308 : vector<16xf32> to vector<16xf32>
      tpu.vector_store %arg7[%swap3A_1311], %swap3A_1314 {strides = array<i32>} : memref<16384xf32, #tpu.memory_space<vmem>>, vector<16xf32>,
      %add3A_1315 = arith.constant 48 : i32
      %add3A_1316 = arith.addi %mul3A_1276, %add3A_1315 : i32
      %get3A_1317 = arith.index_cast %add3A_1316 : i32 to index
      %get3A_1318 = tpu.vector_load %arg5[%get3A_1317] {strides = array<i32>} : memref<16384xf32, #tpu.memory_space<vmem>>, vector<16xf32>,
      %get3A_1319 = vector.shape_cast %get3A_1318 : vector<16xf32> to vector<16xf32>
      %mul3A_1320 = vector.broadcast %squeeze3A_4 : f32 to vector<16xf32>
      %mul3A_1321 = arith.mulf %get3A_1319, %mul3A_1320 : vector<16xf32>
      %add3A_1322 = arith.constant 48 : i32
      %add3A_1323 = arith.addi %mul3A_1276, %add3A_1322 : i32
      %swap3A_1324 = arith.index_cast %add3A_1323 : i32 to index
      %swap3A_1325 = tpu.vector_load %arg7[%swap3A_1324] {strides = array<i32>} : memref<16384xf32, #tpu.memory_space<vmem>>, vector<16xf32>,
      %swap3A_1326 = vector.shape_cast %swap3A_1325 : vector<16xf32> to vector<16xf32>
      %swap3A_1327 = vector.shape_cast %mul3A_1321 : vector<16xf32> to vector<16xf32>
      tpu.vector_store %arg7[%swap3A_1324], %swap3A_1327 {strides = array<i32>} : memref<16384xf32, #tpu.memory_space<vmem>>, vector<16xf32>,
      %scan3A_1328 = arith.constant 1 : i32
      %scan3A_1329 = arith.addi %scan3A_1274, %scan3A_1328 : i32
      %mul3A_1330 = arith.constant 64 : i32
      %mul3A_1331 = arith.muli %scan3A_1329, %mul3A_1330 : i32
      %add3A_1332 = arith.constant 0 : i32
      %add3A_1333 = arith.addi %mul3A_1331, %add3A_1332 : i32
      %get3A_1334 = arith.index_cast %add3A_1333 : i32 to index
      %get3A_1335 = tpu.vector_load %arg5[%get3A_1334] {strides = array<i32>} : memref<16384xf32, #tpu.memory_space<vmem>>, vector<16xf32>,
      %get3A_1336 = vector.shape_cast %get3A_1335 : vector<16xf32> to vector<16xf32>
      %mul3A_1337 = vector.broadcast %squeeze3A_4 : f32 to vector<16xf32>
      %mul3A_1338 = arith.mulf %get3A_1336, %mul3A_1337 : vector<16xf32>
      %add3A_1339 = arith.constant 0 : i32
      %add3A_1340 = arith.addi %mul3A_1331, %add3A_1339 : i32
      %swap3A_1341 = arith.index_cast %add3A_1340 : i32 to index
      %swap3A_1342 = tpu.vector_load %arg7[%swap3A_1341] {strides = array<i32>} : memref<16384xf32, #tpu.memory_space<vmem>>, vector<16xf32>,
      %swap3A_1343 = vector.shape_cast %swap3A_1342 : vector<16xf32> to vector<16xf32>
      %swap3A_1344 = vector.shape_cast %mul3A_1338 : vector<16xf32> to vector<16xf32>
      tpu.vector_store %arg7[%swap3A_1341], %swap3A_1344 {strides = array<i32>} : memref<16384xf32, #tpu.memory_space<vmem>>, vector<16xf32>,
      %add3A_1345 = arith.constant 16 : i32
      %add3A_1346 = arith.addi %mul3A_1331, %add3A_1345 : i32
      %get3A_1347 = arith.index_cast %add3A_1346 : i32 to index
      %get3A_1348 = tpu.vector_load %arg5[%get3A_1347] {strides = array<i32>} : memref<16384xf32, #tpu.memory_space<vmem>>, vector<16xf32>,
      %get3A_1349 = vector.shape_cast %get3A_1348 : vector<16xf32> to vector<16xf32>
      %mul3A_1350 = vector.broadcast %squeeze3A_4 : f32 to vector<16xf32>
      %mul3A_1351 = arith.mulf %get3A_1349, %mul3A_1350 : vector<16xf32>
      %add3A_1352 = arith.constant 16 : i32
      %add3A_1353 = arith.addi %mul3A_1331, %add3A_1352 : i32
      %swap3A_1354 = arith.index_cast %add3A_1353 : i32 to index
      %swap3A_1355 = tpu.vector_load %arg7[%swap3A_1354] {strides = array<i32>} : memref<16384xf32, #tpu.memory_space<vmem>>, vector<16xf32>,
      %swap3A_1356 = vector.shape_cast %swap3A_1355 : vector<16xf32> to vector<16xf32>
      %swap3A_1357 = vector.shape_cast %mul3A_1351 : vector<16xf32> to vector<16xf32>
      tpu.vector_store %arg7[%swap3A_1354], %swap3A_1357 {strides = array<i32>} : memref<16384xf32, #tpu.memory_space<vmem>>, vector<16xf32>,
      %add3A_1358 = arith.constant 32 : i32
      %add3A_1359 = arith.addi %mul3A_1331, %add3A_1358 : i32
      %get3A_1360 = arith.index_cast %add3A_1359 : i32 to index
      %get3A_1361 = tpu.vector_load %arg5[%get3A_1360] {strides = array<i32>} : memref<16384xf32, #tpu.memory_space<vmem>>, vector<16xf32>,
      %get3A_1362 = vector.shape_cast %get3A_1361 : vector<16xf32> to vector<16xf32>
      %mul3A_1363 = vector.broadcast %squeeze3A_4 : f32 to vector<16xf32>
      %mul3A_1364 = arith.mulf %get3A_1362, %mul3A_1363 : vector<16xf32>
      %add3A_1365 = arith.constant 32 : i32
      %add3A_1366 = arith.addi %mul3A_1331, %add3A_1365 : i32
      %swap3A_1367 = arith.index_cast %add3A_1366 : i32 to index
      %swap3A_1368 = tpu.vector_load %arg7[%swap3A_1367] {strides = array<i32>} : memref<16384xf32, #tpu.memory_space<vmem>>, vector<16xf32>,
      %swap3A_1369 = vector.shape_cast %swap3A_1368 : vector<16xf32> to vector<16xf32>
      %swap3A_1370 = vector.shape_cast %mul3A_1364 : vector<16xf32> to vector<16xf32>
      tpu.vector_store %arg7[%swap3A_1367], %swap3A_1370 {strides = array<i32>} : memref<16384xf32, #tpu.memory_space<vmem>>, vector<16xf32>,
      %add3A_1371 = arith.constant 48 : i32
      %add3A_1372 = arith.addi %mul3A_1331, %add3A_1371 : i32
      %get3A_1373 = arith.index_cast %add3A_1372 : i32 to index
      %get3A_1374 = tpu.vector_load %arg5[%get3A_1373] {strides = array<i32>} : memref<16384xf32, #tpu.memory_space<vmem>>, vector<16xf32>,
      %get3A_1375 = vector.shape_cast %get3A_1374 : vector<16xf32> to vector<16xf32>
      %mul3A_1376 = vector.broadcast %squeeze3A_4 : f32 to vector<16xf32>
      %mul3A_1377 = arith.mulf %get3A_1375, %mul3A_1376 : vector<16xf32>
      %add3A_1378 = arith.constant 48 : i32
      %add3A_1379 = arith.addi %mul3A_1331, %add3A_1378 : i32
      %swap3A_1380 = arith.index_cast %add3A_1379 : i32 to index
      %swap3A_1381 = tpu.vector_load %arg7[%swap3A_1380] {strides = array<i32>} : memref<16384xf32, #tpu.memory_space<vmem>>, vector<16xf32>,
      %swap3A_1382 = vector.shape_cast %swap3A_1381 : vector<16xf32> to vector<16xf32>
      %swap3A_1383 = vector.shape_cast %mul3A_1377 : vector<16xf32> to vector<16xf32>
      tpu.vector_store %arg7[%swap3A_1380], %swap3A_1383 {strides = array<i32>} : memref<16384xf32, #tpu.memory_space<vmem>>, vector<16xf32>,
      %scan3A_1384 = arith.constant 2 : i32
      %scan3A_1385 = arith.addi %scan3A_1274, %scan3A_1384 : i32
      %mul3A_1386 = arith.constant 64 : i32
      %mul3A_1387 = arith.muli %scan3A_1385, %mul3A_1386 : i32
      %add3A_1388 = arith.constant 0 : i32
      %add3A_1389 = arith.addi %mul3A_1387, %add3A_1388 : i32
      %get3A_1390 = arith.index_cast %add3A_1389 : i32 to index
      %get3A_1391 = tpu.vector_load %arg5[%get3A_1390] {strides = array<i32>} : memref<16384xf32, #tpu.memory_space<vmem>>, vector<16xf32>,
      %get3A_1392 = vector.shape_cast %get3A_1391 : vector<16xf32> to vector<16xf32>
      %mul3A_1393 = vector.broadcast %squeeze3A_4 : f32 to vector<16xf32>
      %mul3A_1394 = arith.mulf %get3A_1392, %mul3A_1393 : vector<16xf32>
      %add3A_1395 = arith.constant 0 : i32
      %add3A_1396 = arith.addi %mul3A_1387, %add3A_1395 : i32
      %swap3A_1397 = arith.index_cast %add3A_1396 : i32 to index
      %swap3A_1398 = tpu.vector_load %arg7[%swap3A_1397] {strides = array<i32>} : memref<16384xf32, #tpu.memory_space<vmem>>, vector<16xf32>,
      %swap3A_1399 = vector.shape_cast %swap3A_1398 : vector<16xf32> to vector<16xf32>
      %swap3A_1400 = vector.shape_cast %mul3A_1394 : vector<16xf32> to vector<16xf32>
      tpu.vector_store %arg7[%swap3A_1397], %swap3A_1400 {strides = array<i32>} : memref<16384xf32, #tpu.memory_space<vmem>>, vector<16xf32>,
      %add3A_1401 = arith.constant 16 : i32
      %add3A_1402 = arith.addi %mul3A_1387, %add3A_1401 : i32
      %get3A_1403 = arith.index_cast %add3A_1402 : i32 to index
      %get3A_1404 = tpu.vector_load %arg5[%get3A_1403] {strides = array<i32>} : memref<16384xf32, #tpu.memory_space<vmem>>, vector<16xf32>,
      %get3A_1405 = vector.shape_cast %get3A_1404 : vector<16xf32> to vector<16xf32>
      %mul3A_1406 = vector.broadcast %squeeze3A_4 : f32 to vector<16xf32>
      %mul3A_1407 = arith.mulf %get3A_1405, %mul3A_1406 : vector<16xf32>
      %add3A_1408 = arith.constant 16 : i32
      %add3A_1409 = arith.addi %mul3A_1387, %add3A_1408 : i32
      %swap3A_1410 = arith.index_cast %add3A_1409 : i32 to index
      %swap3A_1411 = tpu.vector_load %arg7[%swap3A_1410] {strides = array<i32>} : memref<16384xf32, #tpu.memory_space<vmem>>, vector<16xf32>,
      %swap3A_1412 = vector.shape_cast %swap3A_1411 : vector<16xf32> to vector<16xf32>
      %swap3A_1413 = vector.shape_cast %mul3A_1407 : vector<16xf32> to vector<16xf32>
      tpu.vector_store %arg7[%swap3A_1410], %swap3A_1413 {strides = array<i32>} : memref<16384xf32, #tpu.memory_space<vmem>>, vector<16xf32>,
      %add3A_1414 = arith.constant 32 : i32
      %add3A_1415 = arith.addi %mul3A_1387, %add3A_1414 : i32
      %get3A_1416 = arith.index_cast %add3A_1415 : i32 to index
      %get3A_1417 = tpu.vector_load %arg5[%get3A_1416] {strides = array<i32>} : memref<16384xf32, #tpu.memory_space<vmem>>, vector<16xf32>,
      %get3A_1418 = vector.shape_cast %get3A_1417 : vector<16xf32> to vector<16xf32>
      %mul3A_1419 = vector.broadcast %squeeze3A_4 : f32 to vector<16xf32>
      %mul3A_1420 = arith.mulf %get3A_1418, %mul3A_1419 : vector<16xf32>
      %add3A_1421 = arith.constant 32 : i32
      %add3A_1422 = arith.addi %mul3A_1387, %add3A_1421 : i32
      %swap3A_1423 = arith.index_cast %add3A_1422 : i32 to index
      %swap3A_1424 = tpu.vector_load %arg7[%swap3A_1423] {strides = array<i32>} : memref<16384xf32, #tpu.memory_space<vmem>>, vector<16xf32>,
      %swap3A_1425 = vector.shape_cast %swap3A_1424 : vector<16xf32> to vector<16xf32>
      %swap3A_1426 = vector.shape_cast %mul3A_1420 : vector<16xf32> to vector<16xf32>
      tpu.vector_store %arg7[%swap3A_1423], %swap3A_1426 {strides = array<i32>} : memref<16384xf32, #tpu.memory_space<vmem>>, vector<16xf32>,
      %add3A_1427 = arith.constant 48 : i32
      %add3A_1428 = arith.addi %mul3A_1387, %add3A_1427 : i32
      %get3A_1429 = arith.index_cast %add3A_1428 : i32 to index
      %get3A_1430 = tpu.vector_load %arg5[%get3A_1429] {strides = array<i32>} : memref<16384xf32, #tpu.memory_space<vmem>>, vector<16xf32>,
      %get3A_1431 = vector.shape_cast %get3A_1430 : vector<16xf32> to vector<16xf32>
      %mul3A_1432 = vector.broadcast %squeeze3A_4 : f32 to vector<16xf32>
      %mul3A_1433 = arith.mulf %get3A_1431, %mul3A_1432 : vector<16xf32>
      %add3A_1434 = arith.constant 48 : i32
      %add3A_1435 = arith.addi %mul3A_1387, %add3A_1434 : i32
      %swap3A_1436 = arith.index_cast %add3A_1435 : i32 to index
      %swap3A_1437 = tpu.vector_load %arg7[%swap3A_1436] {strides = array<i32>} : memref<16384xf32, #tpu.memory_space<vmem>>, vector<16xf32>,
      %swap3A_1438 = vector.shape_cast %swap3A_1437 : vector<16xf32> to vector<16xf32>
      %swap3A_1439 = vector.shape_cast %mul3A_1433 : vector<16xf32> to vector<16xf32>
      tpu.vector_store %arg7[%swap3A_1436], %swap3A_1439 {strides = array<i32>} : memref<16384xf32, #tpu.memory_space<vmem>>, vector<16xf32>,
      %scan3A_1440 = arith.constant 3 : i32
      %scan3A_1441 = arith.addi %scan3A_1274, %scan3A_1440 : i32
      %mul3A_1442 = arith.constant 64 : i32
      %mul3A_1443 = arith.muli %scan3A_1441, %mul3A_1442 : i32
      %add3A_1444 = arith.constant 0 : i32
      %add3A_1445 = arith.addi %mul3A_1443, %add3A_1444 : i32
      %get3A_1446 = arith.index_cast %add3A_1445 : i32 to index
      %get3A_1447 = tpu.vector_load %arg5[%get3A_1446] {strides = array<i32>} : memref<16384xf32, #tpu.memory_space<vmem>>, vector<16xf32>,
      %get3A_1448 = vector.shape_cast %get3A_1447 : vector<16xf32> to vector<16xf32>
      %mul3A_1449 = vector.broadcast %squeeze3A_4 : f32 to vector<16xf32>
      %mul3A_1450 = arith.mulf %get3A_1448, %mul3A_1449 : vector<16xf32>
      %add3A_1451 = arith.constant 0 : i32
      %add3A_1452 = arith.addi %mul3A_1443, %add3A_1451 : i32
      %swap3A_1453 = arith.index_cast %add3A_1452 : i32 to index
      %swap3A_1454 = tpu.vector_load %arg7[%swap3A_1453] {strides = array<i32>} : memref<16384xf32, #tpu.memory_space<vmem>>, vector<16xf32>,
      %swap3A_1455 = vector.shape_cast %swap3A_1454 : vector<16xf32> to vector<16xf32>
      %swap3A_1456 = vector.shape_cast %mul3A_1450 : vector<16xf32> to vector<16xf32>
      tpu.vector_store %arg7[%swap3A_1453], %swap3A_1456 {strides = array<i32>} : memref<16384xf32, #tpu.memory_space<vmem>>, vector<16xf32>,
      %add3A_1457 = arith.constant 16 : i32
      %add3A_1458 = arith.addi %mul3A_1443, %add3A_1457 : i32
      %get3A_1459 = arith.index_cast %add3A_1458 : i32 to index
      %get3A_1460 = tpu.vector_load %arg5[%get3A_1459] {strides = array<i32>} : memref<16384xf32, #tpu.memory_space<vmem>>, vector<16xf32>,
      %get3A_1461 = vector.shape_cast %get3A_1460 : vector<16xf32> to vector<16xf32>
      %mul3A_1462 = vector.broadcast %squeeze3A_4 : f32 to vector<16xf32>
      %mul3A_1463 = arith.mulf %get3A_1461, %mul3A_1462 : vector<16xf32>
      %add3A_1464 = arith.constant 16 : i32
      %add3A_1465 = arith.addi %mul3A_1443, %add3A_1464 : i32
      %swap3A_1466 = arith.index_cast %add3A_1465 : i32 to index
      %swap3A_1467 = tpu.vector_load %arg7[%swap3A_1466] {strides = array<i32>} : memref<16384xf32, #tpu.memory_space<vmem>>, vector<16xf32>,
      %swap3A_1468 = vector.shape_cast %swap3A_1467 : vector<16xf32> to vector<16xf32>
      %swap3A_1469 = vector.shape_cast %mul3A_1463 : vector<16xf32> to vector<16xf32>
      tpu.vector_store %arg7[%swap3A_1466], %swap3A_1469 {strides = array<i32>} : memref<16384xf32, #tpu.memory_space<vmem>>, vector<16xf32>,
      %add3A_1470 = arith.constant 32 : i32
      %add3A_1471 = arith.addi %mul3A_1443, %add3A_1470 : i32
      %get3A_1472 = arith.index_cast %add3A_1471 : i32 to index
      %get3A_1473 = tpu.vector_load %arg5[%get3A_1472] {strides = array<i32>} : memref<16384xf32, #tpu.memory_space<vmem>>, vector<16xf32>,
      %get3A_1474 = vector.shape_cast %get3A_1473 : vector<16xf32> to vector<16xf32>
      %mul3A_1475 = vector.broadcast %squeeze3A_4 : f32 to vector<16xf32>
      %mul3A_1476 = arith.mulf %get3A_1474, %mul3A_1475 : vector<16xf32>
      %add3A_1477 = arith.constant 32 : i32
      %add3A_1478 = arith.addi %mul3A_1443, %add3A_1477 : i32
      %swap3A_1479 = arith.index_cast %add3A_1478 : i32 to index
      %swap3A_1480 = tpu.vector_load %arg7[%swap3A_1479] {strides = array<i32>} : memref<16384xf32, #tpu.memory_space<vmem>>, vector<16xf32>,
      %swap3A_1481 = vector.shape_cast %swap3A_1480 : vector<16xf32> to vector<16xf32>
      %swap3A_1482 = vector.shape_cast %mul3A_1476 : vector<16xf32> to vector<16xf32>
      tpu.vector_store %arg7[%swap3A_1479], %swap3A_1482 {strides = array<i32>} : memref<16384xf32, #tpu.memory_space<vmem>>, vector<16xf32>,
      %add3A_1483 = arith.constant 48 : i32
      %add3A_1484 = arith.addi %mul3A_1443, %add3A_1483 : i32
      %get3A_1485 = arith.index_cast %add3A_1484 : i32 to index
      %get3A_1486 = tpu.vector_load %arg5[%get3A_1485] {strides = array<i32>} : memref<16384xf32, #tpu.memory_space<vmem>>, vector<16xf32>,
      %get3A_1487 = vector.shape_cast %get3A_1486 : vector<16xf32> to vector<16xf32>
      %mul3A_1488 = vector.broadcast %squeeze3A_4 : f32 to vector<16xf32>
      %mul3A_1489 = arith.mulf %get3A_1487, %mul3A_1488 : vector<16xf32>
      %add3A_1490 = arith.constant 48 : i32
      %add3A_1491 = arith.addi %mul3A_1443, %add3A_1490 : i32
      %swap3A_1492 = arith.index_cast %add3A_1491 : i32 to index
      %swap3A_1493 = tpu.vector_load %arg7[%swap3A_1492] {strides = array<i32>} : memref<16384xf32, #tpu.memory_space<vmem>>, vector<16xf32>,
      %swap3A_1494 = vector.shape_cast %swap3A_1493 : vector<16xf32> to vector<16xf32>
      %swap3A_1495 = vector.shape_cast %mul3A_1489 : vector<16xf32> to vector<16xf32>
      tpu.vector_store %arg7[%swap3A_1492], %swap3A_1495 {strides = array<i32>} : memref<16384xf32, #tpu.memory_space<vmem>>, vector<16xf32>,
    }
    %scan3A_1157 = arith.constant 256 : i32
    %add3A_1158 = arith.constant 32768 : i32
    %add3A_1159 = arith.addi %mul3A_12, %add3A_1158 : i32
    %dma_start3A_1160 = tpu.memref_slice %arg4[%add3A_1159] : memref<2097152xf32, #tpu.memory_space<hbm>> -> memref<16384xf32, #tpu.memory_space<hbm>>
    %dma_start3A_1161 = tpu.memref_slice %arg4[%add3A_1159] : memref<2097152xf32, #tpu.memory_space<hbm>> -> memref<16384xf32, #tpu.memory_space<hbm>>
    tpu.enqueue_dma source(%arg7 : memref<16384xf32, #tpu.memory_space<vmem>>) target(%dma_start3A_1161 : memref<16384xf32, #tpu.memory_space<hbm>>) target_semaphore(%arg12 : memref<!tpu.dma_semaphore, #tpu.memory_space<semaphore_mem>>)
    %dma_wait3A_1162 = arith.constant 0 : i32
    %dma_wait3A_1163 = tpu.memref_slice %arg6[%dma_wait3A_1162] : memref<16384xf32, #tpu.memory_space<vmem>> -> memref<1024xf32, #tpu.memory_space<vmem>>
    %dma_wait3A_1164 = tpu.memref_slice %arg2[%add3A_852] : memref<4194304xf32, #tpu.memory_space<hbm>> -> memref<1024xf32, #tpu.memory_space<hbm>>
    %dma_wait3A_1165 = arith.constant 0 : i32
    %dma_wait3A_1166 = tpu.memref_slice %arg6[%dma_wait3A_1165] : memref<16384xf32, #tpu.memory_space<vmem>> -> memref<1024xf32, #tpu.memory_space<vmem>>
    %dma_wait3A_1167 = tpu.memref_slice %arg2[%add3A_852] : memref<4194304xf32, #tpu.memory_space<hbm>> -> memref<1024xf32, #tpu.memory_space<hbm>>
    tpu.wait_dma2 semaphore(%arg11 : memref<!tpu.dma_semaphore, #tpu.memory_space<semaphore_mem>>) src(%dma_wait3A_1167 : memref<1024xf32, #tpu.memory_space<hbm>>) dst(%dma_wait3A_1166 : memref<1024xf32, #tpu.memory_space<vmem>>)
    %dma_wait3A_1168 = arith.constant 1024 : i32
    %dma_wait3A_1169 = tpu.memref_slice %arg6[%dma_wait3A_1168] : memref<16384xf32, #tpu.memory_space<vmem>> -> memref<1024xf32, #tpu.memory_space<vmem>>
    %dma_wait3A_1170 = tpu.memref_slice %arg2[%add3A_865] : memref<4194304xf32, #tpu.memory_space<hbm>> -> memref<1024xf32, #tpu.memory_space<hbm>>
    %dma_wait3A_1171 = arith.constant 1024 : i32
    %dma_wait3A_1172 = tpu.memref_slice %arg6[%dma_wait3A_1171] : memref<16384xf32, #tpu.memory_space<vmem>> -> memref<1024xf32, #tpu.memory_space<vmem>>
    %dma_wait3A_1173 = tpu.memref_slice %arg2[%add3A_865] : memref<4194304xf32, #tpu.memory_space<hbm>> -> memref<1024xf32, #tpu.memory_space<hbm>>
    tpu.wait_dma2 semaphore(%arg11 : memref<!tpu.dma_semaphore, #tpu.memory_space<semaphore_mem>>) src(%dma_wait3A_1173 : memref<1024xf32, #tpu.memory_space<hbm>>) dst(%dma_wait3A_1172 : memref<1024xf32, #tpu.memory_space<vmem>>)
    %dma_wait3A_1174 = arith.constant 2048 : i32
    %dma_wait3A_1175 = tpu.memref_slice %arg6[%dma_wait3A_1174] : memref<16384xf32, #tpu.memory_space<vmem>> -> memref<1024xf32, #tpu.memory_space<vmem>>
    %dma_wait3A_1176 = tpu.memref_slice %arg2[%add3A_878] : memref<4194304xf32, #tpu.memory_space<hbm>> -> memref<1024xf32, #tpu.memory_space<hbm>>
    %dma_wait3A_1177 = arith.constant 2048 : i32
    %dma_wait3A_1178 = tpu.memref_slice %arg6[%dma_wait3A_1177] : memref<16384xf32, #tpu.memory_space<vmem>> -> memref<1024xf32, #tpu.memory_space<vmem>>
    %dma_wait3A_1179 = tpu.memref_slice %arg2[%add3A_878] : memref<4194304xf32, #tpu.memory_space<hbm>> -> memref<1024xf32, #tpu.memory_space<hbm>>
    tpu.wait_dma2 semaphore(%arg11 : memref<!tpu.dma_semaphore, #tpu.memory_space<semaphore_mem>>) src(%dma_wait3A_1179 : memref<1024xf32, #tpu.memory_space<hbm>>) dst(%dma_wait3A_1178 : memref<1024xf32, #tpu.memory_space<vmem>>)
    %dma_wait3A_1180 = arith.constant 3072 : i32
    %dma_wait3A_1181 = tpu.memref_slice %arg6[%dma_wait3A_1180] : memref<16384xf32, #tpu.memory_space<vmem>> -> memref<1024xf32, #tpu.memory_space<vmem>>
    %dma_wait3A_1182 = tpu.memref_slice %arg2[%add3A_891] : memref<4194304xf32, #tpu.memory_space<hbm>> -> memref<1024xf32, #tpu.memory_space<hbm>>
    %dma_wait3A_1183 = arith.constant 3072 : i32
    %dma_wait3A_1184 = tpu.memref_slice %arg6[%dma_wait3A_1183] : memref<16384xf32, #tpu.memory_space<vmem>> -> memref<1024xf32, #tpu.memory_space<vmem>>
    %dma_wait3A_1185 = tpu.memref_slice %arg2[%add3A_891] : memref<4194304xf32, #tpu.memory_space<hbm>> -> memref<1024xf32, #tpu.memory_space<hbm>>
    tpu.wait_dma2 semaphore(%arg11 : memref<!tpu.dma_semaphore, #tpu.memory_space<semaphore_mem>>) src(%dma_wait3A_1185 : memref<1024xf32, #tpu.memory_space<hbm>>) dst(%dma_wait3A_1184 : memref<1024xf32, #tpu.memory_space<vmem>>)
    %dma_wait3A_1186 = arith.constant 4096 : i32
    %dma_wait3A_1187 = tpu.memref_slice %arg6[%dma_wait3A_1186] : memref<16384xf32, #tpu.memory_space<vmem>> -> memref<1024xf32, #tpu.memory_space<vmem>>
    %dma_wait3A_1188 = tpu.memref_slice %arg2[%add3A_904] : memref<4194304xf32, #tpu.memory_space<hbm>> -> memref<1024xf32, #tpu.memory_space<hbm>>
    %dma_wait3A_1189 = arith.constant 4096 : i32
    %dma_wait3A_1190 = tpu.memref_slice %arg6[%dma_wait3A_1189] : memref<16384xf32, #tpu.memory_space<vmem>> -> memref<1024xf32, #tpu.memory_space<vmem>>
    %dma_wait3A_1191 = tpu.memref_slice %arg2[%add3A_904] : memref<4194304xf32, #tpu.memory_space<hbm>> -> memref<1024xf32, #tpu.memory_space<hbm>>
    tpu.wait_dma2 semaphore(%arg11 : memref<!tpu.dma_semaphore, #tpu.memory_space<semaphore_mem>>) src(%dma_wait3A_1191 : memref<1024xf32, #tpu.memory_space<hbm>>) dst(%dma_wait3A_1190 : memref<1024xf32, #tpu.memory_space<vmem>>)
    %dma_wait3A_1192 = arith.constant 5120 : i32
    %dma_wait3A_1193 = tpu.memref_slice %arg6[%dma_wait3A_1192] : memref<16384xf32, #tpu.memory_space<vmem>> -> memref<1024xf32, #tpu.memory_space<vmem>>
    %dma_wait3A_1194 = tpu.memref_slice %arg2[%add3A_917] : memref<4194304xf32, #tpu.memory_space<hbm>> -> memref<1024xf32, #tpu.memory_space<hbm>>
    %dma_wait3A_1195 = arith.constant 5120 : i32
    %dma_wait3A_1196 = tpu.memref_slice %arg6[%dma_wait3A_1195] : memref<16384xf32, #tpu.memory_space<vmem>> -> memref<1024xf32, #tpu.memory_space<vmem>>
    %dma_wait3A_1197 = tpu.memref_slice %arg2[%add3A_917] : memref<4194304xf32, #tpu.memory_space<hbm>> -> memref<1024xf32, #tpu.memory_space<hbm>>
    tpu.wait_dma2 semaphore(%arg11 : memref<!tpu.dma_semaphore, #tpu.memory_space<semaphore_mem>>) src(%dma_wait3A_1197 : memref<1024xf32, #tpu.memory_space<hbm>>) dst(%dma_wait3A_1196 : memref<1024xf32, #tpu.memory_space<vmem>>)
    %dma_wait3A_1198 = arith.constant 6144 : i32
    %dma_wait3A_1199 = tpu.memref_slice %arg6[%dma_wait3A_1198] : memref<16384xf32, #tpu.memory_space<vmem>> -> memref<1024xf32, #tpu.memory_space<vmem>>
    %dma_wait3A_1200 = tpu.memref_slice %arg2[%add3A_930] : memref<4194304xf32, #tpu.memory_space<hbm>> -> memref<1024xf32, #tpu.memory_space<hbm>>
    %dma_wait3A_1201 = arith.constant 6144 : i32
    %dma_wait3A_1202 = tpu.memref_slice %arg6[%dma_wait3A_1201] : memref<16384xf32, #tpu.memory_space<vmem>> -> memref<1024xf32, #tpu.memory_space<vmem>>
    %dma_wait3A_1203 = tpu.memref_slice %arg2[%add3A_930] : memref<4194304xf32, #tpu.memory_space<hbm>> -> memref<1024xf32, #tpu.memory_space<hbm>>
    tpu.wait_dma2 semaphore(%arg11 : memref<!tpu.dma_semaphore, #tpu.memory_space<semaphore_mem>>) src(%dma_wait3A_1203 : memref<1024xf32, #tpu.memory_space<hbm>>) dst(%dma_wait3A_1202 : memref<1024xf32, #tpu.memory_space<vmem>>)
    %dma_wait3A_1204 = arith.constant 7168 : i32
    %dma_wait3A_1205 = tpu.memref_slice %arg6[%dma_wait3A_1204] : memref<16384xf32, #tpu.memory_space<vmem>> -> memref<1024xf32, #tpu.memory_space<vmem>>
    %dma_wait3A_1206 = tpu.memref_slice %arg2[%add3A_943] : memref<4194304xf32, #tpu.memory_space<hbm>> -> memref<1024xf32, #tpu.memory_space<hbm>>
    %dma_wait3A_1207 = arith.constant 7168 : i32
    %dma_wait3A_1208 = tpu.memref_slice %arg6[%dma_wait3A_1207] : memref<16384xf32, #tpu.memory_space<vmem>> -> memref<1024xf32, #tpu.memory_space<vmem>>
    %dma_wait3A_1209 = tpu.memref_slice %arg2[%add3A_943] : memref<4194304xf32, #tpu.memory_space<hbm>> -> memref<1024xf32, #tpu.memory_space<hbm>>
    tpu.wait_dma2 semaphore(%arg11 : memref<!tpu.dma_semaphore, #tpu.memory_space<semaphore_mem>>) src(%dma_wait3A_1209 : memref<1024xf32, #tpu.memory_space<hbm>>) dst(%dma_wait3A_1208 : memref<1024xf32, #tpu.memory_space<vmem>>)
    %dma_wait3A_1210 = arith.constant 8192 : i32
    %dma_wait3A_1211 = tpu.memref_slice %arg6[%dma_wait3A_1210] : memref<16384xf32, #tpu.memory_space<vmem>> -> memref<1024xf32, #tpu.memory_space<vmem>>
    %dma_wait3A_1212 = tpu.memref_slice %arg2[%add3A_956] : memref<4194304xf32, #tpu.memory_space<hbm>> -> memref<1024xf32, #tpu.memory_space<hbm>>
    %dma_wait3A_1213 = arith.constant 8192 : i32
    %dma_wait3A_1214 = tpu.memref_slice %arg6[%dma_wait3A_1213] : memref<16384xf32, #tpu.memory_space<vmem>> -> memref<1024xf32, #tpu.memory_space<vmem>>
    %dma_wait3A_1215 = tpu.memref_slice %arg2[%add3A_956] : memref<4194304xf32, #tpu.memory_space<hbm>> -> memref<1024xf32, #tpu.memory_space<hbm>>
    tpu.wait_dma2 semaphore(%arg11 : memref<!tpu.dma_semaphore, #tpu.memory_space<semaphore_mem>>) src(%dma_wait3A_1215 : memref<1024xf32, #tpu.memory_space<hbm>>) dst(%dma_wait3A_1214 : memref<1024xf32, #tpu.memory_space<vmem>>)
    %dma_wait3A_1216 = arith.constant 9216 : i32
    %dma_wait3A_1217 = tpu.memref_slice %arg6[%dma_wait3A_1216] : memref<16384xf32, #tpu.memory_space<vmem>> -> memref<1024xf32, #tpu.memory_space<vmem>>
    %dma_wait3A_1218 = tpu.memref_slice %arg2[%add3A_969] : memref<4194304xf32, #tpu.memory_space<hbm>> -> memref<1024xf32, #tpu.memory_space<hbm>>
    %dma_wait3A_1219 = arith.constant 9216 : i32
    %dma_wait3A_1220 = tpu.memref_slice %arg6[%dma_wait3A_1219] : memref<16384xf32, #tpu.memory_space<vmem>> -> memref<1024xf32, #tpu.memory_space<vmem>>
    %dma_wait3A_1221 = tpu.memref_slice %arg2[%add3A_969] : memref<4194304xf32, #tpu.memory_space<hbm>> -> memref<1024xf32, #tpu.memory_space<hbm>>
    tpu.wait_dma2 semaphore(%arg11 : memref<!tpu.dma_semaphore, #tpu.memory_space<semaphore_mem>>) src(%dma_wait3A_1221 : memref<1024xf32, #tpu.memory_space<hbm>>) dst(%dma_wait3A_1220 : memref<1024xf32, #tpu.memory_space<vmem>>)
    %dma_wait3A_1222 = arith.constant 10240 : i32
    %dma_wait3A_1223 = tpu.memref_slice %arg6[%dma_wait3A_1222] : memref<16384xf32, #tpu.memory_space<vmem>> -> memref<1024xf32, #tpu.memory_space<vmem>>
    %dma_wait3A_1224 = tpu.memref_slice %arg2[%add3A_982] : memref<4194304xf32, #tpu.memory_space<hbm>> -> memref<1024xf32, #tpu.memory_space<hbm>>
    %dma_wait3A_1225 = arith.constant 10240 : i32
    %dma_wait3A_1226 = tpu.memref_slice %arg6[%dma_wait3A_1225] : memref<16384xf32, #tpu.memory_space<vmem>> -> memref<1024xf32, #tpu.memory_space<vmem>>
    %dma_wait3A_1227 = tpu.memref_slice %arg2[%add3A_982] : memref<4194304xf32, #tpu.memory_space<hbm>> -> memref<1024xf32, #tpu.memory_space<hbm>>
    tpu.wait_dma2 semaphore(%arg11 : memref<!tpu.dma_semaphore, #tpu.memory_space<semaphore_mem>>) src(%dma_wait3A_1227 : memref<1024xf32, #tpu.memory_space<hbm>>) dst(%dma_wait3A_1226 : memref<1024xf32, #tpu.memory_space<vmem>>)
    %dma_wait3A_1228 = arith.constant 11264 : i32
    %dma_wait3A_1229 = tpu.memref_slice %arg6[%dma_wait3A_1228] : memref<16384xf32, #tpu.memory_space<vmem>> -> memref<1024xf32, #tpu.memory_space<vmem>>
    %dma_wait3A_1230 = tpu.memref_slice %arg2[%add3A_995] : memref<4194304xf32, #tpu.memory_space<hbm>> -> memref<1024xf32, #tpu.memory_space<hbm>>
    %dma_wait3A_1231 = arith.constant 11264 : i32
    %dma_wait3A_1232 = tpu.memref_slice %arg6[%dma_wait3A_1231] : memref<16384xf32, #tpu.memory_space<vmem>> -> memref<1024xf32, #tpu.memory_space<vmem>>
    %dma_wait3A_1233 = tpu.memref_slice %arg2[%add3A_995] : memref<4194304xf32, #tpu.memory_space<hbm>> -> memref<1024xf32, #tpu.memory_space<hbm>>
    tpu.wait_dma2 semaphore(%arg11 : memref<!tpu.dma_semaphore, #tpu.memory_space<semaphore_mem>>) src(%dma_wait3A_1233 : memref<1024xf32, #tpu.memory_space<hbm>>) dst(%dma_wait3A_1232 : memref<1024xf32, #tpu.memory_space<vmem>>)
    %dma_wait3A_1234 = arith.constant 12288 : i32
    %dma_wait3A_1235 = tpu.memref_slice %arg6[%dma_wait3A_1234] : memref<16384xf32, #tpu.memory_space<vmem>> -> memref<1024xf32, #tpu.memory_space<vmem>>
    %dma_wait3A_1236 = tpu.memref_slice %arg2[%add3A_1008] : memref<4194304xf32, #tpu.memory_space<hbm>> -> memref<1024xf32, #tpu.memory_space<hbm>>
    %dma_wait3A_1237 = arith.constant 12288 : i32
    %dma_wait3A_1238 = tpu.memref_slice %arg6[%dma_wait3A_1237] : memref<16384xf32, #tpu.memory_space<vmem>> -> memref<1024xf32, #tpu.memory_space<vmem>>
    %dma_wait3A_1239 = tpu.memref_slice %arg2[%add3A_1008] : memref<4194304xf32, #tpu.memory_space<hbm>> -> memref<1024xf32, #tpu.memory_space<hbm>>
    tpu.wait_dma2 semaphore(%arg11 : memref<!tpu.dma_semaphore, #tpu.memory_space<semaphore_mem>>) src(%dma_wait3A_1239 : memref<1024xf32, #tpu.memory_space<hbm>>) dst(%dma_wait3A_1238 : memref<1024xf32, #tpu.memory_space<vmem>>)
    %dma_wait3A_1240 = arith.constant 13312 : i32
    %dma_wait3A_1241 = tpu.memref_slice %arg6[%dma_wait3A_1240] : memref<16384xf32, #tpu.memory_space<vmem>> -> memref<1024xf32, #tpu.memory_space<vmem>>
    %dma_wait3A_1242 = tpu.memref_slice %arg2[%add3A_1021] : memref<4194304xf32, #tpu.memory_space<hbm>> -> memref<1024xf32, #tpu.memory_space<hbm>>
    %dma_wait3A_1243 = arith.constant 13312 : i32
    %dma_wait3A_1244 = tpu.memref_slice %arg6[%dma_wait3A_1243] : memref<16384xf32, #tpu.memory_space<vmem>> -> memref<1024xf32, #tpu.memory_space<vmem>>
    %dma_wait3A_1245 = tpu.memref_slice %arg2[%add3A_1021] : memref<4194304xf32, #tpu.memory_space<hbm>> -> memref<1024xf32, #tpu.memory_space<hbm>>
    tpu.wait_dma2 semaphore(%arg11 : memref<!tpu.dma_semaphore, #tpu.memory_space<semaphore_mem>>) src(%dma_wait3A_1245 : memref<1024xf32, #tpu.memory_space<hbm>>) dst(%dma_wait3A_1244 : memref<1024xf32, #tpu.memory_space<vmem>>)
    %dma_wait3A_1246 = arith.constant 14336 : i32
    %dma_wait3A_1247 = tpu.memref_slice %arg6[%dma_wait3A_1246] : memref<16384xf32, #tpu.memory_space<vmem>> -> memref<1024xf32, #tpu.memory_space<vmem>>
    %dma_wait3A_1248 = tpu.memref_slice %arg2[%add3A_1034] : memref<4194304xf32, #tpu.memory_space<hbm>> -> memref<1024xf32, #tpu.memory_space<hbm>>
    %dma_wait3A_1249 = arith.constant 14336 : i32
    %dma_wait3A_1250 = tpu.memref_slice %arg6[%dma_wait3A_1249] : memref<16384xf32, #tpu.memory_space<vmem>> -> memref<1024xf32, #tpu.memory_space<vmem>>
    %dma_wait3A_1251 = tpu.memref_slice %arg2[%add3A_1034] : memref<4194304xf32, #tpu.memory_space<hbm>> -> memref<1024xf32, #tpu.memory_space<hbm>>
    tpu.wait_dma2 semaphore(%arg11 : memref<!tpu.dma_semaphore, #tpu.memory_space<semaphore_mem>>) src(%dma_wait3A_1251 : memref<1024xf32, #tpu.memory_space<hbm>>) dst(%dma_wait3A_1250 : memref<1024xf32, #tpu.memory_space<vmem>>)
    %dma_wait3A_1252 = arith.constant 15360 : i32
    %dma_wait3A_1253 = tpu.memref_slice %arg6[%dma_wait3A_1252] : memref<16384xf32, #tpu.memory_space<vmem>> -> memref<1024xf32, #tpu.memory_space<vmem>>
    %dma_wait3A_1254 = tpu.memref_slice %arg2[%add3A_1047] : memref<4194304xf32, #tpu.memory_space<hbm>> -> memref<1024xf32, #tpu.memory_space<hbm>>
    %dma_wait3A_1255 = arith.constant 15360 : i32
    %dma_wait3A_1256 = tpu.memref_slice %arg6[%dma_wait3A_1255] : memref<16384xf32, #tpu.memory_space<vmem>> -> memref<1024xf32, #tpu.memory_space<vmem>>
    %dma_wait3A_1257 = tpu.memref_slice %arg2[%add3A_1047] : memref<4194304xf32, #tpu.memory_space<hbm>> -> memref<1024xf32, #tpu.memory_space<hbm>>
    tpu.wait_dma2 semaphore(%arg11 : memref<!tpu.dma_semaphore, #tpu.memory_space<semaphore_mem>>) src(%dma_wait3A_1257 : memref<1024xf32, #tpu.memory_space<hbm>>) dst(%dma_wait3A_1256 : memref<1024xf32, #tpu.memory_space<vmem>>)
    %dma_wait3A_1258 = tpu.memref_slice %arg4[%add3A_843] : memref<2097152xf32, #tpu.memory_space<hbm>> -> memref<16384xf32, #tpu.memory_space<hbm>>
    %dma_wait3A_1259 = tpu.memref_slice %arg4[%add3A_843] : memref<2097152xf32, #tpu.memory_space<hbm>> -> memref<16384xf32, #tpu.memory_space<hbm>>
    tpu.wait_dma2 semaphore(%arg13 : memref<!tpu.dma_semaphore, #tpu.memory_space<semaphore_mem>>) src(%arg8 : memref<16384xf32, #tpu.memory_space<vmem>>) dst(%dma_wait3A_1259 : memref<16384xf32, #tpu.memory_space<hbm>>)
    %scan3A_1260 = arith.constant 0 : i32
    %scan3A_1261 = arith.constant 0 : i32
    %scan3A_1262 = arith.constant 256 : i32
    %scan3A_1263 = arith.addi %scan3A_1261, %scan3A_1262 : i32
    %scan3A_1264 = arith.constant 4 : i32
    scf.for %scan3A_1274 = %scan3A_1261 to %scan3A_1263 step %scan3A_1264  : i32 {
      %mul3A_1275 = arith.constant 64 : i32
      %mul3A_1276 = arith.muli %scan3A_1274, %mul3A_1275 : i32
      %add3A_1277 = arith.constant 0 : i32
      %add3A_1278 = arith.addi %mul3A_1276, %add3A_1277 : i32
      %get3A_1279 = arith.index_cast %add3A_1278 : i32 to index
      %get3A_1280 = tpu.vector_load %arg6[%get3A_1279] {strides = array<i32>} : memref<16384xf32, #tpu.memory_space<vmem>>, vector<16xf32>,
      %get3A_1281 = vector.shape_cast %get3A_1280 : vector<16xf32> to vector<16xf32>
      %mul3A_1282 = vector.broadcast %squeeze3A_4 : f32 to vector<16xf32>
      %mul3A_1283 = arith.mulf %get3A_1281, %mul3A_1282 : vector<16xf32>
      %add3A_1284 = arith.constant 0 : i32
      %add3A_1285 = arith.addi %mul3A_1276, %add3A_1284 : i32
      %swap3A = arith.index_cast %add3A_1285 : i32 to index
      %swap3A_1286 = tpu.vector_load %arg8[%swap3A] {strides = array<i32>} : memref<16384xf32, #tpu.memory_space<vmem>>, vector<16xf32>,
      %swap3A_1287 = vector.shape_cast %swap3A_1286 : vector<16xf32> to vector<16xf32>
      %swap3A_1288 = vector.shape_cast %mul3A_1283 : vector<16xf32> to vector<16xf32>
      tpu.vector_store %arg8[%swap3A], %swap3A_1288 {strides = array<i32>} : memref<16384xf32, #tpu.memory_space<vmem>>, vector<16xf32>,
      %add3A_1289 = arith.constant 16 : i32
      %add3A_1290 = arith.addi %mul3A_1276, %add3A_1289 : i32
      %get3A_1291 = arith.index_cast %add3A_1290 : i32 to index
      %get3A_1292 = tpu.vector_load %arg6[%get3A_1291] {strides = array<i32>} : memref<16384xf32, #tpu.memory_space<vmem>>, vector<16xf32>,
      %get3A_1293 = vector.shape_cast %get3A_1292 : vector<16xf32> to vector<16xf32>
      %mul3A_1294 = vector.broadcast %squeeze3A_4 : f32 to vector<16xf32>
      %mul3A_1295 = arith.mulf %get3A_1293, %mul3A_1294 : vector<16xf32>
      %add3A_1296 = arith.constant 16 : i32
      %add3A_1297 = arith.addi %mul3A_1276, %add3A_1296 : i32
      %swap3A_1298 = arith.index_cast %add3A_1297 : i32 to index
      %swap3A_1299 = tpu.vector_load %arg8[%swap3A_1298] {strides = array<i32>} : memref<16384xf32, #tpu.memory_space<vmem>>, vector<16xf32>,
      %swap3A_1300 = vector.shape_cast %swap3A_1299 : vector<16xf32> to vector<16xf32>
      %swap3A_1301 = vector.shape_cast %mul3A_1295 : vector<16xf32> to vector<16xf32>
      tpu.vector_store %arg8[%swap3A_1298], %swap3A_1301 {strides = array<i32>} : memref<16384xf32, #tpu.memory_space<vmem>>, vector<16xf32>,
      %add3A_1302 = arith.constant 32 : i32
      %add3A_1303 = arith.addi %mul3A_1276, %add3A_1302 : i32
      %get3A_1304 = arith.index_cast %add3A_1303 : i32 to index
      %get3A_1305 = tpu.vector_load %arg6[%get3A_1304] {strides = array<i32>} : memref<16384xf32, #tpu.memory_space<vmem>>, vector<16xf32>,
      %get3A_1306 = vector.shape_cast %get3A_1305 : vector<16xf32> to vector<16xf32>
      %mul3A_1307 = vector.broadcast %squeeze3A_4 : f32 to vector<16xf32>
      %mul3A_1308 = arith.mulf %get3A_1306, %mul3A_1307 : vector<16xf32>
      %add3A_1309 = arith.constant 32 : i32
      %add3A_1310 = arith.addi %mul3A_1276, %add3A_1309 : i32
      %swap3A_1311 = arith.index_cast %add3A_1310 : i32 to index
      %swap3A_1312 = tpu.vector_load %arg8[%swap3A_1311] {strides = array<i32>} : memref<16384xf32, #tpu.memory_space<vmem>>, vector<16xf32>,
      %swap3A_1313 = vector.shape_cast %swap3A_1312 : vector<16xf32> to vector<16xf32>
      %swap3A_1314 = vector.shape_cast %mul3A_1308 : vector<16xf32> to vector<16xf32>
      tpu.vector_store %arg8[%swap3A_1311], %swap3A_1314 {strides = array<i32>} : memref<16384xf32, #tpu.memory_space<vmem>>, vector<16xf32>,
      %add3A_1315 = arith.constant 48 : i32
      %add3A_1316 = arith.addi %mul3A_1276, %add3A_1315 : i32
      %get3A_1317 = arith.index_cast %add3A_1316 : i32 to index
      %get3A_1318 = tpu.vector_load %arg6[%get3A_1317] {strides = array<i32>} : memref<16384xf32, #tpu.memory_space<vmem>>, vector<16xf32>,
      %get3A_1319 = vector.shape_cast %get3A_1318 : vector<16xf32> to vector<16xf32>
      %mul3A_1320 = vector.broadcast %squeeze3A_4 : f32 to vector<16xf32>
      %mul3A_1321 = arith.mulf %get3A_1319, %mul3A_1320 : vector<16xf32>
      %add3A_1322 = arith.constant 48 : i32
      %add3A_1323 = arith.addi %mul3A_1276, %add3A_1322 : i32
      %swap3A_1324 = arith.index_cast %add3A_1323 : i32 to index
      %swap3A_1325 = tpu.vector_load %arg8[%swap3A_1324] {strides = array<i32>} : memref<16384xf32, #tpu.memory_space<vmem>>, vector<16xf32>,
      %swap3A_1326 = vector.shape_cast %swap3A_1325 : vector<16xf32> to vector<16xf32>
      %swap3A_1327 = vector.shape_cast %mul3A_1321 : vector<16xf32> to vector<16xf32>
      tpu.vector_store %arg8[%swap3A_1324], %swap3A_1327 {strides = array<i32>} : memref<16384xf32, #tpu.memory_space<vmem>>, vector<16xf32>,
      %scan3A_1328 = arith.constant 1 : i32
      %scan3A_1329 = arith.addi %scan3A_1274, %scan3A_1328 : i32
      %mul3A_1330 = arith.constant 64 : i32
      %mul3A_1331 = arith.muli %scan3A_1329, %mul3A_1330 : i32
      %add3A_1332 = arith.constant 0 : i32
      %add3A_1333 = arith.addi %mul3A_1331, %add3A_1332 : i32
      %get3A_1334 = arith.index_cast %add3A_1333 : i32 to index
      %get3A_1335 = tpu.vector_load %arg6[%get3A_1334] {strides = array<i32>} : memref<16384xf32, #tpu.memory_space<vmem>>, vector<16xf32>,
      %get3A_1336 = vector.shape_cast %get3A_1335 : vector<16xf32> to vector<16xf32>
      %mul3A_1337 = vector.broadcast %squeeze3A_4 : f32 to vector<16xf32>
      %mul3A_1338 = arith.mulf %get3A_1336, %mul3A_1337 : vector<16xf32>
      %add3A_1339 = arith.constant 0 : i32
      %add3A_1340 = arith.addi %mul3A_1331, %add3A_1339 : i32
      %swap3A_1341 = arith.index_cast %add3A_1340 : i32 to index
      %swap3A_1342 = tpu.vector_load %arg8[%swap3A_1341] {strides = array<i32>} : memref<16384xf32, #tpu.memory_space<vmem>>, vector<16xf32>,
      %swap3A_1343 = vector.shape_cast %swap3A_1342 : vector<16xf32> to vector<16xf32>
      %swap3A_1344 = vector.shape_cast %mul3A_1338 : vector<16xf32> to vector<16xf32>
      tpu.vector_store %arg8[%swap3A_1341], %swap3A_1344 {strides = array<i32>} : memref<16384xf32, #tpu.memory_space<vmem>>, vector<16xf32>,
      %add3A_1345 = arith.constant 16 : i32
      %add3A_1346 = arith.addi %mul3A_1331, %add3A_1345 : i32
      %get3A_1347 = arith.index_cast %add3A_1346 : i32 to index
      %get3A_1348 = tpu.vector_load %arg6[%get3A_1347] {strides = array<i32>} : memref<16384xf32, #tpu.memory_space<vmem>>, vector<16xf32>,
      %get3A_1349 = vector.shape_cast %get3A_1348 : vector<16xf32> to vector<16xf32>
      %mul3A_1350 = vector.broadcast %squeeze3A_4 : f32 to vector<16xf32>
      %mul3A_1351 = arith.mulf %get3A_1349, %mul3A_1350 : vector<16xf32>
      %add3A_1352 = arith.constant 16 : i32
      %add3A_1353 = arith.addi %mul3A_1331, %add3A_1352 : i32
      %swap3A_1354 = arith.index_cast %add3A_1353 : i32 to index
      %swap3A_1355 = tpu.vector_load %arg8[%swap3A_1354] {strides = array<i32>} : memref<16384xf32, #tpu.memory_space<vmem>>, vector<16xf32>,
      %swap3A_1356 = vector.shape_cast %swap3A_1355 : vector<16xf32> to vector<16xf32>
      %swap3A_1357 = vector.shape_cast %mul3A_1351 : vector<16xf32> to vector<16xf32>
      tpu.vector_store %arg8[%swap3A_1354], %swap3A_1357 {strides = array<i32>} : memref<16384xf32, #tpu.memory_space<vmem>>, vector<16xf32>,
      %add3A_1358 = arith.constant 32 : i32
      %add3A_1359 = arith.addi %mul3A_1331, %add3A_1358 : i32
      %get3A_1360 = arith.index_cast %add3A_1359 : i32 to index
      %get3A_1361 = tpu.vector_load %arg6[%get3A_1360] {strides = array<i32>} : memref<16384xf32, #tpu.memory_space<vmem>>, vector<16xf32>,
      %get3A_1362 = vector.shape_cast %get3A_1361 : vector<16xf32> to vector<16xf32>
      %mul3A_1363 = vector.broadcast %squeeze3A_4 : f32 to vector<16xf32>
      %mul3A_1364 = arith.mulf %get3A_1362, %mul3A_1363 : vector<16xf32>
      %add3A_1365 = arith.constant 32 : i32
      %add3A_1366 = arith.addi %mul3A_1331, %add3A_1365 : i32
      %swap3A_1367 = arith.index_cast %add3A_1366 : i32 to index
      %swap3A_1368 = tpu.vector_load %arg8[%swap3A_1367] {strides = array<i32>} : memref<16384xf32, #tpu.memory_space<vmem>>, vector<16xf32>,
      %swap3A_1369 = vector.shape_cast %swap3A_1368 : vector<16xf32> to vector<16xf32>
      %swap3A_1370 = vector.shape_cast %mul3A_1364 : vector<16xf32> to vector<16xf32>
      tpu.vector_store %arg8[%swap3A_1367], %swap3A_1370 {strides = array<i32>} : memref<16384xf32, #tpu.memory_space<vmem>>, vector<16xf32>,
      %add3A_1371 = arith.constant 48 : i32
      %add3A_1372 = arith.addi %mul3A_1331, %add3A_1371 : i32
      %get3A_1373 = arith.index_cast %add3A_1372 : i32 to index
      %get3A_1374 = tpu.vector_load %arg6[%get3A_1373] {strides = array<i32>} : memref<16384xf32, #tpu.memory_space<vmem>>, vector<16xf32>,
      %get3A_1375 = vector.shape_cast %get3A_1374 : vector<16xf32> to vector<16xf32>
      %mul3A_1376 = vector.broadcast %squeeze3A_4 : f32 to vector<16xf32>
      %mul3A_1377 = arith.mulf %get3A_1375, %mul3A_1376 : vector<16xf32>
      %add3A_1378 = arith.constant 48 : i32
      %add3A_1379 = arith.addi %mul3A_1331, %add3A_1378 : i32
      %swap3A_1380 = arith.index_cast %add3A_1379 : i32 to index
      %swap3A_1381 = tpu.vector_load %arg8[%swap3A_1380] {strides = array<i32>} : memref<16384xf32, #tpu.memory_space<vmem>>, vector<16xf32>,
      %swap3A_1382 = vector.shape_cast %swap3A_1381 : vector<16xf32> to vector<16xf32>
      %swap3A_1383 = vector.shape_cast %mul3A_1377 : vector<16xf32> to vector<16xf32>
      tpu.vector_store %arg8[%swap3A_1380], %swap3A_1383 {strides = array<i32>} : memref<16384xf32, #tpu.memory_space<vmem>>, vector<16xf32>,
      %scan3A_1384 = arith.constant 2 : i32
      %scan3A_1385 = arith.addi %scan3A_1274, %scan3A_1384 : i32
      %mul3A_1386 = arith.constant 64 : i32
      %mul3A_1387 = arith.muli %scan3A_1385, %mul3A_1386 : i32
      %add3A_1388 = arith.constant 0 : i32
      %add3A_1389 = arith.addi %mul3A_1387, %add3A_1388 : i32
      %get3A_1390 = arith.index_cast %add3A_1389 : i32 to index
      %get3A_1391 = tpu.vector_load %arg6[%get3A_1390] {strides = array<i32>} : memref<16384xf32, #tpu.memory_space<vmem>>, vector<16xf32>,
      %get3A_1392 = vector.shape_cast %get3A_1391 : vector<16xf32> to vector<16xf32>
      %mul3A_1393 = vector.broadcast %squeeze3A_4 : f32 to vector<16xf32>
      %mul3A_1394 = arith.mulf %get3A_1392, %mul3A_1393 : vector<16xf32>
      %add3A_1395 = arith.constant 0 : i32
      %add3A_1396 = arith.addi %mul3A_1387, %add3A_1395 : i32
      %swap3A_1397 = arith.index_cast %add3A_1396 : i32 to index
      %swap3A_1398 = tpu.vector_load %arg8[%swap3A_1397] {strides = array<i32>} : memref<16384xf32, #tpu.memory_space<vmem>>, vector<16xf32>,
      %swap3A_1399 = vector.shape_cast %swap3A_1398 : vector<16xf32> to vector<16xf32>
      %swap3A_1400 = vector.shape_cast %mul3A_1394 : vector<16xf32> to vector<16xf32>
      tpu.vector_store %arg8[%swap3A_1397], %swap3A_1400 {strides = array<i32>} : memref<16384xf32, #tpu.memory_space<vmem>>, vector<16xf32>,
      %add3A_1401 = arith.constant 16 : i32
      %add3A_1402 = arith.addi %mul3A_1387, %add3A_1401 : i32
      %get3A_1403 = arith.index_cast %add3A_1402 : i32 to index
      %get3A_1404 = tpu.vector_load %arg6[%get3A_1403] {strides = array<i32>} : memref<16384xf32, #tpu.memory_space<vmem>>, vector<16xf32>,
      %get3A_1405 = vector.shape_cast %get3A_1404 : vector<16xf32> to vector<16xf32>
      %mul3A_1406 = vector.broadcast %squeeze3A_4 : f32 to vector<16xf32>
      %mul3A_1407 = arith.mulf %get3A_1405, %mul3A_1406 : vector<16xf32>
      %add3A_1408 = arith.constant 16 : i32
      %add3A_1409 = arith.addi %mul3A_1387, %add3A_1408 : i32
      %swap3A_1410 = arith.index_cast %add3A_1409 : i32 to index
      %swap3A_1411 = tpu.vector_load %arg8[%swap3A_1410] {strides = array<i32>} : memref<16384xf32, #tpu.memory_space<vmem>>, vector<16xf32>,
      %swap3A_1412 = vector.shape_cast %swap3A_1411 : vector<16xf32> to vector<16xf32>
      %swap3A_1413 = vector.shape_cast %mul3A_1407 : vector<16xf32> to vector<16xf32>
      tpu.vector_store %arg8[%swap3A_1410], %swap3A_1413 {strides = array<i32>} : memref<16384xf32, #tpu.memory_space<vmem>>, vector<16xf32>,
      %add3A_1414 = arith.constant 32 : i32
      %add3A_1415 = arith.addi %mul3A_1387, %add3A_1414 : i32
      %get3A_1416 = arith.index_cast %add3A_1415 : i32 to index
      %get3A_1417 = tpu.vector_load %arg6[%get3A_1416] {strides = array<i32>} : memref<16384xf32, #tpu.memory_space<vmem>>, vector<16xf32>,
      %get3A_1418 = vector.shape_cast %get3A_1417 : vector<16xf32> to vector<16xf32>
      %mul3A_1419 = vector.broadcast %squeeze3A_4 : f32 to vector<16xf32>
      %mul3A_1420 = arith.mulf %get3A_1418, %mul3A_1419 : vector<16xf32>
      %add3A_1421 = arith.constant 32 : i32
      %add3A_1422 = arith.addi %mul3A_1387, %add3A_1421 : i32
      %swap3A_1423 = arith.index_cast %add3A_1422 : i32 to index
      %swap3A_1424 = tpu.vector_load %arg8[%swap3A_1423] {strides = array<i32>} : memref<16384xf32, #tpu.memory_space<vmem>>, vector<16xf32>,
      %swap3A_1425 = vector.shape_cast %swap3A_1424 : vector<16xf32> to vector<16xf32>
      %swap3A_1426 = vector.shape_cast %mul3A_1420 : vector<16xf32> to vector<16xf32>
      tpu.vector_store %arg8[%swap3A_1423], %swap3A_1426 {strides = array<i32>} : memref<16384xf32, #tpu.memory_space<vmem>>, vector<16xf32>,
      %add3A_1427 = arith.constant 48 : i32
      %add3A_1428 = arith.addi %mul3A_1387, %add3A_1427 : i32
      %get3A_1429 = arith.index_cast %add3A_1428 : i32 to index
      %get3A_1430 = tpu.vector_load %arg6[%get3A_1429] {strides = array<i32>} : memref<16384xf32, #tpu.memory_space<vmem>>, vector<16xf32>,
      %get3A_1431 = vector.shape_cast %get3A_1430 : vector<16xf32> to vector<16xf32>
      %mul3A_1432 = vector.broadcast %squeeze3A_4 : f32 to vector<16xf32>
      %mul3A_1433 = arith.mulf %get3A_1431, %mul3A_1432 : vector<16xf32>
      %add3A_1434 = arith.constant 48 : i32
      %add3A_1435 = arith.addi %mul3A_1387, %add3A_1434 : i32
      %swap3A_1436 = arith.index_cast %add3A_1435 : i32 to index
      %swap3A_1437 = tpu.vector_load %arg8[%swap3A_1436] {strides = array<i32>} : memref<16384xf32, #tpu.memory_space<vmem>>, vector<16xf32>,
      %swap3A_1438 = vector.shape_cast %swap3A_1437 : vector<16xf32> to vector<16xf32>
      %swap3A_1439 = vector.shape_cast %mul3A_1433 : vector<16xf32> to vector<16xf32>
      tpu.vector_store %arg8[%swap3A_1436], %swap3A_1439 {strides = array<i32>} : memref<16384xf32, #tpu.memory_space<vmem>>, vector<16xf32>,
      %scan3A_1440 = arith.constant 3 : i32
      %scan3A_1441 = arith.addi %scan3A_1274, %scan3A_1440 : i32
      %mul3A_1442 = arith.constant 64 : i32
      %mul3A_1443 = arith.muli %scan3A_1441, %mul3A_1442 : i32
      %add3A_1444 = arith.constant 0 : i32
      %add3A_1445 = arith.addi %mul3A_1443, %add3A_1444 : i32
      %get3A_1446 = arith.index_cast %add3A_1445 : i32 to index
      %get3A_1447 = tpu.vector_load %arg6[%get3A_1446] {strides = array<i32>} : memref<16384xf32, #tpu.memory_space<vmem>>, vector<16xf32>,
      %get3A_1448 = vector.shape_cast %get3A_1447 : vector<16xf32> to vector<16xf32>
      %mul3A_1449 = vector.broadcast %squeeze3A_4 : f32 to vector<16xf32>
      %mul3A_1450 = arith.mulf %get3A_1448, %mul3A_1449 : vector<16xf32>
      %add3A_1451 = arith.constant 0 : i32
      %add3A_1452 = arith.addi %mul3A_1443, %add3A_1451 : i32
      %swap3A_1453 = arith.index_cast %add3A_1452 : i32 to index
      %swap3A_1454 = tpu.vector_load %arg8[%swap3A_1453] {strides = array<i32>} : memref<16384xf32, #tpu.memory_space<vmem>>, vector<16xf32>,
      %swap3A_1455 = vector.shape_cast %swap3A_1454 : vector<16xf32> to vector<16xf32>
      %swap3A_1456 = vector.shape_cast %mul3A_1450 : vector<16xf32> to vector<16xf32>
      tpu.vector_store %arg8[%swap3A_1453], %swap3A_1456 {strides = array<i32>} : memref<16384xf32, #tpu.memory_space<vmem>>, vector<16xf32>,
      %add3A_1457 = arith.constant 16 : i32
      %add3A_1458 = arith.addi %mul3A_1443, %add3A_1457 : i32
      %get3A_1459 = arith.index_cast %add3A_1458 : i32 to index
      %get3A_1460 = tpu.vector_load %arg6[%get3A_1459] {strides = array<i32>} : memref<16384xf32, #tpu.memory_space<vmem>>, vector<16xf32>,
      %get3A_1461 = vector.shape_cast %get3A_1460 : vector<16xf32> to vector<16xf32>
      %mul3A_1462 = vector.broadcast %squeeze3A_4 : f32 to vector<16xf32>
      %mul3A_1463 = arith.mulf %get3A_1461, %mul3A_1462 : vector<16xf32>
      %add3A_1464 = arith.constant 16 : i32
      %add3A_1465 = arith.addi %mul3A_1443, %add3A_1464 : i32
      %swap3A_1466 = arith.index_cast %add3A_1465 : i32 to index
      %swap3A_1467 = tpu.vector_load %arg8[%swap3A_1466] {strides = array<i32>} : memref<16384xf32, #tpu.memory_space<vmem>>, vector<16xf32>,
      %swap3A_1468 = vector.shape_cast %swap3A_1467 : vector<16xf32> to vector<16xf32>
      %swap3A_1469 = vector.shape_cast %mul3A_1463 : vector<16xf32> to vector<16xf32>
      tpu.vector_store %arg8[%swap3A_1466], %swap3A_1469 {strides = array<i32>} : memref<16384xf32, #tpu.memory_space<vmem>>, vector<16xf32>,
      %add3A_1470 = arith.constant 32 : i32
      %add3A_1471 = arith.addi %mul3A_1443, %add3A_1470 : i32
      %get3A_1472 = arith.index_cast %add3A_1471 : i32 to index
      %get3A_1473 = tpu.vector_load %arg6[%get3A_1472] {strides = array<i32>} : memref<16384xf32, #tpu.memory_space<vmem>>, vector<16xf32>,
      %get3A_1474 = vector.shape_cast %get3A_1473 : vector<16xf32> to vector<16xf32>
      %mul3A_1475 = vector.broadcast %squeeze3A_4 : f32 to vector<16xf32>
      %mul3A_1476 = arith.mulf %get3A_1474, %mul3A_1475 : vector<16xf32>
      %add3A_1477 = arith.constant 32 : i32
      %add3A_1478 = arith.addi %mul3A_1443, %add3A_1477 : i32
      %swap3A_1479 = arith.index_cast %add3A_1478 : i32 to index
      %swap3A_1480 = tpu.vector_load %arg8[%swap3A_1479] {strides = array<i32>} : memref<16384xf32, #tpu.memory_space<vmem>>, vector<16xf32>,
      %swap3A_1481 = vector.shape_cast %swap3A_1480 : vector<16xf32> to vector<16xf32>
      %swap3A_1482 = vector.shape_cast %mul3A_1476 : vector<16xf32> to vector<16xf32>
      tpu.vector_store %arg8[%swap3A_1479], %swap3A_1482 {strides = array<i32>} : memref<16384xf32, #tpu.memory_space<vmem>>, vector<16xf32>,
      %add3A_1483 = arith.constant 48 : i32
      %add3A_1484 = arith.addi %mul3A_1443, %add3A_1483 : i32
      %get3A_1485 = arith.index_cast %add3A_1484 : i32 to index
      %get3A_1486 = tpu.vector_load %arg6[%get3A_1485] {strides = array<i32>} : memref<16384xf32, #tpu.memory_space<vmem>>, vector<16xf32>,
      %get3A_1487 = vector.shape_cast %get3A_1486 : vector<16xf32> to vector<16xf32>
      %mul3A_1488 = vector.broadcast %squeeze3A_4 : f32 to vector<16xf32>
      %mul3A_1489 = arith.mulf %get3A_1487, %mul3A_1488 : vector<16xf32>
      %add3A_1490 = arith.constant 48 : i32
      %add3A_1491 = arith.addi %mul3A_1443, %add3A_1490 : i32
      %swap3A_1492 = arith.index_cast %add3A_1491 : i32 to index
      %swap3A_1493 = tpu.vector_load %arg8[%swap3A_1492] {strides = array<i32>} : memref<16384xf32, #tpu.memory_space<vmem>>, vector<16xf32>,
      %swap3A_1494 = vector.shape_cast %swap3A_1493 : vector<16xf32> to vector<16xf32>
      %swap3A_1495 = vector.shape_cast %mul3A_1489 : vector<16xf32> to vector<16xf32>
      tpu.vector_store %arg8[%swap3A_1492], %swap3A_1495 {strides = array<i32>} : memref<16384xf32, #tpu.memory_space<vmem>>, vector<16xf32>,
    }
    %scan3A_1265 = arith.constant 256 : i32
    %add3A_1266 = arith.constant 49152 : i32
    %add3A_1267 = arith.addi %mul3A_12, %add3A_1266 : i32
    %dma_start3A_1268 = tpu.memref_slice %arg4[%add3A_1267] : memref<2097152xf32, #tpu.memory_space<hbm>> -> memref<16384xf32, #tpu.memory_space<hbm>>
    %dma_start3A_1269 = tpu.memref_slice %arg4[%add3A_1267] : memref<2097152xf32, #tpu.memory_space<hbm>> -> memref<16384xf32, #tpu.memory_space<hbm>>
    tpu.enqueue_dma source(%arg8 : memref<16384xf32, #tpu.memory_space<vmem>>) target(%dma_start3A_1269 : memref<16384xf32, #tpu.memory_space<hbm>>) target_semaphore(%arg13 : memref<!tpu.dma_semaphore, #tpu.memory_space<semaphore_mem>>)
    %dma_wait3A_1270 = tpu.memref_slice %arg4[%add3A_1159] : memref<2097152xf32, #tpu.memory_space<hbm>> -> memref<16384xf32, #tpu.memory_space<hbm>>
    %dma_wait3A_1271 = tpu.memref_slice %arg4[%add3A_1159] : memref<2097152xf32, #tpu.memory_space<hbm>> -> memref<16384xf32, #tpu.memory_space<hbm>>
    tpu.wait_dma2 semaphore(%arg12 : memref<!tpu.dma_semaphore, #tpu.memory_space<semaphore_mem>>) src(%arg7 : memref<16384xf32, #tpu.memory_space<vmem>>) dst(%dma_wait3A_1271 : memref<16384xf32, #tpu.memory_space<hbm>>)
    %dma_wait3A_1272 = tpu.memref_slice %arg4[%add3A_1267] : memref<2097152xf32, #tpu.memory_space<hbm>> -> memref<16384xf32, #tpu.memory_space<hbm>>
    %dma_wait3A_1273 = tpu.memref_slice %arg4[%add3A_1267] : memref<2097152xf32, #tpu.memory_space<hbm>> -> memref<16384xf32, #tpu.memory_space<hbm>>
    tpu.wait_dma2 semaphore(%arg13 : memref<!tpu.dma_semaphore, #tpu.memory_space<semaphore_mem>>) src(%arg8 : memref<16384xf32, #tpu.memory_space<vmem>>) dst(%dma_wait3A_1273 : memref<16384xf32, #tpu.memory_space<hbm>>)
    return
  }
}

module attributes {stable_mosaic.version = 14 : i64} {
  func.func @_tc_reduce_body(%arg0: i32, %arg1: memref<1xf32, #tpu.memory_space<smem>>, %arg2: memref<524288xf32, #tpu.memory_space<vmem>>, %arg3: memref<128xf32, #tpu.memory_space<vmem>>, %arg4: memref<1xi32, #tpu.memory_space<smem>>, %arg5: memref<1xf32, #tpu.memory_space<smem>>, %arg6: memref<2xf32, #tpu.memory_space<smem>>) attributes {dimension_semantics = [#tpu.dimension_semantics<arbitrary>], iteration_bounds = array<i64: 8>, scalar_prefetch = 0 : i64, scratch_operands = 1 : i64, tpu.core_type = #tpu.core_type<tc>, window_params = [{transform_indices = @transform_0, window_bounds = array<i64: 1>}, {transform_indices = @transform_1, window_bounds = array<i64: 524288>}, {pipeline_mode = #tpu.pipeline_mode<synchronous>, transform_indices = @transform_2, window_bounds = array<i64: 128>}, {transform_indices = @transform_3, window_bounds = array<i64: 1>}, {transform_indices = @transform_4, window_bounds = array<i64: 1>}]} {
    %eq3A = arith.constant 0 : i32
    %eq3A_0 = arith.cmpi eq, %arg0, %eq3A : i32
    %convert_element_type3A = arith.extui %eq3A_0 : i1 to i32
    %cond3A = arith.constant 0 : i32
    %cond3A_1 = arith.cmpi ne, %convert_element_type3A, %cond3A : i32
    scf.if %cond3A_1 {
      %swap3A_29 = arith.constant 0.000000e+00 : f32
      %swap3A_30 = arith.constant 0 : index
      %swap3A_31 = memref.load %arg6[%swap3A_30] : memref<2xf32, #tpu.memory_space<smem>>
      memref.store %swap3A_29, %arg6[%swap3A_30] : memref<2xf32, #tpu.memory_space<smem>>
      %swap3A_32 = arith.constant 0.000000e+00 : f32
      %swap3A_33 = arith.constant 1 : index
      %swap3A_34 = memref.load %arg6[%swap3A_33] : memref<2xf32, #tpu.memory_space<smem>>
      memref.store %swap3A_32, %arg6[%swap3A_33] : memref<2xf32, #tpu.memory_space<smem>>
    } else {
    }
    %get3A = arith.constant 0 : index
    %get3A_2 = vector.load %arg2[%get3A] : memref<524288xf32, #tpu.memory_space<vmem>>, vector<524288xf32>
    %reshape3A = vector.shape_cast %get3A_2 : vector<524288xf32> to vector<256x2048xf32>
    %slice3A = vector.extract_strided_slice %reshape3A {offsets = [0, 0], sizes = [256, 1024], strides = [1, 1]} : vector<256x2048xf32> to vector<256x1024xf32>
    %slice3A_3 = vector.extract_strided_slice %reshape3A {offsets = [0, 0], sizes = [256, 1024], strides = [1, 1]} : vector<256x2048xf32> to vector<256x1024xf32>
    %mul3A = arith.mulf %slice3A, %slice3A_3 : vector<256x1024xf32>
    %reduce_sum3A = vector.shape_cast %mul3A : vector<256x1024xf32> to vector<1x256x1024xf32>
    %reduce_sum3A_4 = arith.constant dense<0.000000e+00> : vector<1xf32>
    %reduce_sum3A_5 = vector.multi_reduction <add>, %reduce_sum3A, %reduce_sum3A_4 [1, 2] : vector<1x256x1024xf32> to vector<1xf32>
    %reduce_sum3A_6 = vector.shape_cast %reduce_sum3A_5 : vector<1xf32> to vector<1x1x1xf32>
    %reduce_sum3A_7 = vector.extract %reduce_sum3A_6[0, 0, 0] : f32 from vector<1x1x1xf32>
    %slice3A_8 = vector.extract_strided_slice %reshape3A {offsets = [0, 1024], sizes = [256, 1024], strides = [1, 1]} : vector<256x2048xf32> to vector<256x1024xf32>
    %slice3A_9 = vector.extract_strided_slice %reshape3A {offsets = [0, 1024], sizes = [256, 1024], strides = [1, 1]} : vector<256x2048xf32> to vector<256x1024xf32>
    %mul3A_10 = arith.mulf %slice3A_8, %slice3A_9 : vector<256x1024xf32>
    %reduce_sum3A_11 = vector.shape_cast %mul3A_10 : vector<256x1024xf32> to vector<1x256x1024xf32>
    %reduce_sum3A_12 = arith.constant dense<0.000000e+00> : vector<1xf32>
    %reduce_sum3A_13 = vector.multi_reduction <add>, %reduce_sum3A_11, %reduce_sum3A_12 [1, 2] : vector<1x256x1024xf32> to vector<1xf32>
    %reduce_sum3A_14 = vector.shape_cast %reduce_sum3A_13 : vector<1xf32> to vector<1x1x1xf32>
    %reduce_sum3A_15 = vector.extract %reduce_sum3A_14[0, 0, 0] : f32 from vector<1x1x1xf32>
    %get3A_16 = arith.constant 0 : index
    %get3A_17 = memref.load %arg6[%get3A_16] : memref<2xf32, #tpu.memory_space<smem>>
    %add3A = arith.addf %get3A_17, %reduce_sum3A_7 : f32
    %swap3A = arith.constant 0 : index
    %swap3A_18 = memref.load %arg6[%swap3A] : memref<2xf32, #tpu.memory_space<smem>>
    memref.store %add3A, %arg6[%swap3A] : memref<2xf32, #tpu.memory_space<smem>>
    %get3A_19 = arith.constant 1 : index
    %get3A_20 = memref.load %arg6[%get3A_19] : memref<2xf32, #tpu.memory_space<smem>>
    %add3A_21 = arith.addf %get3A_20, %reduce_sum3A_15 : f32
    %swap3A_22 = arith.constant 1 : index
    %swap3A_23 = memref.load %arg6[%swap3A_22] : memref<2xf32, #tpu.memory_space<smem>>
    memref.store %add3A_21, %arg6[%swap3A_22] : memref<2xf32, #tpu.memory_space<smem>>
    %eq3A_24 = arith.constant 7 : i32
    %eq3A_25 = arith.cmpi eq, %arg0, %eq3A_24 : i32
    %convert_element_type3A_26 = arith.extui %eq3A_25 : i1 to i32
    %cond3A_27 = arith.constant 0 : i32
    %cond3A_28 = arith.cmpi ne, %convert_element_type3A_26, %cond3A_27 : i32
    scf.if %cond3A_28 {
      %get3A_29 = arith.constant 0 : index
      %get3A_30 = memref.load %arg6[%get3A_29] : memref<2xf32, #tpu.memory_space<smem>>
      %get3A_31 = arith.constant 1 : index
      %get3A_32 = memref.load %arg6[%get3A_31] : memref<2xf32, #tpu.memory_space<smem>>
      %add3A_33 = arith.addf %get3A_30, %get3A_32 : f32
      %div3A = arith.divf %get3A_30, %add3A_33 : f32
      %get3A_34 = arith.constant 0 : index
      %get3A_35 = memref.load %arg1[%get3A_34] : memref<1xf32, #tpu.memory_space<smem>>
      %gt3A = arith.cmpf ogt, %get3A_35, %div3A : f32
      %sub3A = arith.constant 1.000000e+00 : f32
      %sub3A_36 = arith.subf %sub3A, %div3A : f32
      %select_n3A = arith.select %gt3A, %sub3A_36, %div3A : f32
      %rsqrt3A = math.rsqrt %select_n3A : f32
      %jit3A = arith.constant 1.000000e+00 : f32
      %jit3A_37 = arith.constant 0.000000e+00 : f32
      %select_n3A_38 = arith.select %gt3A, %jit3A, %jit3A_37 : f32
      %iota3A = tpu.iota {dimensions = array<i32: 1>} : vector<1x128xi32>
      %iota3A_39 = vector.shape_cast %iota3A : vector<1x128xi32> to vector<128xi32>
      %eq3A_40 = arith.constant 0 : i32
      %eq3A_41 = vector.broadcast %eq3A_40 : i32 to vector<128xi32>
      %eq3A_42 = arith.cmpi eq, %iota3A_39, %eq3A_41 : vector<128xi32>
      %eq3A_43 = arith.constant 1 : i32
      %eq3A_44 = vector.broadcast %eq3A_43 : i32 to vector<128xi32>
      %eq3A_45 = arith.cmpi eq, %iota3A_39, %eq3A_44 : vector<128xi32>
      %eq3A_46 = arith.constant 2 : i32
      %eq3A_47 = vector.broadcast %eq3A_46 : i32 to vector<128xi32>
      %eq3A_48 = arith.cmpi eq, %iota3A_39, %eq3A_47 : vector<128xi32>
      %jit3A_49 = arith.constant 0.000000e+00 : f32
      %broadcast_in_dim3A = vector.broadcast %rsqrt3A : f32 to vector<128xf32>
      %broadcast_in_dim3A_50 = vector.broadcast %jit3A_49 : f32 to vector<128xf32>
      %select_n3A_51 = arith.select %eq3A_48, %broadcast_in_dim3A, %broadcast_in_dim3A_50 : vector<128xi1>, vector<128xf32>
      %broadcast_in_dim3A_52 = vector.broadcast %select_n3A : f32 to vector<128xf32>
      %select_n3A_53 = arith.select %eq3A_45, %broadcast_in_dim3A_52, %select_n3A_51 : vector<128xi1>, vector<128xf32>
      %broadcast_in_dim3A_54 = vector.broadcast %select_n3A_38 : f32 to vector<128xf32>
      %select_n3A_55 = arith.select %eq3A_42, %broadcast_in_dim3A_54, %select_n3A_53 : vector<128xi1>, vector<128xf32>
      %swap3A_56 = arith.constant 0 : index
      %swap3A_57 = vector.load %arg3[%swap3A_56] : memref<128xf32, #tpu.memory_space<vmem>>, vector<128xf32>
      tpu.vector_store %arg3[%swap3A_56], %select_n3A_55 {strides = array<i32>} : memref<128xf32, #tpu.memory_space<vmem>>, vector<128xf32>,
      %swap3A_58 = arith.constant 0 : index
      %swap3A_59 = memref.load %arg4[%swap3A_58] : memref<1xi32, #tpu.memory_space<smem>>
      %swap3A_60 = arith.constant 0 : i32
      %swap3A_61 = arith.cmpi ne, %swap3A_59, %swap3A_60 : i32
      %swap3A_62 = arith.extui %gt3A : i1 to i32
      memref.store %swap3A_62, %arg4[%swap3A_58] : memref<1xi32, #tpu.memory_space<smem>>
      %swap3A_63 = arith.constant 0 : index
      %swap3A_64 = memref.load %arg5[%swap3A_63] : memref<1xf32, #tpu.memory_space<smem>>
      memref.store %select_n3A, %arg5[%swap3A_63] : memref<1xf32, #tpu.memory_space<smem>>
    } else {
    }
    return
  }
  func.func @transform_0(%arg0: i32) -> i32 {
    %c0_i32 = arith.constant 0 : i32
    %c0_i32_0 = arith.constant 0 : i32
    return %c0_i32 : i32
  }
  func.func @transform_1(%arg0: i32) -> i32 {
    %c0_i32 = arith.constant 0 : i32
    return %arg0 : i32
  }
  func.func @transform_2(%arg0: i32) -> i32 {
    %c0_i32 = arith.constant 0 : i32
    %c0_i32_0 = arith.constant 0 : i32
    return %c0_i32 : i32
  }
  func.func @transform_3(%arg0: i32) -> i32 {
    %c0_i32 = arith.constant 0 : i32
    %c0_i32_0 = arith.constant 0 : i32
    return %c0_i32 : i32
  }
  func.func @transform_4(%arg0: i32) -> i32 {
    %c0_i32 = arith.constant 0 : i32
    %c0_i32_0 = arith.constant 0 : i32
    return %c0_i32 : i32
  }
}

</mosaic_0001>

<sc_bundles>
// kernel: kernel.4.cloned.1.call-start
scs
__scs_entry_jumppad:
0x0: {  	(pc) =	sbr.rel $0x88, $3  }
0x1: {  	(tag) =	ssettag $0x0;
	lr =	simm.s32 $0x1  }
0x2: {  	[smem:$0x3F9F] =	sst lr;
	_ =	strace $0xD0000000  }
0x3: {  	_ = 	snop  }
0x4: {  	_ = 	snop  }
0x5: {  	_ = 	snop  }
0x6: {  	_ = 	snop  }
0x7: {  	_ = 	snop  }
__scs_overlays_trampoline_lowered:
0x8: {  	[smem:$0x3FAE] =	sst s0  }
0x9: {  	[smem:$0x3FAF] =	sst s1  }
0xa: {  	[smem:$0x3FB0] =	sst s2  }
0xb: {  	[smem:$0x3FB1] =	sst s3  }
0xc: {  	[smem:$0x3FB2] =	sst s4  }
0xd: {  	[smem:$0x3FB3] =	sst s5  }
0xe: {  	[smem:$0x3FB4] =	sst s6  }
0xf: {  	[smem:$0x3FB5] =	sst s7  }
0x10: {  	[smem:$0x3FB6] =	sst s8  }
0x11: {  	[smem:$0x3FB7] =	sst s9;
	s0 =	simm.s32 @!p0 $0x0  }
0x12: {  	s1 =	sld [smem:$0x3F9D];
	s0 =	simm.s32 @p0 $0x1  }
0x13: {  	[smem:$0x3FB8] =	sst s0;
	s0 =	simm.s32 @!p1 $0x0  }
0x14: {  	s2 =	sld [smem:$0x3F9C];
	s0 =	simm.s32 @p1 $0x1  }
0x15: {  	[smem:$0x3FB9] =	sst s0;
	s0 =	simm.s32 @!p2 $0x0  }
0x16: {  	s3 =	sld [smem:$0x3FDB];
	s0 =	simm.s32 @p2 $0x1  }
0x17: {  	s4 =	simm.s32 $0x1BF5;
	[smem:$0x3FBB] =	sst s0  }
0x18: {  	s0 =	sld [smem:$0x3F9E];
	_ =	swait.ge [sflag:s4], $0x0  }
0x19: {  	s7 =	sld [smem:$0x3F9F]  }
0x1a: {  	s8 =	sadd.s32 $0xFFFFE003, lr  }
0x1b: {  	s9 =	sadd.s32 $0xFFFFFEF7, lr;
	s5 =	simm.s32 $0xFFFFFFFF;
	p2 =	slt.u32 s8, $0xFFFFF086  }
0x1c: {  	p1 =	slt.u32 s9, $0xF7A;
	s5 =	simm.s32 @!p2 $0x0  }
0x1d: {  	s5 =	simm.s32 @p1 $0x1;
	p0 =	seq.s32 s7, s2  }
0x1e: {  	s7 =	smul.u32 @!p0 $0xF7A, s2;
	p2 =	seq.s32 @!p0 s5, $0x0  }
0x1f: {  	s9 =	smul.u32 $0xF7A, s1;
	s8 =	simm.s32 @!p0 $0x1BF5;
	p2 =	por !p2, p0  }
0x20: {  	[sflag:s8] =	ssyncset.s32 @!p0 $0xFFFFF086;
	s6 =	sadd.s32 @!p0 s3, s7;
	s7 =	simm.s32 @!p0 $0x108  }
0x21: {  	s3 =	sadd.s32 s3, s9;
	s6 =	sadd.s32 @!p0 $0x88, s6;
	s7 =	simm.s32 @p2 $0x1082  }
0x22: {  	[simem:s7], [sflag:s8] =	dma.local @!p0 [hbm:s6], $0xF7A  }
0x23: {  	s9 =	sor.u32 $0xD0000000, s2;
	s6 =	simm.s32 $0x108;
	_ =	swait.ge @!p0 [sflag:s8], $0x0  }
0x24: {  	s3 =	sadd.s32 $0x88, s3;
	s6 =	simm.s32 @!p1 $0x1082;
	[sflag:s4] =	ssyncset.s32 $0xFFFFF086  }
0x25: {  	[simem:s6], [sflag:s4] =	dma.local [hbm:s3], $0xF7A  }
0x26: {  	[smem:$0x3F9F] =	sst s1;
	(tag) =	ssettag s2;
	_ =	strace s9  }
0x27: {  	s1 =	sld [smem:$0x3FAF]  }
0x28: {  	s2 =	sld [smem:$0x3FB0]  }
0x29: {  	s4 =	sld [smem:$0x3FB2]  }
0x2a: {  	p0 =	seq.s32 s5, $0x0;
	s5 =	sld [smem:$0x3FB3]  }
0x2b: {  	s6 =	sld [smem:$0x3FB4]  }
0x2c: {  	s7 =	sld [smem:$0x3FB5]  }
0x2d: {  	s3 =	simm.s32 $0x108;
	s8 =	sld [smem:$0x3FB6]  }
0x2e: {  	s3 =	simm.s32 @!p0 $0x1082;
	s9 =	sld [smem:$0x3FB7]  }
0x2f: {  	lr =	sadd.s32 s0, s3;
	s0 =	sld [smem:$0x3FAE]  }
0x30: {  	s3 =	sld [smem:$0x3FB1]  }
0x31: {  	[smem:$0x3FBA] =	sst s10  }
0x32: {  	s10 =	sld [smem:$0x3FB8];
	_ =	sdelay $0x3  }
0x33: {  	p0 =	seq.s32 s10, $0x1;
	s10 =	sld [smem:$0x3FBA];
	_ =	sdelay $0x3  }
0x34: {  	[smem:$0x3FBA] =	sst s10  }
0x35: {  	s10 =	sld [smem:$0x3FB9];
	_ =	sdelay $0x3  }
0x36: {  	p1 =	seq.s32 s10, $0x1;
	s10 =	sld [smem:$0x3FBA];
	_ =	sdelay $0x3  }
0x37: {  	[smem:$0x3FBA] =	sst s10  }
0x38: {  	s10 =	sld [smem:$0x3FBB]  }
0x39: {  	_ = 	snop;
	(pc) =	sbr.ind lr, $3  }
0x3a: {  	_ = 	snop  }
0x3b: {  	_ = 	snop  }
0x3c: {  	p2 =	seq.s32 s10, $0x1;
	s10 =	sld [smem:$0x3FBA]  }
0x3d: {  	_ =	shalt  }
0x3e: {  	_ =	shalt  }
0x3f: {  	_ =	shalt  }
0x40: {  	_ =	shalt  }
0x41: {  	_ =	shalt  }
0x42: {  	_ =	shalt  }
0x43: {  	_ =	shalt  }
0x44: {  	_ =	shalt  }
0x45: {  	_ =	shalt  }
0x46: {  	_ =	shalt  }
0x47: {  	_ =	shalt  }
0x48: {  	_ =	shalt  }
0x49: {  	_ =	shalt  }
0x4a: {  	_ =	shalt  }
0x4b: {  	_ =	shalt  }
0x4c: {  	_ =	shalt  }
0x4d: {  	_ =	shalt  }
0x4e: {  	_ =	shalt  }
0x4f: {  	_ =	shalt  }
0x50: {  	_ =	shalt  }
0x51: {  	_ =	shalt  }
0x52: {  	_ =	shalt  }
0x53: {  	_ =	shalt  }
0x54: {  	_ =	shalt  }
0x55: {  	_ =	shalt  }
0x56: {  	_ =	shalt  }
0x57: {  	_ =	shalt  }
0x58: {  	_ =	shalt  }
0x59: {  	_ =	shalt  }
0x5a: {  	_ =	shalt  }
0x5b: {  	_ =	shalt  }
0x5c: {  	_ =	shalt  }
0x5d: {  	_ =	shalt  }
0x5e: {  	_ =	shalt  }
0x5f: {  	_ =	shalt  }
0x60: {  	_ =	shalt  }
0x61: {  	_ =	shalt  }
0x62: {  	_ =	shalt  }
0x63: {  	_ =	shalt  }
0x64: {  	_ =	shalt  }
0x65: {  	_ =	shalt  }
0x66: {  	_ =	shalt  }
0x67: {  	_ =	shalt  }
0x68: {  	_ =	shalt  }
0x69: {  	_ =	shalt  }
0x6a: {  	_ =	shalt  }
0x6b: {  	_ =	shalt  }
0x6c: {  	_ =	shalt  }
0x6d: {  	_ =	shalt  }
0x6e: {  	_ =	shalt  }
0x6f: {  	_ =	shalt  }
0x70: {  	_ =	shalt  }
0x71: {  	_ =	shalt  }
0x72: {  	_ =	shalt  }
0x73: {  	_ =	shalt  }
0x74: {  	_ =	shalt  }
0x75: {  	_ =	shalt  }
0x76: {  	_ =	shalt  }
0x77: {  	_ =	shalt  }
0x78: {  	_ =	shalt  }
0x79: {  	_ =	shalt  }
0x7a: {  	_ =	shalt  }
0x7b: {  	_ =	shalt  }
0x7c: {  	_ =	shalt  }
0x7d: {  	_ =	shalt  }
0x7e: {  	_ =	shalt  }
0x7f: {  	_ =	shalt  }
0x80: {  	_ =	shalt  }
0x81: {  	_ =	shalt  }
0x82: {  	_ =	shalt  }
0x83: {  	_ =	shalt  }
0x84: {  	_ =	shalt  }
0x85: {  	_ =	shalt  }
0x86: {  	_ =	shalt  }
0x87: {  	_ =	shalt  }
.Lfunc_end0:
.L_simem_size_0:
called_computation_lowered:
.L_overlay_start_0:
0x88: {  	s2 =	sld [smem:$0x3FD9]  }
0x89: {  	s3 =	sld [smem:$0x3FFE];
	_ =	sdelay $0x1  }
0x8a: {  	s1 =	srdreg.scid  }
0x8b: {  	s0 =	sand.u32 $0x1, s1  }
0x8c: {  	s14 =	sshll.u32 s0, $0xA;
	s2 =	sadd.s32 s3, s2  }
0x8d: {  	s2 =	sadd.s32 s2, s14  }
0x8e: {  	[smem:$0x3FC6] =	sst s2  }
0x8f: {  	_ = 	snop  }
0x90: {  	s2 =	sld [smem:$0x3FD0];
	_ =	sdelay $0x2  }
0x91: {  	s4 =	simm.s32 $0xA;
	s5 =	simm.s32 $0x10;
	s15 =	sld [smem:$0x3FC9]  }
0x92: {  	[smem:s5], [sflag:s4] =	dma.local [hbm:s2], $0x1  }
0x93: {  	_ =	swait.eq [sflag:s4], $0x1  }
0x94: {  	[sflag:s4] =	ssyncset.done $0x0  }
0x95: {  	[sflag:s4] =	ssyncadd.s32 $0xFFFFFFFF  }
0x96: {  	s16 =	sld [smem:$0x10];
	(tm) =	ssettm $0x1  }
0x97: {  	s17 =	sld [smem:$0x3FFB];
	_ =	sdelay $0x3  }
0x98: {  	_ =	strace s17  }
0x99: {  	s4 =	sld [smem:$0x3FFC];
	_ =	sdelay $0x3  }
0x9a: {  	_ =	strace s4  }
0x9b: {  	s4 =	sld [smem:$0x3FFD];
	_ =	sdelay $0x3  }
0x9c: {  	_ =	strace s4  }
0x9d: {  	_ =	strace $0x8FFFFFFF  }
0x9e: {  	s18 =	sld [smem:$0x3FDB];
	_ =	sdelay $0x1  }
0x9f: {  	s19 =	simm.s32 $_scs_section_size  }
0xa0: {  	s6 =	simm.s32 $_size__tile_overlayer_lowered;
	s7 =	simm.s32 $_tile_overlayer_lowered  }
0xa1: {  	s22 =	simm.s32 $0x1BFF;
	s21 =	sshll.u32 s7, $0x1;
	s4 =	sadd.s32 s19, s18  }
0xa2: {  	s8 =	simm.s32 $0x0;
	s20 =	sshll.u32 s6, $0x1;
	s6 =	sadd.s32 s21, s4  }
0xa3: {  	[timem:s8], [sflag:s22] =	dma.local [hbm:s6], s20  }
0xa4: {  	_ =	swait.ge [sflag:s22], s20  }
0xa5: {  	s5 =	ssub.s32 $0x0, s20;
	[sflag:s22] =	ssyncset.done $0x0  }
0xa6: {  	[sflag:s22] =	ssyncadd.s32 s5;
	_ =	sdelay $0x1  }
0xa7: {  	s23 =	simm.s32 $0x1B8B  }
0xa8: {  	_ =	swait.ge [sflag:s23], $0x1  }
0xa9: {  	[sflag:s23] =	ssyncset.done $0x0  }
0xaa: {  	s25 =	simm.s32 $0x1B8E;
	s24 =	sld [smem:$0x3FFE];
	[sflag:s23] =	ssyncadd.s32 $0xFFFFFFFF  }
0xab: {  	s26 =	simm.s32 $execute0_lowered;
	[smem:$0x3FD2] =	sst s25  }
0xac: {  	s6 =	sshll.u32 s26, $0x1;
	_ =	strace $0x80000046;
	[dreg:$0x1] =	wrdreg $0xFFFFFFFF  }
0xad: {  	s28 =	simm.s32 $_size_execute0_lowered;
	s4 =	sadd.s32 s4, s6;
	[dreg:$0x0] =	wrdreg $0x0  }
0xae: {  	s6 =	sshll.u32 s28, $0x1;
	[dreg:$0x2] =	wrdreg s4  }
0xaf: {  	[dreg:$0x3] =	wrdreg s6  }
0xb0: {  	[dreg:$0x4] =	wrdreg $0xC0  }
0xb1: {  	_ =	task [dreg:s8], $0x5FFFF  }
0xb2: {  	[dreg:$0x1] =	wrdreg $0xFFFFFFFF  }
0xb3: {  	[dreg:$0x0] =	wrdreg $0x60  }
0xb4: {  	[dreg:$0x2] =	wrdreg s15  }
0xb5: {  	[dreg:$0x3] =	wrdreg s24  }
0xb6: {  	[dreg:$0x4] =	wrdreg s16  }
0xb7: {  	[dreg:$0x5] =	wrdreg $0x9  }
0xb8: {  	_ =	task.clear_ibuf [dreg:s8], $0x6FFFF;
	_ =	strace $0x90000046  }
0xb9: {  	s29 =	simm.s32 $0x9;
	_ =	strace $0x80000048  }
0xba: {  	_ =	swait.ge [sflag:s29], $0x1  }
0xbb: {  	[sflag:s29] =	ssyncadd.s32 $0xFFFFFFFF  }
0xbc: {  	_ =	strace $0x90000048  }
0xbd: {  	_ =	sfence  }
0xbe: {  	s30 =	sld [smem:$0x0];
	_ =	sdelay $0x2  }
0xbf: {  	s31 =	sshll.u32 s1, $0xD;
	s1 =	sshrl.u32 s1, $0x2  }
0xc0: {  	s3 =	sand.u32 $0x4000, s31;
	s1 =	sadd.s32 s1, s30  }
0xc1: {  	s0 =	sor.u32 s3, s0;
	s1 =	sshll.u32 s1, $0x11  }
0xc2: {  	s0 =	sor.u32 s1, s0  }
0xc3: {  	s0 =	sadd.s32 $0x8F2B, s0  }
0xc4: {  	[sflag:s0] =	ssyncadd.remote.s32 $0x1  }
0xc5: {  	_ =	sfence.sel $0xFFFF  }
0xc6: {  	[dreg:$0x0] =	wrdreg $0xFFFFFFFF;
	(pc) =	sbr.abs _section_cstart, $3  }
0xc7: {  	[dreg:$0x1] =	wrdreg $0xFFFFFFFF  }
0xc8: {  	_ =	task.clear_ibuf [dreg:s8], $0x2FFFF;
	_ =	strace $0x9FFFFFFF  }
0xc9: {  	(tm) =	ssettm $0x7FFFFFFF  }
tec
execute0_lowered:
.L_overlay_start_1:
0x0: {  	(tag) =	ssettag $0x1  }
0x1: {  	s1 =	rddreg [dreg:$0x0]  }
0x2: {  	s0 =	rddreg [dreg:$0x1]  }
0x3: {  	s3 =	rddreg [dreg:$0x2];
	s2 =	simm.s32 $0x0  }
0x4: {  	[smem:$0x7FF] =	sst s2;
	s0 =	sadd.s32 $0xC00, s0  }
0x5: {  	s9 =	sadd.s32 $0x100, s1;
	_ =	strace $0x80000047;
	[dreg:$0x4] =	wrdreg s0  }
0x6: {  	s10 =	sadd.s32 $0x200, s1;
	[dreg:$0x6] =	wrdreg s9  }
0x7: {  	s11 =	sadd.s32 $0x300, s1;
	[dreg:$0x7] =	wrdreg s10  }
0x8: {  	s12 =	sadd.s32 $0x400, s1;
	[dreg:$0x8] =	wrdreg s11  }
0x9: {  	s13 =	sadd.s32 $0x500, s1;
	[dreg:$0x9] =	wrdreg s12  }
0xa: {  	s14 =	sadd.s32 $0x600, s1;
	[dreg:$0xa] =	wrdreg s13  }
0xb: {  	s15 =	sadd.s32 $0x700, s1;
	[dreg:$0xb] =	wrdreg s14  }
0xc: {  	s16 =	sadd.s32 $0x800, s1;
	[dreg:$0xc] =	wrdreg s15  }
0xd: {  	s17 =	sadd.s32 $0x900, s1;
	[dreg:$0xd] =	wrdreg s16  }
0xe: {  	s18 =	sadd.s32 $0xA00, s1;
	[dreg:$0xe] =	wrdreg s17  }
0xf: {  	s19 =	sadd.s32 $0xB00, s1;
	[dreg:$0xf] =	wrdreg s18  }
0x10: {  	s20 =	sadd.s32 $0xC00, s1;
	[dreg:$0x10] =	wrdreg s19  }
0x11: {  	s21 =	sadd.s32 $0xD00, s1;
	[dreg:$0x11] =	wrdreg s20  }
0x12: {  	s22 =	sadd.s32 $0xE00, s1;
	[dreg:$0x12] =	wrdreg s21  }
0x13: {  	s23 =	sadd.s32 $0xF00, s1;
	[dreg:$0x13] =	wrdreg s22  }
0x14: {  	s24 =	sadd.s32 $0x1000, s1;
	[dreg:$0x14] =	wrdreg s23  }
0x15: {  	s25 =	sadd.s32 $0x1100, s1;
	[dreg:$0x15] =	wrdreg s24  }
0x16: {  	s26 =	sadd.s32 $0x1200, s1;
	[dreg:$0x16] =	wrdreg s25  }
0x17: {  	[dreg:$0x17] =	wrdreg s26;
	s9 =	sadd.s32 $0x1900, s1  }
0x18: {  	s10 =	sadd.s32 $0x1A00, s1;
	[dreg:$0x1f] =	wrdreg s9  }
0x19: {  	s11 =	sadd.s32 $0x1B00, s1;
	[smem:$0x7D7] =	sst s10  }
0x1a: {  	s12 =	sadd.s32 $0x1C00, s1;
	[smem:$0x7D8] =	sst s11  }
0x1b: {  	s13 =	sadd.s32 $0x1D00, s1;
	[smem:$0x7D9] =	sst s12  }
0x1c: {  	s14 =	sadd.s32 $0x1E00, s1;
	[smem:$0x7DA] =	sst s13  }
0x1d: {  	s15 =	sadd.s32 $0x1F00, s1;
	[smem:$0x7DB] =	sst s14  }
0x1e: {  	s16 =	sadd.s32 $0x2000, s1;
	[smem:$0x7DC] =	sst s15  }
0x1f: {  	s17 =	sadd.s32 $0x2100, s1;
	[smem:$0x7DD] =	sst s16  }
0x20: {  	s18 =	sadd.s32 $0x2200, s1;
	[smem:$0x7DE] =	sst s17  }
0x21: {  	s19 =	sadd.s32 $0x2300, s1;
	[smem:$0x7DF] =	sst s18  }
0x22: {  	s20 =	sadd.s32 $0x2400, s1;
	[smem:$0x7E0] =	sst s19  }
0x23: {  	s4 =	srdreg.scid;
	s21 =	sadd.s32 $0x2500, s1;
	[smem:$0x7E1] =	sst s20  }
0x24: {  	s6 =	stileid.u32;
	s22 =	sadd.s32 $0x2600, s1;
	[smem:$0x7E2] =	sst s21  }
0x25: {  	s4 =	sand.u32 $0x1, s4;
	s24 =	sadd.s32 $0x2700, s1;
	[smem:$0x7E3] =	sst s22  }
0x26: {  	s5 =	ssub.s32 $0x2, s4;
	s25 =	sadd.s32 $0x2800, s1;
	[smem:$0x7E4] =	sst s24  }
0x27: {  	s4 =	sshll.u32 s4, $0x4;
	s26 =	sadd.s32 $0x2900, s1;
	[smem:$0x7E5] =	sst s25  }
0x28: {  	s4 =	sor.u32 s6, s4;
	s6 =	sadd.s32 $0x1600, s1;
	[smem:$0x7E6] =	sst s26  }
0x29: {  	s10 =	sadd.s32 $0x3000, s1;
	[dreg:$0x1c] =	wrdreg s6  }
0x2a: {  	s11 =	sadd.s32 $0x3100, s1;
	[smem:$0x7EE] =	sst s10  }
0x2b: {  	s12 =	sadd.s32 $0x3200, s1;
	[smem:$0x7EF] =	sst s11  }
0x2c: {  	s13 =	sadd.s32 $0x3300, s1;
	[smem:$0x7F0] =	sst s12  }
0x2d: {  	s14 =	sadd.s32 $0x3400, s1;
	[smem:$0x7F1] =	sst s13  }
0x2e: {  	s15 =	sadd.s32 $0x3500, s1;
	[smem:$0x7F2] =	sst s14  }
0x2f: {  	s28 =	simm.s32 $0x6800;
	s16 =	sadd.s32 $0x3600, s1;
	[smem:$0x7F3] =	sst s15  }
0x30: {  	s29 =	simm.s32 $0x7800;
	s17 =	sadd.s32 $0x3700, s1;
	[smem:$0x7F4] =	sst s16  }
0x31: {  	s30 =	simm.s32 $0x2;
	s18 =	sadd.s32 $0x3800, s1;
	[smem:$0x7F5] =	sst s17  }
0x32: {  	s31 =	simm.s32 $0x0;
	s19 =	sadd.s32 $0x3900, s1;
	[smem:$0x7F6] =	sst s18  }
0x33: {  	s7 =	sshrl.u32 s5, $0x1;
	s20 =	sadd.s32 $0x3A00, s1;
	[smem:$0x7F7] =	sst s19  }
0x34: {  	s21 =	sadd.s32 $0x3B00, s1;
	s22 =	sadd.s32 $0x3C00, s1;
	[smem:$0x7F8] =	sst s20  }
0x35: {  	s24 =	sadd.s32 $0x3D00, s1;
	s25 =	sadd.s32 $0x3E00, s1;
	[smem:$0x7F9] =	sst s21  }
0x36: {  	s26 =	sadd.s32 $0x3F00, s1;
	s0 =	ssub.s32 s5, s7;
	[smem:$0x7FA] =	sst s22  }
0x37: {  	s8 =	sshll.u32 s4, $0xE;
	s4 =	sshll.u32 s4, $0xD;
	[smem:$0x7FB] =	sst s24  }
0x38: {  	s5 =	sadd.s32 $0x1500, s1;
	s7 =	sadd.s32 $0x1700, s1;
	[smem:$0x7FC] =	sst s25  }
0x39: {  	s6 =	sadd.s32 $0x2D00, s1;
	[smem:$0x7FD] =	sst s26;
	s17 =	simm.s32 $0x5  }
0x3a: {  	s21 =	simm.s32 $0x4000;
	s22 =	simm.s32 $0x4800;
	[dreg:$0x5] =	wrdreg s8  }
0x3b: {  	s24 =	simm.s32 $0x5000;
	s25 =	simm.s32 $0x5800;
	[dreg:$0x1b] =	wrdreg s5  }
0x3c: {  	s26 =	simm.s32 $0x6000;
	s18 =	simm.s32 $0x7000;
	[dreg:$0x1d] =	wrdreg s7  }
0x3d: {  	s19 =	simm.s32 $0x1;
	s0 =	smax.u32 s0, $0x1;
	[smem:$0x7EA] =	sst s6  }
0x3e: {  	s23 =	sadd.s32 s3, s4;
	s3 =	sadd.s32 $0x1300, s1;
	[dreg:$0x18] =	wrdreg s0  }
0x3f: {  	s10 =	simm.s32 $0x8000;
	s4 =	sadd.s32 $0x1400, s1;
	[dreg:$0x19] =	wrdreg s3  }
0x40: {  	s11 =	simm.s32 $0xC000;
	s8 =	sadd.s32 $0x1800, s1;
	[dreg:$0x1a] =	wrdreg s4  }
0x41: {  	s20 =	simm.s32 $0x3;
	s5 =	sadd.s32 $0x2C00, s1;
	[dreg:$0x1e] =	wrdreg s8  }
0x42: {  	s12 =	simm.s32 $0x4;
	s7 =	sadd.s32 $0x2E00, s1;
	[smem:$0x7E9] =	sst s5  }
0x43: {  	s6 =	simm.s32 $0x6400;
	s3 =	sadd.s32 $0x2A00, s1;
	[smem:$0x7EB] =	sst s7  }
0x44: {  	s4 =	sadd.s32 $0x2B00, s1;
	s8 =	sadd.s32 $0x2F00, s1;
	[smem:$0x7E7] =	sst s3  }
0x45: {  	s9 =	sadd.s32 $0x800, s23;
	s15 =	sadd.s32 $0x1000, s23;
	[smem:$0x7E8] =	sst s4  }
0x46: {  	s16 =	sadd.s32 $0x1800, s23;
	s5 =	simm.s32 $0x5C00;
	[smem:$0x7EC] =	sst s8  }
0x47: {  	s7 =	simm.s32 $0x6C00;
	[smem:$0x7ED] =	sst s9;
	s3 =	simm.s32 $0x4C00  }
0x48: {  	s4 =	simm.s32 $0x5400;
	s8 =	simm.s32 $0x7400;
	s9 =	simm.s32 $0x7C00  }
.LBB2_1:
0x49: {  	s0 =	rddreg [dreg:$0x4];
	s13 =	simm.s32 $0x10000  }
0x4a: {  	[tilespmem:s13], [sflag:$0x5] =	stream.linear.gather [hbm4b:s0+s2], $0x10, $0x38;
	[tilespmem:$0x10080] =	vst v63  }
0x4b: {  	_ =	swait.ge [sflag:s17], $0x10  }
0x4c: {  	[sflag:s17] =	ssyncset.done $0x0  }
0x4d: {  	[sflag:s17] =	ssyncadd.s32 $0xFFFFFFF0  }
0x4e: {  	v0 =	vld [tilespmem:$0x10000];
	_ =	sdelay $0x4  }
0x4f: {  	(v2sf) =	vpush v0, $0x0;
	_ =	sdelay $0xe  }
0x50: {  	s13 =	spop (v2sf)  }
0x51: {  	p0 =	sgt.f32 s13, $5.000000000e-01  }
0x52: {  	s0 =	simm.s32 $0x80  }
0x53: {  	s14 =	rddreg [dreg:$0x5];
	s0 =	simm.s32 @!p0 $0x0  }
0x54: {  	s13 =	sor.u32 s14, s0  }
0x55: {  	s14 =	rddreg [dreg:$0x6];
	s0 =	sadd.s32 s1, s13  }
0x56: {  	[tilespmem:s2], [sflag:$0x1] =	stream.linear.gather [hbm4b:s0+s2], $0x400, $0x38;
	[tilespmem:$0x10080] =	vst v63  }
0x57: {  	s0 =	sadd.s32 s13, s14;
	s14 =	simm.s32 $0x400  }
0x58: {  	[tilespmem:s14], [sflag:$0x1] =	stream.linear.gather [hbm4b:s0+s2], $0x400, $0x38;
	[tilespmem:$0x10080] =	vst v63  }
0x59: {  	s14 =	rddreg [dreg:$0x7]  }
0x5a: {  	s0 =	sadd.s32 s13, s14;
	s14 =	simm.s32 $0x800  }
0x5b: {  	[tilespmem:s14], [sflag:$0x1] =	stream.linear.gather [hbm4b:s0+s2], $0x400, $0x38;
	[tilespmem:$0x10080] =	vst v63  }
0x5c: {  	s14 =	rddreg [dreg:$0x8]  }
0x5d: {  	s0 =	sadd.s32 s13, s14;
	s14 =	simm.s32 $0xC00  }
0x5e: {  	[tilespmem:s14], [sflag:$0x1] =	stream.linear.gather [hbm4b:s0+s2], $0x400, $0x38;
	[tilespmem:$0x10080] =	vst v63  }
0x5f: {  	s14 =	rddreg [dreg:$0x9]  }
0x60: {  	s0 =	sadd.s32 s13, s14;
	s14 =	simm.s32 $0x1000  }
0x61: {  	[tilespmem:s14], [sflag:$0x1] =	stream.linear.gather [hbm4b:s0+s2], $0x400, $0x38;
	[tilespmem:$0x10080] =	vst v63  }
0x62: {  	s14 =	rddreg [dreg:$0xa]  }
0x63: {  	s0 =	sadd.s32 s13, s14;
	s14 =	simm.s32 $0x1400  }
0x64: {  	[tilespmem:s14], [sflag:$0x1] =	stream.linear.gather [hbm4b:s0+s2], $0x400, $0x38;
	[tilespmem:$0x10080] =	vst v63  }
0x65: {  	s14 =	rddreg [dreg:$0xb]  }
0x66: {  	s0 =	sadd.s32 s13, s14;
	s14 =	simm.s32 $0x1800  }
0x67: {  	[tilespmem:s14], [sflag:$0x1] =	stream.linear.gather [hbm4b:s0+s2], $0x400, $0x38;
	[tilespmem:$0x10080] =	vst v63  }
0x68: {  	s14 =	rddreg [dreg:$0xc]  }
0x69: {  	s0 =	sadd.s32 s13, s14;
	s14 =	simm.s32 $0x1C00  }
0x6a: {  	[tilespmem:s14], [sflag:$0x1] =	stream.linear.gather [hbm4b:s0+s2], $0x400, $0x38;
	[tilespmem:$0x10080] =	vst v63  }
0x6b: {  	s14 =	rddreg [dreg:$0xd]  }
0x6c: {  	s0 =	sadd.s32 s13, s14;
	s14 =	simm.s32 $0x2000  }
0x6d: {  	[tilespmem:s14], [sflag:$0x1] =	stream.linear.gather [hbm4b:s0+s2], $0x400, $0x38;
	[tilespmem:$0x10080] =	vst v63  }
0x6e: {  	s14 =	rddreg [dreg:$0xe]  }
0x6f: {  	s0 =	sadd.s32 s13, s14;
	s14 =	simm.s32 $0x2400  }
0x70: {  	[tilespmem:s14], [sflag:$0x1] =	stream.linear.gather [hbm4b:s0+s2], $0x400, $0x38;
	[tilespmem:$0x10080] =	vst v63  }
0x71: {  	s14 =	rddreg [dreg:$0xf]  }
0x72: {  	s0 =	sadd.s32 s13, s14;
	s14 =	simm.s32 $0x2800  }
0x73: {  	[tilespmem:s14], [sflag:$0x1] =	stream.linear.gather [hbm4b:s0+s2], $0x400, $0x38;
	[tilespmem:$0x10080] =	vst v63  }
0x74: {  	s14 =	rddreg [dreg:$0x10]  }
0x75: {  	s0 =	sadd.s32 s13, s14;
	s14 =	simm.s32 $0x2C00  }
0x76: {  	[tilespmem:s14], [sflag:$0x1] =	stream.linear.gather [hbm4b:s0+s2], $0x400, $0x38;
	[tilespmem:$0x10080] =	vst v63  }
0x77: {  	s14 =	rddreg [dreg:$0x11]  }
0x78: {  	s0 =	sadd.s32 s13, s14;
	s14 =	simm.s32 $0x3000  }
0x79: {  	[tilespmem:s14], [sflag:$0x1] =	stream.linear.gather [hbm4b:s0+s2], $0x400, $0x38;
	[tilespmem:$0x10080] =	vst v63  }
0x7a: {  	s14 =	rddreg [dreg:$0x12]  }
0x7b: {  	s0 =	sadd.s32 s13, s14;
	s14 =	simm.s32 $0x3400  }
0x7c: {  	[tilespmem:s14], [sflag:$0x1] =	stream.linear.gather [hbm4b:s0+s2], $0x400, $0x38;
	[tilespmem:$0x10080] =	vst v63  }
0x7d: {  	s14 =	rddreg [dreg:$0x13]  }
0x7e: {  	s0 =	sadd.s32 s13, s14;
	s14 =	simm.s32 $0x3800  }
0x7f: {  	[tilespmem:s14], [sflag:$0x1] =	stream.linear.gather [hbm4b:s0+s2], $0x400, $0x38;
	[tilespmem:$0x10080] =	vst v63  }
0x80: {  	s14 =	rddreg [dreg:$0x14]  }
0x81: {  	s0 =	sadd.s32 s13, s14;
	s14 =	simm.s32 $0x3C00  }
0x82: {  	[tilespmem:s14], [sflag:$0x1] =	stream.linear.gather [hbm4b:s0+s2], $0x400, $0x38;
	[tilespmem:$0x10080] =	vst v63  }
0x83: {  	s14 =	rddreg [dreg:$0x15]  }
0x84: {  	s0 =	sadd.s32 s13, s14;
	s14 =	rddreg [dreg:$0x16]  }
0x85: {  	[tilespmem:s21], [sflag:$0x2] =	stream.linear.gather [hbm4b:s0+s2], $0x400, $0x38;
	[tilespmem:$0x10080] =	vst v63  }
0x86: {  	s0 =	sadd.s32 s13, s14;
	s21 =	simm.s32 $0x4400;
	s14 =	rddreg [dreg:$0x17]  }
0x87: {  	[tilespmem:s21], [sflag:$0x2] =	stream.linear.gather [hbm4b:s0+s2], $0x400, $0x38;
	[tilespmem:$0x10080] =	vst v63  }
0x88: {  	s21 =	rddreg [dreg:$0x19]  }
0x89: {  	s0 =	sadd.s32 s13, s14;
	s14 =	rddreg [dreg:$0x1a]  }
0x8a: {  	[tilespmem:s22], [sflag:$0x2] =	stream.linear.gather [hbm4b:s0+s2], $0x400, $0x38;
	[tilespmem:$0x10080] =	vst v63  }
0x8b: {  	s0 =	sadd.s32 s13, s21;
	s21 =	rddreg [dreg:$0x1b]  }
0x8c: {  	[tilespmem:s3], [sflag:$0x2] =	stream.linear.gather [hbm4b:s0+s2], $0x400, $0x38;
	[tilespmem:$0x10080] =	vst v63  }
0x8d: {  	s0 =	sadd.s32 s13, s14;
	s14 =	rddreg [dreg:$0x1c]  }
0x8e: {  	[tilespmem:s24], [sflag:$0x2] =	stream.linear.gather [hbm4b:s0+s2], $0x400, $0x38;
	[tilespmem:$0x10080] =	vst v63  }
0x8f: {  	s0 =	sadd.s32 s13, s21;
	s21 =	rddreg [dreg:$0x1d]  }
0x90: {  	[tilespmem:s4], [sflag:$0x2] =	stream.linear.gather [hbm4b:s0+s2], $0x400, $0x38;
	[tilespmem:$0x10080] =	vst v63  }
0x91: {  	s0 =	sadd.s32 s13, s14;
	s14 =	rddreg [dreg:$0x1e]  }
0x92: {  	[tilespmem:s25], [sflag:$0x2] =	stream.linear.gather [hbm4b:s0+s2], $0x400, $0x38;
	[tilespmem:$0x10080] =	vst v63  }
0x93: {  	s0 =	sadd.s32 s13, s21;
	s21 =	rddreg [dreg:$0x1f]  }
0x94: {  	[tilespmem:s5], [sflag:$0x2] =	stream.linear.gather [hbm4b:s0+s2], $0x400, $0x38;
	[tilespmem:$0x10080] =	vst v63  }
0x95: {  	s0 =	sadd.s32 s13, s14;
	s14 =	sld [smem:$0x7D7]  }
0x96: {  	[tilespmem:s26], [sflag:$0x2] =	stream.linear.gather [hbm4b:s0+s2], $0x400, $0x38;
	[tilespmem:$0x10080] =	vst v63  }
0x97: {  	s0 =	sadd.s32 s13, s21;
	s21 =	sld [smem:$0x7D8]  }
0x98: {  	[tilespmem:s6], [sflag:$0x2] =	stream.linear.gather [hbm4b:s0+s2], $0x400, $0x38;
	[tilespmem:$0x10080] =	vst v63  }
0x99: {  	s0 =	sadd.s32 s13, s14;
	s14 =	sld [smem:$0x7D9]  }
0x9a: {  	[tilespmem:s28], [sflag:$0x2] =	stream.linear.gather [hbm4b:s0+s2], $0x400, $0x38;
	[tilespmem:$0x10080] =	vst v63  }
0x9b: {  	s0 =	sadd.s32 s13, s21;
	s21 =	sld [smem:$0x7DA]  }
0x9c: {  	[tilespmem:s7], [sflag:$0x2] =	stream.linear.gather [hbm4b:s0+s2], $0x400, $0x38;
	[tilespmem:$0x10080] =	vst v63  }
0x9d: {  	s0 =	sadd.s32 s13, s14;
	s14 =	sld [smem:$0x7DB]  }
0x9e: {  	[tilespmem:s18], [sflag:$0x2] =	stream.linear.gather [hbm4b:s0+s2], $0x400, $0x38;
	[tilespmem:$0x10080] =	vst v63  }
0x9f: {  	s0 =	sadd.s32 s13, s21;
	s21 =	sld [smem:$0x7DC]  }
0xa0: {  	[tilespmem:s8], [sflag:$0x2] =	stream.linear.gather [hbm4b:s0+s2], $0x400, $0x38;
	[tilespmem:$0x10080] =	vst v63  }
0xa1: {  	s0 =	sadd.s32 s13, s14  }
0xa2: {  	[tilespmem:s29], [sflag:$0x2] =	stream.linear.gather [hbm4b:s0+s2], $0x400, $0x38;
	[tilespmem:$0x10080] =	vst v63  }
0xa3: {  	s0 =	sadd.s32 s13, s21  }
0xa4: {  	[tilespmem:s9], [sflag:$0x2] =	stream.linear.gather [hbm4b:s0+s2], $0x400, $0x38;
	[tilespmem:$0x10080] =	vst v63  }
0xa5: {  	_ =	swait.ge [sflag:s19], $0x400  }
0xa6: {  	[sflag:s19] =	ssyncset.done $0x0  }
0xa7: {  	[sflag:s19] =	ssyncadd.s32 $0xFFFFFC00  }
0xa8: {  	_ =	swait.ge [sflag:s19], $0x400  }
0xa9: {  	[sflag:s19] =	ssyncset.done $0x0  }
0xaa: {  	[sflag:s19] =	ssyncadd.s32 $0xFFFFFC00  }
0xab: {  	_ =	swait.ge [sflag:s19], $0x400  }
0xac: {  	[sflag:s19] =	ssyncset.done $0x0  }
0xad: {  	[sflag:s19] =	ssyncadd.s32 $0xFFFFFC00  }
0xae: {  	_ =	swait.ge [sflag:s19], $0x400  }
0xaf: {  	[sflag:s19] =	ssyncset.done $0x0  }
0xb0: {  	[sflag:s19] =	ssyncadd.s32 $0xFFFFFC00  }
0xb1: {  	_ =	swait.ge [sflag:s19], $0x400  }
0xb2: {  	[sflag:s19] =	ssyncset.done $0x0  }
0xb3: {  	[sflag:s19] =	ssyncadd.s32 $0xFFFFFC00  }
0xb4: {  	_ =	swait.ge [sflag:s19], $0x400  }
0xb5: {  	[sflag:s19] =	ssyncset.done $0x0  }
0xb6: {  	[sflag:s19] =	ssyncadd.s32 $0xFFFFFC00  }
0xb7: {  	_ =	swait.ge [sflag:s19], $0x400  }
0xb8: {  	[sflag:s19] =	ssyncset.done $0x0  }
0xb9: {  	[sflag:s19] =	ssyncadd.s32 $0xFFFFFC00  }
0xba: {  	_ =	swait.ge [sflag:s19], $0x400  }
0xbb: {  	[sflag:s19] =	ssyncset.done $0x0  }
0xbc: {  	[sflag:s19] =	ssyncadd.s32 $0xFFFFFC00  }
0xbd: {  	_ =	swait.ge [sflag:s19], $0x400  }
0xbe: {  	[sflag:s19] =	ssyncset.done $0x0  }
0xbf: {  	[sflag:s19] =	ssyncadd.s32 $0xFFFFFC00  }
0xc0: {  	_ =	swait.ge [sflag:s19], $0x400  }
0xc1: {  	[sflag:s19] =	ssyncset.done $0x0  }
0xc2: {  	[sflag:s19] =	ssyncadd.s32 $0xFFFFFC00  }
0xc3: {  	_ =	swait.ge [sflag:s19], $0x400  }
0xc4: {  	[sflag:s19] =	ssyncset.done $0x0  }
0xc5: {  	[sflag:s19] =	ssyncadd.s32 $0xFFFFFC00  }
0xc6: {  	_ =	swait.ge [sflag:s19], $0x400  }
0xc7: {  	[sflag:s19] =	ssyncset.done $0x0  }
0xc8: {  	[sflag:s19] =	ssyncadd.s32 $0xFFFFFC00  }
0xc9: {  	_ =	swait.ge [sflag:s19], $0x400  }
0xca: {  	[sflag:s19] =	ssyncset.done $0x0  }
0xcb: {  	[sflag:s19] =	ssyncadd.s32 $0xFFFFFC00  }
0xcc: {  	_ =	swait.ge [sflag:s19], $0x400  }
0xcd: {  	[sflag:s19] =	ssyncset.done $0x0  }
0xce: {  	[sflag:s19] =	ssyncadd.s32 $0xFFFFFC00  }
0xcf: {  	_ =	swait.ge [sflag:s19], $0x400  }
0xd0: {  	[sflag:s19] =	ssyncset.done $0x0  }
0xd1: {  	[sflag:s19] =	ssyncadd.s32 $0xFFFFFC00  }
0xd2: {  	_ =	swait.ge [sflag:s19], $0x400  }
0xd3: {  	[sflag:s19] =	ssyncset.done $0x0  }
0xd4: {  	s14 =	simm.s32 $0x80;
	[sflag:s19] =	ssyncadd.s32 $0xFFFFFC00  }
0xd5: {  	v1 =	vld [tilespmem:s14+$0xFFFFFF80];
	_ =	sdelay $0x2  }
0xd6: {  	v0 =	vbroadcast v0, $0x2;
	_ =	sdelay $0x1  }
0xd7: {  	v1 =	vmul.f32 v1, v0  }
0xd8: {  	s21 =	simm.s32 $0x8080  }
0xd9: {  	[tilespmem:s21+$0xFFFFFF80] =	vst v1  }
0xda: {  	v1 =	vld [tilespmem:s14+$0xFFFFFF90];
	_ =	sdelay $0x4  }
0xdb: {  	v1 =	vmul.f32 v1, v0;
	_ =	sdelay $0x1  }
0xdc: {  	[tilespmem:s21+$0xFFFFFF90] =	vst v1  }
0xdd: {  	v1 =	vld [tilespmem:s14+$0xFFFFFFA0];
	_ =	sdelay $0x4  }
0xde: {  	v1 =	vmul.f32 v1, v0;
	_ =	sdelay $0x1  }
0xdf: {  	[tilespmem:s21+$0xFFFFFFA0] =	vst v1  }
0xe0: {  	v1 =	vld [tilespmem:s14+$0xFFFFFFB0];
	_ =	sdelay $0x4  }
0xe1: {  	v1 =	vmul.f32 v1, v0;
	_ =	sdelay $0x1  }
0xe2: {  	[tilespmem:s21+$0xFFFFFFB0] =	vst v1  }
0xe3: {  	v1 =	vld [tilespmem:s14+$0xFFFFFFC0];
	_ =	sdelay $0x4  }
0xe4: {  	v1 =	vmul.f32 v1, v0;
	_ =	sdelay $0x1  }
0xe5: {  	[tilespmem:s21+$0xFFFFFFC0] =	vst v1  }
0xe6: {  	v1 =	vld [tilespmem:s14+$0xFFFFFFD0];
	_ =	sdelay $0x4  }
0xe7: {  	v1 =	vmul.f32 v1, v0;
	_ =	sdelay $0x1  }
0xe8: {  	[tilespmem:s21+$0xFFFFFFD0] =	vst v1  }
0xe9: {  	v1 =	vld [tilespmem:s14+$0xFFFFFFE0];
	_ =	sdelay $0x4  }
0xea: {  	v1 =	vmul.f32 v1, v0;
	_ =	sdelay $0x1  }
0xeb: {  	[tilespmem:s21+$0xFFFFFFE0] =	vst v1  }
0xec: {  	v1 =	vld [tilespmem:s14+$0xFFFFFFF0];
	_ =	sdelay $0x4  }
0xed: {  	v1 =	vmul.f32 v1, v0;
	_ =	sdelay $0x1  }
0xee: {  	[tilespmem:s21+$0xFFFFFFF0] =	vst v1  }
0xef: {  	v1 =	vld [tilespmem:s14+$0x0];
	_ =	sdelay $0x4  }
0xf0: {  	v1 =	vmul.f32 v1, v0;
	_ =	sdelay $0x1  }
0xf1: {  	[tilespmem:s21+$0x0] =	vst v1  }
0xf2: {  	v1 =	vld [tilespmem:s14+$0x10];
	_ =	sdelay $0x4  }
0xf3: {  	v1 =	vmul.f32 v1, v0;
	_ =	sdelay $0x1  }
0xf4: {  	[tilespmem:s21+$0x10] =	vst v1  }
0xf5: {  	v1 =	vld [tilespmem:s14+$0x20];
	_ =	sdelay $0x4  }
0xf6: {  	v1 =	vmul.f32 v1, v0;
	_ =	sdelay $0x1  }
0xf7: {  	[tilespmem:s21+$0x20] =	vst v1  }
0xf8: {  	v1 =	vld [tilespmem:s14+$0x30];
	_ =	sdelay $0x4  }
0xf9: {  	v1 =	vmul.f32 v1, v0;
	_ =	sdelay $0x1  }
0xfa: {  	[tilespmem:s21+$0x30] =	vst v1  }
0xfb: {  	v1 =	vld [tilespmem:s14+$0x40];
	_ =	sdelay $0x4  }
0xfc: {  	v1 =	vmul.f32 v1, v0;
	_ =	sdelay $0x1  }
0xfd: {  	[tilespmem:s21+$0x40] =	vst v1  }
0xfe: {  	v1 =	vld [tilespmem:s14+$0x50];
	_ =	sdelay $0x4  }
0xff: {  	v1 =	vmul.f32 v1, v0;
	_ =	sdelay $0x1  }
0x100: {  	[tilespmem:s21+$0x50] =	vst v1  }
0x101: {  	v1 =	vld [tilespmem:s14+$0x60];
	_ =	sdelay $0x4  }
0x102: {  	v1 =	vmul.f32 v1, v0;
	_ =	sdelay $0x1  }
0x103: {  	[tilespmem:s21+$0x60] =	vst v1  }
0x104: {  	v1 =	vld [tilespmem:s14+$0x70];
	_ =	sdelay $0x4  }
0x105: {  	v1 =	vmul.f32 v1, v0;
	_ =	sdelay $0x1  }
0x106: {  	s0 =	simm.s32 $0x180;
	s14 =	simm.s32 $0x0;
	[tilespmem:s21+$0x70] =	vst v1  }
.LBB2_2:
0x107: {  	v1 =	vld [tilespmem:s0+$0xFFFFFF80];
	s14 =	sadd.s32 $0x4, s14  }
0x108: {  	p0 =	slt.u32 s14, $0xFC;
	_ =	sdelay $0x3  }
0x109: {  	v1 =	vmul.f32 v1, v0  }
0x10a: {  	s21 =	sadd.s32 $0x100, s21  }
0x10b: {  	[tilespmem:s21+$0xFFFFFF80] =	vst v1  }
0x10c: {  	v1 =	vld [tilespmem:s0+$0xFFFFFF90];
	_ =	sdelay $0x4  }
0x10d: {  	v1 =	vmul.f32 v1, v0;
	_ =	sdelay $0x1  }
0x10e: {  	[tilespmem:s21+$0xFFFFFF90] =	vst v1  }
0x10f: {  	v1 =	vld [tilespmem:s0+$0xFFFFFFA0];
	_ =	sdelay $0x4  }
0x110: {  	v1 =	vmul.f32 v1, v0;
	_ =	sdelay $0x1  }
0x111: {  	[tilespmem:s21+$0xFFFFFFA0] =	vst v1  }
0x112: {  	v1 =	vld [tilespmem:s0+$0xFFFFFFB0];
	_ =	sdelay $0x4  }
0x113: {  	v1 =	vmul.f32 v1, v0;
	_ =	sdelay $0x1  }
0x114: {  	[tilespmem:s21+$0xFFFFFFB0] =	vst v1  }
0x115: {  	v1 =	vld [tilespmem:s0+$0xFFFFFFC0];
	_ =	sdelay $0x4  }
0x116: {  	v1 =	vmul.f32 v1, v0;
	_ =	sdelay $0x1  }
0x117: {  	[tilespmem:s21+$0xFFFFFFC0] =	vst v1  }
0x118: {  	v1 =	vld [tilespmem:s0+$0xFFFFFFD0];
	_ =	sdelay $0x4  }
0x119: {  	v1 =	vmul.f32 v1, v0;
	_ =	sdelay $0x1  }
0x11a: {  	[tilespmem:s21+$0xFFFFFFD0] =	vst v1  }
0x11b: {  	v1 =	vld [tilespmem:s0+$0xFFFFFFE0];
	_ =	sdelay $0x4  }
0x11c: {  	v1 =	vmul.f32 v1, v0;
	_ =	sdelay $0x1  }
0x11d: {  	[tilespmem:s21+$0xFFFFFFE0] =	vst v1  }
0x11e: {  	v1 =	vld [tilespmem:s0+$0xFFFFFFF0];
	_ =	sdelay $0x4  }
0x11f: {  	v1 =	vmul.f32 v1, v0;
	_ =	sdelay $0x1  }
0x120: {  	[tilespmem:s21+$0xFFFFFFF0] =	vst v1  }
0x121: {  	v1 =	vld [tilespmem:s0+$0x0];
	_ =	sdelay $0x4  }
0x122: {  	v1 =	vmul.f32 v1, v0;
	_ =	sdelay $0x1  }
0x123: {  	[tilespmem:s21+$0x0] =	vst v1  }
0x124: {  	v1 =	vld [tilespmem:s0+$0x10];
	_ =	sdelay $0x4  }
0x125: {  	v1 =	vmul.f32 v1, v0;
	_ =	sdelay $0x1  }
0x126: {  	[tilespmem:s21+$0x10] =	vst v1  }
0x127: {  	v1 =	vld [tilespmem:s0+$0x20];
	_ =	sdelay $0x4  }
0x128: {  	v1 =	vmul.f32 v1, v0;
	_ =	sdelay $0x1  }
0x129: {  	[tilespmem:s21+$0x20] =	vst v1  }
0x12a: {  	v1 =	vld [tilespmem:s0+$0x30];
	_ =	sdelay $0x4  }
0x12b: {  	v1 =	vmul.f32 v1, v0;
	_ =	sdelay $0x1  }
0x12c: {  	[tilespmem:s21+$0x30] =	vst v1  }
0x12d: {  	v1 =	vld [tilespmem:s0+$0x40];
	_ =	sdelay $0x4  }
0x12e: {  	v1 =	vmul.f32 v1, v0;
	_ =	sdelay $0x1  }
0x12f: {  	[tilespmem:s21+$0x40] =	vst v1  }
0x130: {  	v1 =	vld [tilespmem:s0+$0x50];
	_ =	sdelay $0x4  }
0x131: {  	v1 =	vmul.f32 v1, v0;
	_ =	sdelay $0x1  }
0x132: {  	[tilespmem:s21+$0x50] =	vst v1  }
0x133: {  	v1 =	vld [tilespmem:s0+$0x60];
	_ =	sdelay $0x4  }
0x134: {  	v1 =	vmul.f32 v1, v0;
	_ =	sdelay $0x1  }
0x135: {  	[tilespmem:s21+$0x60] =	vst v1  }
0x136: {  	v1 =	vld [tilespmem:s0+$0x70];
	_ =	sdelay $0x2  }
.Ltmp0:
0x137: {  	(pc) =	sbr.rel @p0 .LBB2_2-.Ltmp0, $3  }
0x138: {  	_ = 	snop  }
0x139: {  	v1 =	vmul.f32 v1, v0;
	_ =	sdelay $0x1  }
0x13a: {  	s0 =	sadd.s32 $0x100, s0;
	[tilespmem:s21+$0x70] =	vst v1  }
0x13b: {  	s0 =	sld [smem:$0x7DD]  }
0x13c: {  	[hbm4b:s23+s2] =	stream.linear.scatter [tilespmem:s10], [sflag:$0x3], $0x4000, $0x38;
	[tilespmem:$0x10080] =	vst v63  }
0x13d: {  	s21 =	sld [smem:$0x7DE]  }
0x13e: {  	s0 =	sadd.s32 s13, s0  }
0x13f: {  	[tilespmem:s2], [sflag:$0x1] =	stream.linear.gather [hbm4b:s0+s2], $0x400, $0x38;
	[tilespmem:$0x10080] =	vst v63  }
0x140: {  	s14 =	simm.s32 $0x400;
	s0 =	sadd.s32 s13, s21  }
0x141: {  	[tilespmem:s14], [sflag:$0x1] =	stream.linear.gather [hbm4b:s0+s2], $0x400, $0x38;
	[tilespmem:$0x10080] =	vst v63  }
0x142: {  	s14 =	sld [smem:$0x7DF];
	_ =	sdelay $0x2  }
0x143: {  	s0 =	sadd.s32 s13, s14;
	s14 =	sld [smem:$0x7E0]  }
0x144: {  	s21 =	simm.s32 $0x800  }
0x145: {  	[tilespmem:s21], [sflag:$0x1] =	stream.linear.gather [hbm4b:s0+s2], $0x400, $0x38;
	[tilespmem:$0x10080] =	vst v63  }
0x146: {  	s0 =	sadd.s32 s13, s14;
	s14 =	sld [smem:$0x7E1]  }
0x147: {  	s21 =	simm.s32 $0xC00  }
0x148: {  	[tilespmem:s21], [sflag:$0x1] =	stream.linear.gather [hbm4b:s0+s2], $0x400, $0x38;
	[tilespmem:$0x10080] =	vst v63  }
0x149: {  	s0 =	sadd.s32 s13, s14;
	s14 =	sld [smem:$0x7E2]  }
0x14a: {  	s21 =	simm.s32 $0x1000  }
0x14b: {  	[tilespmem:s21], [sflag:$0x1] =	stream.linear.gather [hbm4b:s0+s2], $0x400, $0x38;
	[tilespmem:$0x10080] =	vst v63  }
0x14c: {  	s0 =	sadd.s32 s13, s14;
	s14 =	sld [smem:$0x7E3]  }
0x14d: {  	s21 =	simm.s32 $0x1400  }
0x14e: {  	[tilespmem:s21], [sflag:$0x1] =	stream.linear.gather [hbm4b:s0+s2], $0x400, $0x38;
	[tilespmem:$0x10080] =	vst v63  }
0x14f: {  	s0 =	sadd.s32 s13, s14;
	s14 =	sld [smem:$0x7E4]  }
0x150: {  	s21 =	simm.s32 $0x1800  }
0x151: {  	[tilespmem:s21], [sflag:$0x1] =	stream.linear.gather [hbm4b:s0+s2], $0x400, $0x38;
	[tilespmem:$0x10080] =	vst v63  }
0x152: {  	s0 =	sadd.s32 s13, s14;
	s14 =	sld [smem:$0x7E5]  }
0x153: {  	s21 =	simm.s32 $0x1C00  }
0x154: {  	[tilespmem:s21], [sflag:$0x1] =	stream.linear.gather [hbm4b:s0+s2], $0x400, $0x38;
	[tilespmem:$0x10080] =	vst v63  }
0x155: {  	s0 =	sadd.s32 s13, s14;
	s14 =	sld [smem:$0x7E6]  }
0x156: {  	s21 =	simm.s32 $0x2000  }
0x157: {  	[tilespmem:s21], [sflag:$0x1] =	stream.linear.gather [hbm4b:s0+s2], $0x400, $0x38;
	[tilespmem:$0x10080] =	vst v63  }
0x158: {  	s0 =	sadd.s32 s13, s14;
	s14 =	sld [smem:$0x7E7]  }
0x159: {  	s21 =	simm.s32 $0x2400  }
0x15a: {  	[tilespmem:s21], [sflag:$0x1] =	stream.linear.gather [hbm4b:s0+s2], $0x400, $0x38;
	[tilespmem:$0x10080] =	vst v63  }
0x15b: {  	s0 =	sadd.s32 s13, s14;
	s14 =	sld [smem:$0x7E8]  }
0x15c: {  	s21 =	simm.s32 $0x2800  }
0x15d: {  	[tilespmem:s21], [sflag:$0x1] =	stream.linear.gather [hbm4b:s0+s2], $0x400, $0x38;
	[tilespmem:$0x10080] =	vst v63  }
0x15e: {  	s0 =	sadd.s32 s13, s14;
	s14 =	sld [smem:$0x7E9]  }
0x15f: {  	s21 =	simm.s32 $0x2C00  }
0x160: {  	[tilespmem:s21], [sflag:$0x1] =	stream.linear.gather [hbm4b:s0+s2], $0x400, $0x38;
	[tilespmem:$0x10080] =	vst v63  }
0x161: {  	s0 =	sadd.s32 s13, s14;
	s14 =	sld [smem:$0x7EA]  }
0x162: {  	s21 =	simm.s32 $0x3000  }
0x163: {  	[tilespmem:s21], [sflag:$0x1] =	stream.linear.gather [hbm4b:s0+s2], $0x400, $0x38;
	[tilespmem:$0x10080] =	vst v63  }
0x164: {  	s0 =	sadd.s32 s13, s14;
	s14 =	sld [smem:$0x7EB]  }
0x165: {  	s21 =	simm.s32 $0x3400  }
0x166: {  	[tilespmem:s21], [sflag:$0x1] =	stream.linear.gather [hbm4b:s0+s2], $0x400, $0x38;
	[tilespmem:$0x10080] =	vst v63  }
0x167: {  	s0 =	sadd.s32 s13, s14;
	s14 =	sld [smem:$0x7EC]  }
0x168: {  	s21 =	simm.s32 $0x3800  }
0x169: {  	[tilespmem:s21], [sflag:$0x1] =	stream.linear.gather [hbm4b:s0+s2], $0x400, $0x38;
	[tilespmem:$0x10080] =	vst v63  }
0x16a: {  	s21 =	simm.s32 $0x3C00;
	s0 =	sadd.s32 s13, s14  }
0x16b: {  	[tilespmem:s21], [sflag:$0x1] =	stream.linear.gather [hbm4b:s0+s2], $0x400, $0x38;
	[tilespmem:$0x10080] =	vst v63  }
0x16c: {  	_ =	swait.ge [sflag:s30], $0x400  }
0x16d: {  	[sflag:s30] =	ssyncset.done $0x0  }
0x16e: {  	[sflag:s30] =	ssyncadd.s32 $0xFFFFFC00  }
0x16f: {  	_ =	swait.ge [sflag:s30], $0x400  }
0x170: {  	[sflag:s30] =	ssyncset.done $0x0  }
0x171: {  	[sflag:s30] =	ssyncadd.s32 $0xFFFFFC00  }
0x172: {  	_ =	swait.ge [sflag:s30], $0x400  }
0x173: {  	[sflag:s30] =	ssyncset.done $0x0  }
0x174: {  	[sflag:s30] =	ssyncadd.s32 $0xFFFFFC00  }
0x175: {  	_ =	swait.ge [sflag:s30], $0x400  }
0x176: {  	[sflag:s30] =	ssyncset.done $0x0  }
0x177: {  	[sflag:s30] =	ssyncadd.s32 $0xFFFFFC00  }
0x178: {  	_ =	swait.ge [sflag:s30], $0x400  }
0x179: {  	[sflag:s30] =	ssyncset.done $0x0  }
0x17a: {  	[sflag:s30] =	ssyncadd.s32 $0xFFFFFC00  }
0x17b: {  	_ =	swait.ge [sflag:s30], $0x400  }
0x17c: {  	[sflag:s30] =	ssyncset.done $0x0  }
0x17d: {  	[sflag:s30] =	ssyncadd.s32 $0xFFFFFC00  }
0x17e: {  	_ =	swait.ge [sflag:s30], $0x400  }
0x17f: {  	[sflag:s30] =	ssyncset.done $0x0  }
0x180: {  	[sflag:s30] =	ssyncadd.s32 $0xFFFFFC00  }
0x181: {  	_ =	swait.ge [sflag:s30], $0x400  }
0x182: {  	[sflag:s30] =	ssyncset.done $0x0  }
0x183: {  	[sflag:s30] =	ssyncadd.s32 $0xFFFFFC00  }
0x184: {  	_ =	swait.ge [sflag:s30], $0x400  }
0x185: {  	[sflag:s30] =	ssyncset.done $0x0  }
0x186: {  	[sflag:s30] =	ssyncadd.s32 $0xFFFFFC00  }
0x187: {  	_ =	swait.ge [sflag:s30], $0x400  }
0x188: {  	[sflag:s30] =	ssyncset.done $0x0  }
0x189: {  	[sflag:s30] =	ssyncadd.s32 $0xFFFFFC00  }
0x18a: {  	_ =	swait.ge [sflag:s30], $0x400  }
0x18b: {  	[sflag:s30] =	ssyncset.done $0x0  }
0x18c: {  	[sflag:s30] =	ssyncadd.s32 $0xFFFFFC00  }
0x18d: {  	_ =	swait.ge [sflag:s30], $0x400  }
0x18e: {  	[sflag:s30] =	ssyncset.done $0x0  }
0x18f: {  	[sflag:s30] =	ssyncadd.s32 $0xFFFFFC00  }
0x190: {  	_ =	swait.ge [sflag:s30], $0x400  }
0x191: {  	[sflag:s30] =	ssyncset.done $0x0  }
0x192: {  	[sflag:s30] =	ssyncadd.s32 $0xFFFFFC00  }
0x193: {  	_ =	swait.ge [sflag:s30], $0x400  }
0x194: {  	[sflag:s30] =	ssyncset.done $0x0  }
0x195: {  	[sflag:s30] =	ssyncadd.s32 $0xFFFFFC00  }
0x196: {  	_ =	swait.ge [sflag:s30], $0x400  }
0x197: {  	[sflag:s30] =	ssyncset.done $0x0  }
0x198: {  	[sflag:s30] =	ssyncadd.s32 $0xFFFFFC00  }
0x199: {  	_ =	swait.ge [sflag:s30], $0x400  }
0x19a: {  	[sflag:s30] =	ssyncset.done $0x0  }
0x19b: {  	s14 =	simm.s32 $0x4080;
	[sflag:s30] =	ssyncadd.s32 $0xFFFFFC00  }
0x19c: {  	v1 =	vld [tilespmem:s14+$0xFFFFFF80];
	_ =	sdelay $0x4  }
0x19d: {  	v1 =	vmul.f32 v1, v0  }
0x19e: {  	s21 =	simm.s32 $0xC080  }
0x19f: {  	[tilespmem:s21+$0xFFFFFF80] =	vst v1  }
0x1a0: {  	v1 =	vld [tilespmem:s14+$0xFFFFFF90];
	_ =	sdelay $0x4  }
0x1a1: {  	v1 =	vmul.f32 v1, v0;
	_ =	sdelay $0x1  }
0x1a2: {  	[tilespmem:s21+$0xFFFFFF90] =	vst v1  }
0x1a3: {  	v1 =	vld [tilespmem:s14+$0xFFFFFFA0];
	_ =	sdelay $0x4  }
0x1a4: {  	v1 =	vmul.f32 v1, v0;
	_ =	sdelay $0x1  }
0x1a5: {  	[tilespmem:s21+$0xFFFFFFA0] =	vst v1  }
0x1a6: {  	v1 =	vld [tilespmem:s14+$0xFFFFFFB0];
	_ =	sdelay $0x4  }
0x1a7: {  	v1 =	vmul.f32 v1, v0;
	_ =	sdelay $0x1  }
0x1a8: {  	[tilespmem:s21+$0xFFFFFFB0] =	vst v1  }
0x1a9: {  	v1 =	vld [tilespmem:s14+$0xFFFFFFC0];
	_ =	sdelay $0x4  }
0x1aa: {  	v1 =	vmul.f32 v1, v0;
	_ =	sdelay $0x1  }
0x1ab: {  	[tilespmem:s21+$0xFFFFFFC0] =	vst v1  }
0x1ac: {  	v1 =	vld [tilespmem:s14+$0xFFFFFFD0];
	_ =	sdelay $0x4  }
0x1ad: {  	v1 =	vmul.f32 v1, v0;
	_ =	sdelay $0x1  }
0x1ae: {  	[tilespmem:s21+$0xFFFFFFD0] =	vst v1  }
0x1af: {  	v1 =	vld [tilespmem:s14+$0xFFFFFFE0];
	_ =	sdelay $0x4  }
0x1b0: {  	v1 =	vmul.f32 v1, v0;
	_ =	sdelay $0x1  }
0x1b1: {  	[tilespmem:s21+$0xFFFFFFE0] =	vst v1  }
0x1b2: {  	v1 =	vld [tilespmem:s14+$0xFFFFFFF0];
	_ =	sdelay $0x4  }
0x1b3: {  	v1 =	vmul.f32 v1, v0;
	_ =	sdelay $0x1  }
0x1b4: {  	[tilespmem:s21+$0xFFFFFFF0] =	vst v1  }
0x1b5: {  	v1 =	vld [tilespmem:s14+$0x0];
	_ =	sdelay $0x4  }
0x1b6: {  	v1 =	vmul.f32 v1, v0;
	_ =	sdelay $0x1  }
0x1b7: {  	[tilespmem:s21+$0x0] =	vst v1  }
0x1b8: {  	v1 =	vld [tilespmem:s14+$0x10];
	_ =	sdelay $0x4  }
0x1b9: {  	v1 =	vmul.f32 v1, v0;
	_ =	sdelay $0x1  }
0x1ba: {  	[tilespmem:s21+$0x10] =	vst v1  }
0x1bb: {  	v1 =	vld [tilespmem:s14+$0x20];
	_ =	sdelay $0x4  }
0x1bc: {  	v1 =	vmul.f32 v1, v0;
	_ =	sdelay $0x1  }
0x1bd: {  	[tilespmem:s21+$0x20] =	vst v1  }
0x1be: {  	v1 =	vld [tilespmem:s14+$0x30];
	_ =	sdelay $0x4  }
0x1bf: {  	v1 =	vmul.f32 v1, v0;
	_ =	sdelay $0x1  }
0x1c0: {  	[tilespmem:s21+$0x30] =	vst v1  }
0x1c1: {  	v1 =	vld [tilespmem:s14+$0x40];
	_ =	sdelay $0x4  }
0x1c2: {  	v1 =	vmul.f32 v1, v0;
	_ =	sdelay $0x1  }
0x1c3: {  	[tilespmem:s21+$0x40] =	vst v1  }
0x1c4: {  	v1 =	vld [tilespmem:s14+$0x50];
	_ =	sdelay $0x4  }
0x1c5: {  	v1 =	vmul.f32 v1, v0;
	_ =	sdelay $0x1  }
0x1c6: {  	[tilespmem:s21+$0x50] =	vst v1  }
0x1c7: {  	v1 =	vld [tilespmem:s14+$0x60];
	_ =	sdelay $0x4  }
0x1c8: {  	v1 =	vmul.f32 v1, v0;
	_ =	sdelay $0x1  }
0x1c9: {  	[tilespmem:s21+$0x60] =	vst v1  }
0x1ca: {  	v1 =	vld [tilespmem:s14+$0x70];
	_ =	sdelay $0x4  }
0x1cb: {  	v1 =	vmul.f32 v1, v0;
	_ =	sdelay $0x1  }
0x1cc: {  	s0 =	simm.s32 $0x4180;
	s14 =	simm.s32 $0x0;
	[tilespmem:s21+$0x70] =	vst v1  }
.LBB2_4:
0x1cd: {  	v1 =	vld [tilespmem:s0+$0xFFFFFF80];
	s14 =	sadd.s32 $0x4, s14  }
0x1ce: {  	p0 =	slt.u32 s14, $0xFC;
	_ =	sdelay $0x3  }
0x1cf: {  	v1 =	vmul.f32 v1, v0  }
0x1d0: {  	s21 =	sadd.s32 $0x100, s21  }
0x1d1: {  	[tilespmem:s21+$0xFFFFFF80] =	vst v1  }
0x1d2: {  	v1 =	vld [tilespmem:s0+$0xFFFFFF90];
	_ =	sdelay $0x4  }
0x1d3: {  	v1 =	vmul.f32 v1, v0;
	_ =	sdelay $0x1  }
0x1d4: {  	[tilespmem:s21+$0xFFFFFF90] =	vst v1  }
0x1d5: {  	v1 =	vld [tilespmem:s0+$0xFFFFFFA0];
	_ =	sdelay $0x4  }
0x1d6: {  	v1 =	vmul.f32 v1, v0;
	_ =	sdelay $0x1  }
0x1d7: {  	[tilespmem:s21+$0xFFFFFFA0] =	vst v1  }
0x1d8: {  	v1 =	vld [tilespmem:s0+$0xFFFFFFB0];
	_ =	sdelay $0x4  }
0x1d9: {  	v1 =	vmul.f32 v1, v0;
	_ =	sdelay $0x1  }
0x1da: {  	[tilespmem:s21+$0xFFFFFFB0] =	vst v1  }
0x1db: {  	v1 =	vld [tilespmem:s0+$0xFFFFFFC0];
	_ =	sdelay $0x4  }
0x1dc: {  	v1 =	vmul.f32 v1, v0;
	_ =	sdelay $0x1  }
0x1dd: {  	[tilespmem:s21+$0xFFFFFFC0] =	vst v1  }
0x1de: {  	v1 =	vld [tilespmem:s0+$0xFFFFFFD0];
	_ =	sdelay $0x4  }
0x1df: {  	v1 =	vmul.f32 v1, v0;
	_ =	sdelay $0x1  }
0x1e0: {  	[tilespmem:s21+$0xFFFFFFD0] =	vst v1  }
0x1e1: {  	v1 =	vld [tilespmem:s0+$0xFFFFFFE0];
	_ =	sdelay $0x4  }
0x1e2: {  	v1 =	vmul.f32 v1, v0;
	_ =	sdelay $0x1  }
0x1e3: {  	[tilespmem:s21+$0xFFFFFFE0] =	vst v1  }
0x1e4: {  	v1 =	vld [tilespmem:s0+$0xFFFFFFF0];
	_ =	sdelay $0x4  }
0x1e5: {  	v1 =	vmul.f32 v1, v0;
	_ =	sdelay $0x1  }
0x1e6: {  	[tilespmem:s21+$0xFFFFFFF0] =	vst v1  }
0x1e7: {  	v1 =	vld [tilespmem:s0+$0x0];
	_ =	sdelay $0x4  }
0x1e8: {  	v1 =	vmul.f32 v1, v0;
	_ =	sdelay $0x1  }
0x1e9: {  	[tilespmem:s21+$0x0] =	vst v1  }
0x1ea: {  	v1 =	vld [tilespmem:s0+$0x10];
	_ =	sdelay $0x4  }
0x1eb: {  	v1 =	vmul.f32 v1, v0;
	_ =	sdelay $0x1  }
0x1ec: {  	[tilespmem:s21+$0x10] =	vst v1  }
0x1ed: {  	v1 =	vld [tilespmem:s0+$0x20];
	_ =	sdelay $0x4  }
0x1ee: {  	v1 =	vmul.f32 v1, v0;
	_ =	sdelay $0x1  }
0x1ef: {  	[tilespmem:s21+$0x20] =	vst v1  }
0x1f0: {  	v1 =	vld [tilespmem:s0+$0x30];
	_ =	sdelay $0x4  }
0x1f1: {  	v1 =	vmul.f32 v1, v0;
	_ =	sdelay $0x1  }
0x1f2: {  	[tilespmem:s21+$0x30] =	vst v1  }
0x1f3: {  	v1 =	vld [tilespmem:s0+$0x40];
	_ =	sdelay $0x4  }
0x1f4: {  	v1 =	vmul.f32 v1, v0;
	_ =	sdelay $0x1  }
0x1f5: {  	[tilespmem:s21+$0x40] =	vst v1  }
0x1f6: {  	v1 =	vld [tilespmem:s0+$0x50];
	_ =	sdelay $0x4  }
0x1f7: {  	v1 =	vmul.f32 v1, v0;
	_ =	sdelay $0x1  }
0x1f8: {  	[tilespmem:s21+$0x50] =	vst v1  }
0x1f9: {  	v1 =	vld [tilespmem:s0+$0x60];
	_ =	sdelay $0x4  }
0x1fa: {  	v1 =	vmul.f32 v1, v0;
	_ =	sdelay $0x1  }
0x1fb: {  	[tilespmem:s21+$0x60] =	vst v1  }
0x1fc: {  	v1 =	vld [tilespmem:s0+$0x70];
	_ =	sdelay $0x2  }
.Ltmp1:
0x1fd: {  	(pc) =	sbr.rel @p0 .LBB2_4-.Ltmp1, $3  }
0x1fe: {  	_ = 	snop  }
0x1ff: {  	v1 =	vmul.f32 v1, v0;
	_ =	sdelay $0x1  }
0x200: {  	s0 =	sadd.s32 $0x100, s0;
	[tilespmem:s21+$0x70] =	vst v1  }
0x201: {  	s0 =	sld [smem:$0x7ED]  }
0x202: {  	s21 =	sld [smem:$0x7EE]  }
0x203: {  	s14 =	sld [smem:$0x7EF]  }
0x204: {  	[hbm4b:s0+s2] =	stream.linear.scatter [tilespmem:s11], [sflag:$0x4], $0x4000, $0x38;
	[tilespmem:$0x10080] =	vst v63  }
0x205: {  	s0 =	sadd.s32 s13, s21;
	s21 =	simm.s32 $0x4000  }
0x206: {  	[tilespmem:s21], [sflag:$0x2] =	stream.linear.gather [hbm4b:s0+s2], $0x400, $0x38;
	[tilespmem:$0x10080] =	vst v63  }
0x207: {  	s0 =	sadd.s32 s13, s14;
	s14 =	simm.s32 $0x4400  }
0x208: {  	[tilespmem:s14], [sflag:$0x2] =	stream.linear.gather [hbm4b:s0+s2], $0x400, $0x38;
	[tilespmem:$0x10080] =	vst v63  }
0x209: {  	s14 =	sld [smem:$0x7F0];
	_ =	sdelay $0x2  }
0x20a: {  	s0 =	sadd.s32 s13, s14;
	s14 =	sld [smem:$0x7F1];
	_ =	sdelay $0x1  }
0x20b: {  	[tilespmem:s22], [sflag:$0x2] =	stream.linear.gather [hbm4b:s0+s2], $0x400, $0x38;
	[tilespmem:$0x10080] =	vst v63  }
0x20c: {  	s0 =	sadd.s32 s13, s14;
	s14 =	sld [smem:$0x7F2];
	_ =	sdelay $0x1  }
0x20d: {  	[tilespmem:s3], [sflag:$0x2] =	stream.linear.gather [hbm4b:s0+s2], $0x400, $0x38;
	[tilespmem:$0x10080] =	vst v63  }
0x20e: {  	s0 =	sadd.s32 s13, s14;
	s14 =	sld [smem:$0x7F3];
	_ =	sdelay $0x1  }
0x20f: {  	[tilespmem:s24], [sflag:$0x2] =	stream.linear.gather [hbm4b:s0+s2], $0x400, $0x38;
	[tilespmem:$0x10080] =	vst v63  }
0x210: {  	s0 =	sadd.s32 s13, s14;
	s14 =	sld [smem:$0x7F4];
	_ =	sdelay $0x1  }
0x211: {  	[tilespmem:s4], [sflag:$0x2] =	stream.linear.gather [hbm4b:s0+s2], $0x400, $0x38;
	[tilespmem:$0x10080] =	vst v63  }
0x212: {  	s0 =	sadd.s32 s13, s14;
	s14 =	sld [smem:$0x7F5];
	_ =	sdelay $0x1  }
0x213: {  	[tilespmem:s25], [sflag:$0x2] =	stream.linear.gather [hbm4b:s0+s2], $0x400, $0x38;
	[tilespmem:$0x10080] =	vst v63  }
0x214: {  	s0 =	sadd.s32 s13, s14;
	s14 =	sld [smem:$0x7F6];
	_ =	sdelay $0x1  }
0x215: {  	[tilespmem:s5], [sflag:$0x2] =	stream.linear.gather [hbm4b:s0+s2], $0x400, $0x38;
	[tilespmem:$0x10080] =	vst v63  }
0x216: {  	s0 =	sadd.s32 s13, s14;
	s14 =	sld [smem:$0x7F7];
	_ =	sdelay $0x1  }
0x217: {  	[tilespmem:s26], [sflag:$0x2] =	stream.linear.gather [hbm4b:s0+s2], $0x400, $0x38;
	[tilespmem:$0x10080] =	vst v63  }
0x218: {  	s0 =	sadd.s32 s13, s14;
	s14 =	sld [smem:$0x7F8];
	_ =	sdelay $0x1  }
0x219: {  	[tilespmem:s6], [sflag:$0x2] =	stream.linear.gather [hbm4b:s0+s2], $0x400, $0x38;
	[tilespmem:$0x10080] =	vst v63  }
0x21a: {  	s0 =	sadd.s32 s13, s14;
	s14 =	sld [smem:$0x7F9];
	_ =	sdelay $0x1  }
0x21b: {  	[tilespmem:s28], [sflag:$0x2] =	stream.linear.gather [hbm4b:s0+s2], $0x400, $0x38;
	[tilespmem:$0x10080] =	vst v63  }
0x21c: {  	s0 =	sadd.s32 s13, s14;
	s14 =	sld [smem:$0x7FA];
	_ =	sdelay $0x1  }
0x21d: {  	[tilespmem:s7], [sflag:$0x2] =	stream.linear.gather [hbm4b:s0+s2], $0x400, $0x38;
	[tilespmem:$0x10080] =	vst v63  }
0x21e: {  	s0 =	sadd.s32 s13, s14;
	s14 =	sld [smem:$0x7FB];
	_ =	sdelay $0x1  }
0x21f: {  	[tilespmem:s18], [sflag:$0x2] =	stream.linear.gather [hbm4b:s0+s2], $0x400, $0x38;
	[tilespmem:$0x10080] =	vst v63  }
0x220: {  	s0 =	sadd.s32 s13, s14;
	s14 =	sld [smem:$0x7FC];
	_ =	sdelay $0x1  }
0x221: {  	[tilespmem:s8], [sflag:$0x2] =	stream.linear.gather [hbm4b:s0+s2], $0x400, $0x38;
	[tilespmem:$0x10080] =	vst v63  }
0x222: {  	s0 =	sadd.s32 s13, s14;
	s14 =	sld [smem:$0x7FD];
	_ =	sdelay $0x1  }
0x223: {  	[tilespmem:s29], [sflag:$0x2] =	stream.linear.gather [hbm4b:s0+s2], $0x400, $0x38;
	[tilespmem:$0x10080] =	vst v63  }
0x224: {  	s0 =	sadd.s32 s13, s14  }
0x225: {  	[tilespmem:s9], [sflag:$0x2] =	stream.linear.gather [hbm4b:s0+s2], $0x400, $0x38;
	[tilespmem:$0x10080] =	vst v63  }
0x226: {  	_ =	swait.ge [sflag:s19], $0x400  }
0x227: {  	[sflag:s19] =	ssyncset.done $0x0  }
0x228: {  	[sflag:s19] =	ssyncadd.s32 $0xFFFFFC00  }
0x229: {  	_ =	swait.ge [sflag:s19], $0x400  }
0x22a: {  	[sflag:s19] =	ssyncset.done $0x0  }
0x22b: {  	[sflag:s19] =	ssyncadd.s32 $0xFFFFFC00  }
0x22c: {  	_ =	swait.ge [sflag:s19], $0x400  }
0x22d: {  	[sflag:s19] =	ssyncset.done $0x0  }
0x22e: {  	[sflag:s19] =	ssyncadd.s32 $0xFFFFFC00  }
0x22f: {  	_ =	swait.ge [sflag:s19], $0x400  }
0x230: {  	[sflag:s19] =	ssyncset.done $0x0  }
0x231: {  	[sflag:s19] =	ssyncadd.s32 $0xFFFFFC00  }
0x232: {  	_ =	swait.ge [sflag:s19], $0x400  }
0x233: {  	[sflag:s19] =	ssyncset.done $0x0  }
0x234: {  	[sflag:s19] =	ssyncadd.s32 $0xFFFFFC00  }
0x235: {  	_ =	swait.ge [sflag:s19], $0x400  }
0x236: {  	[sflag:s19] =	ssyncset.done $0x0  }
0x237: {  	[sflag:s19] =	ssyncadd.s32 $0xFFFFFC00  }
0x238: {  	_ =	swait.ge [sflag:s19], $0x400  }
0x239: {  	[sflag:s19] =	ssyncset.done $0x0  }
0x23a: {  	[sflag:s19] =	ssyncadd.s32 $0xFFFFFC00  }
0x23b: {  	_ =	swait.ge [sflag:s19], $0x400  }
0x23c: {  	[sflag:s19] =	ssyncset.done $0x0  }
0x23d: {  	[sflag:s19] =	ssyncadd.s32 $0xFFFFFC00  }
0x23e: {  	_ =	swait.ge [sflag:s19], $0x400  }
0x23f: {  	[sflag:s19] =	ssyncset.done $0x0  }
0x240: {  	[sflag:s19] =	ssyncadd.s32 $0xFFFFFC00  }
0x241: {  	_ =	swait.ge [sflag:s19], $0x400  }
0x242: {  	[sflag:s19] =	ssyncset.done $0x0  }
0x243: {  	[sflag:s19] =	ssyncadd.s32 $0xFFFFFC00  }
0x244: {  	_ =	swait.ge [sflag:s19], $0x400  }
0x245: {  	[sflag:s19] =	ssyncset.done $0x0  }
0x246: {  	[sflag:s19] =	ssyncadd.s32 $0xFFFFFC00  }
0x247: {  	_ =	swait.ge [sflag:s19], $0x400  }
0x248: {  	[sflag:s19] =	ssyncset.done $0x0  }
0x249: {  	[sflag:s19] =	ssyncadd.s32 $0xFFFFFC00  }
0x24a: {  	_ =	swait.ge [sflag:s19], $0x400  }
0x24b: {  	[sflag:s19] =	ssyncset.done $0x0  }
0x24c: {  	[sflag:s19] =	ssyncadd.s32 $0xFFFFFC00  }
0x24d: {  	_ =	swait.ge [sflag:s19], $0x400  }
0x24e: {  	[sflag:s19] =	ssyncset.done $0x0  }
0x24f: {  	[sflag:s19] =	ssyncadd.s32 $0xFFFFFC00  }
0x250: {  	_ =	swait.ge [sflag:s19], $0x400  }
0x251: {  	[sflag:s19] =	ssyncset.done $0x0  }
0x252: {  	[sflag:s19] =	ssyncadd.s32 $0xFFFFFC00  }
0x253: {  	_ =	swait.ge [sflag:s19], $0x400  }
0x254: {  	[sflag:s19] =	ssyncset.done $0x0  }
0x255: {  	[sflag:s19] =	ssyncadd.s32 $0xFFFFFC00  }
0x256: {  	_ =	swait.ge [sflag:s20], $0x4000  }
0x257: {  	[sflag:s20] =	ssyncset.done $0x0  }
0x258: {  	s14 =	simm.s32 $0x80;
	[sflag:s20] =	ssyncadd.s32 $0xFFFFC000  }
0x259: {  	v1 =	vld [tilespmem:s14+$0xFFFFFF80];
	_ =	sdelay $0x4  }
0x25a: {  	v1 =	vmul.f32 v1, v0  }
0x25b: {  	s13 =	simm.s32 $0x8080  }
0x25c: {  	[tilespmem:s13+$0xFFFFFF80] =	vst v1  }
0x25d: {  	v1 =	vld [tilespmem:s14+$0xFFFFFF90];
	_ =	sdelay $0x4  }
0x25e: {  	v1 =	vmul.f32 v1, v0;
	_ =	sdelay $0x1  }
0x25f: {  	[tilespmem:s13+$0xFFFFFF90] =	vst v1  }
0x260: {  	v1 =	vld [tilespmem:s14+$0xFFFFFFA0];
	_ =	sdelay $0x4  }
0x261: {  	v1 =	vmul.f32 v1, v0;
	_ =	sdelay $0x1  }
0x262: {  	[tilespmem:s13+$0xFFFFFFA0] =	vst v1  }
0x263: {  	v1 =	vld [tilespmem:s14+$0xFFFFFFB0];
	_ =	sdelay $0x4  }
0x264: {  	v1 =	vmul.f32 v1, v0;
	_ =	sdelay $0x1  }
0x265: {  	[tilespmem:s13+$0xFFFFFFB0] =	vst v1  }
0x266: {  	v1 =	vld [tilespmem:s14+$0xFFFFFFC0];
	_ =	sdelay $0x4  }
0x267: {  	v1 =	vmul.f32 v1, v0;
	_ =	sdelay $0x1  }
0x268: {  	[tilespmem:s13+$0xFFFFFFC0] =	vst v1  }
0x269: {  	v1 =	vld [tilespmem:s14+$0xFFFFFFD0];
	_ =	sdelay $0x4  }
0x26a: {  	v1 =	vmul.f32 v1, v0;
	_ =	sdelay $0x1  }
0x26b: {  	[tilespmem:s13+$0xFFFFFFD0] =	vst v1  }
0x26c: {  	v1 =	vld [tilespmem:s14+$0xFFFFFFE0];
	_ =	sdelay $0x4  }
0x26d: {  	v1 =	vmul.f32 v1, v0;
	_ =	sdelay $0x1  }
0x26e: {  	[tilespmem:s13+$0xFFFFFFE0] =	vst v1  }
0x26f: {  	v1 =	vld [tilespmem:s14+$0xFFFFFFF0];
	_ =	sdelay $0x4  }
0x270: {  	v1 =	vmul.f32 v1, v0;
	_ =	sdelay $0x1  }
0x271: {  	[tilespmem:s13+$0xFFFFFFF0] =	vst v1  }
0x272: {  	v1 =	vld [tilespmem:s14+$0x0];
	_ =	sdelay $0x4  }
0x273: {  	v1 =	vmul.f32 v1, v0;
	_ =	sdelay $0x1  }
0x274: {  	[tilespmem:s13+$0x0] =	vst v1  }
0x275: {  	v1 =	vld [tilespmem:s14+$0x10];
	_ =	sdelay $0x4  }
0x276: {  	v1 =	vmul.f32 v1, v0;
	_ =	sdelay $0x1  }
0x277: {  	[tilespmem:s13+$0x10] =	vst v1  }
0x278: {  	v1 =	vld [tilespmem:s14+$0x20];
	_ =	sdelay $0x4  }
0x279: {  	v1 =	vmul.f32 v1, v0;
	_ =	sdelay $0x1  }
0x27a: {  	[tilespmem:s13+$0x20] =	vst v1  }
0x27b: {  	v1 =	vld [tilespmem:s14+$0x30];
	_ =	sdelay $0x4  }
0x27c: {  	v1 =	vmul.f32 v1, v0;
	_ =	sdelay $0x1  }
0x27d: {  	[tilespmem:s13+$0x30] =	vst v1  }
0x27e: {  	v1 =	vld [tilespmem:s14+$0x40];
	_ =	sdelay $0x4  }
0x27f: {  	v1 =	vmul.f32 v1, v0;
	_ =	sdelay $0x1  }
0x280: {  	[tilespmem:s13+$0x40] =	vst v1  }
0x281: {  	v1 =	vld [tilespmem:s14+$0x50];
	_ =	sdelay $0x4  }
0x282: {  	v1 =	vmul.f32 v1, v0;
	_ =	sdelay $0x1  }
0x283: {  	[tilespmem:s13+$0x50] =	vst v1  }
0x284: {  	v1 =	vld [tilespmem:s14+$0x60];
	_ =	sdelay $0x4  }
0x285: {  	v1 =	vmul.f32 v1, v0;
	_ =	sdelay $0x1  }
0x286: {  	[tilespmem:s13+$0x60] =	vst v1  }
0x287: {  	v1 =	vld [tilespmem:s14+$0x70];
	_ =	sdelay $0x4  }
0x288: {  	v1 =	vmul.f32 v1, v0;
	_ =	sdelay $0x1  }
0x289: {  	s0 =	simm.s32 $0x180;
	s14 =	simm.s32 $0x0;
	[tilespmem:s13+$0x70] =	vst v1  }
.LBB2_6:
0x28a: {  	v1 =	vld [tilespmem:s0+$0xFFFFFF80];
	s14 =	sadd.s32 $0x4, s14  }
0x28b: {  	p0 =	slt.u32 s14, $0xFC;
	_ =	sdelay $0x3  }
0x28c: {  	v1 =	vmul.f32 v1, v0  }
0x28d: {  	s13 =	sadd.s32 $0x100, s13  }
0x28e: {  	[tilespmem:s13+$0xFFFFFF80] =	vst v1  }
0x28f: {  	v1 =	vld [tilespmem:s0+$0xFFFFFF90];
	_ =	sdelay $0x4  }
0x290: {  	v1 =	vmul.f32 v1, v0;
	_ =	sdelay $0x1  }
0x291: {  	[tilespmem:s13+$0xFFFFFF90] =	vst v1  }
0x292: {  	v1 =	vld [tilespmem:s0+$0xFFFFFFA0];
	_ =	sdelay $0x4  }
0x293: {  	v1 =	vmul.f32 v1, v0;
	_ =	sdelay $0x1  }
0x294: {  	[tilespmem:s13+$0xFFFFFFA0] =	vst v1  }
0x295: {  	v1 =	vld [tilespmem:s0+$0xFFFFFFB0];
	_ =	sdelay $0x4  }
0x296: {  	v1 =	vmul.f32 v1, v0;
	_ =	sdelay $0x1  }
0x297: {  	[tilespmem:s13+$0xFFFFFFB0] =	vst v1  }
0x298: {  	v1 =	vld [tilespmem:s0+$0xFFFFFFC0];
	_ =	sdelay $0x4  }
0x299: {  	v1 =	vmul.f32 v1, v0;
	_ =	sdelay $0x1  }
0x29a: {  	[tilespmem:s13+$0xFFFFFFC0] =	vst v1  }
0x29b: {  	v1 =	vld [tilespmem:s0+$0xFFFFFFD0];
	_ =	sdelay $0x4  }
0x29c: {  	v1 =	vmul.f32 v1, v0;
	_ =	sdelay $0x1  }
0x29d: {  	[tilespmem:s13+$0xFFFFFFD0] =	vst v1  }
0x29e: {  	v1 =	vld [tilespmem:s0+$0xFFFFFFE0];
	_ =	sdelay $0x4  }
0x29f: {  	v1 =	vmul.f32 v1, v0;
	_ =	sdelay $0x1  }
0x2a0: {  	[tilespmem:s13+$0xFFFFFFE0] =	vst v1  }
0x2a1: {  	v1 =	vld [tilespmem:s0+$0xFFFFFFF0];
	_ =	sdelay $0x4  }
0x2a2: {  	v1 =	vmul.f32 v1, v0;
	_ =	sdelay $0x1  }
0x2a3: {  	[tilespmem:s13+$0xFFFFFFF0] =	vst v1  }
0x2a4: {  	v1 =	vld [tilespmem:s0+$0x0];
	_ =	sdelay $0x4  }
0x2a5: {  	v1 =	vmul.f32 v1, v0;
	_ =	sdelay $0x1  }
0x2a6: {  	[tilespmem:s13+$0x0] =	vst v1  }
0x2a7: {  	v1 =	vld [tilespmem:s0+$0x10];
	_ =	sdelay $0x4  }
0x2a8: {  	v1 =	vmul.f32 v1, v0;
	_ =	sdelay $0x1  }
0x2a9: {  	[tilespmem:s13+$0x10] =	vst v1  }
0x2aa: {  	v1 =	vld [tilespmem:s0+$0x20];
	_ =	sdelay $0x4  }
0x2ab: {  	v1 =	vmul.f32 v1, v0;
	_ =	sdelay $0x1  }
0x2ac: {  	[tilespmem:s13+$0x20] =	vst v1  }
0x2ad: {  	v1 =	vld [tilespmem:s0+$0x30];
	_ =	sdelay $0x4  }
0x2ae: {  	v1 =	vmul.f32 v1, v0;
	_ =	sdelay $0x1  }
0x2af: {  	[tilespmem:s13+$0x30] =	vst v1  }
0x2b0: {  	v1 =	vld [tilespmem:s0+$0x40];
	_ =	sdelay $0x4  }
0x2b1: {  	v1 =	vmul.f32 v1, v0;
	_ =	sdelay $0x1  }
0x2b2: {  	[tilespmem:s13+$0x40] =	vst v1  }
0x2b3: {  	v1 =	vld [tilespmem:s0+$0x50];
	_ =	sdelay $0x4  }
0x2b4: {  	v1 =	vmul.f32 v1, v0;
	_ =	sdelay $0x1  }
0x2b5: {  	[tilespmem:s13+$0x50] =	vst v1  }
0x2b6: {  	v1 =	vld [tilespmem:s0+$0x60];
	_ =	sdelay $0x4  }
0x2b7: {  	v1 =	vmul.f32 v1, v0;
	_ =	sdelay $0x1  }
0x2b8: {  	[tilespmem:s13+$0x60] =	vst v1  }
0x2b9: {  	v1 =	vld [tilespmem:s0+$0x70];
	_ =	sdelay $0x2  }
.Ltmp2:
0x2ba: {  	(pc) =	sbr.rel @p0 .LBB2_6-.Ltmp2, $3  }
0x2bb: {  	_ = 	snop  }
0x2bc: {  	v1 =	vmul.f32 v1, v0;
	_ =	sdelay $0x1  }
0x2bd: {  	s0 =	sadd.s32 $0x100, s0;
	[tilespmem:s13+$0x70] =	vst v1  }
0x2be: {  	[hbm4b:s15+s2] =	stream.linear.scatter [tilespmem:s10], [sflag:$0x3], $0x4000, $0x38;
	[tilespmem:$0x10080] =	vst v63  }
0x2bf: {  	_ =	swait.ge [sflag:s30], $0x400  }
0x2c0: {  	[sflag:s30] =	ssyncset.done $0x0  }
0x2c1: {  	[sflag:s30] =	ssyncadd.s32 $0xFFFFFC00  }
0x2c2: {  	_ =	swait.ge [sflag:s30], $0x400  }
0x2c3: {  	[sflag:s30] =	ssyncset.done $0x0  }
0x2c4: {  	[sflag:s30] =	ssyncadd.s32 $0xFFFFFC00  }
0x2c5: {  	_ =	swait.ge [sflag:s30], $0x400  }
0x2c6: {  	[sflag:s30] =	ssyncset.done $0x0  }
0x2c7: {  	[sflag:s30] =	ssyncadd.s32 $0xFFFFFC00  }
0x2c8: {  	_ =	swait.ge [sflag:s30], $0x400  }
0x2c9: {  	[sflag:s30] =	ssyncset.done $0x0  }
0x2ca: {  	[sflag:s30] =	ssyncadd.s32 $0xFFFFFC00  }
0x2cb: {  	_ =	swait.ge [sflag:s30], $0x400  }
0x2cc: {  	[sflag:s30] =	ssyncset.done $0x0  }
0x2cd: {  	[sflag:s30] =	ssyncadd.s32 $0xFFFFFC00  }
0x2ce: {  	_ =	swait.ge [sflag:s30], $0x400  }
0x2cf: {  	[sflag:s30] =	ssyncset.done $0x0  }
0x2d0: {  	[sflag:s30] =	ssyncadd.s32 $0xFFFFFC00  }
0x2d1: {  	_ =	swait.ge [sflag:s30], $0x400  }
0x2d2: {  	[sflag:s30] =	ssyncset.done $0x0  }
0x2d3: {  	[sflag:s30] =	ssyncadd.s32 $0xFFFFFC00  }
0x2d4: {  	_ =	swait.ge [sflag:s30], $0x400  }
0x2d5: {  	[sflag:s30] =	ssyncset.done $0x0  }
0x2d6: {  	[sflag:s30] =	ssyncadd.s32 $0xFFFFFC00  }
0x2d7: {  	_ =	swait.ge [sflag:s30], $0x400  }
0x2d8: {  	[sflag:s30] =	ssyncset.done $0x0  }
0x2d9: {  	[sflag:s30] =	ssyncadd.s32 $0xFFFFFC00  }
0x2da: {  	_ =	swait.ge [sflag:s30], $0x400  }
0x2db: {  	[sflag:s30] =	ssyncset.done $0x0  }
0x2dc: {  	[sflag:s30] =	ssyncadd.s32 $0xFFFFFC00  }
0x2dd: {  	_ =	swait.ge [sflag:s30], $0x400  }
0x2de: {  	[sflag:s30] =	ssyncset.done $0x0  }
0x2df: {  	[sflag:s30] =	ssyncadd.s32 $0xFFFFFC00  }
0x2e0: {  	_ =	swait.ge [sflag:s30], $0x400  }
0x2e1: {  	[sflag:s30] =	ssyncset.done $0x0  }
0x2e2: {  	[sflag:s30] =	ssyncadd.s32 $0xFFFFFC00  }
0x2e3: {  	_ =	swait.ge [sflag:s30], $0x400  }
0x2e4: {  	[sflag:s30] =	ssyncset.done $0x0  }
0x2e5: {  	[sflag:s30] =	ssyncadd.s32 $0xFFFFFC00  }
0x2e6: {  	_ =	swait.ge [sflag:s30], $0x400  }
0x2e7: {  	[sflag:s30] =	ssyncset.done $0x0  }
0x2e8: {  	[sflag:s30] =	ssyncadd.s32 $0xFFFFFC00  }
0x2e9: {  	_ =	swait.ge [sflag:s30], $0x400  }
0x2ea: {  	[sflag:s30] =	ssyncset.done $0x0  }
0x2eb: {  	[sflag:s30] =	ssyncadd.s32 $0xFFFFFC00  }
0x2ec: {  	_ =	swait.ge [sflag:s30], $0x400  }
0x2ed: {  	[sflag:s30] =	ssyncset.done $0x0  }
0x2ee: {  	[sflag:s30] =	ssyncadd.s32 $0xFFFFFC00  }
0x2ef: {  	_ =	swait.ge [sflag:s12], $0x4000  }
0x2f0: {  	[sflag:s12] =	ssyncset.done $0x0  }
0x2f1: {  	s0 =	simm.s32 $0x4080;
	[sflag:s12] =	ssyncadd.s32 $0xFFFFC000  }
0x2f2: {  	v1 =	vld [tilespmem:s0+$0xFFFFFF80];
	_ =	sdelay $0x4  }
0x2f3: {  	v1 =	vmul.f32 v1, v0  }
0x2f4: {  	s13 =	simm.s32 $0xC080  }
0x2f5: {  	[tilespmem:s13+$0xFFFFFF80] =	vst v1  }
0x2f6: {  	v1 =	vld [tilespmem:s0+$0xFFFFFF90];
	_ =	sdelay $0x4  }
0x2f7: {  	v1 =	vmul.f32 v1, v0;
	_ =	sdelay $0x1  }
0x2f8: {  	[tilespmem:s13+$0xFFFFFF90] =	vst v1  }
0x2f9: {  	v1 =	vld [tilespmem:s0+$0xFFFFFFA0];
	_ =	sdelay $0x4  }
0x2fa: {  	v1 =	vmul.f32 v1, v0;
	_ =	sdelay $0x1  }
0x2fb: {  	[tilespmem:s13+$0xFFFFFFA0] =	vst v1  }
0x2fc: {  	v1 =	vld [tilespmem:s0+$0xFFFFFFB0];
	_ =	sdelay $0x4  }
0x2fd: {  	v1 =	vmul.f32 v1, v0;
	_ =	sdelay $0x1  }
0x2fe: {  	[tilespmem:s13+$0xFFFFFFB0] =	vst v1  }
0x2ff: {  	v1 =	vld [tilespmem:s0+$0xFFFFFFC0];
	_ =	sdelay $0x4  }
0x300: {  	v1 =	vmul.f32 v1, v0;
	_ =	sdelay $0x1  }
0x301: {  	[tilespmem:s13+$0xFFFFFFC0] =	vst v1  }
0x302: {  	v1 =	vld [tilespmem:s0+$0xFFFFFFD0];
	_ =	sdelay $0x4  }
0x303: {  	v1 =	vmul.f32 v1, v0;
	_ =	sdelay $0x1  }
0x304: {  	[tilespmem:s13+$0xFFFFFFD0] =	vst v1  }
0x305: {  	v1 =	vld [tilespmem:s0+$0xFFFFFFE0];
	_ =	sdelay $0x4  }
0x306: {  	v1 =	vmul.f32 v1, v0;
	_ =	sdelay $0x1  }
0x307: {  	[tilespmem:s13+$0xFFFFFFE0] =	vst v1  }
0x308: {  	v1 =	vld [tilespmem:s0+$0xFFFFFFF0];
	_ =	sdelay $0x4  }
0x309: {  	v1 =	vmul.f32 v1, v0;
	_ =	sdelay $0x1  }
0x30a: {  	[tilespmem:s13+$0xFFFFFFF0] =	vst v1  }
0x30b: {  	v1 =	vld [tilespmem:s0+$0x0];
	_ =	sdelay $0x4  }
0x30c: {  	v1 =	vmul.f32 v1, v0;
	_ =	sdelay $0x1  }
0x30d: {  	[tilespmem:s13+$0x0] =	vst v1  }
0x30e: {  	v1 =	vld [tilespmem:s0+$0x10];
	_ =	sdelay $0x4  }
0x30f: {  	v1 =	vmul.f32 v1, v0;
	_ =	sdelay $0x1  }
0x310: {  	[tilespmem:s13+$0x10] =	vst v1  }
0x311: {  	v1 =	vld [tilespmem:s0+$0x20];
	_ =	sdelay $0x4  }
0x312: {  	v1 =	vmul.f32 v1, v0;
	_ =	sdelay $0x1  }
0x313: {  	[tilespmem:s13+$0x20] =	vst v1  }
0x314: {  	v1 =	vld [tilespmem:s0+$0x30];
	_ =	sdelay $0x4  }
0x315: {  	v1 =	vmul.f32 v1, v0;
	_ =	sdelay $0x1  }
0x316: {  	[tilespmem:s13+$0x30] =	vst v1  }
0x317: {  	v1 =	vld [tilespmem:s0+$0x40];
	_ =	sdelay $0x4  }
0x318: {  	v1 =	vmul.f32 v1, v0;
	_ =	sdelay $0x1  }
0x319: {  	[tilespmem:s13+$0x40] =	vst v1  }
0x31a: {  	v1 =	vld [tilespmem:s0+$0x50];
	_ =	sdelay $0x4  }
0x31b: {  	v1 =	vmul.f32 v1, v0;
	_ =	sdelay $0x1  }
0x31c: {  	[tilespmem:s13+$0x50] =	vst v1  }
0x31d: {  	v1 =	vld [tilespmem:s0+$0x60];
	_ =	sdelay $0x4  }
0x31e: {  	v1 =	vmul.f32 v1, v0;
	_ =	sdelay $0x1  }
0x31f: {  	[tilespmem:s13+$0x60] =	vst v1  }
0x320: {  	v1 =	vld [tilespmem:s0+$0x70];
	_ =	sdelay $0x4  }
0x321: {  	v1 =	vmul.f32 v1, v0;
	_ =	sdelay $0x1  }
0x322: {  	s14 =	simm.s32 $0x0;
	s0 =	simm.s32 $0x4180;
	[tilespmem:s13+$0x70] =	vst v1  }
.LBB2_8:
0x323: {  	v1 =	vld [tilespmem:s0+$0xFFFFFF80];
	s14 =	sadd.s32 $0x4, s14  }
0x324: {  	p0 =	slt.u32 s14, $0xFC;
	_ =	sdelay $0x3  }
0x325: {  	v1 =	vmul.f32 v1, v0  }
0x326: {  	s13 =	sadd.s32 $0x100, s13  }
0x327: {  	[tilespmem:s13+$0xFFFFFF80] =	vst v1  }
0x328: {  	v1 =	vld [tilespmem:s0+$0xFFFFFF90];
	_ =	sdelay $0x4  }
0x329: {  	v1 =	vmul.f32 v1, v0;
	_ =	sdelay $0x1  }
0x32a: {  	[tilespmem:s13+$0xFFFFFF90] =	vst v1  }
0x32b: {  	v1 =	vld [tilespmem:s0+$0xFFFFFFA0];
	_ =	sdelay $0x4  }
0x32c: {  	v1 =	vmul.f32 v1, v0;
	_ =	sdelay $0x1  }
0x32d: {  	[tilespmem:s13+$0xFFFFFFA0] =	vst v1  }
0x32e: {  	v1 =	vld [tilespmem:s0+$0xFFFFFFB0];
	_ =	sdelay $0x4  }
0x32f: {  	v1 =	vmul.f32 v1, v0;
	_ =	sdelay $0x1  }
0x330: {  	[tilespmem:s13+$0xFFFFFFB0] =	vst v1  }
0x331: {  	v1 =	vld [tilespmem:s0+$0xFFFFFFC0];
	_ =	sdelay $0x4  }
0x332: {  	v1 =	vmul.f32 v1, v0;
	_ =	sdelay $0x1  }
0x333: {  	[tilespmem:s13+$0xFFFFFFC0] =	vst v1  }
0x334: {  	v1 =	vld [tilespmem:s0+$0xFFFFFFD0];
	_ =	sdelay $0x4  }
0x335: {  	v1 =	vmul.f32 v1, v0;
	_ =	sdelay $0x1  }
0x336: {  	[tilespmem:s13+$0xFFFFFFD0] =	vst v1  }
0x337: {  	v1 =	vld [tilespmem:s0+$0xFFFFFFE0];
	_ =	sdelay $0x4  }
0x338: {  	v1 =	vmul.f32 v1, v0;
	_ =	sdelay $0x1  }
0x339: {  	[tilespmem:s13+$0xFFFFFFE0] =	vst v1  }
0x33a: {  	v1 =	vld [tilespmem:s0+$0xFFFFFFF0];
	_ =	sdelay $0x4  }
0x33b: {  	v1 =	vmul.f32 v1, v0;
	_ =	sdelay $0x1  }
0x33c: {  	[tilespmem:s13+$0xFFFFFFF0] =	vst v1  }
0x33d: {  	v1 =	vld [tilespmem:s0+$0x0];
	_ =	sdelay $0x4  }
0x33e: {  	v1 =	vmul.f32 v1, v0;
	_ =	sdelay $0x1  }
0x33f: {  	[tilespmem:s13+$0x0] =	vst v1  }
0x340: {  	v1 =	vld [tilespmem:s0+$0x10];
	_ =	sdelay $0x4  }
0x341: {  	v1 =	vmul.f32 v1, v0;
	_ =	sdelay $0x1  }
0x342: {  	[tilespmem:s13+$0x10] =	vst v1  }
0x343: {  	v1 =	vld [tilespmem:s0+$0x20];
	_ =	sdelay $0x4  }
0x344: {  	v1 =	vmul.f32 v1, v0;
	_ =	sdelay $0x1  }
0x345: {  	[tilespmem:s13+$0x20] =	vst v1  }
0x346: {  	v1 =	vld [tilespmem:s0+$0x30];
	_ =	sdelay $0x4  }
0x347: {  	v1 =	vmul.f32 v1, v0;
	_ =	sdelay $0x1  }
0x348: {  	[tilespmem:s13+$0x30] =	vst v1  }
0x349: {  	v1 =	vld [tilespmem:s0+$0x40];
	_ =	sdelay $0x4  }
0x34a: {  	v1 =	vmul.f32 v1, v0;
	_ =	sdelay $0x1  }
0x34b: {  	[tilespmem:s13+$0x40] =	vst v1  }
0x34c: {  	v1 =	vld [tilespmem:s0+$0x50];
	_ =	sdelay $0x4  }
0x34d: {  	v1 =	vmul.f32 v1, v0;
	_ =	sdelay $0x1  }
0x34e: {  	[tilespmem:s13+$0x50] =	vst v1  }
0x34f: {  	v1 =	vld [tilespmem:s0+$0x60];
	_ =	sdelay $0x4  }
0x350: {  	v1 =	vmul.f32 v1, v0;
	_ =	sdelay $0x1  }
0x351: {  	[tilespmem:s13+$0x60] =	vst v1  }
0x352: {  	v1 =	vld [tilespmem:s0+$0x70];
	_ =	sdelay $0x2  }
.Ltmp3:
0x353: {  	(pc) =	sbr.rel @p0 .LBB2_8-.Ltmp3, $3  }
0x354: {  	_ = 	snop  }
0x355: {  	v1 =	vmul.f32 v1, v0;
	_ =	sdelay $0x1  }
0x356: {  	s0 =	sadd.s32 $0x100, s0;
	[tilespmem:s13+$0x70] =	vst v1  }
0x357: {  	[hbm4b:s16+s2] =	stream.linear.scatter [tilespmem:s11], [sflag:$0x4], $0x4000, $0x38;
	[tilespmem:$0x10080] =	vst v63  }
0x358: {  	_ =	swait.ge [sflag:s20], $0x4000  }
0x359: {  	[sflag:s20] =	ssyncset.done $0x0  }
0x35a: {  	[sflag:s20] =	ssyncadd.s32 $0xFFFFC000  }
0x35b: {  	_ =	swait.ge [sflag:s12], $0x4000  }
0x35c: {  	s31 =	sadd.s32 $0x1, s31;
	s0 =	rddreg [dreg:$0x18]  }
0x35d: {  	p0 =	sne.s32 s31, s0  }
.Ltmp4:
0x35e: {  	_ = 	snop;
	(pc) =	sbr.rel @p0 .LBB2_1-.Ltmp4, $3  }
0x35f: {  	_ =	sdelay $0x1  }
0x360: {  	[sflag:s12] =	ssyncset.done $0x0  }
0x361: {  	[sflag:s12] =	ssyncadd.s32 $0xFFFFC000  }
0x362: {  	_ =	sfence.sel $0x180000  }
0x363: {  	[bflag:$0x0] =	sbarrier.arrive $0xFFFF  }
0x364: {  	_ =	strace $0x90000047  }
0x365: {  	s0 =	stileid.u32;
	[bflag:$0x2] =	sbarrier.arrive $0xFFFF  }
0x366: {  	p0 =	sne.s32 s0, $0x0;
	s0 =	rddreg [dreg:$0x3]  }
0x367: {  	s0 =	sadd.s32 @!p0 $0x100000, s0  }
0x368: {  	[sflag:s0] =	ssyncadd.tile.s32 @!p0 $0x1;
	_ =	shalt  }
.Lfunc_end2:
_tile_overlayer_lowered:
.L_overlay_start_2:
0x369: {  	(tag) =	ssettag $0x2  }
0x36a: {  	s0 =	rddreg [dreg:$0x0];
	s2 =	stileid.u32  }
0x36b: {  	s1 =	rddreg [dreg:$0x1];
	p0 =	sne.s32 s2, $0x0  }
0x36c: {  	s3 =	rddreg [dreg:$0x2];
	[bflag:$0x3] =	sbarrier.arrive $0xFFFF;
	s2 =	simm.s32 @!p0 $0x1C05  }
0x36d: {  	[timem:s3], [sflag:s2] =	dma.local @!p0 [hbm:s0], s1  }
0x36e: {  	s0 =	simm.s32 @!p0 $0x5  }
0x36f: {  	_ =	swait.ge @!p0 [sflag:s0], s1  }
0x370: {  	s1 =	ssub.s32 @!p0 $0x0, s1;
	[sflag:s0] =	ssyncset.done @!p0 $0x0  }
0x371: {  	[sflag:s0] =	ssyncadd.s32 @!p0 s1  }
0x372: {  	[bflag:$0x3] =	sbarrier.arrive $0xFFFF  }
0x373: {  	_ =	shalt  }

</sc_bundles>
